<compile_context>
chip_gen: v7x
topology: tpu7x:2x2x1
jax: 0.10.2.dev20260603
libtpu: 0.0.44.dev20260713+nightly
codegen_flags: <defaults>
</compile_context>

<pallas_src>
import jax
import jax.numpy as jnp
from jax import lax
from jax.experimental import pallas as pl
from jax.experimental.pallas import tpu as pltpu
from jax.experimental.pallas import tpu_sc as plsc

N = 10000
E = 320000
D = 128
L = 16
NC = 2
NS = 16
NW = NC * NS
EPW = E // NW
CH = 64
NCHUNK = 156
T = EPW - NCHUNK * CH
RPS = 624
RTAIL = N - NS * RPS


def _sc_aggr_kernel(x_hbm, ei_hbm, ea_hbm, out_hbm,
                    sidx0, sidx1, sidxt, didx0, didx1, didx2, didx3, didxt,
                    mbuf0, mbuf1, gbuf0, gbuf1, sbuf0, sbuf1, acc,
                    isem0, isem1, dsem0, dsem1, dsem2, dsem3,
                    easem0, easem1, gsem0, gsem1, scsem0, scsem1):
    c = lax.axis_index("c")
    s = lax.axis_index("s")
    wid = c * NS + s
    ebase = wid * EPW
    dbase = E + wid * EPW
    didx = (didx0, didx1, didx2, didx3)
    dsem = (dsem0, dsem1, dsem2, dsem3)

    for d in range(4):
        pltpu.async_copy(ei_hbm.at[pl.ds(dbase + d * CH, CH)],
                         didx[d], dsem[d])
    pltpu.async_copy(ei_hbm.at[pl.ds(ebase, CH)], sidx0, isem0)
    pltpu.async_copy(ei_hbm.at[pl.ds(ebase + CH, CH)], sidx1, isem1)
    pltpu.async_copy(ea_hbm.at[pl.ds(ebase, CH)], mbuf0, easem0)
    pltpu.async_copy(ea_hbm.at[pl.ds(ebase + CH, CH)], mbuf1, easem1)
    pltpu.make_async_copy(ei_hbm.at[pl.ds(ebase, CH)], sidx0, isem0).wait()
    pltpu.async_copy(x_hbm.at[sidx0], gbuf0, gsem0)

    @pl.loop(0, CH)
    def _(r):
        for j in range(D // L):
            sbuf0[r, pl.ds(j * L, L)] = jnp.zeros((L,), jnp.float32)

    row0 = s * RPS
    nfull = RPS // CH
    rem = RPS - nfull * CH
    for j in range(nfull):
        pltpu.sync_copy(sbuf0, acc.at[pl.ds(row0 + j * CH, CH)])
    pltpu.sync_copy(sbuf0.at[pl.ds(0, rem)],
                    acc.at[pl.ds(row0 + nfull * CH, rem)])

    @pl.when(s == NS - 1)
    def _():
        pltpu.sync_copy(sbuf0.at[pl.ds(0, RTAIL)],
                        acc.at[pl.ds(NS * RPS, RTAIL)])

    plsc.subcore_barrier()

    def chunk_body(g, k):
        b = k % 2
        q, q2 = k % 4, (k + 2) % 4
        sidx, sidxo = (sidx0, sidx1) if b == 0 else (sidx1, sidx0)
        isem, isemo = (isem0, isem1) if b == 0 else (isem1, isem0)
        mb = mbuf0 if b == 0 else mbuf1
        gb, gbo = (gbuf0, gbuf1) if b == 0 else (gbuf1, gbuf0)
        sb = sbuf0 if b == 0 else sbuf1
        easem = easem0 if b == 0 else easem1
        gsem, gsemo = (gsem0, gsem1) if b == 0 else (gsem1, gsem0)
        scsem = scsem0 if b == 0 else scsem1

        pltpu.make_async_copy(ea_hbm.at[pl.ds(ebase + g * CH, CH)],
                              mb, easem).wait()
        pltpu.make_async_copy(x_hbm.at[sidx], gb, gsem).wait()

        @pl.when(g + 2 < NCHUNK)
        def _():
            pltpu.async_copy(ei_hbm.at[pl.ds(ebase + (g + 2) * CH, CH)],
                             sidx, isem)

        @pl.when(g + 1 < NCHUNK)
        def _():
            pltpu.make_async_copy(ei_hbm.at[pl.ds(ebase + (g + 1) * CH, CH)],
                                  sidxo, isemo).wait()
            pltpu.async_copy(x_hbm.at[sidxo], gbo, gsemo)

        @pl.when(g >= 2)
        def _():
            pltpu.make_async_copy(sb, acc.at[didx[q2]], scsem).wait()

            @pl.when(g + 2 < NCHUNK)
            def _():
                pltpu.async_copy(ei_hbm.at[pl.ds(dbase + (g + 2) * CH, CH)],
                                 didx[q2], dsem[q2])

        @plsc.parallel_loop(0, CH, 1, unroll=4)
        def _(r):
            for j in range(D // L):
                sl = (r, pl.ds(j * L, L))
                sb[sl] = jnp.maximum(mb[sl] + gb[sl], 0.0)

        pltpu.make_async_copy(ei_hbm.at[pl.ds(dbase + g * CH, CH)],
                              didx[q], dsem[q]).wait()
        pltpu.async_copy(sb, acc.at[didx[q]], scsem, add=True)

        @pl.when(g + 2 < NCHUNK)
        def _():
            pltpu.async_copy(ea_hbm.at[pl.ds(ebase + (g + 2) * CH, CH)],
                             mb, easem)

    @pl.loop(0, NCHUNK, step=4)
    def _(g):
        for k in range(4):
            chunk_body(g + k, k)

    tbase = ebase + NCHUNK * CH
    pltpu.sync_copy(ei_hbm.at[pl.ds(tbase, T)], sidxt)
    pltpu.sync_copy(ei_hbm.at[pl.ds(E + tbase, T)], didxt)
    pltpu.sync_copy(ea_hbm.at[pl.ds(tbase, T)], mbuf0.at[pl.ds(0, T)])
    pltpu.sync_copy(x_hbm.at[sidxt], gbuf0.at[pl.ds(0, T)])
    pltpu.make_async_copy(sbuf0, acc.at[didx0], scsem0).wait()

    @plsc.parallel_loop(0, T, 1, unroll=4)
    def _(r):
        for j in range(D // L):
            sl = (r, pl.ds(j * L, L))
            sbuf0[sl] = jnp.maximum(mbuf0[sl] + gbuf0[sl], 0.0)

    pltpu.sync_copy(sbuf0.at[pl.ds(0, T)], acc.at[didxt], add=True)
    pltpu.make_async_copy(sbuf1, acc.at[didx1], scsem1).wait()

    plsc.subcore_barrier()

    pltpu.sync_copy(acc.at[pl.ds(row0, RPS)], out_hbm.at[c, pl.ds(row0, RPS)])

    @pl.when(s == NS - 1)
    def _():
        pltpu.sync_copy(acc.at[pl.ds(NS * RPS, RTAIL)],
                        out_hbm.at[c, pl.ds(NS * RPS, RTAIL)])


def _sc_aggr(x, ei_flat, edge_attr):
    mesh = plsc.VectorSubcoreMesh(core_axis_name="c", subcore_axis_name="s")
    k = pl.kernel(
        _sc_aggr_kernel,
        out_type=jax.ShapeDtypeStruct((NC, N, D), jnp.float32),
        mesh=mesh,
        scratch_types=[
            pltpu.VMEM((CH,), jnp.int32),
            pltpu.VMEM((CH,), jnp.int32),
            pltpu.VMEM((T,), jnp.int32),
            pltpu.VMEM((CH,), jnp.int32),
            pltpu.VMEM((CH,), jnp.int32),
            pltpu.VMEM((CH,), jnp.int32),
            pltpu.VMEM((CH,), jnp.int32),
            pltpu.VMEM((T,), jnp.int32),
            pltpu.VMEM((CH, D), jnp.float32),
            pltpu.VMEM((CH, D), jnp.float32),
            pltpu.VMEM((CH, D), jnp.float32),
            pltpu.VMEM((CH, D), jnp.float32),
            pltpu.VMEM((CH, D), jnp.float32),
            pltpu.VMEM((CH, D), jnp.float32),
            pltpu.VMEM_SHARED((N, D), jnp.float32),
            pltpu.SemaphoreType.DMA,
            pltpu.SemaphoreType.DMA,
            pltpu.SemaphoreType.DMA,
            pltpu.SemaphoreType.DMA,
            pltpu.SemaphoreType.DMA,
            pltpu.SemaphoreType.DMA,
            pltpu.SemaphoreType.DMA,
            pltpu.SemaphoreType.DMA,
            pltpu.SemaphoreType.DMA,
            pltpu.SemaphoreType.DMA,
            pltpu.SemaphoreType.DMA,
            pltpu.SemaphoreType.DMA,
        ],
    )
    return k(x, ei_flat, edge_attr)


def _tc_body(x_ref, p_ref, w1_ref, b1_ref, w2_ref, b2_ref,
             eps_ref, g_ref, bt_ref, o_ref):
    z = x_ref[...] * (1.0 + eps_ref[0, 0]) + p_ref[0] + p_ref[1]
    h = jnp.dot(z, w1_ref[...], preferred_element_type=jnp.float32) + b1_ref[...]
    h = jnp.maximum(h, 0.0)
    h = jnp.dot(h, w2_ref[...], preferred_element_type=jnp.float32) + b2_ref[...]
    mean = jnp.mean(h, axis=1, keepdims=True)
    hc = h - mean
    var = jnp.mean(hc * hc, axis=1, keepdims=True)
    hn = hc * lax.rsqrt(var + 1e-5) * g_ref[...] + bt_ref[...]
    o_ref[...] = jnp.maximum(hn, 0.0)


BLK = 2000


def _tc_mlp(x, parts, W1, b1, W2, b2, eps11, gamma, beta):
    grid = (N // BLK,)
    row_spec = pl.BlockSpec((BLK, D), lambda i: (i, 0))
    full_spec = pl.BlockSpec((D, D), lambda i: (0, 0))
    vec_spec = pl.BlockSpec((1, D), lambda i: (0, 0))
    return pl.pallas_call(
        _tc_body,
        grid=grid,
        in_specs=[row_spec,
                  pl.BlockSpec((NC, BLK, D), lambda i: (0, i, 0)),
                  full_spec, vec_spec, full_spec, vec_spec,
                  pl.BlockSpec((1, 1), lambda i: (0, 0)),
                  vec_spec, vec_spec],
        out_specs=row_spec,
        out_shape=jax.ShapeDtypeStruct((N, D), jnp.float32),
    )(x, parts, W1, b1, W2, b2, eps11, gamma, beta)


def kernel(x, edge_index, edge_attr, W1, b1, W2, b2, eps, gamma, beta):
    ei_flat = edge_index.reshape(2 * E)
    parts = _sc_aggr(x, ei_flat, edge_attr)
    eps11 = jnp.reshape(eps, (1, 1)).astype(jnp.float32)
    return _tc_mlp(x, parts, W1,
                   jnp.reshape(b1, (1, D)), W2, jnp.reshape(b2, (1, D)),
                   eps11, jnp.reshape(gamma, (1, D)), jnp.reshape(beta, (1, D)))

# --- scband reference (transcript-rebuilt; emitter-appended) ---
"""Pipeline reference for scband-ginepretrain-block-37486474559540 (READ-ONLY COPY).

The authoritative reference and input builder live on the scoring server;
editing this copy changes nothing except your own understanding.
"""

import jax, jax.numpy as jnp
import numpy as np

N = 10000
E = 320000
D = 128


def setup_inputs(seed: int = 0) -> dict:
    key = jax.random.key(seed)
    ks = jax.random.split(key, 8)
    x = jax.random.normal(ks[0], (N, D), dtype=jnp.float32)
    edge_index = jax.random.randint(ks[1], (2, E), 0, N, dtype=jnp.int32)
    edge_attr = jax.random.normal(ks[2], (E, D), dtype=jnp.float32)
    # MLP params (two Linear layers, hidden_dim -> hidden_dim)
    W1 = jax.random.normal(ks[3], (D, D), dtype=jnp.float32) * (1.0 / np.sqrt(D))
    b1 = jnp.zeros((D,), dtype=jnp.float32)
    W2 = jax.random.normal(ks[4], (D, D), dtype=jnp.float32) * (1.0 / np.sqrt(D))
    b2 = jnp.zeros((D,), dtype=jnp.float32)
    # GINE trainable eps (initialized to 0 as in PyG)
    eps = jnp.zeros((), dtype=jnp.float32)
    # LayerNorm params
    gamma = jnp.ones((D,), dtype=jnp.float32)
    beta = jnp.zeros((D,), dtype=jnp.float32)
    return {"x": x, "edge_index": edge_index, "edge_attr": edge_attr,
            "W1": W1, "b1": b1, "W2": W2, "b2": b2,
            "eps": eps, "gamma": gamma, "beta": beta}


def reference(x, edge_index, edge_attr, W1, b1, W2, b2, eps, gamma, beta):
    src = edge_index[0]
    dst = edge_index[1]
    # GINEConv message: ReLU(x_j + edge_attr), sum-aggregated at destination node
    msg = jax.nn.relu(jnp.take(x, src, axis=0) + edge_attr)
    aggr = jax.ops.segment_sum(msg, dst, num_segments=N)
    z = (1.0 + eps) * x + aggr
    # MLP: Linear -> ReLU -> Linear
    h = jax.nn.relu(z @ W1 + b1) @ W2 + b2
    # LayerNorm over last dim
    mean = jnp.mean(h, axis=-1, keepdims=True)
    var = jnp.mean((h - mean) ** 2, axis=-1, keepdims=True)
    h = (h - mean) / jnp.sqrt(var + 1e-5) * gamma + beta
    # ReLU (dropout p=0.0 is identity)
    return jax.nn.relu(h)

if __name__ == "__main__":
    import jax
    _d = setup_inputs()
    print(jax.jit(kernel)(*tuple(_d.values())))

</pallas_src>

<mosaic_0001>
#map = affine_map<(d0, d1) -> (0, 0)>
#map1 = affine_map<(d0, d1) -> (0)>
#map2 = affine_map<(d0, d1) -> (0, 0, 0)>
module attributes {stable_mosaic.version = 14 : i64} {
  func.func @_sc_aggr_kernel(%arg0: i32, %arg1: i32, %arg2: memref<10000x128xf32, #tpu.memory_space<hbm>>, %arg3: memref<640000xi32, #tpu.memory_space<hbm>>, %arg4: memref<320000x128xf32, #tpu.memory_space<hbm>>, %arg5: memref<2x10000x128xf32, #tpu.memory_space<hbm>>, %arg6: memref<64xi32, #tpu.memory_space<vmem>>, %arg7: memref<64xi32, #tpu.memory_space<vmem>>, %arg8: memref<16xi32, #tpu.memory_space<vmem>>, %arg9: memref<64xi32, #tpu.memory_space<vmem>>, %arg10: memref<64xi32, #tpu.memory_space<vmem>>, %arg11: memref<64xi32, #tpu.memory_space<vmem>>, %arg12: memref<64xi32, #tpu.memory_space<vmem>>, %arg13: memref<16xi32, #tpu.memory_space<vmem>>, %arg14: memref<64x128xf32, #tpu.memory_space<vmem>>, %arg15: memref<64x128xf32, #tpu.memory_space<vmem>>, %arg16: memref<64x128xf32, #tpu.memory_space<vmem>>, %arg17: memref<64x128xf32, #tpu.memory_space<vmem>>, %arg18: memref<64x128xf32, #tpu.memory_space<vmem>>, %arg19: memref<64x128xf32, #tpu.memory_space<vmem>>, %arg20: memref<10000x128xf32, #tpu.memory_space<vmem_shared>>, %arg21: memref<!tpu.dma_semaphore, #tpu.memory_space<semaphore_mem>>, %arg22: memref<!tpu.dma_semaphore, #tpu.memory_space<semaphore_mem>>, %arg23: memref<!tpu.dma_semaphore, #tpu.memory_space<semaphore_mem>>, %arg24: memref<!tpu.dma_semaphore, #tpu.memory_space<semaphore_mem>>, %arg25: memref<!tpu.dma_semaphore, #tpu.memory_space<semaphore_mem>>, %arg26: memref<!tpu.dma_semaphore, #tpu.memory_space<semaphore_mem>>, %arg27: memref<!tpu.dma_semaphore, #tpu.memory_space<semaphore_mem>>, %arg28: memref<!tpu.dma_semaphore, #tpu.memory_space<semaphore_mem>>, %arg29: memref<!tpu.dma_semaphore, #tpu.memory_space<semaphore_mem>>, %arg30: memref<!tpu.dma_semaphore, #tpu.memory_space<semaphore_mem>>, %arg31: memref<!tpu.dma_semaphore, #tpu.memory_space<semaphore_mem>>, %arg32: memref<!tpu.dma_semaphore, #tpu.memory_space<semaphore_mem>>) attributes {dimension_semantics = [#tpu.dimension_semantics<core_parallel>, #tpu.dimension_semantics<subcore_parallel>], iteration_bounds = array<i64: 2, 16>, scalar_prefetch = 0 : i64, scratch_operands = 27 : i64, tpu.core_type = #tpu.core_type<sc_vector_subcore>, window_params = [{transform_indices = #map}, {transform_indices = #map1}, {transform_indices = #map}, {transform_indices = #map2}]} {
    %mul3A = arith.constant 16 : i32
    %mul3A_0 = arith.muli %arg0, %mul3A : i32
    %add3A = arith.addi %mul3A_0, %arg1 : i32
    %mul3A_1 = arith.constant 10000 : i32
    %mul3A_2 = arith.muli %add3A, %mul3A_1 : i32
    %mul3A_3 = arith.constant 10000 : i32
    %mul3A_4 = arith.muli %add3A, %mul3A_3 : i32
    %add3A_5 = arith.constant 320000 : i32
    %add3A_6 = arith.addi %add3A_5, %mul3A_4 : i32
    %add3A_7 = arith.constant 0 : i32
    %add3A_8 = arith.addi %add3A_6, %add3A_7 : i32
    %dma_start3A = tpu.memref_slice %arg3[%add3A_8] : memref<640000xi32, #tpu.memory_space<hbm>> -> memref<64xi32, #tpu.memory_space<hbm>>
    %dma_start3A_9 = tpu.memref_slice %arg3[%add3A_8] : memref<640000xi32, #tpu.memory_space<hbm>> -> memref<64xi32, #tpu.memory_space<hbm>>
    tpu.enqueue_dma source(%dma_start3A_9 : memref<64xi32, #tpu.memory_space<hbm>>) target(%arg9 : memref<64xi32, #tpu.memory_space<vmem>>) target_semaphore(%arg23 : memref<!tpu.dma_semaphore, #tpu.memory_space<semaphore_mem>>)
    %add3A_10 = arith.constant 64 : i32
    %add3A_11 = arith.addi %add3A_6, %add3A_10 : i32
    %dma_start3A_12 = tpu.memref_slice %arg3[%add3A_11] : memref<640000xi32, #tpu.memory_space<hbm>> -> memref<64xi32, #tpu.memory_space<hbm>>
    %dma_start3A_13 = tpu.memref_slice %arg3[%add3A_11] : memref<640000xi32, #tpu.memory_space<hbm>> -> memref<64xi32, #tpu.memory_space<hbm>>
    tpu.enqueue_dma source(%dma_start3A_13 : memref<64xi32, #tpu.memory_space<hbm>>) target(%arg10 : memref<64xi32, #tpu.memory_space<vmem>>) target_semaphore(%arg24 : memref<!tpu.dma_semaphore, #tpu.memory_space<semaphore_mem>>)
    %add3A_14 = arith.constant 128 : i32
    %add3A_15 = arith.addi %add3A_6, %add3A_14 : i32
    %dma_start3A_16 = tpu.memref_slice %arg3[%add3A_15] : memref<640000xi32, #tpu.memory_space<hbm>> -> memref<64xi32, #tpu.memory_space<hbm>>
    %dma_start3A_17 = tpu.memref_slice %arg3[%add3A_15] : memref<640000xi32, #tpu.memory_space<hbm>> -> memref<64xi32, #tpu.memory_space<hbm>>
    tpu.enqueue_dma source(%dma_start3A_17 : memref<64xi32, #tpu.memory_space<hbm>>) target(%arg11 : memref<64xi32, #tpu.memory_space<vmem>>) target_semaphore(%arg25 : memref<!tpu.dma_semaphore, #tpu.memory_space<semaphore_mem>>)
    %add3A_18 = arith.constant 192 : i32
    %add3A_19 = arith.addi %add3A_6, %add3A_18 : i32
    %dma_start3A_20 = tpu.memref_slice %arg3[%add3A_19] : memref<640000xi32, #tpu.memory_space<hbm>> -> memref<64xi32, #tpu.memory_space<hbm>>
    %dma_start3A_21 = tpu.memref_slice %arg3[%add3A_19] : memref<640000xi32, #tpu.memory_space<hbm>> -> memref<64xi32, #tpu.memory_space<hbm>>
    tpu.enqueue_dma source(%dma_start3A_21 : memref<64xi32, #tpu.memory_space<hbm>>) target(%arg12 : memref<64xi32, #tpu.memory_space<vmem>>) target_semaphore(%arg26 : memref<!tpu.dma_semaphore, #tpu.memory_space<semaphore_mem>>)
    %dma_start3A_22 = tpu.memref_slice %arg3[%mul3A_2] : memref<640000xi32, #tpu.memory_space<hbm>> -> memref<64xi32, #tpu.memory_space<hbm>>
    %dma_start3A_23 = tpu.memref_slice %arg3[%mul3A_2] : memref<640000xi32, #tpu.memory_space<hbm>> -> memref<64xi32, #tpu.memory_space<hbm>>
    tpu.enqueue_dma source(%dma_start3A_23 : memref<64xi32, #tpu.memory_space<hbm>>) target(%arg6 : memref<64xi32, #tpu.memory_space<vmem>>) target_semaphore(%arg21 : memref<!tpu.dma_semaphore, #tpu.memory_space<semaphore_mem>>)
    %add3A_24 = arith.constant 64 : i32
    %add3A_25 = arith.addi %mul3A_2, %add3A_24 : i32
    %dma_start3A_26 = tpu.memref_slice %arg3[%add3A_25] : memref<640000xi32, #tpu.memory_space<hbm>> -> memref<64xi32, #tpu.memory_space<hbm>>
    %dma_start3A_27 = tpu.memref_slice %arg3[%add3A_25] : memref<640000xi32, #tpu.memory_space<hbm>> -> memref<64xi32, #tpu.memory_space<hbm>>
    tpu.enqueue_dma source(%dma_start3A_27 : memref<64xi32, #tpu.memory_space<hbm>>) target(%arg7 : memref<64xi32, #tpu.memory_space<vmem>>) target_semaphore(%arg22 : memref<!tpu.dma_semaphore, #tpu.memory_space<semaphore_mem>>)
    %dma_start3A_28 = arith.constant 0 : i32
    %dma_start3A_29 = tpu.memref_slice %arg4[%mul3A_2, %dma_start3A_28] : memref<320000x128xf32, #tpu.memory_space<hbm>> -> memref<64x128xf32, #tpu.memory_space<hbm>>
    %dma_start3A_30 = arith.constant 0 : i32
    %dma_start3A_31 = tpu.memref_slice %arg4[%mul3A_2, %dma_start3A_30] : memref<320000x128xf32, #tpu.memory_space<hbm>> -> memref<64x128xf32, #tpu.memory_space<hbm>>
    tpu.enqueue_dma source(%dma_start3A_31 : memref<64x128xf32, #tpu.memory_space<hbm>>) target(%arg14 : memref<64x128xf32, #tpu.memory_space<vmem>>) target_semaphore(%arg27 : memref<!tpu.dma_semaphore, #tpu.memory_space<semaphore_mem>>)
    %add3A_32 = arith.constant 64 : i32
    %add3A_33 = arith.addi %mul3A_2, %add3A_32 : i32
    %dma_start3A_34 = arith.constant 0 : i32
    %dma_start3A_35 = tpu.memref_slice %arg4[%add3A_33, %dma_start3A_34] : memref<320000x128xf32, #tpu.memory_space<hbm>> -> memref<64x128xf32, #tpu.memory_space<hbm>>
    %dma_start3A_36 = arith.constant 0 : i32
    %dma_start3A_37 = tpu.memref_slice %arg4[%add3A_33, %dma_start3A_36] : memref<320000x128xf32, #tpu.memory_space<hbm>> -> memref<64x128xf32, #tpu.memory_space<hbm>>
    tpu.enqueue_dma source(%dma_start3A_37 : memref<64x128xf32, #tpu.memory_space<hbm>>) target(%arg15 : memref<64x128xf32, #tpu.memory_space<vmem>>) target_semaphore(%arg28 : memref<!tpu.dma_semaphore, #tpu.memory_space<semaphore_mem>>)
    %dma_wait3A = tpu.memref_slice %arg3[%mul3A_2] : memref<640000xi32, #tpu.memory_space<hbm>> -> memref<64xi32, #tpu.memory_space<hbm>>
    %dma_wait3A_38 = tpu.memref_slice %arg3[%mul3A_2] : memref<640000xi32, #tpu.memory_space<hbm>> -> memref<64xi32, #tpu.memory_space<hbm>>
    tpu.wait_dma2 semaphore(%arg21 : memref<!tpu.dma_semaphore, #tpu.memory_space<semaphore_mem>>) src(%dma_wait3A_38 : memref<64xi32, #tpu.memory_space<hbm>>) dst(%arg6 : memref<64xi32, #tpu.memory_space<vmem>>)
    %dma_start3A_39 = arith.constant 0 : i32
    %dma_start3A_40 = arith.constant 0 : i32
    %dma_start3A_41 = tpu.memref_slice %arg2[%dma_start3A_39, %dma_start3A_40] : memref<10000x128xf32, #tpu.memory_space<hbm>> -> memref<10000x128xf32, #tpu.memory_space<hbm>>
    tpu.enqueue_indirect_dma source(%dma_start3A_41 : memref<10000x128xf32, #tpu.memory_space<hbm>>) target(%arg16 : memref<64x128xf32, #tpu.memory_space<vmem>>) offsets(%arg6 : memref<64xi32, #tpu.memory_space<vmem>>) semaphore(%arg29 : memref<!tpu.dma_semaphore, #tpu.memory_space<semaphore_mem>>)
    %scan3A = arith.constant 0 : i32
    %scan3A_42 = arith.constant 64 : i32
    %scan3A_43 = arith.addi %scan3A, %scan3A_42 : i32
    %scan3A_44 = arith.constant 1 : i32
    scf.for %scan3A_93 = %scan3A to %scan3A_43 step %scan3A_44  : i32 {
      %mul3A_94 = arith.constant 1 : i32
      %mul3A_95 = arith.muli %scan3A_93, %mul3A_94 : i32
      %add3A_96 = arith.constant 0 : i32
      %add3A_97 = arith.addi %add3A_96, %mul3A_95 : i32
      %broadcast_in_dim3A = arith.constant 0.000000e+00 : f32
      %broadcast_in_dim3A_98 = vector.broadcast %broadcast_in_dim3A : f32 to vector<16xf32>
      %swap3A = arith.index_cast %add3A_97 : i32 to index
      %swap3A_99 = arith.constant 0 : index
      %swap3A_100 = tpu.vector_load %arg18[%swap3A, %swap3A_99] {strides = array<i32>} : memref<64x128xf32, #tpu.memory_space<vmem>>, vector<1x16xf32>,
      %swap3A_101 = vector.shape_cast %swap3A_100 : vector<1x16xf32> to vector<16xf32>
      %swap3A_102 = vector.shape_cast %broadcast_in_dim3A_98 : vector<16xf32> to vector<1x16xf32>
      tpu.vector_store %arg18[%swap3A, %swap3A_99], %swap3A_102 {strides = array<i32>} : memref<64x128xf32, #tpu.memory_space<vmem>>, vector<1x16xf32>,
      %broadcast_in_dim3A_103 = arith.constant 0.000000e+00 : f32
      %broadcast_in_dim3A_104 = vector.broadcast %broadcast_in_dim3A_103 : f32 to vector<16xf32>
      %swap3A_105 = arith.index_cast %add3A_97 : i32 to index
      %swap3A_106 = arith.constant 16 : index
      %swap3A_107 = tpu.vector_load %arg18[%swap3A_105, %swap3A_106] {strides = array<i32>} : memref<64x128xf32, #tpu.memory_space<vmem>>, vector<1x16xf32>,
      %swap3A_108 = vector.shape_cast %swap3A_107 : vector<1x16xf32> to vector<16xf32>
      %swap3A_109 = vector.shape_cast %broadcast_in_dim3A_104 : vector<16xf32> to vector<1x16xf32>
      tpu.vector_store %arg18[%swap3A_105, %swap3A_106], %swap3A_109 {strides = array<i32>} : memref<64x128xf32, #tpu.memory_space<vmem>>, vector<1x16xf32>,
      %broadcast_in_dim3A_110 = arith.constant 0.000000e+00 : f32
      %broadcast_in_dim3A_111 = vector.broadcast %broadcast_in_dim3A_110 : f32 to vector<16xf32>
      %swap3A_112 = arith.index_cast %add3A_97 : i32 to index
      %swap3A_113 = arith.constant 32 : index
      %swap3A_114 = tpu.vector_load %arg18[%swap3A_112, %swap3A_113] {strides = array<i32>} : memref<64x128xf32, #tpu.memory_space<vmem>>, vector<1x16xf32>,
      %swap3A_115 = vector.shape_cast %swap3A_114 : vector<1x16xf32> to vector<16xf32>
      %swap3A_116 = vector.shape_cast %broadcast_in_dim3A_111 : vector<16xf32> to vector<1x16xf32>
      tpu.vector_store %arg18[%swap3A_112, %swap3A_113], %swap3A_116 {strides = array<i32>} : memref<64x128xf32, #tpu.memory_space<vmem>>, vector<1x16xf32>,
      %broadcast_in_dim3A_117 = arith.constant 0.000000e+00 : f32
      %broadcast_in_dim3A_118 = vector.broadcast %broadcast_in_dim3A_117 : f32 to vector<16xf32>
      %swap3A_119 = arith.index_cast %add3A_97 : i32 to index
      %swap3A_120 = arith.constant 48 : index
      %swap3A_121 = tpu.vector_load %arg18[%swap3A_119, %swap3A_120] {strides = array<i32>} : memref<64x128xf32, #tpu.memory_space<vmem>>, vector<1x16xf32>,
      %swap3A_122 = vector.shape_cast %swap3A_121 : vector<1x16xf32> to vector<16xf32>
      %swap3A_123 = vector.shape_cast %broadcast_in_dim3A_118 : vector<16xf32> to vector<1x16xf32>
      tpu.vector_store %arg18[%swap3A_119, %swap3A_120], %swap3A_123 {strides = array<i32>} : memref<64x128xf32, #tpu.memory_space<vmem>>, vector<1x16xf32>,
      %broadcast_in_dim3A_124 = arith.constant 0.000000e+00 : f32
      %broadcast_in_dim3A_125 = vector.broadcast %broadcast_in_dim3A_124 : f32 to vector<16xf32>
      %swap3A_126 = arith.index_cast %add3A_97 : i32 to index
      %swap3A_127 = arith.constant 64 : index
      %swap3A_128 = tpu.vector_load %arg18[%swap3A_126, %swap3A_127] {strides = array<i32>} : memref<64x128xf32, #tpu.memory_space<vmem>>, vector<1x16xf32>,
      %swap3A_129 = vector.shape_cast %swap3A_128 : vector<1x16xf32> to vector<16xf32>
      %swap3A_130 = vector.shape_cast %broadcast_in_dim3A_125 : vector<16xf32> to vector<1x16xf32>
      tpu.vector_store %arg18[%swap3A_126, %swap3A_127], %swap3A_130 {strides = array<i32>} : memref<64x128xf32, #tpu.memory_space<vmem>>, vector<1x16xf32>,
      %broadcast_in_dim3A_131 = arith.constant 0.000000e+00 : f32
      %broadcast_in_dim3A_132 = vector.broadcast %broadcast_in_dim3A_131 : f32 to vector<16xf32>
      %swap3A_133 = arith.index_cast %add3A_97 : i32 to index
      %swap3A_134 = arith.constant 80 : index
      %swap3A_135 = tpu.vector_load %arg18[%swap3A_133, %swap3A_134] {strides = array<i32>} : memref<64x128xf32, #tpu.memory_space<vmem>>, vector<1x16xf32>,
      %swap3A_136 = vector.shape_cast %swap3A_135 : vector<1x16xf32> to vector<16xf32>
      %swap3A_137 = vector.shape_cast %broadcast_in_dim3A_132 : vector<16xf32> to vector<1x16xf32>
      tpu.vector_store %arg18[%swap3A_133, %swap3A_134], %swap3A_137 {strides = array<i32>} : memref<64x128xf32, #tpu.memory_space<vmem>>, vector<1x16xf32>,
      %broadcast_in_dim3A_138 = arith.constant 0.000000e+00 : f32
      %broadcast_in_dim3A_139 = vector.broadcast %broadcast_in_dim3A_138 : f32 to vector<16xf32>
      %swap3A_140 = arith.index_cast %add3A_97 : i32 to index
      %swap3A_141 = arith.constant 96 : index
      %swap3A_142 = tpu.vector_load %arg18[%swap3A_140, %swap3A_141] {strides = array<i32>} : memref<64x128xf32, #tpu.memory_space<vmem>>, vector<1x16xf32>,
      %swap3A_143 = vector.shape_cast %swap3A_142 : vector<1x16xf32> to vector<16xf32>
      %swap3A_144 = vector.shape_cast %broadcast_in_dim3A_139 : vector<16xf32> to vector<1x16xf32>
      tpu.vector_store %arg18[%swap3A_140, %swap3A_141], %swap3A_144 {strides = array<i32>} : memref<64x128xf32, #tpu.memory_space<vmem>>, vector<1x16xf32>,
      %broadcast_in_dim3A_145 = arith.constant 0.000000e+00 : f32
      %broadcast_in_dim3A_146 = vector.broadcast %broadcast_in_dim3A_145 : f32 to vector<16xf32>
      %swap3A_147 = arith.index_cast %add3A_97 : i32 to index
      %swap3A_148 = arith.constant 112 : index
      %swap3A_149 = tpu.vector_load %arg18[%swap3A_147, %swap3A_148] {strides = array<i32>} : memref<64x128xf32, #tpu.memory_space<vmem>>, vector<1x16xf32>,
      %swap3A_150 = vector.shape_cast %swap3A_149 : vector<1x16xf32> to vector<16xf32>
      %swap3A_151 = vector.shape_cast %broadcast_in_dim3A_146 : vector<16xf32> to vector<1x16xf32>
      tpu.vector_store %arg18[%swap3A_147, %swap3A_148], %swap3A_151 {strides = array<i32>} : memref<64x128xf32, #tpu.memory_space<vmem>>, vector<1x16xf32>,
    }
    %scan3A_45 = arith.constant 64 : i32
    %mul3A_46 = arith.constant 624 : i32
    %mul3A_47 = arith.muli %arg1, %mul3A_46 : i32
    %add3A_48 = arith.constant 0 : i32
    %add3A_49 = arith.addi %mul3A_47, %add3A_48 : i32
    "tpu.region"() ({
      %run_scoped3A = tpu.sem_alloc : memref<!tpu.dma_semaphore, #tpu.memory_space<semaphore_mem>>
      %dma_start3A_93 = arith.constant 0 : i32
      %dma_start3A_94 = tpu.memref_slice %arg20[%add3A_49, %dma_start3A_93] : memref<10000x128xf32, #tpu.memory_space<vmem_shared>> -> memref<64x128xf32, #tpu.memory_space<vmem_shared>>
      %dma_start3A_95 = arith.constant 0 : i32
      %dma_start3A_96 = tpu.memref_slice %arg20[%add3A_49, %dma_start3A_95] : memref<10000x128xf32, #tpu.memory_space<vmem_shared>> -> memref<64x128xf32, #tpu.memory_space<vmem_shared>>
      tpu.enqueue_dma source(%arg18 : memref<64x128xf32, #tpu.memory_space<vmem>>) target(%dma_start3A_96 : memref<64x128xf32, #tpu.memory_space<vmem_shared>>) target_semaphore(%run_scoped3A : memref<!tpu.dma_semaphore, #tpu.memory_space<semaphore_mem>>)
      %dma_wait3A_97 = arith.constant 0 : i32
      %dma_wait3A_98 = tpu.memref_slice %arg20[%add3A_49, %dma_wait3A_97] : memref<10000x128xf32, #tpu.memory_space<vmem_shared>> -> memref<64x128xf32, #tpu.memory_space<vmem_shared>>
      %dma_wait3A_99 = arith.constant 0 : i32
      %dma_wait3A_100 = tpu.memref_slice %arg20[%add3A_49, %dma_wait3A_99] : memref<10000x128xf32, #tpu.memory_space<vmem_shared>> -> memref<64x128xf32, #tpu.memory_space<vmem_shared>>
      tpu.wait_dma2 semaphore(%run_scoped3A : memref<!tpu.dma_semaphore, #tpu.memory_space<semaphore_mem>>) src(%arg18 : memref<64x128xf32, #tpu.memory_space<vmem>>) dst(%dma_wait3A_100 : memref<64x128xf32, #tpu.memory_space<vmem_shared>>)
      tpu.yield
    }) : () -> ()
    %add3A_50 = arith.constant 64 : i32
    %add3A_51 = arith.addi %mul3A_47, %add3A_50 : i32
    "tpu.region"() ({
      %run_scoped3A = tpu.sem_alloc : memref<!tpu.dma_semaphore, #tpu.memory_space<semaphore_mem>>
      %dma_start3A_93 = arith.constant 0 : i32
      %dma_start3A_94 = tpu.memref_slice %arg20[%add3A_51, %dma_start3A_93] : memref<10000x128xf32, #tpu.memory_space<vmem_shared>> -> memref<64x128xf32, #tpu.memory_space<vmem_shared>>
      %dma_start3A_95 = arith.constant 0 : i32
      %dma_start3A_96 = tpu.memref_slice %arg20[%add3A_51, %dma_start3A_95] : memref<10000x128xf32, #tpu.memory_space<vmem_shared>> -> memref<64x128xf32, #tpu.memory_space<vmem_shared>>
      tpu.enqueue_dma source(%arg18 : memref<64x128xf32, #tpu.memory_space<vmem>>) target(%dma_start3A_96 : memref<64x128xf32, #tpu.memory_space<vmem_shared>>) target_semaphore(%run_scoped3A : memref<!tpu.dma_semaphore, #tpu.memory_space<semaphore_mem>>)
      %dma_wait3A_97 = arith.constant 0 : i32
      %dma_wait3A_98 = tpu.memref_slice %arg20[%add3A_51, %dma_wait3A_97] : memref<10000x128xf32, #tpu.memory_space<vmem_shared>> -> memref<64x128xf32, #tpu.memory_space<vmem_shared>>
      %dma_wait3A_99 = arith.constant 0 : i32
      %dma_wait3A_100 = tpu.memref_slice %arg20[%add3A_51, %dma_wait3A_99] : memref<10000x128xf32, #tpu.memory_space<vmem_shared>> -> memref<64x128xf32, #tpu.memory_space<vmem_shared>>
      tpu.wait_dma2 semaphore(%run_scoped3A : memref<!tpu.dma_semaphore, #tpu.memory_space<semaphore_mem>>) src(%arg18 : memref<64x128xf32, #tpu.memory_space<vmem>>) dst(%dma_wait3A_100 : memref<64x128xf32, #tpu.memory_space<vmem_shared>>)
      tpu.yield
    }) : () -> ()
    %add3A_52 = arith.constant 128 : i32
    %add3A_53 = arith.addi %mul3A_47, %add3A_52 : i32
    "tpu.region"() ({
      %run_scoped3A = tpu.sem_alloc : memref<!tpu.dma_semaphore, #tpu.memory_space<semaphore_mem>>
      %dma_start3A_93 = arith.constant 0 : i32
      %dma_start3A_94 = tpu.memref_slice %arg20[%add3A_53, %dma_start3A_93] : memref<10000x128xf32, #tpu.memory_space<vmem_shared>> -> memref<64x128xf32, #tpu.memory_space<vmem_shared>>
      %dma_start3A_95 = arith.constant 0 : i32
      %dma_start3A_96 = tpu.memref_slice %arg20[%add3A_53, %dma_start3A_95] : memref<10000x128xf32, #tpu.memory_space<vmem_shared>> -> memref<64x128xf32, #tpu.memory_space<vmem_shared>>
      tpu.enqueue_dma source(%arg18 : memref<64x128xf32, #tpu.memory_space<vmem>>) target(%dma_start3A_96 : memref<64x128xf32, #tpu.memory_space<vmem_shared>>) target_semaphore(%run_scoped3A : memref<!tpu.dma_semaphore, #tpu.memory_space<semaphore_mem>>)
      %dma_wait3A_97 = arith.constant 0 : i32
      %dma_wait3A_98 = tpu.memref_slice %arg20[%add3A_53, %dma_wait3A_97] : memref<10000x128xf32, #tpu.memory_space<vmem_shared>> -> memref<64x128xf32, #tpu.memory_space<vmem_shared>>
      %dma_wait3A_99 = arith.constant 0 : i32
      %dma_wait3A_100 = tpu.memref_slice %arg20[%add3A_53, %dma_wait3A_99] : memref<10000x128xf32, #tpu.memory_space<vmem_shared>> -> memref<64x128xf32, #tpu.memory_space<vmem_shared>>
      tpu.wait_dma2 semaphore(%run_scoped3A : memref<!tpu.dma_semaphore, #tpu.memory_space<semaphore_mem>>) src(%arg18 : memref<64x128xf32, #tpu.memory_space<vmem>>) dst(%dma_wait3A_100 : memref<64x128xf32, #tpu.memory_space<vmem_shared>>)
      tpu.yield
    }) : () -> ()
    %add3A_54 = arith.constant 192 : i32
    %add3A_55 = arith.addi %mul3A_47, %add3A_54 : i32
    "tpu.region"() ({
      %run_scoped3A = tpu.sem_alloc : memref<!tpu.dma_semaphore, #tpu.memory_space<semaphore_mem>>
      %dma_start3A_93 = arith.constant 0 : i32
      %dma_start3A_94 = tpu.memref_slice %arg20[%add3A_55, %dma_start3A_93] : memref<10000x128xf32, #tpu.memory_space<vmem_shared>> -> memref<64x128xf32, #tpu.memory_space<vmem_shared>>
      %dma_start3A_95 = arith.constant 0 : i32
      %dma_start3A_96 = tpu.memref_slice %arg20[%add3A_55, %dma_start3A_95] : memref<10000x128xf32, #tpu.memory_space<vmem_shared>> -> memref<64x128xf32, #tpu.memory_space<vmem_shared>>
      tpu.enqueue_dma source(%arg18 : memref<64x128xf32, #tpu.memory_space<vmem>>) target(%dma_start3A_96 : memref<64x128xf32, #tpu.memory_space<vmem_shared>>) target_semaphore(%run_scoped3A : memref<!tpu.dma_semaphore, #tpu.memory_space<semaphore_mem>>)
      %dma_wait3A_97 = arith.constant 0 : i32
      %dma_wait3A_98 = tpu.memref_slice %arg20[%add3A_55, %dma_wait3A_97] : memref<10000x128xf32, #tpu.memory_space<vmem_shared>> -> memref<64x128xf32, #tpu.memory_space<vmem_shared>>
      %dma_wait3A_99 = arith.constant 0 : i32
      %dma_wait3A_100 = tpu.memref_slice %arg20[%add3A_55, %dma_wait3A_99] : memref<10000x128xf32, #tpu.memory_space<vmem_shared>> -> memref<64x128xf32, #tpu.memory_space<vmem_shared>>
      tpu.wait_dma2 semaphore(%run_scoped3A : memref<!tpu.dma_semaphore, #tpu.memory_space<semaphore_mem>>) src(%arg18 : memref<64x128xf32, #tpu.memory_space<vmem>>) dst(%dma_wait3A_100 : memref<64x128xf32, #tpu.memory_space<vmem_shared>>)
      tpu.yield
    }) : () -> ()
    %add3A_56 = arith.constant 256 : i32
    %add3A_57 = arith.addi %mul3A_47, %add3A_56 : i32
    "tpu.region"() ({
      %run_scoped3A = tpu.sem_alloc : memref<!tpu.dma_semaphore, #tpu.memory_space<semaphore_mem>>
      %dma_start3A_93 = arith.constant 0 : i32
      %dma_start3A_94 = tpu.memref_slice %arg20[%add3A_57, %dma_start3A_93] : memref<10000x128xf32, #tpu.memory_space<vmem_shared>> -> memref<64x128xf32, #tpu.memory_space<vmem_shared>>
      %dma_start3A_95 = arith.constant 0 : i32
      %dma_start3A_96 = tpu.memref_slice %arg20[%add3A_57, %dma_start3A_95] : memref<10000x128xf32, #tpu.memory_space<vmem_shared>> -> memref<64x128xf32, #tpu.memory_space<vmem_shared>>
      tpu.enqueue_dma source(%arg18 : memref<64x128xf32, #tpu.memory_space<vmem>>) target(%dma_start3A_96 : memref<64x128xf32, #tpu.memory_space<vmem_shared>>) target_semaphore(%run_scoped3A : memref<!tpu.dma_semaphore, #tpu.memory_space<semaphore_mem>>)
      %dma_wait3A_97 = arith.constant 0 : i32
      %dma_wait3A_98 = tpu.memref_slice %arg20[%add3A_57, %dma_wait3A_97] : memref<10000x128xf32, #tpu.memory_space<vmem_shared>> -> memref<64x128xf32, #tpu.memory_space<vmem_shared>>
      %dma_wait3A_99 = arith.constant 0 : i32
      %dma_wait3A_100 = tpu.memref_slice %arg20[%add3A_57, %dma_wait3A_99] : memref<10000x128xf32, #tpu.memory_space<vmem_shared>> -> memref<64x128xf32, #tpu.memory_space<vmem_shared>>
      tpu.wait_dma2 semaphore(%run_scoped3A : memref<!tpu.dma_semaphore, #tpu.memory_space<semaphore_mem>>) src(%arg18 : memref<64x128xf32, #tpu.memory_space<vmem>>) dst(%dma_wait3A_100 : memref<64x128xf32, #tpu.memory_space<vmem_shared>>)
      tpu.yield
    }) : () -> ()
    %add3A_58 = arith.constant 320 : i32
    %add3A_59 = arith.addi %mul3A_47, %add3A_58 : i32
    "tpu.region"() ({
      %run_scoped3A = tpu.sem_alloc : memref<!tpu.dma_semaphore, #tpu.memory_space<semaphore_mem>>
      %dma_start3A_93 = arith.constant 0 : i32
      %dma_start3A_94 = tpu.memref_slice %arg20[%add3A_59, %dma_start3A_93] : memref<10000x128xf32, #tpu.memory_space<vmem_shared>> -> memref<64x128xf32, #tpu.memory_space<vmem_shared>>
      %dma_start3A_95 = arith.constant 0 : i32
      %dma_start3A_96 = tpu.memref_slice %arg20[%add3A_59, %dma_start3A_95] : memref<10000x128xf32, #tpu.memory_space<vmem_shared>> -> memref<64x128xf32, #tpu.memory_space<vmem_shared>>
      tpu.enqueue_dma source(%arg18 : memref<64x128xf32, #tpu.memory_space<vmem>>) target(%dma_start3A_96 : memref<64x128xf32, #tpu.memory_space<vmem_shared>>) target_semaphore(%run_scoped3A : memref<!tpu.dma_semaphore, #tpu.memory_space<semaphore_mem>>)
      %dma_wait3A_97 = arith.constant 0 : i32
      %dma_wait3A_98 = tpu.memref_slice %arg20[%add3A_59, %dma_wait3A_97] : memref<10000x128xf32, #tpu.memory_space<vmem_shared>> -> memref<64x128xf32, #tpu.memory_space<vmem_shared>>
      %dma_wait3A_99 = arith.constant 0 : i32
      %dma_wait3A_100 = tpu.memref_slice %arg20[%add3A_59, %dma_wait3A_99] : memref<10000x128xf32, #tpu.memory_space<vmem_shared>> -> memref<64x128xf32, #tpu.memory_space<vmem_shared>>
      tpu.wait_dma2 semaphore(%run_scoped3A : memref<!tpu.dma_semaphore, #tpu.memory_space<semaphore_mem>>) src(%arg18 : memref<64x128xf32, #tpu.memory_space<vmem>>) dst(%dma_wait3A_100 : memref<64x128xf32, #tpu.memory_space<vmem_shared>>)
      tpu.yield
    }) : () -> ()
    %add3A_60 = arith.constant 384 : i32
    %add3A_61 = arith.addi %mul3A_47, %add3A_60 : i32
    "tpu.region"() ({
      %run_scoped3A = tpu.sem_alloc : memref<!tpu.dma_semaphore, #tpu.memory_space<semaphore_mem>>
      %dma_start3A_93 = arith.constant 0 : i32
      %dma_start3A_94 = tpu.memref_slice %arg20[%add3A_61, %dma_start3A_93] : memref<10000x128xf32, #tpu.memory_space<vmem_shared>> -> memref<64x128xf32, #tpu.memory_space<vmem_shared>>
      %dma_start3A_95 = arith.constant 0 : i32
      %dma_start3A_96 = tpu.memref_slice %arg20[%add3A_61, %dma_start3A_95] : memref<10000x128xf32, #tpu.memory_space<vmem_shared>> -> memref<64x128xf32, #tpu.memory_space<vmem_shared>>
      tpu.enqueue_dma source(%arg18 : memref<64x128xf32, #tpu.memory_space<vmem>>) target(%dma_start3A_96 : memref<64x128xf32, #tpu.memory_space<vmem_shared>>) target_semaphore(%run_scoped3A : memref<!tpu.dma_semaphore, #tpu.memory_space<semaphore_mem>>)
      %dma_wait3A_97 = arith.constant 0 : i32
      %dma_wait3A_98 = tpu.memref_slice %arg20[%add3A_61, %dma_wait3A_97] : memref<10000x128xf32, #tpu.memory_space<vmem_shared>> -> memref<64x128xf32, #tpu.memory_space<vmem_shared>>
      %dma_wait3A_99 = arith.constant 0 : i32
      %dma_wait3A_100 = tpu.memref_slice %arg20[%add3A_61, %dma_wait3A_99] : memref<10000x128xf32, #tpu.memory_space<vmem_shared>> -> memref<64x128xf32, #tpu.memory_space<vmem_shared>>
      tpu.wait_dma2 semaphore(%run_scoped3A : memref<!tpu.dma_semaphore, #tpu.memory_space<semaphore_mem>>) src(%arg18 : memref<64x128xf32, #tpu.memory_space<vmem>>) dst(%dma_wait3A_100 : memref<64x128xf32, #tpu.memory_space<vmem_shared>>)
      tpu.yield
    }) : () -> ()
    %add3A_62 = arith.constant 448 : i32
    %add3A_63 = arith.addi %mul3A_47, %add3A_62 : i32
    "tpu.region"() ({
      %run_scoped3A = tpu.sem_alloc : memref<!tpu.dma_semaphore, #tpu.memory_space<semaphore_mem>>
      %dma_start3A_93 = arith.constant 0 : i32
      %dma_start3A_94 = tpu.memref_slice %arg20[%add3A_63, %dma_start3A_93] : memref<10000x128xf32, #tpu.memory_space<vmem_shared>> -> memref<64x128xf32, #tpu.memory_space<vmem_shared>>
      %dma_start3A_95 = arith.constant 0 : i32
      %dma_start3A_96 = tpu.memref_slice %arg20[%add3A_63, %dma_start3A_95] : memref<10000x128xf32, #tpu.memory_space<vmem_shared>> -> memref<64x128xf32, #tpu.memory_space<vmem_shared>>
      tpu.enqueue_dma source(%arg18 : memref<64x128xf32, #tpu.memory_space<vmem>>) target(%dma_start3A_96 : memref<64x128xf32, #tpu.memory_space<vmem_shared>>) target_semaphore(%run_scoped3A : memref<!tpu.dma_semaphore, #tpu.memory_space<semaphore_mem>>)
      %dma_wait3A_97 = arith.constant 0 : i32
      %dma_wait3A_98 = tpu.memref_slice %arg20[%add3A_63, %dma_wait3A_97] : memref<10000x128xf32, #tpu.memory_space<vmem_shared>> -> memref<64x128xf32, #tpu.memory_space<vmem_shared>>
      %dma_wait3A_99 = arith.constant 0 : i32
      %dma_wait3A_100 = tpu.memref_slice %arg20[%add3A_63, %dma_wait3A_99] : memref<10000x128xf32, #tpu.memory_space<vmem_shared>> -> memref<64x128xf32, #tpu.memory_space<vmem_shared>>
      tpu.wait_dma2 semaphore(%run_scoped3A : memref<!tpu.dma_semaphore, #tpu.memory_space<semaphore_mem>>) src(%arg18 : memref<64x128xf32, #tpu.memory_space<vmem>>) dst(%dma_wait3A_100 : memref<64x128xf32, #tpu.memory_space<vmem_shared>>)
      tpu.yield
    }) : () -> ()
    %add3A_64 = arith.constant 512 : i32
    %add3A_65 = arith.addi %mul3A_47, %add3A_64 : i32
    "tpu.region"() ({
      %run_scoped3A = tpu.sem_alloc : memref<!tpu.dma_semaphore, #tpu.memory_space<semaphore_mem>>
      %dma_start3A_93 = arith.constant 0 : i32
      %dma_start3A_94 = tpu.memref_slice %arg20[%add3A_65, %dma_start3A_93] : memref<10000x128xf32, #tpu.memory_space<vmem_shared>> -> memref<64x128xf32, #tpu.memory_space<vmem_shared>>
      %dma_start3A_95 = arith.constant 0 : i32
      %dma_start3A_96 = tpu.memref_slice %arg20[%add3A_65, %dma_start3A_95] : memref<10000x128xf32, #tpu.memory_space<vmem_shared>> -> memref<64x128xf32, #tpu.memory_space<vmem_shared>>
      tpu.enqueue_dma source(%arg18 : memref<64x128xf32, #tpu.memory_space<vmem>>) target(%dma_start3A_96 : memref<64x128xf32, #tpu.memory_space<vmem_shared>>) target_semaphore(%run_scoped3A : memref<!tpu.dma_semaphore, #tpu.memory_space<semaphore_mem>>)
      %dma_wait3A_97 = arith.constant 0 : i32
      %dma_wait3A_98 = tpu.memref_slice %arg20[%add3A_65, %dma_wait3A_97] : memref<10000x128xf32, #tpu.memory_space<vmem_shared>> -> memref<64x128xf32, #tpu.memory_space<vmem_shared>>
      %dma_wait3A_99 = arith.constant 0 : i32
      %dma_wait3A_100 = tpu.memref_slice %arg20[%add3A_65, %dma_wait3A_99] : memref<10000x128xf32, #tpu.memory_space<vmem_shared>> -> memref<64x128xf32, #tpu.memory_space<vmem_shared>>
      tpu.wait_dma2 semaphore(%run_scoped3A : memref<!tpu.dma_semaphore, #tpu.memory_space<semaphore_mem>>) src(%arg18 : memref<64x128xf32, #tpu.memory_space<vmem>>) dst(%dma_wait3A_100 : memref<64x128xf32, #tpu.memory_space<vmem_shared>>)
      tpu.yield
    }) : () -> ()
    %add3A_66 = arith.constant 576 : i32
    %add3A_67 = arith.addi %mul3A_47, %add3A_66 : i32
    "tpu.region"() ({
      %run_scoped3A = tpu.sem_alloc : memref<!tpu.dma_semaphore, #tpu.memory_space<semaphore_mem>>
      %dma_start3A_93 = arith.constant 0 : i32
      %dma_start3A_94 = arith.constant 0 : i32
      %dma_start3A_95 = tpu.memref_slice %arg18[%dma_start3A_93, %dma_start3A_94] : memref<64x128xf32, #tpu.memory_space<vmem>> -> memref<48x128xf32, #tpu.memory_space<vmem>>
      %dma_start3A_96 = arith.constant 0 : i32
      %dma_start3A_97 = tpu.memref_slice %arg20[%add3A_67, %dma_start3A_96] : memref<10000x128xf32, #tpu.memory_space<vmem_shared>> -> memref<48x128xf32, #tpu.memory_space<vmem_shared>>
      %dma_start3A_98 = arith.constant 0 : i32
      %dma_start3A_99 = tpu.memref_slice %arg20[%add3A_67, %dma_start3A_98] : memref<10000x128xf32, #tpu.memory_space<vmem_shared>> -> memref<48x128xf32, #tpu.memory_space<vmem_shared>>
      %dma_start3A_100 = arith.constant 0 : i32
      %dma_start3A_101 = arith.constant 0 : i32
      %dma_start3A_102 = tpu.memref_slice %arg18[%dma_start3A_100, %dma_start3A_101] : memref<64x128xf32, #tpu.memory_space<vmem>> -> memref<48x128xf32, #tpu.memory_space<vmem>>
      tpu.enqueue_dma source(%dma_start3A_102 : memref<48x128xf32, #tpu.memory_space<vmem>>) target(%dma_start3A_99 : memref<48x128xf32, #tpu.memory_space<vmem_shared>>) target_semaphore(%run_scoped3A : memref<!tpu.dma_semaphore, #tpu.memory_space<semaphore_mem>>)
      %dma_wait3A_103 = arith.constant 0 : i32
      %dma_wait3A_104 = arith.constant 0 : i32
      %dma_wait3A_105 = tpu.memref_slice %arg18[%dma_wait3A_103, %dma_wait3A_104] : memref<64x128xf32, #tpu.memory_space<vmem>> -> memref<48x128xf32, #tpu.memory_space<vmem>>
      %dma_wait3A_106 = arith.constant 0 : i32
      %dma_wait3A_107 = tpu.memref_slice %arg20[%add3A_67, %dma_wait3A_106] : memref<10000x128xf32, #tpu.memory_space<vmem_shared>> -> memref<48x128xf32, #tpu.memory_space<vmem_shared>>
      %dma_wait3A_108 = arith.constant 0 : i32
      %dma_wait3A_109 = tpu.memref_slice %arg20[%add3A_67, %dma_wait3A_108] : memref<10000x128xf32, #tpu.memory_space<vmem_shared>> -> memref<48x128xf32, #tpu.memory_space<vmem_shared>>
      %dma_wait3A_110 = arith.constant 0 : i32
      %dma_wait3A_111 = arith.constant 0 : i32
      %dma_wait3A_112 = tpu.memref_slice %arg18[%dma_wait3A_110, %dma_wait3A_111] : memref<64x128xf32, #tpu.memory_space<vmem>> -> memref<48x128xf32, #tpu.memory_space<vmem>>
      tpu.wait_dma2 semaphore(%run_scoped3A : memref<!tpu.dma_semaphore, #tpu.memory_space<semaphore_mem>>) src(%dma_wait3A_112 : memref<48x128xf32, #tpu.memory_space<vmem>>) dst(%dma_wait3A_109 : memref<48x128xf32, #tpu.memory_space<vmem_shared>>)
      tpu.yield
    }) : () -> ()
    %eq3A = arith.constant 15 : i32
    %eq3A_68 = arith.cmpi eq, %arg1, %eq3A : i32
    %convert_element_type3A = arith.extui %eq3A_68 : i1 to i32
    %cond3A = arith.constant 0 : i32
    %cond3A_69 = arith.cmpi ne, %convert_element_type3A, %cond3A : i32
    scf.if %cond3A_69 {
      "tpu.region"() ({
        %run_scoped3A = tpu.sem_alloc : memref<!tpu.dma_semaphore, #tpu.memory_space<semaphore_mem>>
        %dma_start3A_93 = arith.constant 0 : i32
        %dma_start3A_94 = arith.constant 0 : i32
        %dma_start3A_95 = tpu.memref_slice %arg18[%dma_start3A_93, %dma_start3A_94] : memref<64x128xf32, #tpu.memory_space<vmem>> -> memref<16x128xf32, #tpu.memory_space<vmem>>
        %dma_start3A_96 = arith.constant 9984 : i32
        %dma_start3A_97 = arith.constant 0 : i32
        %dma_start3A_98 = tpu.memref_slice %arg20[%dma_start3A_96, %dma_start3A_97] : memref<10000x128xf32, #tpu.memory_space<vmem_shared>> -> memref<16x128xf32, #tpu.memory_space<vmem_shared>>
        %dma_start3A_99 = arith.constant 9984 : i32
        %dma_start3A_100 = arith.constant 0 : i32
        %dma_start3A_101 = tpu.memref_slice %arg20[%dma_start3A_99, %dma_start3A_100] : memref<10000x128xf32, #tpu.memory_space<vmem_shared>> -> memref<16x128xf32, #tpu.memory_space<vmem_shared>>
        %dma_start3A_102 = arith.constant 0 : i32
        %dma_start3A_103 = arith.constant 0 : i32
        %dma_start3A_104 = tpu.memref_slice %arg18[%dma_start3A_102, %dma_start3A_103] : memref<64x128xf32, #tpu.memory_space<vmem>> -> memref<16x128xf32, #tpu.memory_space<vmem>>
        tpu.enqueue_dma source(%dma_start3A_104 : memref<16x128xf32, #tpu.memory_space<vmem>>) target(%dma_start3A_101 : memref<16x128xf32, #tpu.memory_space<vmem_shared>>) target_semaphore(%run_scoped3A : memref<!tpu.dma_semaphore, #tpu.memory_space<semaphore_mem>>)
        %dma_wait3A_105 = arith.constant 0 : i32
        %dma_wait3A_106 = arith.constant 0 : i32
        %dma_wait3A_107 = tpu.memref_slice %arg18[%dma_wait3A_105, %dma_wait3A_106] : memref<64x128xf32, #tpu.memory_space<vmem>> -> memref<16x128xf32, #tpu.memory_space<vmem>>
        %dma_wait3A_108 = arith.constant 9984 : i32
        %dma_wait3A_109 = arith.constant 0 : i32
        %dma_wait3A_110 = tpu.memref_slice %arg20[%dma_wait3A_108, %dma_wait3A_109] : memref<10000x128xf32, #tpu.memory_space<vmem_shared>> -> memref<16x128xf32, #tpu.memory_space<vmem_shared>>
        %dma_wait3A_111 = arith.constant 9984 : i32
        %dma_wait3A_112 = arith.constant 0 : i32
        %dma_wait3A_113 = tpu.memref_slice %arg20[%dma_wait3A_111, %dma_wait3A_112] : memref<10000x128xf32, #tpu.memory_space<vmem_shared>> -> memref<16x128xf32, #tpu.memory_space<vmem_shared>>
        %dma_wait3A_114 = arith.constant 0 : i32
        %dma_wait3A_115 = arith.constant 0 : i32
        %dma_wait3A_116 = tpu.memref_slice %arg18[%dma_wait3A_114, %dma_wait3A_115] : memref<64x128xf32, #tpu.memory_space<vmem>> -> memref<16x128xf32, #tpu.memory_space<vmem>>
        tpu.wait_dma2 semaphore(%run_scoped3A : memref<!tpu.dma_semaphore, #tpu.memory_space<semaphore_mem>>) src(%dma_wait3A_116 : memref<16x128xf32, #tpu.memory_space<vmem>>) dst(%dma_wait3A_113 : memref<16x128xf32, #tpu.memory_space<vmem_shared>>)
        tpu.yield
      }) : () -> ()
    } else {
    }
    %barrier3A = arith.constant 0 : index
    tpu.barrier barrier_id(%barrier3A)
    %scan3A_70 = arith.constant 0 : i32
    %scan3A_71 = arith.constant 39 : i32
    %scan3A_72 = arith.addi %scan3A_70, %scan3A_71 : i32
    %scan3A_73 = arith.constant 1 : i32
    scf.for %scan3A_93 = %scan3A_70 to %scan3A_72 step %scan3A_73  : i32 {
      %mul3A_94 = arith.constant 4 : i32
      %mul3A_95 = arith.muli %scan3A_93, %mul3A_94 : i32
      %add3A_96 = arith.constant 0 : i32
      %add3A_97 = arith.addi %add3A_96, %mul3A_95 : i32
      %add3A_98 = arith.constant 0 : i32
      %add3A_99 = arith.addi %add3A_97, %add3A_98 : i32
      %mul3A_100 = arith.constant 64 : i32
      %mul3A_101 = arith.muli %add3A_99, %mul3A_100 : i32
      %add3A_102 = arith.addi %mul3A_2, %mul3A_101 : i32
      %dma_wait3A_103 = arith.constant 0 : i32
      %dma_wait3A_104 = tpu.memref_slice %arg4[%add3A_102, %dma_wait3A_103] : memref<320000x128xf32, #tpu.memory_space<hbm>> -> memref<64x128xf32, #tpu.memory_space<hbm>>
      %dma_wait3A_105 = arith.constant 0 : i32
      %dma_wait3A_106 = tpu.memref_slice %arg4[%add3A_102, %dma_wait3A_105] : memref<320000x128xf32, #tpu.memory_space<hbm>> -> memref<64x128xf32, #tpu.memory_space<hbm>>
      tpu.wait_dma2 semaphore(%arg27 : memref<!tpu.dma_semaphore, #tpu.memory_space<semaphore_mem>>) src(%dma_wait3A_106 : memref<64x128xf32, #tpu.memory_space<hbm>>) dst(%arg14 : memref<64x128xf32, #tpu.memory_space<vmem>>)
      %dma_wait3A_107 = arith.constant 0 : i32
      %dma_wait3A_108 = arith.constant 0 : i32
      %dma_wait3A_109 = tpu.memref_slice %arg2[%dma_wait3A_107, %dma_wait3A_108] : memref<10000x128xf32, #tpu.memory_space<hbm>> -> memref<10000x128xf32, #tpu.memory_space<hbm>>
      tpu.wait_indirect_dma semaphore(%arg29 : memref<!tpu.dma_semaphore, #tpu.memory_space<semaphore_mem>>) src(%dma_wait3A_109 : memref<10000x128xf32, #tpu.memory_space<hbm>>) dst(%arg16 : memref<64x128xf32, #tpu.memory_space<vmem>>)
      %add3A_110 = arith.constant 2 : i32
      %add3A_111 = arith.addi %add3A_99, %add3A_110 : i32
      %lt3A = arith.constant 156 : i32
      %lt3A_112 = arith.cmpi slt, %add3A_111, %lt3A : i32
      %convert_element_type3A_113 = arith.extui %lt3A_112 : i1 to i32
      %cond3A_114 = arith.constant 0 : i32
      %cond3A_115 = arith.cmpi ne, %convert_element_type3A_113, %cond3A_114 : i32
      scf.if %cond3A_115 {
        %add3A_292 = arith.constant 2 : i32
        %add3A_293 = arith.addi %add3A_99, %add3A_292 : i32
        %mul3A_294 = arith.constant 64 : i32
        %mul3A_295 = arith.muli %add3A_293, %mul3A_294 : i32
        %add3A_296 = arith.addi %mul3A_2, %mul3A_295 : i32
        %dma_start3A_297 = tpu.memref_slice %arg3[%add3A_296] : memref<640000xi32, #tpu.memory_space<hbm>> -> memref<64xi32, #tpu.memory_space<hbm>>
        %dma_start3A_298 = tpu.memref_slice %arg3[%add3A_296] : memref<640000xi32, #tpu.memory_space<hbm>> -> memref<64xi32, #tpu.memory_space<hbm>>
        tpu.enqueue_dma source(%dma_start3A_298 : memref<64xi32, #tpu.memory_space<hbm>>) target(%arg6 : memref<64xi32, #tpu.memory_space<vmem>>) target_semaphore(%arg21 : memref<!tpu.dma_semaphore, #tpu.memory_space<semaphore_mem>>)
      } else {
      }
      %add3A_116 = arith.constant 1 : i32
      %add3A_117 = arith.addi %add3A_99, %add3A_116 : i32
      %lt3A_118 = arith.constant 156 : i32
      %lt3A_119 = arith.cmpi slt, %add3A_117, %lt3A_118 : i32
      %convert_element_type3A_120 = arith.extui %lt3A_119 : i1 to i32
      %cond3A_121 = arith.constant 0 : i32
      %cond3A_122 = arith.cmpi ne, %convert_element_type3A_120, %cond3A_121 : i32
      scf.if %cond3A_122 {
        %add3A_292 = arith.constant 1 : i32
        %add3A_293 = arith.addi %add3A_99, %add3A_292 : i32
        %mul3A_294 = arith.constant 64 : i32
        %mul3A_295 = arith.muli %add3A_293, %mul3A_294 : i32
        %add3A_296 = arith.addi %mul3A_2, %mul3A_295 : i32
        %dma_wait3A_297 = tpu.memref_slice %arg3[%add3A_296] : memref<640000xi32, #tpu.memory_space<hbm>> -> memref<64xi32, #tpu.memory_space<hbm>>
        %dma_wait3A_298 = tpu.memref_slice %arg3[%add3A_296] : memref<640000xi32, #tpu.memory_space<hbm>> -> memref<64xi32, #tpu.memory_space<hbm>>
        tpu.wait_dma2 semaphore(%arg22 : memref<!tpu.dma_semaphore, #tpu.memory_space<semaphore_mem>>) src(%dma_wait3A_298 : memref<64xi32, #tpu.memory_space<hbm>>) dst(%arg7 : memref<64xi32, #tpu.memory_space<vmem>>)
        %dma_start3A_299 = arith.constant 0 : i32
        %dma_start3A_300 = arith.constant 0 : i32
        %dma_start3A_301 = tpu.memref_slice %arg2[%dma_start3A_299, %dma_start3A_300] : memref<10000x128xf32, #tpu.memory_space<hbm>> -> memref<10000x128xf32, #tpu.memory_space<hbm>>
        tpu.enqueue_indirect_dma source(%dma_start3A_301 : memref<10000x128xf32, #tpu.memory_space<hbm>>) target(%arg17 : memref<64x128xf32, #tpu.memory_space<vmem>>) offsets(%arg7 : memref<64xi32, #tpu.memory_space<vmem>>) semaphore(%arg30 : memref<!tpu.dma_semaphore, #tpu.memory_space<semaphore_mem>>)
      } else {
      }
      %ge3A = arith.constant 2 : i32
      %ge3A_123 = arith.cmpi sge, %add3A_99, %ge3A : i32
      %convert_element_type3A_124 = arith.extui %ge3A_123 : i1 to i32
      %cond3A_125 = arith.constant 0 : i32
      %cond3A_126 = arith.cmpi ne, %convert_element_type3A_124, %cond3A_125 : i32
      scf.if %cond3A_126 {
        %dma_wait3A_292 = arith.constant 0 : i32
        %dma_wait3A_293 = arith.constant 0 : i32
        %dma_wait3A_294 = tpu.memref_slice %arg20[%dma_wait3A_292, %dma_wait3A_293] : memref<10000x128xf32, #tpu.memory_space<vmem_shared>> -> memref<10000x128xf32, #tpu.memory_space<vmem_shared>>
        tpu.wait_indirect_dma semaphore(%arg31 : memref<!tpu.dma_semaphore, #tpu.memory_space<semaphore_mem>>) src(%arg18 : memref<64x128xf32, #tpu.memory_space<vmem>>) dst(%dma_wait3A_294 : memref<10000x128xf32, #tpu.memory_space<vmem_shared>>)
        %add3A_295 = arith.constant 2 : i32
        %add3A_296 = arith.addi %add3A_99, %add3A_295 : i32
        %lt3A_297 = arith.constant 156 : i32
        %lt3A_298 = arith.cmpi slt, %add3A_296, %lt3A_297 : i32
        %convert_element_type3A_299 = arith.extui %lt3A_298 : i1 to i32
        %cond3A_300 = arith.constant 0 : i32
        %cond3A_301 = arith.cmpi ne, %convert_element_type3A_299, %cond3A_300 : i32
        scf.if %cond3A_301 {
          %add3A_302 = arith.constant 2 : i32
          %add3A_303 = arith.addi %add3A_99, %add3A_302 : i32
          %mul3A_304 = arith.constant 64 : i32
          %mul3A_305 = arith.muli %add3A_303, %mul3A_304 : i32
          %add3A_306 = arith.addi %add3A_6, %mul3A_305 : i32
          %dma_start3A_307 = tpu.memref_slice %arg3[%add3A_306] : memref<640000xi32, #tpu.memory_space<hbm>> -> memref<64xi32, #tpu.memory_space<hbm>>
          %dma_start3A_308 = tpu.memref_slice %arg3[%add3A_306] : memref<640000xi32, #tpu.memory_space<hbm>> -> memref<64xi32, #tpu.memory_space<hbm>>
          tpu.enqueue_dma source(%dma_start3A_308 : memref<64xi32, #tpu.memory_space<hbm>>) target(%arg11 : memref<64xi32, #tpu.memory_space<vmem>>) target_semaphore(%arg25 : memref<!tpu.dma_semaphore, #tpu.memory_space<semaphore_mem>>)
        } else {
        }
      } else {
      }
      %parallel_loop3A_127 = arith.constant 0 : i32
      %parallel_loop3A_128 = arith.constant 64 : i32
      %parallel_loop3A_129 = arith.constant 1 : i32
      scf.for %parallel_loop3A_292 = %parallel_loop3A_127 to %parallel_loop3A_128 step %parallel_loop3A_129  : i32 {
        %parallel_loop3A_293 = arith.index_cast %parallel_loop3A_292 : i32 to index
        %parallel_loop3A_294 = arith.constant 0 : index
        %parallel_loop3A_295 = tpu.vector_load %arg14[%parallel_loop3A_293, %parallel_loop3A_294] {strides = array<i32>} : memref<64x128xf32, #tpu.memory_space<vmem>>, vector<1x16xf32>,
        %parallel_loop3A_296 = vector.shape_cast %parallel_loop3A_295 : vector<1x16xf32> to vector<16xf32>
        %parallel_loop3A_297 = arith.index_cast %parallel_loop3A_292 : i32 to index
        %parallel_loop3A_298 = arith.constant 0 : index
        %parallel_loop3A_299 = tpu.vector_load %arg16[%parallel_loop3A_297, %parallel_loop3A_298] {strides = array<i32>} : memref<64x128xf32, #tpu.memory_space<vmem>>, vector<1x16xf32>,
        %parallel_loop3A_300 = vector.shape_cast %parallel_loop3A_299 : vector<1x16xf32> to vector<16xf32>
        %parallel_loop3A_301 = arith.addf %parallel_loop3A_296, %parallel_loop3A_300 : vector<16xf32>
        %parallel_loop3A_302 = arith.constant 0.000000e+00 : f32
        %parallel_loop3A_303 = vector.broadcast %parallel_loop3A_302 : f32 to vector<16xf32>
        %parallel_loop3A_304 = arith.maximumf %parallel_loop3A_301, %parallel_loop3A_303 : vector<16xf32>
        %parallel_loop3A_305 = arith.index_cast %parallel_loop3A_292 : i32 to index
        %parallel_loop3A_306 = arith.constant 0 : index
        %parallel_loop3A_307 = tpu.vector_load %arg18[%parallel_loop3A_305, %parallel_loop3A_306] {strides = array<i32>} : memref<64x128xf32, #tpu.memory_space<vmem>>, vector<1x16xf32>,
        %parallel_loop3A_308 = vector.shape_cast %parallel_loop3A_307 : vector<1x16xf32> to vector<16xf32>
        %parallel_loop3A_309 = vector.shape_cast %parallel_loop3A_304 : vector<16xf32> to vector<1x16xf32>
        tpu.vector_store %arg18[%parallel_loop3A_305, %parallel_loop3A_306], %parallel_loop3A_309 {strides = array<i32>} : memref<64x128xf32, #tpu.memory_space<vmem>>, vector<1x16xf32>,
        %parallel_loop3A_310 = arith.index_cast %parallel_loop3A_292 : i32 to index
        %parallel_loop3A_311 = arith.constant 16 : index
        %parallel_loop3A_312 = tpu.vector_load %arg14[%parallel_loop3A_310, %parallel_loop3A_311] {strides = array<i32>} : memref<64x128xf32, #tpu.memory_space<vmem>>, vector<1x16xf32>,
        %parallel_loop3A_313 = vector.shape_cast %parallel_loop3A_312 : vector<1x16xf32> to vector<16xf32>
        %parallel_loop3A_314 = arith.index_cast %parallel_loop3A_292 : i32 to index
        %parallel_loop3A_315 = arith.constant 16 : index
        %parallel_loop3A_316 = tpu.vector_load %arg16[%parallel_loop3A_314, %parallel_loop3A_315] {strides = array<i32>} : memref<64x128xf32, #tpu.memory_space<vmem>>, vector<1x16xf32>,
        %parallel_loop3A_317 = vector.shape_cast %parallel_loop3A_316 : vector<1x16xf32> to vector<16xf32>
        %parallel_loop3A_318 = arith.addf %parallel_loop3A_313, %parallel_loop3A_317 : vector<16xf32>
        %parallel_loop3A_319 = arith.constant 0.000000e+00 : f32
        %parallel_loop3A_320 = vector.broadcast %parallel_loop3A_319 : f32 to vector<16xf32>
        %parallel_loop3A_321 = arith.maximumf %parallel_loop3A_318, %parallel_loop3A_320 : vector<16xf32>
        %parallel_loop3A_322 = arith.index_cast %parallel_loop3A_292 : i32 to index
        %parallel_loop3A_323 = arith.constant 16 : index
        %parallel_loop3A_324 = tpu.vector_load %arg18[%parallel_loop3A_322, %parallel_loop3A_323] {strides = array<i32>} : memref<64x128xf32, #tpu.memory_space<vmem>>, vector<1x16xf32>,
        %parallel_loop3A_325 = vector.shape_cast %parallel_loop3A_324 : vector<1x16xf32> to vector<16xf32>
        %parallel_loop3A_326 = vector.shape_cast %parallel_loop3A_321 : vector<16xf32> to vector<1x16xf32>
        tpu.vector_store %arg18[%parallel_loop3A_322, %parallel_loop3A_323], %parallel_loop3A_326 {strides = array<i32>} : memref<64x128xf32, #tpu.memory_space<vmem>>, vector<1x16xf32>,
        %parallel_loop3A_327 = arith.index_cast %parallel_loop3A_292 : i32 to index
        %parallel_loop3A_328 = arith.constant 32 : index
        %parallel_loop3A_329 = tpu.vector_load %arg14[%parallel_loop3A_327, %parallel_loop3A_328] {strides = array<i32>} : memref<64x128xf32, #tpu.memory_space<vmem>>, vector<1x16xf32>,
        %parallel_loop3A_330 = vector.shape_cast %parallel_loop3A_329 : vector<1x16xf32> to vector<16xf32>
        %parallel_loop3A_331 = arith.index_cast %parallel_loop3A_292 : i32 to index
        %parallel_loop3A_332 = arith.constant 32 : index
        %parallel_loop3A_333 = tpu.vector_load %arg16[%parallel_loop3A_331, %parallel_loop3A_332] {strides = array<i32>} : memref<64x128xf32, #tpu.memory_space<vmem>>, vector<1x16xf32>,
        %parallel_loop3A_334 = vector.shape_cast %parallel_loop3A_333 : vector<1x16xf32> to vector<16xf32>
        %parallel_loop3A_335 = arith.addf %parallel_loop3A_330, %parallel_loop3A_334 : vector<16xf32>
        %parallel_loop3A_336 = arith.constant 0.000000e+00 : f32
        %parallel_loop3A_337 = vector.broadcast %parallel_loop3A_336 : f32 to vector<16xf32>
        %parallel_loop3A_338 = arith.maximumf %parallel_loop3A_335, %parallel_loop3A_337 : vector<16xf32>
        %parallel_loop3A_339 = arith.index_cast %parallel_loop3A_292 : i32 to index
        %parallel_loop3A_340 = arith.constant 32 : index
        %parallel_loop3A_341 = tpu.vector_load %arg18[%parallel_loop3A_339, %parallel_loop3A_340] {strides = array<i32>} : memref<64x128xf32, #tpu.memory_space<vmem>>, vector<1x16xf32>,
        %parallel_loop3A_342 = vector.shape_cast %parallel_loop3A_341 : vector<1x16xf32> to vector<16xf32>
        %parallel_loop3A_343 = vector.shape_cast %parallel_loop3A_338 : vector<16xf32> to vector<1x16xf32>
        tpu.vector_store %arg18[%parallel_loop3A_339, %parallel_loop3A_340], %parallel_loop3A_343 {strides = array<i32>} : memref<64x128xf32, #tpu.memory_space<vmem>>, vector<1x16xf32>,
        %parallel_loop3A_344 = arith.index_cast %parallel_loop3A_292 : i32 to index
        %parallel_loop3A_345 = arith.constant 48 : index
        %parallel_loop3A_346 = tpu.vector_load %arg14[%parallel_loop3A_344, %parallel_loop3A_345] {strides = array<i32>} : memref<64x128xf32, #tpu.memory_space<vmem>>, vector<1x16xf32>,
        %parallel_loop3A_347 = vector.shape_cast %parallel_loop3A_346 : vector<1x16xf32> to vector<16xf32>
        %parallel_loop3A_348 = arith.index_cast %parallel_loop3A_292 : i32 to index
        %parallel_loop3A_349 = arith.constant 48 : index
        %parallel_loop3A_350 = tpu.vector_load %arg16[%parallel_loop3A_348, %parallel_loop3A_349] {strides = array<i32>} : memref<64x128xf32, #tpu.memory_space<vmem>>, vector<1x16xf32>,
        %parallel_loop3A_351 = vector.shape_cast %parallel_loop3A_350 : vector<1x16xf32> to vector<16xf32>
        %parallel_loop3A_352 = arith.addf %parallel_loop3A_347, %parallel_loop3A_351 : vector<16xf32>
        %parallel_loop3A_353 = arith.constant 0.000000e+00 : f32
        %parallel_loop3A_354 = vector.broadcast %parallel_loop3A_353 : f32 to vector<16xf32>
        %parallel_loop3A_355 = arith.maximumf %parallel_loop3A_352, %parallel_loop3A_354 : vector<16xf32>
        %parallel_loop3A_356 = arith.index_cast %parallel_loop3A_292 : i32 to index
        %parallel_loop3A_357 = arith.constant 48 : index
        %parallel_loop3A_358 = tpu.vector_load %arg18[%parallel_loop3A_356, %parallel_loop3A_357] {strides = array<i32>} : memref<64x128xf32, #tpu.memory_space<vmem>>, vector<1x16xf32>,
        %parallel_loop3A_359 = vector.shape_cast %parallel_loop3A_358 : vector<1x16xf32> to vector<16xf32>
        %parallel_loop3A_360 = vector.shape_cast %parallel_loop3A_355 : vector<16xf32> to vector<1x16xf32>
        tpu.vector_store %arg18[%parallel_loop3A_356, %parallel_loop3A_357], %parallel_loop3A_360 {strides = array<i32>} : memref<64x128xf32, #tpu.memory_space<vmem>>, vector<1x16xf32>,
        %parallel_loop3A_361 = arith.index_cast %parallel_loop3A_292 : i32 to index
        %parallel_loop3A_362 = arith.constant 64 : index
        %parallel_loop3A_363 = tpu.vector_load %arg14[%parallel_loop3A_361, %parallel_loop3A_362] {strides = array<i32>} : memref<64x128xf32, #tpu.memory_space<vmem>>, vector<1x16xf32>,
        %parallel_loop3A_364 = vector.shape_cast %parallel_loop3A_363 : vector<1x16xf32> to vector<16xf32>
        %parallel_loop3A_365 = arith.index_cast %parallel_loop3A_292 : i32 to index
        %parallel_loop3A_366 = arith.constant 64 : index
        %parallel_loop3A_367 = tpu.vector_load %arg16[%parallel_loop3A_365, %parallel_loop3A_366] {strides = array<i32>} : memref<64x128xf32, #tpu.memory_space<vmem>>, vector<1x16xf32>,
        %parallel_loop3A_368 = vector.shape_cast %parallel_loop3A_367 : vector<1x16xf32> to vector<16xf32>
        %parallel_loop3A_369 = arith.addf %parallel_loop3A_364, %parallel_loop3A_368 : vector<16xf32>
        %parallel_loop3A_370 = arith.constant 0.000000e+00 : f32
        %parallel_loop3A_371 = vector.broadcast %parallel_loop3A_370 : f32 to vector<16xf32>
        %parallel_loop3A_372 = arith.maximumf %parallel_loop3A_369, %parallel_loop3A_371 : vector<16xf32>
        %parallel_loop3A_373 = arith.index_cast %parallel_loop3A_292 : i32 to index
        %parallel_loop3A_374 = arith.constant 64 : index
        %parallel_loop3A_375 = tpu.vector_load %arg18[%parallel_loop3A_373, %parallel_loop3A_374] {strides = array<i32>} : memref<64x128xf32, #tpu.memory_space<vmem>>, vector<1x16xf32>,
        %parallel_loop3A_376 = vector.shape_cast %parallel_loop3A_375 : vector<1x16xf32> to vector<16xf32>
        %parallel_loop3A_377 = vector.shape_cast %parallel_loop3A_372 : vector<16xf32> to vector<1x16xf32>
        tpu.vector_store %arg18[%parallel_loop3A_373, %parallel_loop3A_374], %parallel_loop3A_377 {strides = array<i32>} : memref<64x128xf32, #tpu.memory_space<vmem>>, vector<1x16xf32>,
        %parallel_loop3A_378 = arith.index_cast %parallel_loop3A_292 : i32 to index
        %parallel_loop3A_379 = arith.constant 80 : index
        %parallel_loop3A_380 = tpu.vector_load %arg14[%parallel_loop3A_378, %parallel_loop3A_379] {strides = array<i32>} : memref<64x128xf32, #tpu.memory_space<vmem>>, vector<1x16xf32>,
        %parallel_loop3A_381 = vector.shape_cast %parallel_loop3A_380 : vector<1x16xf32> to vector<16xf32>
        %parallel_loop3A_382 = arith.index_cast %parallel_loop3A_292 : i32 to index
        %parallel_loop3A_383 = arith.constant 80 : index
        %parallel_loop3A_384 = tpu.vector_load %arg16[%parallel_loop3A_382, %parallel_loop3A_383] {strides = array<i32>} : memref<64x128xf32, #tpu.memory_space<vmem>>, vector<1x16xf32>,
        %parallel_loop3A_385 = vector.shape_cast %parallel_loop3A_384 : vector<1x16xf32> to vector<16xf32>
        %parallel_loop3A_386 = arith.addf %parallel_loop3A_381, %parallel_loop3A_385 : vector<16xf32>
        %parallel_loop3A_387 = arith.constant 0.000000e+00 : f32
        %parallel_loop3A_388 = vector.broadcast %parallel_loop3A_387 : f32 to vector<16xf32>
        %parallel_loop3A_389 = arith.maximumf %parallel_loop3A_386, %parallel_loop3A_388 : vector<16xf32>
        %parallel_loop3A_390 = arith.index_cast %parallel_loop3A_292 : i32 to index
        %parallel_loop3A_391 = arith.constant 80 : index
        %parallel_loop3A_392 = tpu.vector_load %arg18[%parallel_loop3A_390, %parallel_loop3A_391] {strides = array<i32>} : memref<64x128xf32, #tpu.memory_space<vmem>>, vector<1x16xf32>,
        %parallel_loop3A_393 = vector.shape_cast %parallel_loop3A_392 : vector<1x16xf32> to vector<16xf32>
        %parallel_loop3A_394 = vector.shape_cast %parallel_loop3A_389 : vector<16xf32> to vector<1x16xf32>
        tpu.vector_store %arg18[%parallel_loop3A_390, %parallel_loop3A_391], %parallel_loop3A_394 {strides = array<i32>} : memref<64x128xf32, #tpu.memory_space<vmem>>, vector<1x16xf32>,
        %parallel_loop3A_395 = arith.index_cast %parallel_loop3A_292 : i32 to index
        %parallel_loop3A_396 = arith.constant 96 : index
        %parallel_loop3A_397 = tpu.vector_load %arg14[%parallel_loop3A_395, %parallel_loop3A_396] {strides = array<i32>} : memref<64x128xf32, #tpu.memory_space<vmem>>, vector<1x16xf32>,
        %parallel_loop3A_398 = vector.shape_cast %parallel_loop3A_397 : vector<1x16xf32> to vector<16xf32>
        %parallel_loop3A_399 = arith.index_cast %parallel_loop3A_292 : i32 to index
        %parallel_loop3A_400 = arith.constant 96 : index
        %parallel_loop3A_401 = tpu.vector_load %arg16[%parallel_loop3A_399, %parallel_loop3A_400] {strides = array<i32>} : memref<64x128xf32, #tpu.memory_space<vmem>>, vector<1x16xf32>,
        %parallel_loop3A_402 = vector.shape_cast %parallel_loop3A_401 : vector<1x16xf32> to vector<16xf32>
        %parallel_loop3A_403 = arith.addf %parallel_loop3A_398, %parallel_loop3A_402 : vector<16xf32>
        %parallel_loop3A_404 = arith.constant 0.000000e+00 : f32
        %parallel_loop3A_405 = vector.broadcast %parallel_loop3A_404 : f32 to vector<16xf32>
        %parallel_loop3A_406 = arith.maximumf %parallel_loop3A_403, %parallel_loop3A_405 : vector<16xf32>
        %parallel_loop3A_407 = arith.index_cast %parallel_loop3A_292 : i32 to index
        %parallel_loop3A_408 = arith.constant 96 : index
        %parallel_loop3A_409 = tpu.vector_load %arg18[%parallel_loop3A_407, %parallel_loop3A_408] {strides = array<i32>} : memref<64x128xf32, #tpu.memory_space<vmem>>, vector<1x16xf32>,
        %parallel_loop3A_410 = vector.shape_cast %parallel_loop3A_409 : vector<1x16xf32> to vector<16xf32>
        %parallel_loop3A_411 = vector.shape_cast %parallel_loop3A_406 : vector<16xf32> to vector<1x16xf32>
        tpu.vector_store %arg18[%parallel_loop3A_407, %parallel_loop3A_408], %parallel_loop3A_411 {strides = array<i32>} : memref<64x128xf32, #tpu.memory_space<vmem>>, vector<1x16xf32>,
        %parallel_loop3A_412 = arith.index_cast %parallel_loop3A_292 : i32 to index
        %parallel_loop3A_413 = arith.constant 112 : index
        %parallel_loop3A_414 = tpu.vector_load %arg14[%parallel_loop3A_412, %parallel_loop3A_413] {strides = array<i32>} : memref<64x128xf32, #tpu.memory_space<vmem>>, vector<1x16xf32>,
        %parallel_loop3A_415 = vector.shape_cast %parallel_loop3A_414 : vector<1x16xf32> to vector<16xf32>
        %parallel_loop3A_416 = arith.index_cast %parallel_loop3A_292 : i32 to index
        %parallel_loop3A_417 = arith.constant 112 : index
        %parallel_loop3A_418 = tpu.vector_load %arg16[%parallel_loop3A_416, %parallel_loop3A_417] {strides = array<i32>} : memref<64x128xf32, #tpu.memory_space<vmem>>, vector<1x16xf32>,
        %parallel_loop3A_419 = vector.shape_cast %parallel_loop3A_418 : vector<1x16xf32> to vector<16xf32>
        %parallel_loop3A_420 = arith.addf %parallel_loop3A_415, %parallel_loop3A_419 : vector<16xf32>
        %parallel_loop3A_421 = arith.constant 0.000000e+00 : f32
        %parallel_loop3A_422 = vector.broadcast %parallel_loop3A_421 : f32 to vector<16xf32>
        %parallel_loop3A_423 = arith.maximumf %parallel_loop3A_420, %parallel_loop3A_422 : vector<16xf32>
        %parallel_loop3A_424 = arith.index_cast %parallel_loop3A_292 : i32 to index
        %parallel_loop3A_425 = arith.constant 112 : index
        %parallel_loop3A_426 = tpu.vector_load %arg18[%parallel_loop3A_424, %parallel_loop3A_425] {strides = array<i32>} : memref<64x128xf32, #tpu.memory_space<vmem>>, vector<1x16xf32>,
        %parallel_loop3A_427 = vector.shape_cast %parallel_loop3A_426 : vector<1x16xf32> to vector<16xf32>
        %parallel_loop3A_428 = vector.shape_cast %parallel_loop3A_423 : vector<16xf32> to vector<1x16xf32>
        tpu.vector_store %arg18[%parallel_loop3A_424, %parallel_loop3A_425], %parallel_loop3A_428 {strides = array<i32>} : memref<64x128xf32, #tpu.memory_space<vmem>>, vector<1x16xf32>,
      } {sc.loop_unroll_factor = 4 : i64, sc.parallel_access}
      %mul3A_130 = arith.constant 64 : i32
      %mul3A_131 = arith.muli %add3A_99, %mul3A_130 : i32
      %add3A_132 = arith.addi %add3A_6, %mul3A_131 : i32
      %dma_wait3A_133 = tpu.memref_slice %arg3[%add3A_132] : memref<640000xi32, #tpu.memory_space<hbm>> -> memref<64xi32, #tpu.memory_space<hbm>>
      %dma_wait3A_134 = tpu.memref_slice %arg3[%add3A_132] : memref<640000xi32, #tpu.memory_space<hbm>> -> memref<64xi32, #tpu.memory_space<hbm>>
      tpu.wait_dma2 semaphore(%arg23 : memref<!tpu.dma_semaphore, #tpu.memory_space<semaphore_mem>>) src(%dma_wait3A_134 : memref<64xi32, #tpu.memory_space<hbm>>) dst(%arg9 : memref<64xi32, #tpu.memory_space<vmem>>)
      %dma_start3A_135 = arith.constant 0 : i32
      %dma_start3A_136 = arith.constant 0 : i32
      %dma_start3A_137 = tpu.memref_slice %arg20[%dma_start3A_135, %dma_start3A_136] : memref<10000x128xf32, #tpu.memory_space<vmem_shared>> -> memref<10000x128xf32, #tpu.memory_space<vmem_shared>>
      tpu.enqueue_indirect_dma source(%arg18 : memref<64x128xf32, #tpu.memory_space<vmem>>) target(%dma_start3A_137 : memref<10000x128xf32, #tpu.memory_space<vmem_shared>>) offsets(%arg9 : memref<64xi32, #tpu.memory_space<vmem>>) semaphore(%arg31 : memref<!tpu.dma_semaphore, #tpu.memory_space<semaphore_mem>>) {add = true}
      %add3A_138 = arith.constant 2 : i32
      %add3A_139 = arith.addi %add3A_99, %add3A_138 : i32
      %lt3A_140 = arith.constant 156 : i32
      %lt3A_141 = arith.cmpi slt, %add3A_139, %lt3A_140 : i32
      %convert_element_type3A_142 = arith.extui %lt3A_141 : i1 to i32
      %cond3A_143 = arith.constant 0 : i32
      %cond3A_144 = arith.cmpi ne, %convert_element_type3A_142, %cond3A_143 : i32
      scf.if %cond3A_144 {
        %add3A_292 = arith.constant 2 : i32
        %add3A_293 = arith.addi %add3A_99, %add3A_292 : i32
        %mul3A_294 = arith.constant 64 : i32
        %mul3A_295 = arith.muli %add3A_293, %mul3A_294 : i32
        %add3A_296 = arith.addi %mul3A_2, %mul3A_295 : i32
        %dma_start3A_297 = arith.constant 0 : i32
        %dma_start3A_298 = tpu.memref_slice %arg4[%add3A_296, %dma_start3A_297] : memref<320000x128xf32, #tpu.memory_space<hbm>> -> memref<64x128xf32, #tpu.memory_space<hbm>>
        %dma_start3A_299 = arith.constant 0 : i32
        %dma_start3A_300 = tpu.memref_slice %arg4[%add3A_296, %dma_start3A_299] : memref<320000x128xf32, #tpu.memory_space<hbm>> -> memref<64x128xf32, #tpu.memory_space<hbm>>
        tpu.enqueue_dma source(%dma_start3A_300 : memref<64x128xf32, #tpu.memory_space<hbm>>) target(%arg14 : memref<64x128xf32, #tpu.memory_space<vmem>>) target_semaphore(%arg27 : memref<!tpu.dma_semaphore, #tpu.memory_space<semaphore_mem>>)
      } else {
      }
      %add3A_145 = arith.constant 1 : i32
      %add3A_146 = arith.addi %add3A_97, %add3A_145 : i32
      %mul3A_147 = arith.constant 64 : i32
      %mul3A_148 = arith.muli %add3A_146, %mul3A_147 : i32
      %add3A_149 = arith.addi %mul3A_2, %mul3A_148 : i32
      %dma_wait3A_150 = arith.constant 0 : i32
      %dma_wait3A_151 = tpu.memref_slice %arg4[%add3A_149, %dma_wait3A_150] : memref<320000x128xf32, #tpu.memory_space<hbm>> -> memref<64x128xf32, #tpu.memory_space<hbm>>
      %dma_wait3A_152 = arith.constant 0 : i32
      %dma_wait3A_153 = tpu.memref_slice %arg4[%add3A_149, %dma_wait3A_152] : memref<320000x128xf32, #tpu.memory_space<hbm>> -> memref<64x128xf32, #tpu.memory_space<hbm>>
      tpu.wait_dma2 semaphore(%arg28 : memref<!tpu.dma_semaphore, #tpu.memory_space<semaphore_mem>>) src(%dma_wait3A_153 : memref<64x128xf32, #tpu.memory_space<hbm>>) dst(%arg15 : memref<64x128xf32, #tpu.memory_space<vmem>>)
      %dma_wait3A_154 = arith.constant 0 : i32
      %dma_wait3A_155 = arith.constant 0 : i32
      %dma_wait3A_156 = tpu.memref_slice %arg2[%dma_wait3A_154, %dma_wait3A_155] : memref<10000x128xf32, #tpu.memory_space<hbm>> -> memref<10000x128xf32, #tpu.memory_space<hbm>>
      tpu.wait_indirect_dma semaphore(%arg30 : memref<!tpu.dma_semaphore, #tpu.memory_space<semaphore_mem>>) src(%dma_wait3A_156 : memref<10000x128xf32, #tpu.memory_space<hbm>>) dst(%arg17 : memref<64x128xf32, #tpu.memory_space<vmem>>)
      %add3A_157 = arith.constant 2 : i32
      %add3A_158 = arith.addi %add3A_146, %add3A_157 : i32
      %lt3A_159 = arith.constant 156 : i32
      %lt3A_160 = arith.cmpi slt, %add3A_158, %lt3A_159 : i32
      %convert_element_type3A_161 = arith.extui %lt3A_160 : i1 to i32
      %cond3A_162 = arith.constant 0 : i32
      %cond3A_163 = arith.cmpi ne, %convert_element_type3A_161, %cond3A_162 : i32
      scf.if %cond3A_163 {
        %add3A_292 = arith.constant 2 : i32
        %add3A_293 = arith.addi %add3A_146, %add3A_292 : i32
        %mul3A_294 = arith.constant 64 : i32
        %mul3A_295 = arith.muli %add3A_293, %mul3A_294 : i32
        %add3A_296 = arith.addi %mul3A_2, %mul3A_295 : i32
        %dma_start3A_297 = tpu.memref_slice %arg3[%add3A_296] : memref<640000xi32, #tpu.memory_space<hbm>> -> memref<64xi32, #tpu.memory_space<hbm>>
        %dma_start3A_298 = tpu.memref_slice %arg3[%add3A_296] : memref<640000xi32, #tpu.memory_space<hbm>> -> memref<64xi32, #tpu.memory_space<hbm>>
        tpu.enqueue_dma source(%dma_start3A_298 : memref<64xi32, #tpu.memory_space<hbm>>) target(%arg7 : memref<64xi32, #tpu.memory_space<vmem>>) target_semaphore(%arg22 : memref<!tpu.dma_semaphore, #tpu.memory_space<semaphore_mem>>)
      } else {
      }
      %add3A_164 = arith.constant 1 : i32
      %add3A_165 = arith.addi %add3A_146, %add3A_164 : i32
      %lt3A_166 = arith.constant 156 : i32
      %lt3A_167 = arith.cmpi slt, %add3A_165, %lt3A_166 : i32
      %convert_element_type3A_168 = arith.extui %lt3A_167 : i1 to i32
      %cond3A_169 = arith.constant 0 : i32
      %cond3A_170 = arith.cmpi ne, %convert_element_type3A_168, %cond3A_169 : i32
      scf.if %cond3A_170 {
        %add3A_292 = arith.constant 1 : i32
        %add3A_293 = arith.addi %add3A_146, %add3A_292 : i32
        %mul3A_294 = arith.constant 64 : i32
        %mul3A_295 = arith.muli %add3A_293, %mul3A_294 : i32
        %add3A_296 = arith.addi %mul3A_2, %mul3A_295 : i32
        %dma_wait3A_297 = tpu.memref_slice %arg3[%add3A_296] : memref<640000xi32, #tpu.memory_space<hbm>> -> memref<64xi32, #tpu.memory_space<hbm>>
        %dma_wait3A_298 = tpu.memref_slice %arg3[%add3A_296] : memref<640000xi32, #tpu.memory_space<hbm>> -> memref<64xi32, #tpu.memory_space<hbm>>
        tpu.wait_dma2 semaphore(%arg21 : memref<!tpu.dma_semaphore, #tpu.memory_space<semaphore_mem>>) src(%dma_wait3A_298 : memref<64xi32, #tpu.memory_space<hbm>>) dst(%arg6 : memref<64xi32, #tpu.memory_space<vmem>>)
        %dma_start3A_299 = arith.constant 0 : i32
        %dma_start3A_300 = arith.constant 0 : i32
        %dma_start3A_301 = tpu.memref_slice %arg2[%dma_start3A_299, %dma_start3A_300] : memref<10000x128xf32, #tpu.memory_space<hbm>> -> memref<10000x128xf32, #tpu.memory_space<hbm>>
        tpu.enqueue_indirect_dma source(%dma_start3A_301 : memref<10000x128xf32, #tpu.memory_space<hbm>>) target(%arg16 : memref<64x128xf32, #tpu.memory_space<vmem>>) offsets(%arg6 : memref<64xi32, #tpu.memory_space<vmem>>) semaphore(%arg29 : memref<!tpu.dma_semaphore, #tpu.memory_space<semaphore_mem>>)
      } else {
      }
      %ge3A_171 = arith.constant 2 : i32
      %ge3A_172 = arith.cmpi sge, %add3A_146, %ge3A_171 : i32
      %convert_element_type3A_173 = arith.extui %ge3A_172 : i1 to i32
      %cond3A_174 = arith.constant 0 : i32
      %cond3A_175 = arith.cmpi ne, %convert_element_type3A_173, %cond3A_174 : i32
      scf.if %cond3A_175 {
        %dma_wait3A_292 = arith.constant 0 : i32
        %dma_wait3A_293 = arith.constant 0 : i32
        %dma_wait3A_294 = tpu.memref_slice %arg20[%dma_wait3A_292, %dma_wait3A_293] : memref<10000x128xf32, #tpu.memory_space<vmem_shared>> -> memref<10000x128xf32, #tpu.memory_space<vmem_shared>>
        tpu.wait_indirect_dma semaphore(%arg32 : memref<!tpu.dma_semaphore, #tpu.memory_space<semaphore_mem>>) src(%arg19 : memref<64x128xf32, #tpu.memory_space<vmem>>) dst(%dma_wait3A_294 : memref<10000x128xf32, #tpu.memory_space<vmem_shared>>)
        %add3A_295 = arith.constant 2 : i32
        %add3A_296 = arith.addi %add3A_146, %add3A_295 : i32
        %lt3A_297 = arith.constant 156 : i32
        %lt3A_298 = arith.cmpi slt, %add3A_296, %lt3A_297 : i32
        %convert_element_type3A_299 = arith.extui %lt3A_298 : i1 to i32
        %cond3A_300 = arith.constant 0 : i32
        %cond3A_301 = arith.cmpi ne, %convert_element_type3A_299, %cond3A_300 : i32
        scf.if %cond3A_301 {
          %add3A_302 = arith.constant 2 : i32
          %add3A_303 = arith.addi %add3A_146, %add3A_302 : i32
          %mul3A_304 = arith.constant 64 : i32
          %mul3A_305 = arith.muli %add3A_303, %mul3A_304 : i32
          %add3A_306 = arith.addi %add3A_6, %mul3A_305 : i32
          %dma_start3A_307 = tpu.memref_slice %arg3[%add3A_306] : memref<640000xi32, #tpu.memory_space<hbm>> -> memref<64xi32, #tpu.memory_space<hbm>>
          %dma_start3A_308 = tpu.memref_slice %arg3[%add3A_306] : memref<640000xi32, #tpu.memory_space<hbm>> -> memref<64xi32, #tpu.memory_space<hbm>>
          tpu.enqueue_dma source(%dma_start3A_308 : memref<64xi32, #tpu.memory_space<hbm>>) target(%arg12 : memref<64xi32, #tpu.memory_space<vmem>>) target_semaphore(%arg26 : memref<!tpu.dma_semaphore, #tpu.memory_space<semaphore_mem>>)
        } else {
        }
      } else {
      }
      %parallel_loop3A_176 = arith.constant 0 : i32
      %parallel_loop3A_177 = arith.constant 64 : i32
      %parallel_loop3A_178 = arith.constant 1 : i32
      scf.for %parallel_loop3A_292 = %parallel_loop3A_176 to %parallel_loop3A_177 step %parallel_loop3A_178  : i32 {
        %parallel_loop3A_293 = arith.index_cast %parallel_loop3A_292 : i32 to index
        %parallel_loop3A_294 = arith.constant 0 : index
        %parallel_loop3A_295 = tpu.vector_load %arg15[%parallel_loop3A_293, %parallel_loop3A_294] {strides = array<i32>} : memref<64x128xf32, #tpu.memory_space<vmem>>, vector<1x16xf32>,
        %parallel_loop3A_296 = vector.shape_cast %parallel_loop3A_295 : vector<1x16xf32> to vector<16xf32>
        %parallel_loop3A_297 = arith.index_cast %parallel_loop3A_292 : i32 to index
        %parallel_loop3A_298 = arith.constant 0 : index
        %parallel_loop3A_299 = tpu.vector_load %arg17[%parallel_loop3A_297, %parallel_loop3A_298] {strides = array<i32>} : memref<64x128xf32, #tpu.memory_space<vmem>>, vector<1x16xf32>,
        %parallel_loop3A_300 = vector.shape_cast %parallel_loop3A_299 : vector<1x16xf32> to vector<16xf32>
        %parallel_loop3A_301 = arith.addf %parallel_loop3A_296, %parallel_loop3A_300 : vector<16xf32>
        %parallel_loop3A_302 = arith.constant 0.000000e+00 : f32
        %parallel_loop3A_303 = vector.broadcast %parallel_loop3A_302 : f32 to vector<16xf32>
        %parallel_loop3A_304 = arith.maximumf %parallel_loop3A_301, %parallel_loop3A_303 : vector<16xf32>
        %parallel_loop3A_305 = arith.index_cast %parallel_loop3A_292 : i32 to index
        %parallel_loop3A_306 = arith.constant 0 : index
        %parallel_loop3A_307 = tpu.vector_load %arg19[%parallel_loop3A_305, %parallel_loop3A_306] {strides = array<i32>} : memref<64x128xf32, #tpu.memory_space<vmem>>, vector<1x16xf32>,
        %parallel_loop3A_308 = vector.shape_cast %parallel_loop3A_307 : vector<1x16xf32> to vector<16xf32>
        %parallel_loop3A_309 = vector.shape_cast %parallel_loop3A_304 : vector<16xf32> to vector<1x16xf32>
        tpu.vector_store %arg19[%parallel_loop3A_305, %parallel_loop3A_306], %parallel_loop3A_309 {strides = array<i32>} : memref<64x128xf32, #tpu.memory_space<vmem>>, vector<1x16xf32>,
        %parallel_loop3A_310 = arith.index_cast %parallel_loop3A_292 : i32 to index
        %parallel_loop3A_311 = arith.constant 16 : index
        %parallel_loop3A_312 = tpu.vector_load %arg15[%parallel_loop3A_310, %parallel_loop3A_311] {strides = array<i32>} : memref<64x128xf32, #tpu.memory_space<vmem>>, vector<1x16xf32>,
        %parallel_loop3A_313 = vector.shape_cast %parallel_loop3A_312 : vector<1x16xf32> to vector<16xf32>
        %parallel_loop3A_314 = arith.index_cast %parallel_loop3A_292 : i32 to index
        %parallel_loop3A_315 = arith.constant 16 : index
        %parallel_loop3A_316 = tpu.vector_load %arg17[%parallel_loop3A_314, %parallel_loop3A_315] {strides = array<i32>} : memref<64x128xf32, #tpu.memory_space<vmem>>, vector<1x16xf32>,
        %parallel_loop3A_317 = vector.shape_cast %parallel_loop3A_316 : vector<1x16xf32> to vector<16xf32>
        %parallel_loop3A_318 = arith.addf %parallel_loop3A_313, %parallel_loop3A_317 : vector<16xf32>
        %parallel_loop3A_319 = arith.constant 0.000000e+00 : f32
        %parallel_loop3A_320 = vector.broadcast %parallel_loop3A_319 : f32 to vector<16xf32>
        %parallel_loop3A_321 = arith.maximumf %parallel_loop3A_318, %parallel_loop3A_320 : vector<16xf32>
        %parallel_loop3A_322 = arith.index_cast %parallel_loop3A_292 : i32 to index
        %parallel_loop3A_323 = arith.constant 16 : index
        %parallel_loop3A_324 = tpu.vector_load %arg19[%parallel_loop3A_322, %parallel_loop3A_323] {strides = array<i32>} : memref<64x128xf32, #tpu.memory_space<vmem>>, vector<1x16xf32>,
        %parallel_loop3A_325 = vector.shape_cast %parallel_loop3A_324 : vector<1x16xf32> to vector<16xf32>
        %parallel_loop3A_326 = vector.shape_cast %parallel_loop3A_321 : vector<16xf32> to vector<1x16xf32>
        tpu.vector_store %arg19[%parallel_loop3A_322, %parallel_loop3A_323], %parallel_loop3A_326 {strides = array<i32>} : memref<64x128xf32, #tpu.memory_space<vmem>>, vector<1x16xf32>,
        %parallel_loop3A_327 = arith.index_cast %parallel_loop3A_292 : i32 to index
        %parallel_loop3A_328 = arith.constant 32 : index
        %parallel_loop3A_329 = tpu.vector_load %arg15[%parallel_loop3A_327, %parallel_loop3A_328] {strides = array<i32>} : memref<64x128xf32, #tpu.memory_space<vmem>>, vector<1x16xf32>,
        %parallel_loop3A_330 = vector.shape_cast %parallel_loop3A_329 : vector<1x16xf32> to vector<16xf32>
        %parallel_loop3A_331 = arith.index_cast %parallel_loop3A_292 : i32 to index
        %parallel_loop3A_332 = arith.constant 32 : index
        %parallel_loop3A_333 = tpu.vector_load %arg17[%parallel_loop3A_331, %parallel_loop3A_332] {strides = array<i32>} : memref<64x128xf32, #tpu.memory_space<vmem>>, vector<1x16xf32>,
        %parallel_loop3A_334 = vector.shape_cast %parallel_loop3A_333 : vector<1x16xf32> to vector<16xf32>
        %parallel_loop3A_335 = arith.addf %parallel_loop3A_330, %parallel_loop3A_334 : vector<16xf32>
        %parallel_loop3A_336 = arith.constant 0.000000e+00 : f32
        %parallel_loop3A_337 = vector.broadcast %parallel_loop3A_336 : f32 to vector<16xf32>
        %parallel_loop3A_338 = arith.maximumf %parallel_loop3A_335, %parallel_loop3A_337 : vector<16xf32>
        %parallel_loop3A_339 = arith.index_cast %parallel_loop3A_292 : i32 to index
        %parallel_loop3A_340 = arith.constant 32 : index
        %parallel_loop3A_341 = tpu.vector_load %arg19[%parallel_loop3A_339, %parallel_loop3A_340] {strides = array<i32>} : memref<64x128xf32, #tpu.memory_space<vmem>>, vector<1x16xf32>,
        %parallel_loop3A_342 = vector.shape_cast %parallel_loop3A_341 : vector<1x16xf32> to vector<16xf32>
        %parallel_loop3A_343 = vector.shape_cast %parallel_loop3A_338 : vector<16xf32> to vector<1x16xf32>
        tpu.vector_store %arg19[%parallel_loop3A_339, %parallel_loop3A_340], %parallel_loop3A_343 {strides = array<i32>} : memref<64x128xf32, #tpu.memory_space<vmem>>, vector<1x16xf32>,
        %parallel_loop3A_344 = arith.index_cast %parallel_loop3A_292 : i32 to index
        %parallel_loop3A_345 = arith.constant 48 : index
        %parallel_loop3A_346 = tpu.vector_load %arg15[%parallel_loop3A_344, %parallel_loop3A_345] {strides = array<i32>} : memref<64x128xf32, #tpu.memory_space<vmem>>, vector<1x16xf32>,
        %parallel_loop3A_347 = vector.shape_cast %parallel_loop3A_346 : vector<1x16xf32> to vector<16xf32>
        %parallel_loop3A_348 = arith.index_cast %parallel_loop3A_292 : i32 to index
        %parallel_loop3A_349 = arith.constant 48 : index
        %parallel_loop3A_350 = tpu.vector_load %arg17[%parallel_loop3A_348, %parallel_loop3A_349] {strides = array<i32>} : memref<64x128xf32, #tpu.memory_space<vmem>>, vector<1x16xf32>,
        %parallel_loop3A_351 = vector.shape_cast %parallel_loop3A_350 : vector<1x16xf32> to vector<16xf32>
        %parallel_loop3A_352 = arith.addf %parallel_loop3A_347, %parallel_loop3A_351 : vector<16xf32>
        %parallel_loop3A_353 = arith.constant 0.000000e+00 : f32
        %parallel_loop3A_354 = vector.broadcast %parallel_loop3A_353 : f32 to vector<16xf32>
        %parallel_loop3A_355 = arith.maximumf %parallel_loop3A_352, %parallel_loop3A_354 : vector<16xf32>
        %parallel_loop3A_356 = arith.index_cast %parallel_loop3A_292 : i32 to index
        %parallel_loop3A_357 = arith.constant 48 : index
        %parallel_loop3A_358 = tpu.vector_load %arg19[%parallel_loop3A_356, %parallel_loop3A_357] {strides = array<i32>} : memref<64x128xf32, #tpu.memory_space<vmem>>, vector<1x16xf32>,
        %parallel_loop3A_359 = vector.shape_cast %parallel_loop3A_358 : vector<1x16xf32> to vector<16xf32>
        %parallel_loop3A_360 = vector.shape_cast %parallel_loop3A_355 : vector<16xf32> to vector<1x16xf32>
        tpu.vector_store %arg19[%parallel_loop3A_356, %parallel_loop3A_357], %parallel_loop3A_360 {strides = array<i32>} : memref<64x128xf32, #tpu.memory_space<vmem>>, vector<1x16xf32>,
        %parallel_loop3A_361 = arith.index_cast %parallel_loop3A_292 : i32 to index
        %parallel_loop3A_362 = arith.constant 64 : index
        %parallel_loop3A_363 = tpu.vector_load %arg15[%parallel_loop3A_361, %parallel_loop3A_362] {strides = array<i32>} : memref<64x128xf32, #tpu.memory_space<vmem>>, vector<1x16xf32>,
        %parallel_loop3A_364 = vector.shape_cast %parallel_loop3A_363 : vector<1x16xf32> to vector<16xf32>
        %parallel_loop3A_365 = arith.index_cast %parallel_loop3A_292 : i32 to index
        %parallel_loop3A_366 = arith.constant 64 : index
        %parallel_loop3A_367 = tpu.vector_load %arg17[%parallel_loop3A_365, %parallel_loop3A_366] {strides = array<i32>} : memref<64x128xf32, #tpu.memory_space<vmem>>, vector<1x16xf32>,
        %parallel_loop3A_368 = vector.shape_cast %parallel_loop3A_367 : vector<1x16xf32> to vector<16xf32>
        %parallel_loop3A_369 = arith.addf %parallel_loop3A_364, %parallel_loop3A_368 : vector<16xf32>
        %parallel_loop3A_370 = arith.constant 0.000000e+00 : f32
        %parallel_loop3A_371 = vector.broadcast %parallel_loop3A_370 : f32 to vector<16xf32>
        %parallel_loop3A_372 = arith.maximumf %parallel_loop3A_369, %parallel_loop3A_371 : vector<16xf32>
        %parallel_loop3A_373 = arith.index_cast %parallel_loop3A_292 : i32 to index
        %parallel_loop3A_374 = arith.constant 64 : index
        %parallel_loop3A_375 = tpu.vector_load %arg19[%parallel_loop3A_373, %parallel_loop3A_374] {strides = array<i32>} : memref<64x128xf32, #tpu.memory_space<vmem>>, vector<1x16xf32>,
        %parallel_loop3A_376 = vector.shape_cast %parallel_loop3A_375 : vector<1x16xf32> to vector<16xf32>
        %parallel_loop3A_377 = vector.shape_cast %parallel_loop3A_372 : vector<16xf32> to vector<1x16xf32>
        tpu.vector_store %arg19[%parallel_loop3A_373, %parallel_loop3A_374], %parallel_loop3A_377 {strides = array<i32>} : memref<64x128xf32, #tpu.memory_space<vmem>>, vector<1x16xf32>,
        %parallel_loop3A_378 = arith.index_cast %parallel_loop3A_292 : i32 to index
        %parallel_loop3A_379 = arith.constant 80 : index
        %parallel_loop3A_380 = tpu.vector_load %arg15[%parallel_loop3A_378, %parallel_loop3A_379] {strides = array<i32>} : memref<64x128xf32, #tpu.memory_space<vmem>>, vector<1x16xf32>,
        %parallel_loop3A_381 = vector.shape_cast %parallel_loop3A_380 : vector<1x16xf32> to vector<16xf32>
        %parallel_loop3A_382 = arith.index_cast %parallel_loop3A_292 : i32 to index
        %parallel_loop3A_383 = arith.constant 80 : index
        %parallel_loop3A_384 = tpu.vector_load %arg17[%parallel_loop3A_382, %parallel_loop3A_383] {strides = array<i32>} : memref<64x128xf32, #tpu.memory_space<vmem>>, vector<1x16xf32>,
        %parallel_loop3A_385 = vector.shape_cast %parallel_loop3A_384 : vector<1x16xf32> to vector<16xf32>
        %parallel_loop3A_386 = arith.addf %parallel_loop3A_381, %parallel_loop3A_385 : vector<16xf32>
        %parallel_loop3A_387 = arith.constant 0.000000e+00 : f32
        %parallel_loop3A_388 = vector.broadcast %parallel_loop3A_387 : f32 to vector<16xf32>
        %parallel_loop3A_389 = arith.maximumf %parallel_loop3A_386, %parallel_loop3A_388 : vector<16xf32>
        %parallel_loop3A_390 = arith.index_cast %parallel_loop3A_292 : i32 to index
        %parallel_loop3A_391 = arith.constant 80 : index
        %parallel_loop3A_392 = tpu.vector_load %arg19[%parallel_loop3A_390, %parallel_loop3A_391] {strides = array<i32>} : memref<64x128xf32, #tpu.memory_space<vmem>>, vector<1x16xf32>,
        %parallel_loop3A_393 = vector.shape_cast %parallel_loop3A_392 : vector<1x16xf32> to vector<16xf32>
        %parallel_loop3A_394 = vector.shape_cast %parallel_loop3A_389 : vector<16xf32> to vector<1x16xf32>
        tpu.vector_store %arg19[%parallel_loop3A_390, %parallel_loop3A_391], %parallel_loop3A_394 {strides = array<i32>} : memref<64x128xf32, #tpu.memory_space<vmem>>, vector<1x16xf32>,
        %parallel_loop3A_395 = arith.index_cast %parallel_loop3A_292 : i32 to index
        %parallel_loop3A_396 = arith.constant 96 : index
        %parallel_loop3A_397 = tpu.vector_load %arg15[%parallel_loop3A_395, %parallel_loop3A_396] {strides = array<i32>} : memref<64x128xf32, #tpu.memory_space<vmem>>, vector<1x16xf32>,
        %parallel_loop3A_398 = vector.shape_cast %parallel_loop3A_397 : vector<1x16xf32> to vector<16xf32>
        %parallel_loop3A_399 = arith.index_cast %parallel_loop3A_292 : i32 to index
        %parallel_loop3A_400 = arith.constant 96 : index
        %parallel_loop3A_401 = tpu.vector_load %arg17[%parallel_loop3A_399, %parallel_loop3A_400] {strides = array<i32>} : memref<64x128xf32, #tpu.memory_space<vmem>>, vector<1x16xf32>,
        %parallel_loop3A_402 = vector.shape_cast %parallel_loop3A_401 : vector<1x16xf32> to vector<16xf32>
        %parallel_loop3A_403 = arith.addf %parallel_loop3A_398, %parallel_loop3A_402 : vector<16xf32>
        %parallel_loop3A_404 = arith.constant 0.000000e+00 : f32
        %parallel_loop3A_405 = vector.broadcast %parallel_loop3A_404 : f32 to vector<16xf32>
        %parallel_loop3A_406 = arith.maximumf %parallel_loop3A_403, %parallel_loop3A_405 : vector<16xf32>
        %parallel_loop3A_407 = arith.index_cast %parallel_loop3A_292 : i32 to index
        %parallel_loop3A_408 = arith.constant 96 : index
        %parallel_loop3A_409 = tpu.vector_load %arg19[%parallel_loop3A_407, %parallel_loop3A_408] {strides = array<i32>} : memref<64x128xf32, #tpu.memory_space<vmem>>, vector<1x16xf32>,
        %parallel_loop3A_410 = vector.shape_cast %parallel_loop3A_409 : vector<1x16xf32> to vector<16xf32>
        %parallel_loop3A_411 = vector.shape_cast %parallel_loop3A_406 : vector<16xf32> to vector<1x16xf32>
        tpu.vector_store %arg19[%parallel_loop3A_407, %parallel_loop3A_408], %parallel_loop3A_411 {strides = array<i32>} : memref<64x128xf32, #tpu.memory_space<vmem>>, vector<1x16xf32>,
        %parallel_loop3A_412 = arith.index_cast %parallel_loop3A_292 : i32 to index
        %parallel_loop3A_413 = arith.constant 112 : index
        %parallel_loop3A_414 = tpu.vector_load %arg15[%parallel_loop3A_412, %parallel_loop3A_413] {strides = array<i32>} : memref<64x128xf32, #tpu.memory_space<vmem>>, vector<1x16xf32>,
        %parallel_loop3A_415 = vector.shape_cast %parallel_loop3A_414 : vector<1x16xf32> to vector<16xf32>
        %parallel_loop3A_416 = arith.index_cast %parallel_loop3A_292 : i32 to index
        %parallel_loop3A_417 = arith.constant 112 : index
        %parallel_loop3A_418 = tpu.vector_load %arg17[%parallel_loop3A_416, %parallel_loop3A_417] {strides = array<i32>} : memref<64x128xf32, #tpu.memory_space<vmem>>, vector<1x16xf32>,
        %parallel_loop3A_419 = vector.shape_cast %parallel_loop3A_418 : vector<1x16xf32> to vector<16xf32>
        %parallel_loop3A_420 = arith.addf %parallel_loop3A_415, %parallel_loop3A_419 : vector<16xf32>
        %parallel_loop3A_421 = arith.constant 0.000000e+00 : f32
        %parallel_loop3A_422 = vector.broadcast %parallel_loop3A_421 : f32 to vector<16xf32>
        %parallel_loop3A_423 = arith.maximumf %parallel_loop3A_420, %parallel_loop3A_422 : vector<16xf32>
        %parallel_loop3A_424 = arith.index_cast %parallel_loop3A_292 : i32 to index
        %parallel_loop3A_425 = arith.constant 112 : index
        %parallel_loop3A_426 = tpu.vector_load %arg19[%parallel_loop3A_424, %parallel_loop3A_425] {strides = array<i32>} : memref<64x128xf32, #tpu.memory_space<vmem>>, vector<1x16xf32>,
        %parallel_loop3A_427 = vector.shape_cast %parallel_loop3A_426 : vector<1x16xf32> to vector<16xf32>
        %parallel_loop3A_428 = vector.shape_cast %parallel_loop3A_423 : vector<16xf32> to vector<1x16xf32>
        tpu.vector_store %arg19[%parallel_loop3A_424, %parallel_loop3A_425], %parallel_loop3A_428 {strides = array<i32>} : memref<64x128xf32, #tpu.memory_space<vmem>>, vector<1x16xf32>,
      } {sc.loop_unroll_factor = 4 : i64, sc.parallel_access}
      %mul3A_179 = arith.constant 64 : i32
      %mul3A_180 = arith.muli %add3A_146, %mul3A_179 : i32
      %add3A_181 = arith.addi %add3A_6, %mul3A_180 : i32
      %dma_wait3A_182 = tpu.memref_slice %arg3[%add3A_181] : memref<640000xi32, #tpu.memory_space<hbm>> -> memref<64xi32, #tpu.memory_space<hbm>>
      %dma_wait3A_183 = tpu.memref_slice %arg3[%add3A_181] : memref<640000xi32, #tpu.memory_space<hbm>> -> memref<64xi32, #tpu.memory_space<hbm>>
      tpu.wait_dma2 semaphore(%arg24 : memref<!tpu.dma_semaphore, #tpu.memory_space<semaphore_mem>>) src(%dma_wait3A_183 : memref<64xi32, #tpu.memory_space<hbm>>) dst(%arg10 : memref<64xi32, #tpu.memory_space<vmem>>)
      %dma_start3A_184 = arith.constant 0 : i32
      %dma_start3A_185 = arith.constant 0 : i32
      %dma_start3A_186 = tpu.memref_slice %arg20[%dma_start3A_184, %dma_start3A_185] : memref<10000x128xf32, #tpu.memory_space<vmem_shared>> -> memref<10000x128xf32, #tpu.memory_space<vmem_shared>>
      tpu.enqueue_indirect_dma source(%arg19 : memref<64x128xf32, #tpu.memory_space<vmem>>) target(%dma_start3A_186 : memref<10000x128xf32, #tpu.memory_space<vmem_shared>>) offsets(%arg10 : memref<64xi32, #tpu.memory_space<vmem>>) semaphore(%arg32 : memref<!tpu.dma_semaphore, #tpu.memory_space<semaphore_mem>>) {add = true}
      %add3A_187 = arith.constant 2 : i32
      %add3A_188 = arith.addi %add3A_146, %add3A_187 : i32
      %lt3A_189 = arith.constant 156 : i32
      %lt3A_190 = arith.cmpi slt, %add3A_188, %lt3A_189 : i32
      %convert_element_type3A_191 = arith.extui %lt3A_190 : i1 to i32
      %cond3A_192 = arith.constant 0 : i32
      %cond3A_193 = arith.cmpi ne, %convert_element_type3A_191, %cond3A_192 : i32
      scf.if %cond3A_193 {
        %add3A_292 = arith.constant 2 : i32
        %add3A_293 = arith.addi %add3A_146, %add3A_292 : i32
        %mul3A_294 = arith.constant 64 : i32
        %mul3A_295 = arith.muli %add3A_293, %mul3A_294 : i32
        %add3A_296 = arith.addi %mul3A_2, %mul3A_295 : i32
        %dma_start3A_297 = arith.constant 0 : i32
        %dma_start3A_298 = tpu.memref_slice %arg4[%add3A_296, %dma_start3A_297] : memref<320000x128xf32, #tpu.memory_space<hbm>> -> memref<64x128xf32, #tpu.memory_space<hbm>>
        %dma_start3A_299 = arith.constant 0 : i32
        %dma_start3A_300 = tpu.memref_slice %arg4[%add3A_296, %dma_start3A_299] : memref<320000x128xf32, #tpu.memory_space<hbm>> -> memref<64x128xf32, #tpu.memory_space<hbm>>
        tpu.enqueue_dma source(%dma_start3A_300 : memref<64x128xf32, #tpu.memory_space<hbm>>) target(%arg15 : memref<64x128xf32, #tpu.memory_space<vmem>>) target_semaphore(%arg28 : memref<!tpu.dma_semaphore, #tpu.memory_space<semaphore_mem>>)
      } else {
      }
      %add3A_194 = arith.constant 2 : i32
      %add3A_195 = arith.addi %add3A_97, %add3A_194 : i32
      %mul3A_196 = arith.constant 64 : i32
      %mul3A_197 = arith.muli %add3A_195, %mul3A_196 : i32
      %add3A_198 = arith.addi %mul3A_2, %mul3A_197 : i32
      %dma_wait3A_199 = arith.constant 0 : i32
      %dma_wait3A_200 = tpu.memref_slice %arg4[%add3A_198, %dma_wait3A_199] : memref<320000x128xf32, #tpu.memory_space<hbm>> -> memref<64x128xf32, #tpu.memory_space<hbm>>
      %dma_wait3A_201 = arith.constant 0 : i32
      %dma_wait3A_202 = tpu.memref_slice %arg4[%add3A_198, %dma_wait3A_201] : memref<320000x128xf32, #tpu.memory_space<hbm>> -> memref<64x128xf32, #tpu.memory_space<hbm>>
      tpu.wait_dma2 semaphore(%arg27 : memref<!tpu.dma_semaphore, #tpu.memory_space<semaphore_mem>>) src(%dma_wait3A_202 : memref<64x128xf32, #tpu.memory_space<hbm>>) dst(%arg14 : memref<64x128xf32, #tpu.memory_space<vmem>>)
      %dma_wait3A_203 = arith.constant 0 : i32
      %dma_wait3A_204 = arith.constant 0 : i32
      %dma_wait3A_205 = tpu.memref_slice %arg2[%dma_wait3A_203, %dma_wait3A_204] : memref<10000x128xf32, #tpu.memory_space<hbm>> -> memref<10000x128xf32, #tpu.memory_space<hbm>>
      tpu.wait_indirect_dma semaphore(%arg29 : memref<!tpu.dma_semaphore, #tpu.memory_space<semaphore_mem>>) src(%dma_wait3A_205 : memref<10000x128xf32, #tpu.memory_space<hbm>>) dst(%arg16 : memref<64x128xf32, #tpu.memory_space<vmem>>)
      %add3A_206 = arith.constant 2 : i32
      %add3A_207 = arith.addi %add3A_195, %add3A_206 : i32
      %lt3A_208 = arith.constant 156 : i32
      %lt3A_209 = arith.cmpi slt, %add3A_207, %lt3A_208 : i32
      %convert_element_type3A_210 = arith.extui %lt3A_209 : i1 to i32
      %cond3A_211 = arith.constant 0 : i32
      %cond3A_212 = arith.cmpi ne, %convert_element_type3A_210, %cond3A_211 : i32
      scf.if %cond3A_212 {
        %add3A_292 = arith.constant 2 : i32
        %add3A_293 = arith.addi %add3A_195, %add3A_292 : i32
        %mul3A_294 = arith.constant 64 : i32
        %mul3A_295 = arith.muli %add3A_293, %mul3A_294 : i32
        %add3A_296 = arith.addi %mul3A_2, %mul3A_295 : i32
        %dma_start3A_297 = tpu.memref_slice %arg3[%add3A_296] : memref<640000xi32, #tpu.memory_space<hbm>> -> memref<64xi32, #tpu.memory_space<hbm>>
        %dma_start3A_298 = tpu.memref_slice %arg3[%add3A_296] : memref<640000xi32, #tpu.memory_space<hbm>> -> memref<64xi32, #tpu.memory_space<hbm>>
        tpu.enqueue_dma source(%dma_start3A_298 : memref<64xi32, #tpu.memory_space<hbm>>) target(%arg6 : memref<64xi32, #tpu.memory_space<vmem>>) target_semaphore(%arg21 : memref<!tpu.dma_semaphore, #tpu.memory_space<semaphore_mem>>)
      } else {
      }
      %add3A_213 = arith.constant 1 : i32
      %add3A_214 = arith.addi %add3A_195, %add3A_213 : i32
      %lt3A_215 = arith.constant 156 : i32
      %lt3A_216 = arith.cmpi slt, %add3A_214, %lt3A_215 : i32
      %convert_element_type3A_217 = arith.extui %lt3A_216 : i1 to i32
      %cond3A_218 = arith.constant 0 : i32
      %cond3A_219 = arith.cmpi ne, %convert_element_type3A_217, %cond3A_218 : i32
      scf.if %cond3A_219 {
        %add3A_292 = arith.constant 1 : i32
        %add3A_293 = arith.addi %add3A_195, %add3A_292 : i32
        %mul3A_294 = arith.constant 64 : i32
        %mul3A_295 = arith.muli %add3A_293, %mul3A_294 : i32
        %add3A_296 = arith.addi %mul3A_2, %mul3A_295 : i32
        %dma_wait3A_297 = tpu.memref_slice %arg3[%add3A_296] : memref<640000xi32, #tpu.memory_space<hbm>> -> memref<64xi32, #tpu.memory_space<hbm>>
        %dma_wait3A_298 = tpu.memref_slice %arg3[%add3A_296] : memref<640000xi32, #tpu.memory_space<hbm>> -> memref<64xi32, #tpu.memory_space<hbm>>
        tpu.wait_dma2 semaphore(%arg22 : memref<!tpu.dma_semaphore, #tpu.memory_space<semaphore_mem>>) src(%dma_wait3A_298 : memref<64xi32, #tpu.memory_space<hbm>>) dst(%arg7 : memref<64xi32, #tpu.memory_space<vmem>>)
        %dma_start3A_299 = arith.constant 0 : i32
        %dma_start3A_300 = arith.constant 0 : i32
        %dma_start3A_301 = tpu.memref_slice %arg2[%dma_start3A_299, %dma_start3A_300] : memref<10000x128xf32, #tpu.memory_space<hbm>> -> memref<10000x128xf32, #tpu.memory_space<hbm>>
        tpu.enqueue_indirect_dma source(%dma_start3A_301 : memref<10000x128xf32, #tpu.memory_space<hbm>>) target(%arg17 : memref<64x128xf32, #tpu.memory_space<vmem>>) offsets(%arg7 : memref<64xi32, #tpu.memory_space<vmem>>) semaphore(%arg30 : memref<!tpu.dma_semaphore, #tpu.memory_space<semaphore_mem>>)
      } else {
      }
      %ge3A_220 = arith.constant 2 : i32
      %ge3A_221 = arith.cmpi sge, %add3A_195, %ge3A_220 : i32
      %convert_element_type3A_222 = arith.extui %ge3A_221 : i1 to i32
      %cond3A_223 = arith.constant 0 : i32
      %cond3A_224 = arith.cmpi ne, %convert_element_type3A_222, %cond3A_223 : i32
      scf.if %cond3A_224 {
        %dma_wait3A_292 = arith.constant 0 : i32
        %dma_wait3A_293 = arith.constant 0 : i32
        %dma_wait3A_294 = tpu.memref_slice %arg20[%dma_wait3A_292, %dma_wait3A_293] : memref<10000x128xf32, #tpu.memory_space<vmem_shared>> -> memref<10000x128xf32, #tpu.memory_space<vmem_shared>>
        tpu.wait_indirect_dma semaphore(%arg31 : memref<!tpu.dma_semaphore, #tpu.memory_space<semaphore_mem>>) src(%arg18 : memref<64x128xf32, #tpu.memory_space<vmem>>) dst(%dma_wait3A_294 : memref<10000x128xf32, #tpu.memory_space<vmem_shared>>)
        %add3A_295 = arith.constant 2 : i32
        %add3A_296 = arith.addi %add3A_195, %add3A_295 : i32
        %lt3A_297 = arith.constant 156 : i32
        %lt3A_298 = arith.cmpi slt, %add3A_296, %lt3A_297 : i32
        %convert_element_type3A_299 = arith.extui %lt3A_298 : i1 to i32
        %cond3A_300 = arith.constant 0 : i32
        %cond3A_301 = arith.cmpi ne, %convert_element_type3A_299, %cond3A_300 : i32
        scf.if %cond3A_301 {
          %add3A_302 = arith.constant 2 : i32
          %add3A_303 = arith.addi %add3A_195, %add3A_302 : i32
          %mul3A_304 = arith.constant 64 : i32
          %mul3A_305 = arith.muli %add3A_303, %mul3A_304 : i32
          %add3A_306 = arith.addi %add3A_6, %mul3A_305 : i32
          %dma_start3A_307 = tpu.memref_slice %arg3[%add3A_306] : memref<640000xi32, #tpu.memory_space<hbm>> -> memref<64xi32, #tpu.memory_space<hbm>>
          %dma_start3A_308 = tpu.memref_slice %arg3[%add3A_306] : memref<640000xi32, #tpu.memory_space<hbm>> -> memref<64xi32, #tpu.memory_space<hbm>>
          tpu.enqueue_dma source(%dma_start3A_308 : memref<64xi32, #tpu.memory_space<hbm>>) target(%arg9 : memref<64xi32, #tpu.memory_space<vmem>>) target_semaphore(%arg23 : memref<!tpu.dma_semaphore, #tpu.memory_space<semaphore_mem>>)
        } else {
        }
      } else {
      }
      %parallel_loop3A_225 = arith.constant 0 : i32
      %parallel_loop3A_226 = arith.constant 64 : i32
      %parallel_loop3A_227 = arith.constant 1 : i32
      scf.for %parallel_loop3A_292 = %parallel_loop3A_225 to %parallel_loop3A_226 step %parallel_loop3A_227  : i32 {
        %parallel_loop3A_293 = arith.index_cast %parallel_loop3A_292 : i32 to index
        %parallel_loop3A_294 = arith.constant 0 : index
        %parallel_loop3A_295 = tpu.vector_load %arg14[%parallel_loop3A_293, %parallel_loop3A_294] {strides = array<i32>} : memref<64x128xf32, #tpu.memory_space<vmem>>, vector<1x16xf32>,
        %parallel_loop3A_296 = vector.shape_cast %parallel_loop3A_295 : vector<1x16xf32> to vector<16xf32>
        %parallel_loop3A_297 = arith.index_cast %parallel_loop3A_292 : i32 to index
        %parallel_loop3A_298 = arith.constant 0 : index
        %parallel_loop3A_299 = tpu.vector_load %arg16[%parallel_loop3A_297, %parallel_loop3A_298] {strides = array<i32>} : memref<64x128xf32, #tpu.memory_space<vmem>>, vector<1x16xf32>,
        %parallel_loop3A_300 = vector.shape_cast %parallel_loop3A_299 : vector<1x16xf32> to vector<16xf32>
        %parallel_loop3A_301 = arith.addf %parallel_loop3A_296, %parallel_loop3A_300 : vector<16xf32>
        %parallel_loop3A_302 = arith.constant 0.000000e+00 : f32
        %parallel_loop3A_303 = vector.broadcast %parallel_loop3A_302 : f32 to vector<16xf32>
        %parallel_loop3A_304 = arith.maximumf %parallel_loop3A_301, %parallel_loop3A_303 : vector<16xf32>
        %parallel_loop3A_305 = arith.index_cast %parallel_loop3A_292 : i32 to index
        %parallel_loop3A_306 = arith.constant 0 : index
        %parallel_loop3A_307 = tpu.vector_load %arg18[%parallel_loop3A_305, %parallel_loop3A_306] {strides = array<i32>} : memref<64x128xf32, #tpu.memory_space<vmem>>, vector<1x16xf32>,
        %parallel_loop3A_308 = vector.shape_cast %parallel_loop3A_307 : vector<1x16xf32> to vector<16xf32>
        %parallel_loop3A_309 = vector.shape_cast %parallel_loop3A_304 : vector<16xf32> to vector<1x16xf32>
        tpu.vector_store %arg18[%parallel_loop3A_305, %parallel_loop3A_306], %parallel_loop3A_309 {strides = array<i32>} : memref<64x128xf32, #tpu.memory_space<vmem>>, vector<1x16xf32>,
        %parallel_loop3A_310 = arith.index_cast %parallel_loop3A_292 : i32 to index
        %parallel_loop3A_311 = arith.constant 16 : index
        %parallel_loop3A_312 = tpu.vector_load %arg14[%parallel_loop3A_310, %parallel_loop3A_311] {strides = array<i32>} : memref<64x128xf32, #tpu.memory_space<vmem>>, vector<1x16xf32>,
        %parallel_loop3A_313 = vector.shape_cast %parallel_loop3A_312 : vector<1x16xf32> to vector<16xf32>
        %parallel_loop3A_314 = arith.index_cast %parallel_loop3A_292 : i32 to index
        %parallel_loop3A_315 = arith.constant 16 : index
        %parallel_loop3A_316 = tpu.vector_load %arg16[%parallel_loop3A_314, %parallel_loop3A_315] {strides = array<i32>} : memref<64x128xf32, #tpu.memory_space<vmem>>, vector<1x16xf32>,
        %parallel_loop3A_317 = vector.shape_cast %parallel_loop3A_316 : vector<1x16xf32> to vector<16xf32>
        %parallel_loop3A_318 = arith.addf %parallel_loop3A_313, %parallel_loop3A_317 : vector<16xf32>
        %parallel_loop3A_319 = arith.constant 0.000000e+00 : f32
        %parallel_loop3A_320 = vector.broadcast %parallel_loop3A_319 : f32 to vector<16xf32>
        %parallel_loop3A_321 = arith.maximumf %parallel_loop3A_318, %parallel_loop3A_320 : vector<16xf32>
        %parallel_loop3A_322 = arith.index_cast %parallel_loop3A_292 : i32 to index
        %parallel_loop3A_323 = arith.constant 16 : index
        %parallel_loop3A_324 = tpu.vector_load %arg18[%parallel_loop3A_322, %parallel_loop3A_323] {strides = array<i32>} : memref<64x128xf32, #tpu.memory_space<vmem>>, vector<1x16xf32>,
        %parallel_loop3A_325 = vector.shape_cast %parallel_loop3A_324 : vector<1x16xf32> to vector<16xf32>
        %parallel_loop3A_326 = vector.shape_cast %parallel_loop3A_321 : vector<16xf32> to vector<1x16xf32>
        tpu.vector_store %arg18[%parallel_loop3A_322, %parallel_loop3A_323], %parallel_loop3A_326 {strides = array<i32>} : memref<64x128xf32, #tpu.memory_space<vmem>>, vector<1x16xf32>,
        %parallel_loop3A_327 = arith.index_cast %parallel_loop3A_292 : i32 to index
        %parallel_loop3A_328 = arith.constant 32 : index
        %parallel_loop3A_329 = tpu.vector_load %arg14[%parallel_loop3A_327, %parallel_loop3A_328] {strides = array<i32>} : memref<64x128xf32, #tpu.memory_space<vmem>>, vector<1x16xf32>,
        %parallel_loop3A_330 = vector.shape_cast %parallel_loop3A_329 : vector<1x16xf32> to vector<16xf32>
        %parallel_loop3A_331 = arith.index_cast %parallel_loop3A_292 : i32 to index
        %parallel_loop3A_332 = arith.constant 32 : index
        %parallel_loop3A_333 = tpu.vector_load %arg16[%parallel_loop3A_331, %parallel_loop3A_332] {strides = array<i32>} : memref<64x128xf32, #tpu.memory_space<vmem>>, vector<1x16xf32>,
        %parallel_loop3A_334 = vector.shape_cast %parallel_loop3A_333 : vector<1x16xf32> to vector<16xf32>
        %parallel_loop3A_335 = arith.addf %parallel_loop3A_330, %parallel_loop3A_334 : vector<16xf32>
        %parallel_loop3A_336 = arith.constant 0.000000e+00 : f32
        %parallel_loop3A_337 = vector.broadcast %parallel_loop3A_336 : f32 to vector<16xf32>
        %parallel_loop3A_338 = arith.maximumf %parallel_loop3A_335, %parallel_loop3A_337 : vector<16xf32>
        %parallel_loop3A_339 = arith.index_cast %parallel_loop3A_292 : i32 to index
        %parallel_loop3A_340 = arith.constant 32 : index
        %parallel_loop3A_341 = tpu.vector_load %arg18[%parallel_loop3A_339, %parallel_loop3A_340] {strides = array<i32>} : memref<64x128xf32, #tpu.memory_space<vmem>>, vector<1x16xf32>,
        %parallel_loop3A_342 = vector.shape_cast %parallel_loop3A_341 : vector<1x16xf32> to vector<16xf32>
        %parallel_loop3A_343 = vector.shape_cast %parallel_loop3A_338 : vector<16xf32> to vector<1x16xf32>
        tpu.vector_store %arg18[%parallel_loop3A_339, %parallel_loop3A_340], %parallel_loop3A_343 {strides = array<i32>} : memref<64x128xf32, #tpu.memory_space<vmem>>, vector<1x16xf32>,
        %parallel_loop3A_344 = arith.index_cast %parallel_loop3A_292 : i32 to index
        %parallel_loop3A_345 = arith.constant 48 : index
        %parallel_loop3A_346 = tpu.vector_load %arg14[%parallel_loop3A_344, %parallel_loop3A_345] {strides = array<i32>} : memref<64x128xf32, #tpu.memory_space<vmem>>, vector<1x16xf32>,
        %parallel_loop3A_347 = vector.shape_cast %parallel_loop3A_346 : vector<1x16xf32> to vector<16xf32>
        %parallel_loop3A_348 = arith.index_cast %parallel_loop3A_292 : i32 to index
        %parallel_loop3A_349 = arith.constant 48 : index
        %parallel_loop3A_350 = tpu.vector_load %arg16[%parallel_loop3A_348, %parallel_loop3A_349] {strides = array<i32>} : memref<64x128xf32, #tpu.memory_space<vmem>>, vector<1x16xf32>,
        %parallel_loop3A_351 = vector.shape_cast %parallel_loop3A_350 : vector<1x16xf32> to vector<16xf32>
        %parallel_loop3A_352 = arith.addf %parallel_loop3A_347, %parallel_loop3A_351 : vector<16xf32>
        %parallel_loop3A_353 = arith.constant 0.000000e+00 : f32
        %parallel_loop3A_354 = vector.broadcast %parallel_loop3A_353 : f32 to vector<16xf32>
        %parallel_loop3A_355 = arith.maximumf %parallel_loop3A_352, %parallel_loop3A_354 : vector<16xf32>
        %parallel_loop3A_356 = arith.index_cast %parallel_loop3A_292 : i32 to index
        %parallel_loop3A_357 = arith.constant 48 : index
        %parallel_loop3A_358 = tpu.vector_load %arg18[%parallel_loop3A_356, %parallel_loop3A_357] {strides = array<i32>} : memref<64x128xf32, #tpu.memory_space<vmem>>, vector<1x16xf32>,
        %parallel_loop3A_359 = vector.shape_cast %parallel_loop3A_358 : vector<1x16xf32> to vector<16xf32>
        %parallel_loop3A_360 = vector.shape_cast %parallel_loop3A_355 : vector<16xf32> to vector<1x16xf32>
        tpu.vector_store %arg18[%parallel_loop3A_356, %parallel_loop3A_357], %parallel_loop3A_360 {strides = array<i32>} : memref<64x128xf32, #tpu.memory_space<vmem>>, vector<1x16xf32>,
        %parallel_loop3A_361 = arith.index_cast %parallel_loop3A_292 : i32 to index
        %parallel_loop3A_362 = arith.constant 64 : index
        %parallel_loop3A_363 = tpu.vector_load %arg14[%parallel_loop3A_361, %parallel_loop3A_362] {strides = array<i32>} : memref<64x128xf32, #tpu.memory_space<vmem>>, vector<1x16xf32>,
        %parallel_loop3A_364 = vector.shape_cast %parallel_loop3A_363 : vector<1x16xf32> to vector<16xf32>
        %parallel_loop3A_365 = arith.index_cast %parallel_loop3A_292 : i32 to index
        %parallel_loop3A_366 = arith.constant 64 : index
        %parallel_loop3A_367 = tpu.vector_load %arg16[%parallel_loop3A_365, %parallel_loop3A_366] {strides = array<i32>} : memref<64x128xf32, #tpu.memory_space<vmem>>, vector<1x16xf32>,
        %parallel_loop3A_368 = vector.shape_cast %parallel_loop3A_367 : vector<1x16xf32> to vector<16xf32>
        %parallel_loop3A_369 = arith.addf %parallel_loop3A_364, %parallel_loop3A_368 : vector<16xf32>
        %parallel_loop3A_370 = arith.constant 0.000000e+00 : f32
        %parallel_loop3A_371 = vector.broadcast %parallel_loop3A_370 : f32 to vector<16xf32>
        %parallel_loop3A_372 = arith.maximumf %parallel_loop3A_369, %parallel_loop3A_371 : vector<16xf32>
        %parallel_loop3A_373 = arith.index_cast %parallel_loop3A_292 : i32 to index
        %parallel_loop3A_374 = arith.constant 64 : index
        %parallel_loop3A_375 = tpu.vector_load %arg18[%parallel_loop3A_373, %parallel_loop3A_374] {strides = array<i32>} : memref<64x128xf32, #tpu.memory_space<vmem>>, vector<1x16xf32>,
        %parallel_loop3A_376 = vector.shape_cast %parallel_loop3A_375 : vector<1x16xf32> to vector<16xf32>
        %parallel_loop3A_377 = vector.shape_cast %parallel_loop3A_372 : vector<16xf32> to vector<1x16xf32>
        tpu.vector_store %arg18[%parallel_loop3A_373, %parallel_loop3A_374], %parallel_loop3A_377 {strides = array<i32>} : memref<64x128xf32, #tpu.memory_space<vmem>>, vector<1x16xf32>,
        %parallel_loop3A_378 = arith.index_cast %parallel_loop3A_292 : i32 to index
        %parallel_loop3A_379 = arith.constant 80 : index
        %parallel_loop3A_380 = tpu.vector_load %arg14[%parallel_loop3A_378, %parallel_loop3A_379] {strides = array<i32>} : memref<64x128xf32, #tpu.memory_space<vmem>>, vector<1x16xf32>,
        %parallel_loop3A_381 = vector.shape_cast %parallel_loop3A_380 : vector<1x16xf32> to vector<16xf32>
        %parallel_loop3A_382 = arith.index_cast %parallel_loop3A_292 : i32 to index
        %parallel_loop3A_383 = arith.constant 80 : index
        %parallel_loop3A_384 = tpu.vector_load %arg16[%parallel_loop3A_382, %parallel_loop3A_383] {strides = array<i32>} : memref<64x128xf32, #tpu.memory_space<vmem>>, vector<1x16xf32>,
        %parallel_loop3A_385 = vector.shape_cast %parallel_loop3A_384 : vector<1x16xf32> to vector<16xf32>
        %parallel_loop3A_386 = arith.addf %parallel_loop3A_381, %parallel_loop3A_385 : vector<16xf32>
        %parallel_loop3A_387 = arith.constant 0.000000e+00 : f32
        %parallel_loop3A_388 = vector.broadcast %parallel_loop3A_387 : f32 to vector<16xf32>
        %parallel_loop3A_389 = arith.maximumf %parallel_loop3A_386, %parallel_loop3A_388 : vector<16xf32>
        %parallel_loop3A_390 = arith.index_cast %parallel_loop3A_292 : i32 to index
        %parallel_loop3A_391 = arith.constant 80 : index
        %parallel_loop3A_392 = tpu.vector_load %arg18[%parallel_loop3A_390, %parallel_loop3A_391] {strides = array<i32>} : memref<64x128xf32, #tpu.memory_space<vmem>>, vector<1x16xf32>,
        %parallel_loop3A_393 = vector.shape_cast %parallel_loop3A_392 : vector<1x16xf32> to vector<16xf32>
        %parallel_loop3A_394 = vector.shape_cast %parallel_loop3A_389 : vector<16xf32> to vector<1x16xf32>
        tpu.vector_store %arg18[%parallel_loop3A_390, %parallel_loop3A_391], %parallel_loop3A_394 {strides = array<i32>} : memref<64x128xf32, #tpu.memory_space<vmem>>, vector<1x16xf32>,
        %parallel_loop3A_395 = arith.index_cast %parallel_loop3A_292 : i32 to index
        %parallel_loop3A_396 = arith.constant 96 : index
        %parallel_loop3A_397 = tpu.vector_load %arg14[%parallel_loop3A_395, %parallel_loop3A_396] {strides = array<i32>} : memref<64x128xf32, #tpu.memory_space<vmem>>, vector<1x16xf32>,
        %parallel_loop3A_398 = vector.shape_cast %parallel_loop3A_397 : vector<1x16xf32> to vector<16xf32>
        %parallel_loop3A_399 = arith.index_cast %parallel_loop3A_292 : i32 to index
        %parallel_loop3A_400 = arith.constant 96 : index
        %parallel_loop3A_401 = tpu.vector_load %arg16[%parallel_loop3A_399, %parallel_loop3A_400] {strides = array<i32>} : memref<64x128xf32, #tpu.memory_space<vmem>>, vector<1x16xf32>,
        %parallel_loop3A_402 = vector.shape_cast %parallel_loop3A_401 : vector<1x16xf32> to vector<16xf32>
        %parallel_loop3A_403 = arith.addf %parallel_loop3A_398, %parallel_loop3A_402 : vector<16xf32>
        %parallel_loop3A_404 = arith.constant 0.000000e+00 : f32
        %parallel_loop3A_405 = vector.broadcast %parallel_loop3A_404 : f32 to vector<16xf32>
        %parallel_loop3A_406 = arith.maximumf %parallel_loop3A_403, %parallel_loop3A_405 : vector<16xf32>
        %parallel_loop3A_407 = arith.index_cast %parallel_loop3A_292 : i32 to index
        %parallel_loop3A_408 = arith.constant 96 : index
        %parallel_loop3A_409 = tpu.vector_load %arg18[%parallel_loop3A_407, %parallel_loop3A_408] {strides = array<i32>} : memref<64x128xf32, #tpu.memory_space<vmem>>, vector<1x16xf32>,
        %parallel_loop3A_410 = vector.shape_cast %parallel_loop3A_409 : vector<1x16xf32> to vector<16xf32>
        %parallel_loop3A_411 = vector.shape_cast %parallel_loop3A_406 : vector<16xf32> to vector<1x16xf32>
        tpu.vector_store %arg18[%parallel_loop3A_407, %parallel_loop3A_408], %parallel_loop3A_411 {strides = array<i32>} : memref<64x128xf32, #tpu.memory_space<vmem>>, vector<1x16xf32>,
        %parallel_loop3A_412 = arith.index_cast %parallel_loop3A_292 : i32 to index
        %parallel_loop3A_413 = arith.constant 112 : index
        %parallel_loop3A_414 = tpu.vector_load %arg14[%parallel_loop3A_412, %parallel_loop3A_413] {strides = array<i32>} : memref<64x128xf32, #tpu.memory_space<vmem>>, vector<1x16xf32>,
        %parallel_loop3A_415 = vector.shape_cast %parallel_loop3A_414 : vector<1x16xf32> to vector<16xf32>
        %parallel_loop3A_416 = arith.index_cast %parallel_loop3A_292 : i32 to index
        %parallel_loop3A_417 = arith.constant 112 : index
        %parallel_loop3A_418 = tpu.vector_load %arg16[%parallel_loop3A_416, %parallel_loop3A_417] {strides = array<i32>} : memref<64x128xf32, #tpu.memory_space<vmem>>, vector<1x16xf32>,
        %parallel_loop3A_419 = vector.shape_cast %parallel_loop3A_418 : vector<1x16xf32> to vector<16xf32>
        %parallel_loop3A_420 = arith.addf %parallel_loop3A_415, %parallel_loop3A_419 : vector<16xf32>
        %parallel_loop3A_421 = arith.constant 0.000000e+00 : f32
        %parallel_loop3A_422 = vector.broadcast %parallel_loop3A_421 : f32 to vector<16xf32>
        %parallel_loop3A_423 = arith.maximumf %parallel_loop3A_420, %parallel_loop3A_422 : vector<16xf32>
        %parallel_loop3A_424 = arith.index_cast %parallel_loop3A_292 : i32 to index
        %parallel_loop3A_425 = arith.constant 112 : index
        %parallel_loop3A_426 = tpu.vector_load %arg18[%parallel_loop3A_424, %parallel_loop3A_425] {strides = array<i32>} : memref<64x128xf32, #tpu.memory_space<vmem>>, vector<1x16xf32>,
        %parallel_loop3A_427 = vector.shape_cast %parallel_loop3A_426 : vector<1x16xf32> to vector<16xf32>
        %parallel_loop3A_428 = vector.shape_cast %parallel_loop3A_423 : vector<16xf32> to vector<1x16xf32>
        tpu.vector_store %arg18[%parallel_loop3A_424, %parallel_loop3A_425], %parallel_loop3A_428 {strides = array<i32>} : memref<64x128xf32, #tpu.memory_space<vmem>>, vector<1x16xf32>,
      } {sc.loop_unroll_factor = 4 : i64, sc.parallel_access}
      %mul3A_228 = arith.constant 64 : i32
      %mul3A_229 = arith.muli %add3A_195, %mul3A_228 : i32
      %add3A_230 = arith.addi %add3A_6, %mul3A_229 : i32
      %dma_wait3A_231 = tpu.memref_slice %arg3[%add3A_230] : memref<640000xi32, #tpu.memory_space<hbm>> -> memref<64xi32, #tpu.memory_space<hbm>>
      %dma_wait3A_232 = tpu.memref_slice %arg3[%add3A_230] : memref<640000xi32, #tpu.memory_space<hbm>> -> memref<64xi32, #tpu.memory_space<hbm>>
      tpu.wait_dma2 semaphore(%arg25 : memref<!tpu.dma_semaphore, #tpu.memory_space<semaphore_mem>>) src(%dma_wait3A_232 : memref<64xi32, #tpu.memory_space<hbm>>) dst(%arg11 : memref<64xi32, #tpu.memory_space<vmem>>)
      %dma_start3A_233 = arith.constant 0 : i32
      %dma_start3A_234 = arith.constant 0 : i32
      %dma_start3A_235 = tpu.memref_slice %arg20[%dma_start3A_233, %dma_start3A_234] : memref<10000x128xf32, #tpu.memory_space<vmem_shared>> -> memref<10000x128xf32, #tpu.memory_space<vmem_shared>>
      tpu.enqueue_indirect_dma source(%arg18 : memref<64x128xf32, #tpu.memory_space<vmem>>) target(%dma_start3A_235 : memref<10000x128xf32, #tpu.memory_space<vmem_shared>>) offsets(%arg11 : memref<64xi32, #tpu.memory_space<vmem>>) semaphore(%arg31 : memref<!tpu.dma_semaphore, #tpu.memory_space<semaphore_mem>>) {add = true}
      %add3A_236 = arith.constant 2 : i32
      %add3A_237 = arith.addi %add3A_195, %add3A_236 : i32
      %lt3A_238 = arith.constant 156 : i32
      %lt3A_239 = arith.cmpi slt, %add3A_237, %lt3A_238 : i32
      %convert_element_type3A_240 = arith.extui %lt3A_239 : i1 to i32
      %cond3A_241 = arith.constant 0 : i32
      %cond3A_242 = arith.cmpi ne, %convert_element_type3A_240, %cond3A_241 : i32
      scf.if %cond3A_242 {
        %add3A_292 = arith.constant 2 : i32
        %add3A_293 = arith.addi %add3A_195, %add3A_292 : i32
        %mul3A_294 = arith.constant 64 : i32
        %mul3A_295 = arith.muli %add3A_293, %mul3A_294 : i32
        %add3A_296 = arith.addi %mul3A_2, %mul3A_295 : i32
        %dma_start3A_297 = arith.constant 0 : i32
        %dma_start3A_298 = tpu.memref_slice %arg4[%add3A_296, %dma_start3A_297] : memref<320000x128xf32, #tpu.memory_space<hbm>> -> memref<64x128xf32, #tpu.memory_space<hbm>>
        %dma_start3A_299 = arith.constant 0 : i32
        %dma_start3A_300 = tpu.memref_slice %arg4[%add3A_296, %dma_start3A_299] : memref<320000x128xf32, #tpu.memory_space<hbm>> -> memref<64x128xf32, #tpu.memory_space<hbm>>
        tpu.enqueue_dma source(%dma_start3A_300 : memref<64x128xf32, #tpu.memory_space<hbm>>) target(%arg14 : memref<64x128xf32, #tpu.memory_space<vmem>>) target_semaphore(%arg27 : memref<!tpu.dma_semaphore, #tpu.memory_space<semaphore_mem>>)
      } else {
      }
      %add3A_243 = arith.constant 3 : i32
      %add3A_244 = arith.addi %add3A_97, %add3A_243 : i32
      %mul3A_245 = arith.constant 64 : i32
      %mul3A_246 = arith.muli %add3A_244, %mul3A_245 : i32
      %add3A_247 = arith.addi %mul3A_2, %mul3A_246 : i32
      %dma_wait3A_248 = arith.constant 0 : i32
      %dma_wait3A_249 = tpu.memref_slice %arg4[%add3A_247, %dma_wait3A_248] : memref<320000x128xf32, #tpu.memory_space<hbm>> -> memref<64x128xf32, #tpu.memory_space<hbm>>
      %dma_wait3A_250 = arith.constant 0 : i32
      %dma_wait3A_251 = tpu.memref_slice %arg4[%add3A_247, %dma_wait3A_250] : memref<320000x128xf32, #tpu.memory_space<hbm>> -> memref<64x128xf32, #tpu.memory_space<hbm>>
      tpu.wait_dma2 semaphore(%arg28 : memref<!tpu.dma_semaphore, #tpu.memory_space<semaphore_mem>>) src(%dma_wait3A_251 : memref<64x128xf32, #tpu.memory_space<hbm>>) dst(%arg15 : memref<64x128xf32, #tpu.memory_space<vmem>>)
      %dma_wait3A_252 = arith.constant 0 : i32
      %dma_wait3A_253 = arith.constant 0 : i32
      %dma_wait3A_254 = tpu.memref_slice %arg2[%dma_wait3A_252, %dma_wait3A_253] : memref<10000x128xf32, #tpu.memory_space<hbm>> -> memref<10000x128xf32, #tpu.memory_space<hbm>>
      tpu.wait_indirect_dma semaphore(%arg30 : memref<!tpu.dma_semaphore, #tpu.memory_space<semaphore_mem>>) src(%dma_wait3A_254 : memref<10000x128xf32, #tpu.memory_space<hbm>>) dst(%arg17 : memref<64x128xf32, #tpu.memory_space<vmem>>)
      %add3A_255 = arith.constant 2 : i32
      %add3A_256 = arith.addi %add3A_244, %add3A_255 : i32
      %lt3A_257 = arith.constant 156 : i32
      %lt3A_258 = arith.cmpi slt, %add3A_256, %lt3A_257 : i32
      %convert_element_type3A_259 = arith.extui %lt3A_258 : i1 to i32
      %cond3A_260 = arith.constant 0 : i32
      %cond3A_261 = arith.cmpi ne, %convert_element_type3A_259, %cond3A_260 : i32
      scf.if %cond3A_261 {
        %add3A_292 = arith.constant 2 : i32
        %add3A_293 = arith.addi %add3A_244, %add3A_292 : i32
        %mul3A_294 = arith.constant 64 : i32
        %mul3A_295 = arith.muli %add3A_293, %mul3A_294 : i32
        %add3A_296 = arith.addi %mul3A_2, %mul3A_295 : i32
        %dma_start3A_297 = tpu.memref_slice %arg3[%add3A_296] : memref<640000xi32, #tpu.memory_space<hbm>> -> memref<64xi32, #tpu.memory_space<hbm>>
        %dma_start3A_298 = tpu.memref_slice %arg3[%add3A_296] : memref<640000xi32, #tpu.memory_space<hbm>> -> memref<64xi32, #tpu.memory_space<hbm>>
        tpu.enqueue_dma source(%dma_start3A_298 : memref<64xi32, #tpu.memory_space<hbm>>) target(%arg7 : memref<64xi32, #tpu.memory_space<vmem>>) target_semaphore(%arg22 : memref<!tpu.dma_semaphore, #tpu.memory_space<semaphore_mem>>)
      } else {
      }
      %add3A_262 = arith.constant 1 : i32
      %add3A_263 = arith.addi %add3A_244, %add3A_262 : i32
      %lt3A_264 = arith.constant 156 : i32
      %lt3A_265 = arith.cmpi slt, %add3A_263, %lt3A_264 : i32
      %convert_element_type3A_266 = arith.extui %lt3A_265 : i1 to i32
      %cond3A_267 = arith.constant 0 : i32
      %cond3A_268 = arith.cmpi ne, %convert_element_type3A_266, %cond3A_267 : i32
      scf.if %cond3A_268 {
        %add3A_292 = arith.constant 1 : i32
        %add3A_293 = arith.addi %add3A_244, %add3A_292 : i32
        %mul3A_294 = arith.constant 64 : i32
        %mul3A_295 = arith.muli %add3A_293, %mul3A_294 : i32
        %add3A_296 = arith.addi %mul3A_2, %mul3A_295 : i32
        %dma_wait3A_297 = tpu.memref_slice %arg3[%add3A_296] : memref<640000xi32, #tpu.memory_space<hbm>> -> memref<64xi32, #tpu.memory_space<hbm>>
        %dma_wait3A_298 = tpu.memref_slice %arg3[%add3A_296] : memref<640000xi32, #tpu.memory_space<hbm>> -> memref<64xi32, #tpu.memory_space<hbm>>
        tpu.wait_dma2 semaphore(%arg21 : memref<!tpu.dma_semaphore, #tpu.memory_space<semaphore_mem>>) src(%dma_wait3A_298 : memref<64xi32, #tpu.memory_space<hbm>>) dst(%arg6 : memref<64xi32, #tpu.memory_space<vmem>>)
        %dma_start3A_299 = arith.constant 0 : i32
        %dma_start3A_300 = arith.constant 0 : i32
        %dma_start3A_301 = tpu.memref_slice %arg2[%dma_start3A_299, %dma_start3A_300] : memref<10000x128xf32, #tpu.memory_space<hbm>> -> memref<10000x128xf32, #tpu.memory_space<hbm>>
        tpu.enqueue_indirect_dma source(%dma_start3A_301 : memref<10000x128xf32, #tpu.memory_space<hbm>>) target(%arg16 : memref<64x128xf32, #tpu.memory_space<vmem>>) offsets(%arg6 : memref<64xi32, #tpu.memory_space<vmem>>) semaphore(%arg29 : memref<!tpu.dma_semaphore, #tpu.memory_space<semaphore_mem>>)
      } else {
      }
      %ge3A_269 = arith.constant 2 : i32
      %ge3A_270 = arith.cmpi sge, %add3A_244, %ge3A_269 : i32
      %convert_element_type3A_271 = arith.extui %ge3A_270 : i1 to i32
      %cond3A_272 = arith.constant 0 : i32
      %cond3A_273 = arith.cmpi ne, %convert_element_type3A_271, %cond3A_272 : i32
      scf.if %cond3A_273 {
        %dma_wait3A_292 = arith.constant 0 : i32
        %dma_wait3A_293 = arith.constant 0 : i32
        %dma_wait3A_294 = tpu.memref_slice %arg20[%dma_wait3A_292, %dma_wait3A_293] : memref<10000x128xf32, #tpu.memory_space<vmem_shared>> -> memref<10000x128xf32, #tpu.memory_space<vmem_shared>>
        tpu.wait_indirect_dma semaphore(%arg32 : memref<!tpu.dma_semaphore, #tpu.memory_space<semaphore_mem>>) src(%arg19 : memref<64x128xf32, #tpu.memory_space<vmem>>) dst(%dma_wait3A_294 : memref<10000x128xf32, #tpu.memory_space<vmem_shared>>)
        %add3A_295 = arith.constant 2 : i32
        %add3A_296 = arith.addi %add3A_244, %add3A_295 : i32
        %lt3A_297 = arith.constant 156 : i32
        %lt3A_298 = arith.cmpi slt, %add3A_296, %lt3A_297 : i32
        %convert_element_type3A_299 = arith.extui %lt3A_298 : i1 to i32
        %cond3A_300 = arith.constant 0 : i32
        %cond3A_301 = arith.cmpi ne, %convert_element_type3A_299, %cond3A_300 : i32
        scf.if %cond3A_301 {
          %add3A_302 = arith.constant 2 : i32
          %add3A_303 = arith.addi %add3A_244, %add3A_302 : i32
          %mul3A_304 = arith.constant 64 : i32
          %mul3A_305 = arith.muli %add3A_303, %mul3A_304 : i32
          %add3A_306 = arith.addi %add3A_6, %mul3A_305 : i32
          %dma_start3A_307 = tpu.memref_slice %arg3[%add3A_306] : memref<640000xi32, #tpu.memory_space<hbm>> -> memref<64xi32, #tpu.memory_space<hbm>>
          %dma_start3A_308 = tpu.memref_slice %arg3[%add3A_306] : memref<640000xi32, #tpu.memory_space<hbm>> -> memref<64xi32, #tpu.memory_space<hbm>>
          tpu.enqueue_dma source(%dma_start3A_308 : memref<64xi32, #tpu.memory_space<hbm>>) target(%arg10 : memref<64xi32, #tpu.memory_space<vmem>>) target_semaphore(%arg24 : memref<!tpu.dma_semaphore, #tpu.memory_space<semaphore_mem>>)
        } else {
        }
      } else {
      }
      %parallel_loop3A_274 = arith.constant 0 : i32
      %parallel_loop3A_275 = arith.constant 64 : i32
      %parallel_loop3A_276 = arith.constant 1 : i32
      scf.for %parallel_loop3A_292 = %parallel_loop3A_274 to %parallel_loop3A_275 step %parallel_loop3A_276  : i32 {
        %parallel_loop3A_293 = arith.index_cast %parallel_loop3A_292 : i32 to index
        %parallel_loop3A_294 = arith.constant 0 : index
        %parallel_loop3A_295 = tpu.vector_load %arg15[%parallel_loop3A_293, %parallel_loop3A_294] {strides = array<i32>} : memref<64x128xf32, #tpu.memory_space<vmem>>, vector<1x16xf32>,
        %parallel_loop3A_296 = vector.shape_cast %parallel_loop3A_295 : vector<1x16xf32> to vector<16xf32>
        %parallel_loop3A_297 = arith.index_cast %parallel_loop3A_292 : i32 to index
        %parallel_loop3A_298 = arith.constant 0 : index
        %parallel_loop3A_299 = tpu.vector_load %arg17[%parallel_loop3A_297, %parallel_loop3A_298] {strides = array<i32>} : memref<64x128xf32, #tpu.memory_space<vmem>>, vector<1x16xf32>,
        %parallel_loop3A_300 = vector.shape_cast %parallel_loop3A_299 : vector<1x16xf32> to vector<16xf32>
        %parallel_loop3A_301 = arith.addf %parallel_loop3A_296, %parallel_loop3A_300 : vector<16xf32>
        %parallel_loop3A_302 = arith.constant 0.000000e+00 : f32
        %parallel_loop3A_303 = vector.broadcast %parallel_loop3A_302 : f32 to vector<16xf32>
        %parallel_loop3A_304 = arith.maximumf %parallel_loop3A_301, %parallel_loop3A_303 : vector<16xf32>
        %parallel_loop3A_305 = arith.index_cast %parallel_loop3A_292 : i32 to index
        %parallel_loop3A_306 = arith.constant 0 : index
        %parallel_loop3A_307 = tpu.vector_load %arg19[%parallel_loop3A_305, %parallel_loop3A_306] {strides = array<i32>} : memref<64x128xf32, #tpu.memory_space<vmem>>, vector<1x16xf32>,
        %parallel_loop3A_308 = vector.shape_cast %parallel_loop3A_307 : vector<1x16xf32> to vector<16xf32>
        %parallel_loop3A_309 = vector.shape_cast %parallel_loop3A_304 : vector<16xf32> to vector<1x16xf32>
        tpu.vector_store %arg19[%parallel_loop3A_305, %parallel_loop3A_306], %parallel_loop3A_309 {strides = array<i32>} : memref<64x128xf32, #tpu.memory_space<vmem>>, vector<1x16xf32>,
        %parallel_loop3A_310 = arith.index_cast %parallel_loop3A_292 : i32 to index
        %parallel_loop3A_311 = arith.constant 16 : index
        %parallel_loop3A_312 = tpu.vector_load %arg15[%parallel_loop3A_310, %parallel_loop3A_311] {strides = array<i32>} : memref<64x128xf32, #tpu.memory_space<vmem>>, vector<1x16xf32>,
        %parallel_loop3A_313 = vector.shape_cast %parallel_loop3A_312 : vector<1x16xf32> to vector<16xf32>
        %parallel_loop3A_314 = arith.index_cast %parallel_loop3A_292 : i32 to index
        %parallel_loop3A_315 = arith.constant 16 : index
        %parallel_loop3A_316 = tpu.vector_load %arg17[%parallel_loop3A_314, %parallel_loop3A_315] {strides = array<i32>} : memref<64x128xf32, #tpu.memory_space<vmem>>, vector<1x16xf32>,
        %parallel_loop3A_317 = vector.shape_cast %parallel_loop3A_316 : vector<1x16xf32> to vector<16xf32>
        %parallel_loop3A_318 = arith.addf %parallel_loop3A_313, %parallel_loop3A_317 : vector<16xf32>
        %parallel_loop3A_319 = arith.constant 0.000000e+00 : f32
        %parallel_loop3A_320 = vector.broadcast %parallel_loop3A_319 : f32 to vector<16xf32>
        %parallel_loop3A_321 = arith.maximumf %parallel_loop3A_318, %parallel_loop3A_320 : vector<16xf32>
        %parallel_loop3A_322 = arith.index_cast %parallel_loop3A_292 : i32 to index
        %parallel_loop3A_323 = arith.constant 16 : index
        %parallel_loop3A_324 = tpu.vector_load %arg19[%parallel_loop3A_322, %parallel_loop3A_323] {strides = array<i32>} : memref<64x128xf32, #tpu.memory_space<vmem>>, vector<1x16xf32>,
        %parallel_loop3A_325 = vector.shape_cast %parallel_loop3A_324 : vector<1x16xf32> to vector<16xf32>
        %parallel_loop3A_326 = vector.shape_cast %parallel_loop3A_321 : vector<16xf32> to vector<1x16xf32>
        tpu.vector_store %arg19[%parallel_loop3A_322, %parallel_loop3A_323], %parallel_loop3A_326 {strides = array<i32>} : memref<64x128xf32, #tpu.memory_space<vmem>>, vector<1x16xf32>,
        %parallel_loop3A_327 = arith.index_cast %parallel_loop3A_292 : i32 to index
        %parallel_loop3A_328 = arith.constant 32 : index
        %parallel_loop3A_329 = tpu.vector_load %arg15[%parallel_loop3A_327, %parallel_loop3A_328] {strides = array<i32>} : memref<64x128xf32, #tpu.memory_space<vmem>>, vector<1x16xf32>,
        %parallel_loop3A_330 = vector.shape_cast %parallel_loop3A_329 : vector<1x16xf32> to vector<16xf32>
        %parallel_loop3A_331 = arith.index_cast %parallel_loop3A_292 : i32 to index
        %parallel_loop3A_332 = arith.constant 32 : index
        %parallel_loop3A_333 = tpu.vector_load %arg17[%parallel_loop3A_331, %parallel_loop3A_332] {strides = array<i32>} : memref<64x128xf32, #tpu.memory_space<vmem>>, vector<1x16xf32>,
        %parallel_loop3A_334 = vector.shape_cast %parallel_loop3A_333 : vector<1x16xf32> to vector<16xf32>
        %parallel_loop3A_335 = arith.addf %parallel_loop3A_330, %parallel_loop3A_334 : vector<16xf32>
        %parallel_loop3A_336 = arith.constant 0.000000e+00 : f32
        %parallel_loop3A_337 = vector.broadcast %parallel_loop3A_336 : f32 to vector<16xf32>
        %parallel_loop3A_338 = arith.maximumf %parallel_loop3A_335, %parallel_loop3A_337 : vector<16xf32>
        %parallel_loop3A_339 = arith.index_cast %parallel_loop3A_292 : i32 to index
        %parallel_loop3A_340 = arith.constant 32 : index
        %parallel_loop3A_341 = tpu.vector_load %arg19[%parallel_loop3A_339, %parallel_loop3A_340] {strides = array<i32>} : memref<64x128xf32, #tpu.memory_space<vmem>>, vector<1x16xf32>,
        %parallel_loop3A_342 = vector.shape_cast %parallel_loop3A_341 : vector<1x16xf32> to vector<16xf32>
        %parallel_loop3A_343 = vector.shape_cast %parallel_loop3A_338 : vector<16xf32> to vector<1x16xf32>
        tpu.vector_store %arg19[%parallel_loop3A_339, %parallel_loop3A_340], %parallel_loop3A_343 {strides = array<i32>} : memref<64x128xf32, #tpu.memory_space<vmem>>, vector<1x16xf32>,
        %parallel_loop3A_344 = arith.index_cast %parallel_loop3A_292 : i32 to index
        %parallel_loop3A_345 = arith.constant 48 : index
        %parallel_loop3A_346 = tpu.vector_load %arg15[%parallel_loop3A_344, %parallel_loop3A_345] {strides = array<i32>} : memref<64x128xf32, #tpu.memory_space<vmem>>, vector<1x16xf32>,
        %parallel_loop3A_347 = vector.shape_cast %parallel_loop3A_346 : vector<1x16xf32> to vector<16xf32>
        %parallel_loop3A_348 = arith.index_cast %parallel_loop3A_292 : i32 to index
        %parallel_loop3A_349 = arith.constant 48 : index
        %parallel_loop3A_350 = tpu.vector_load %arg17[%parallel_loop3A_348, %parallel_loop3A_349] {strides = array<i32>} : memref<64x128xf32, #tpu.memory_space<vmem>>, vector<1x16xf32>,
        %parallel_loop3A_351 = vector.shape_cast %parallel_loop3A_350 : vector<1x16xf32> to vector<16xf32>
        %parallel_loop3A_352 = arith.addf %parallel_loop3A_347, %parallel_loop3A_351 : vector<16xf32>
        %parallel_loop3A_353 = arith.constant 0.000000e+00 : f32
        %parallel_loop3A_354 = vector.broadcast %parallel_loop3A_353 : f32 to vector<16xf32>
        %parallel_loop3A_355 = arith.maximumf %parallel_loop3A_352, %parallel_loop3A_354 : vector<16xf32>
        %parallel_loop3A_356 = arith.index_cast %parallel_loop3A_292 : i32 to index
        %parallel_loop3A_357 = arith.constant 48 : index
        %parallel_loop3A_358 = tpu.vector_load %arg19[%parallel_loop3A_356, %parallel_loop3A_357] {strides = array<i32>} : memref<64x128xf32, #tpu.memory_space<vmem>>, vector<1x16xf32>,
        %parallel_loop3A_359 = vector.shape_cast %parallel_loop3A_358 : vector<1x16xf32> to vector<16xf32>
        %parallel_loop3A_360 = vector.shape_cast %parallel_loop3A_355 : vector<16xf32> to vector<1x16xf32>
        tpu.vector_store %arg19[%parallel_loop3A_356, %parallel_loop3A_357], %parallel_loop3A_360 {strides = array<i32>} : memref<64x128xf32, #tpu.memory_space<vmem>>, vector<1x16xf32>,
        %parallel_loop3A_361 = arith.index_cast %parallel_loop3A_292 : i32 to index
        %parallel_loop3A_362 = arith.constant 64 : index
        %parallel_loop3A_363 = tpu.vector_load %arg15[%parallel_loop3A_361, %parallel_loop3A_362] {strides = array<i32>} : memref<64x128xf32, #tpu.memory_space<vmem>>, vector<1x16xf32>,
        %parallel_loop3A_364 = vector.shape_cast %parallel_loop3A_363 : vector<1x16xf32> to vector<16xf32>
        %parallel_loop3A_365 = arith.index_cast %parallel_loop3A_292 : i32 to index
        %parallel_loop3A_366 = arith.constant 64 : index
        %parallel_loop3A_367 = tpu.vector_load %arg17[%parallel_loop3A_365, %parallel_loop3A_366] {strides = array<i32>} : memref<64x128xf32, #tpu.memory_space<vmem>>, vector<1x16xf32>,
        %parallel_loop3A_368 = vector.shape_cast %parallel_loop3A_367 : vector<1x16xf32> to vector<16xf32>
        %parallel_loop3A_369 = arith.addf %parallel_loop3A_364, %parallel_loop3A_368 : vector<16xf32>
        %parallel_loop3A_370 = arith.constant 0.000000e+00 : f32
        %parallel_loop3A_371 = vector.broadcast %parallel_loop3A_370 : f32 to vector<16xf32>
        %parallel_loop3A_372 = arith.maximumf %parallel_loop3A_369, %parallel_loop3A_371 : vector<16xf32>
        %parallel_loop3A_373 = arith.index_cast %parallel_loop3A_292 : i32 to index
        %parallel_loop3A_374 = arith.constant 64 : index
        %parallel_loop3A_375 = tpu.vector_load %arg19[%parallel_loop3A_373, %parallel_loop3A_374] {strides = array<i32>} : memref<64x128xf32, #tpu.memory_space<vmem>>, vector<1x16xf32>,
        %parallel_loop3A_376 = vector.shape_cast %parallel_loop3A_375 : vector<1x16xf32> to vector<16xf32>
        %parallel_loop3A_377 = vector.shape_cast %parallel_loop3A_372 : vector<16xf32> to vector<1x16xf32>
        tpu.vector_store %arg19[%parallel_loop3A_373, %parallel_loop3A_374], %parallel_loop3A_377 {strides = array<i32>} : memref<64x128xf32, #tpu.memory_space<vmem>>, vector<1x16xf32>,
        %parallel_loop3A_378 = arith.index_cast %parallel_loop3A_292 : i32 to index
        %parallel_loop3A_379 = arith.constant 80 : index
        %parallel_loop3A_380 = tpu.vector_load %arg15[%parallel_loop3A_378, %parallel_loop3A_379] {strides = array<i32>} : memref<64x128xf32, #tpu.memory_space<vmem>>, vector<1x16xf32>,
        %parallel_loop3A_381 = vector.shape_cast %parallel_loop3A_380 : vector<1x16xf32> to vector<16xf32>
        %parallel_loop3A_382 = arith.index_cast %parallel_loop3A_292 : i32 to index
        %parallel_loop3A_383 = arith.constant 80 : index
        %parallel_loop3A_384 = tpu.vector_load %arg17[%parallel_loop3A_382, %parallel_loop3A_383] {strides = array<i32>} : memref<64x128xf32, #tpu.memory_space<vmem>>, vector<1x16xf32>,
        %parallel_loop3A_385 = vector.shape_cast %parallel_loop3A_384 : vector<1x16xf32> to vector<16xf32>
        %parallel_loop3A_386 = arith.addf %parallel_loop3A_381, %parallel_loop3A_385 : vector<16xf32>
        %parallel_loop3A_387 = arith.constant 0.000000e+00 : f32
        %parallel_loop3A_388 = vector.broadcast %parallel_loop3A_387 : f32 to vector<16xf32>
        %parallel_loop3A_389 = arith.maximumf %parallel_loop3A_386, %parallel_loop3A_388 : vector<16xf32>
        %parallel_loop3A_390 = arith.index_cast %parallel_loop3A_292 : i32 to index
        %parallel_loop3A_391 = arith.constant 80 : index
        %parallel_loop3A_392 = tpu.vector_load %arg19[%parallel_loop3A_390, %parallel_loop3A_391] {strides = array<i32>} : memref<64x128xf32, #tpu.memory_space<vmem>>, vector<1x16xf32>,
        %parallel_loop3A_393 = vector.shape_cast %parallel_loop3A_392 : vector<1x16xf32> to vector<16xf32>
        %parallel_loop3A_394 = vector.shape_cast %parallel_loop3A_389 : vector<16xf32> to vector<1x16xf32>
        tpu.vector_store %arg19[%parallel_loop3A_390, %parallel_loop3A_391], %parallel_loop3A_394 {strides = array<i32>} : memref<64x128xf32, #tpu.memory_space<vmem>>, vector<1x16xf32>,
        %parallel_loop3A_395 = arith.index_cast %parallel_loop3A_292 : i32 to index
        %parallel_loop3A_396 = arith.constant 96 : index
        %parallel_loop3A_397 = tpu.vector_load %arg15[%parallel_loop3A_395, %parallel_loop3A_396] {strides = array<i32>} : memref<64x128xf32, #tpu.memory_space<vmem>>, vector<1x16xf32>,
        %parallel_loop3A_398 = vector.shape_cast %parallel_loop3A_397 : vector<1x16xf32> to vector<16xf32>
        %parallel_loop3A_399 = arith.index_cast %parallel_loop3A_292 : i32 to index
        %parallel_loop3A_400 = arith.constant 96 : index
        %parallel_loop3A_401 = tpu.vector_load %arg17[%parallel_loop3A_399, %parallel_loop3A_400] {strides = array<i32>} : memref<64x128xf32, #tpu.memory_space<vmem>>, vector<1x16xf32>,
        %parallel_loop3A_402 = vector.shape_cast %parallel_loop3A_401 : vector<1x16xf32> to vector<16xf32>
        %parallel_loop3A_403 = arith.addf %parallel_loop3A_398, %parallel_loop3A_402 : vector<16xf32>
        %parallel_loop3A_404 = arith.constant 0.000000e+00 : f32
        %parallel_loop3A_405 = vector.broadcast %parallel_loop3A_404 : f32 to vector<16xf32>
        %parallel_loop3A_406 = arith.maximumf %parallel_loop3A_403, %parallel_loop3A_405 : vector<16xf32>
        %parallel_loop3A_407 = arith.index_cast %parallel_loop3A_292 : i32 to index
        %parallel_loop3A_408 = arith.constant 96 : index
        %parallel_loop3A_409 = tpu.vector_load %arg19[%parallel_loop3A_407, %parallel_loop3A_408] {strides = array<i32>} : memref<64x128xf32, #tpu.memory_space<vmem>>, vector<1x16xf32>,
        %parallel_loop3A_410 = vector.shape_cast %parallel_loop3A_409 : vector<1x16xf32> to vector<16xf32>
        %parallel_loop3A_411 = vector.shape_cast %parallel_loop3A_406 : vector<16xf32> to vector<1x16xf32>
        tpu.vector_store %arg19[%parallel_loop3A_407, %parallel_loop3A_408], %parallel_loop3A_411 {strides = array<i32>} : memref<64x128xf32, #tpu.memory_space<vmem>>, vector<1x16xf32>,
        %parallel_loop3A_412 = arith.index_cast %parallel_loop3A_292 : i32 to index
        %parallel_loop3A_413 = arith.constant 112 : index
        %parallel_loop3A_414 = tpu.vector_load %arg15[%parallel_loop3A_412, %parallel_loop3A_413] {strides = array<i32>} : memref<64x128xf32, #tpu.memory_space<vmem>>, vector<1x16xf32>,
        %parallel_loop3A_415 = vector.shape_cast %parallel_loop3A_414 : vector<1x16xf32> to vector<16xf32>
        %parallel_loop3A_416 = arith.index_cast %parallel_loop3A_292 : i32 to index
        %parallel_loop3A_417 = arith.constant 112 : index
        %parallel_loop3A_418 = tpu.vector_load %arg17[%parallel_loop3A_416, %parallel_loop3A_417] {strides = array<i32>} : memref<64x128xf32, #tpu.memory_space<vmem>>, vector<1x16xf32>,
        %parallel_loop3A_419 = vector.shape_cast %parallel_loop3A_418 : vector<1x16xf32> to vector<16xf32>
        %parallel_loop3A_420 = arith.addf %parallel_loop3A_415, %parallel_loop3A_419 : vector<16xf32>
        %parallel_loop3A_421 = arith.constant 0.000000e+00 : f32
        %parallel_loop3A_422 = vector.broadcast %parallel_loop3A_421 : f32 to vector<16xf32>
        %parallel_loop3A_423 = arith.maximumf %parallel_loop3A_420, %parallel_loop3A_422 : vector<16xf32>
        %parallel_loop3A_424 = arith.index_cast %parallel_loop3A_292 : i32 to index
        %parallel_loop3A_425 = arith.constant 112 : index
        %parallel_loop3A_426 = tpu.vector_load %arg19[%parallel_loop3A_424, %parallel_loop3A_425] {strides = array<i32>} : memref<64x128xf32, #tpu.memory_space<vmem>>, vector<1x16xf32>,
        %parallel_loop3A_427 = vector.shape_cast %parallel_loop3A_426 : vector<1x16xf32> to vector<16xf32>
        %parallel_loop3A_428 = vector.shape_cast %parallel_loop3A_423 : vector<16xf32> to vector<1x16xf32>
        tpu.vector_store %arg19[%parallel_loop3A_424, %parallel_loop3A_425], %parallel_loop3A_428 {strides = array<i32>} : memref<64x128xf32, #tpu.memory_space<vmem>>, vector<1x16xf32>,
      } {sc.loop_unroll_factor = 4 : i64, sc.parallel_access}
      %mul3A_277 = arith.constant 64 : i32
      %mul3A_278 = arith.muli %add3A_244, %mul3A_277 : i32
      %add3A_279 = arith.addi %add3A_6, %mul3A_278 : i32
      %dma_wait3A_280 = tpu.memref_slice %arg3[%add3A_279] : memref<640000xi32, #tpu.memory_space<hbm>> -> memref<64xi32, #tpu.memory_space<hbm>>
      %dma_wait3A_281 = tpu.memref_slice %arg3[%add3A_279] : memref<640000xi32, #tpu.memory_space<hbm>> -> memref<64xi32, #tpu.memory_space<hbm>>
      tpu.wait_dma2 semaphore(%arg26 : memref<!tpu.dma_semaphore, #tpu.memory_space<semaphore_mem>>) src(%dma_wait3A_281 : memref<64xi32, #tpu.memory_space<hbm>>) dst(%arg12 : memref<64xi32, #tpu.memory_space<vmem>>)
      %dma_start3A_282 = arith.constant 0 : i32
      %dma_start3A_283 = arith.constant 0 : i32
      %dma_start3A_284 = tpu.memref_slice %arg20[%dma_start3A_282, %dma_start3A_283] : memref<10000x128xf32, #tpu.memory_space<vmem_shared>> -> memref<10000x128xf32, #tpu.memory_space<vmem_shared>>
      tpu.enqueue_indirect_dma source(%arg19 : memref<64x128xf32, #tpu.memory_space<vmem>>) target(%dma_start3A_284 : memref<10000x128xf32, #tpu.memory_space<vmem_shared>>) offsets(%arg12 : memref<64xi32, #tpu.memory_space<vmem>>) semaphore(%arg32 : memref<!tpu.dma_semaphore, #tpu.memory_space<semaphore_mem>>) {add = true}
      %add3A_285 = arith.constant 2 : i32
      %add3A_286 = arith.addi %add3A_244, %add3A_285 : i32
      %lt3A_287 = arith.constant 156 : i32
      %lt3A_288 = arith.cmpi slt, %add3A_286, %lt3A_287 : i32
      %convert_element_type3A_289 = arith.extui %lt3A_288 : i1 to i32
      %cond3A_290 = arith.constant 0 : i32
      %cond3A_291 = arith.cmpi ne, %convert_element_type3A_289, %cond3A_290 : i32
      scf.if %cond3A_291 {
        %add3A_292 = arith.constant 2 : i32
        %add3A_293 = arith.addi %add3A_244, %add3A_292 : i32
        %mul3A_294 = arith.constant 64 : i32
        %mul3A_295 = arith.muli %add3A_293, %mul3A_294 : i32
        %add3A_296 = arith.addi %mul3A_2, %mul3A_295 : i32
        %dma_start3A_297 = arith.constant 0 : i32
        %dma_start3A_298 = tpu.memref_slice %arg4[%add3A_296, %dma_start3A_297] : memref<320000x128xf32, #tpu.memory_space<hbm>> -> memref<64x128xf32, #tpu.memory_space<hbm>>
        %dma_start3A_299 = arith.constant 0 : i32
        %dma_start3A_300 = tpu.memref_slice %arg4[%add3A_296, %dma_start3A_299] : memref<320000x128xf32, #tpu.memory_space<hbm>> -> memref<64x128xf32, #tpu.memory_space<hbm>>
        tpu.enqueue_dma source(%dma_start3A_300 : memref<64x128xf32, #tpu.memory_space<hbm>>) target(%arg15 : memref<64x128xf32, #tpu.memory_space<vmem>>) target_semaphore(%arg28 : memref<!tpu.dma_semaphore, #tpu.memory_space<semaphore_mem>>)
      } else {
      }
    }
    %scan3A_74 = arith.constant 39 : i32
    %add3A_75 = arith.constant 9984 : i32
    %add3A_76 = arith.addi %mul3A_2, %add3A_75 : i32
    "tpu.region"() ({
      %run_scoped3A = tpu.sem_alloc : memref<!tpu.dma_semaphore, #tpu.memory_space<semaphore_mem>>
      %dma_start3A_93 = tpu.memref_slice %arg3[%add3A_76] : memref<640000xi32, #tpu.memory_space<hbm>> -> memref<16xi32, #tpu.memory_space<hbm>>
      %dma_start3A_94 = tpu.memref_slice %arg3[%add3A_76] : memref<640000xi32, #tpu.memory_space<hbm>> -> memref<16xi32, #tpu.memory_space<hbm>>
      tpu.enqueue_dma source(%dma_start3A_94 : memref<16xi32, #tpu.memory_space<hbm>>) target(%arg8 : memref<16xi32, #tpu.memory_space<vmem>>) target_semaphore(%run_scoped3A : memref<!tpu.dma_semaphore, #tpu.memory_space<semaphore_mem>>)
      %dma_wait3A_95 = tpu.memref_slice %arg3[%add3A_76] : memref<640000xi32, #tpu.memory_space<hbm>> -> memref<16xi32, #tpu.memory_space<hbm>>
      %dma_wait3A_96 = tpu.memref_slice %arg3[%add3A_76] : memref<640000xi32, #tpu.memory_space<hbm>> -> memref<16xi32, #tpu.memory_space<hbm>>
      tpu.wait_dma2 semaphore(%run_scoped3A : memref<!tpu.dma_semaphore, #tpu.memory_space<semaphore_mem>>) src(%dma_wait3A_96 : memref<16xi32, #tpu.memory_space<hbm>>) dst(%arg8 : memref<16xi32, #tpu.memory_space<vmem>>)
      tpu.yield
    }) : () -> ()
    %add3A_77 = arith.constant 320000 : i32
    %add3A_78 = arith.addi %add3A_77, %add3A_76 : i32
    "tpu.region"() ({
      %run_scoped3A = tpu.sem_alloc : memref<!tpu.dma_semaphore, #tpu.memory_space<semaphore_mem>>
      %dma_start3A_93 = tpu.memref_slice %arg3[%add3A_78] : memref<640000xi32, #tpu.memory_space<hbm>> -> memref<16xi32, #tpu.memory_space<hbm>>
      %dma_start3A_94 = tpu.memref_slice %arg3[%add3A_78] : memref<640000xi32, #tpu.memory_space<hbm>> -> memref<16xi32, #tpu.memory_space<hbm>>
      tpu.enqueue_dma source(%dma_start3A_94 : memref<16xi32, #tpu.memory_space<hbm>>) target(%arg13 : memref<16xi32, #tpu.memory_space<vmem>>) target_semaphore(%run_scoped3A : memref<!tpu.dma_semaphore, #tpu.memory_space<semaphore_mem>>)
      %dma_wait3A_95 = tpu.memref_slice %arg3[%add3A_78] : memref<640000xi32, #tpu.memory_space<hbm>> -> memref<16xi32, #tpu.memory_space<hbm>>
      %dma_wait3A_96 = tpu.memref_slice %arg3[%add3A_78] : memref<640000xi32, #tpu.memory_space<hbm>> -> memref<16xi32, #tpu.memory_space<hbm>>
      tpu.wait_dma2 semaphore(%run_scoped3A : memref<!tpu.dma_semaphore, #tpu.memory_space<semaphore_mem>>) src(%dma_wait3A_96 : memref<16xi32, #tpu.memory_space<hbm>>) dst(%arg13 : memref<16xi32, #tpu.memory_space<vmem>>)
      tpu.yield
    }) : () -> ()
    "tpu.region"() ({
      %run_scoped3A = tpu.sem_alloc : memref<!tpu.dma_semaphore, #tpu.memory_space<semaphore_mem>>
      %dma_start3A_93 = arith.constant 0 : i32
      %dma_start3A_94 = arith.constant 0 : i32
      %dma_start3A_95 = tpu.memref_slice %arg14[%dma_start3A_93, %dma_start3A_94] : memref<64x128xf32, #tpu.memory_space<vmem>> -> memref<16x128xf32, #tpu.memory_space<vmem>>
      %dma_start3A_96 = arith.constant 0 : i32
      %dma_start3A_97 = tpu.memref_slice %arg4[%add3A_76, %dma_start3A_96] : memref<320000x128xf32, #tpu.memory_space<hbm>> -> memref<16x128xf32, #tpu.memory_space<hbm>>
      %dma_start3A_98 = arith.constant 0 : i32
      %dma_start3A_99 = arith.constant 0 : i32
      %dma_start3A_100 = tpu.memref_slice %arg14[%dma_start3A_98, %dma_start3A_99] : memref<64x128xf32, #tpu.memory_space<vmem>> -> memref<16x128xf32, #tpu.memory_space<vmem>>
      %dma_start3A_101 = arith.constant 0 : i32
      %dma_start3A_102 = tpu.memref_slice %arg4[%add3A_76, %dma_start3A_101] : memref<320000x128xf32, #tpu.memory_space<hbm>> -> memref<16x128xf32, #tpu.memory_space<hbm>>
      tpu.enqueue_dma source(%dma_start3A_102 : memref<16x128xf32, #tpu.memory_space<hbm>>) target(%dma_start3A_100 : memref<16x128xf32, #tpu.memory_space<vmem>>) target_semaphore(%run_scoped3A : memref<!tpu.dma_semaphore, #tpu.memory_space<semaphore_mem>>)
      %dma_wait3A_103 = arith.constant 0 : i32
      %dma_wait3A_104 = arith.constant 0 : i32
      %dma_wait3A_105 = tpu.memref_slice %arg14[%dma_wait3A_103, %dma_wait3A_104] : memref<64x128xf32, #tpu.memory_space<vmem>> -> memref<16x128xf32, #tpu.memory_space<vmem>>
      %dma_wait3A_106 = arith.constant 0 : i32
      %dma_wait3A_107 = tpu.memref_slice %arg4[%add3A_76, %dma_wait3A_106] : memref<320000x128xf32, #tpu.memory_space<hbm>> -> memref<16x128xf32, #tpu.memory_space<hbm>>
      %dma_wait3A_108 = arith.constant 0 : i32
      %dma_wait3A_109 = arith.constant 0 : i32
      %dma_wait3A_110 = tpu.memref_slice %arg14[%dma_wait3A_108, %dma_wait3A_109] : memref<64x128xf32, #tpu.memory_space<vmem>> -> memref<16x128xf32, #tpu.memory_space<vmem>>
      %dma_wait3A_111 = arith.constant 0 : i32
      %dma_wait3A_112 = tpu.memref_slice %arg4[%add3A_76, %dma_wait3A_111] : memref<320000x128xf32, #tpu.memory_space<hbm>> -> memref<16x128xf32, #tpu.memory_space<hbm>>
      tpu.wait_dma2 semaphore(%run_scoped3A : memref<!tpu.dma_semaphore, #tpu.memory_space<semaphore_mem>>) src(%dma_wait3A_112 : memref<16x128xf32, #tpu.memory_space<hbm>>) dst(%dma_wait3A_110 : memref<16x128xf32, #tpu.memory_space<vmem>>)
      tpu.yield
    }) : () -> ()
    "tpu.region"() ({
      %run_scoped3A = tpu.sem_alloc : memref<!tpu.dma_semaphore, #tpu.memory_space<semaphore_mem>>
      %dma_start3A_93 = arith.constant 0 : i32
      %dma_start3A_94 = arith.constant 0 : i32
      %dma_start3A_95 = tpu.memref_slice %arg16[%dma_start3A_93, %dma_start3A_94] : memref<64x128xf32, #tpu.memory_space<vmem>> -> memref<16x128xf32, #tpu.memory_space<vmem>>
      %dma_start3A_96 = arith.constant 0 : i32
      %dma_start3A_97 = arith.constant 0 : i32
      %dma_start3A_98 = tpu.memref_slice %arg2[%dma_start3A_96, %dma_start3A_97] : memref<10000x128xf32, #tpu.memory_space<hbm>> -> memref<10000x128xf32, #tpu.memory_space<hbm>>
      tpu.enqueue_indirect_dma source(%dma_start3A_98 : memref<10000x128xf32, #tpu.memory_space<hbm>>) target(%dma_start3A_95 : memref<16x128xf32, #tpu.memory_space<vmem>>) offsets(%arg8 : memref<16xi32, #tpu.memory_space<vmem>>) semaphore(%run_scoped3A : memref<!tpu.dma_semaphore, #tpu.memory_space<semaphore_mem>>)
      %dma_wait3A_99 = arith.constant 0 : i32
      %dma_wait3A_100 = arith.constant 0 : i32
      %dma_wait3A_101 = tpu.memref_slice %arg16[%dma_wait3A_99, %dma_wait3A_100] : memref<64x128xf32, #tpu.memory_space<vmem>> -> memref<16x128xf32, #tpu.memory_space<vmem>>
      %dma_wait3A_102 = arith.constant 0 : i32
      %dma_wait3A_103 = arith.constant 0 : i32
      %dma_wait3A_104 = tpu.memref_slice %arg2[%dma_wait3A_102, %dma_wait3A_103] : memref<10000x128xf32, #tpu.memory_space<hbm>> -> memref<10000x128xf32, #tpu.memory_space<hbm>>
      tpu.wait_indirect_dma semaphore(%run_scoped3A : memref<!tpu.dma_semaphore, #tpu.memory_space<semaphore_mem>>) src(%dma_wait3A_104 : memref<10000x128xf32, #tpu.memory_space<hbm>>) dst(%dma_wait3A_101 : memref<16x128xf32, #tpu.memory_space<vmem>>)
      tpu.yield
    }) : () -> ()
    %dma_wait3A_79 = arith.constant 0 : i32
    %dma_wait3A_80 = arith.constant 0 : i32
    %dma_wait3A_81 = tpu.memref_slice %arg20[%dma_wait3A_79, %dma_wait3A_80] : memref<10000x128xf32, #tpu.memory_space<vmem_shared>> -> memref<10000x128xf32, #tpu.memory_space<vmem_shared>>
    tpu.wait_indirect_dma semaphore(%arg31 : memref<!tpu.dma_semaphore, #tpu.memory_space<semaphore_mem>>) src(%arg18 : memref<64x128xf32, #tpu.memory_space<vmem>>) dst(%dma_wait3A_81 : memref<10000x128xf32, #tpu.memory_space<vmem_shared>>)
    %parallel_loop3A = arith.constant 0 : i32
    %parallel_loop3A_82 = arith.constant 16 : i32
    %parallel_loop3A_83 = arith.constant 1 : i32
    scf.for %parallel_loop3A_93 = %parallel_loop3A to %parallel_loop3A_82 step %parallel_loop3A_83  : i32 {
      %parallel_loop3A_94 = arith.index_cast %parallel_loop3A_93 : i32 to index
      %parallel_loop3A_95 = arith.constant 0 : index
      %parallel_loop3A_96 = tpu.vector_load %arg14[%parallel_loop3A_94, %parallel_loop3A_95] {strides = array<i32>} : memref<64x128xf32, #tpu.memory_space<vmem>>, vector<1x16xf32>,
      %parallel_loop3A_97 = vector.shape_cast %parallel_loop3A_96 : vector<1x16xf32> to vector<16xf32>
      %parallel_loop3A_98 = arith.index_cast %parallel_loop3A_93 : i32 to index
      %parallel_loop3A_99 = arith.constant 0 : index
      %parallel_loop3A_100 = tpu.vector_load %arg16[%parallel_loop3A_98, %parallel_loop3A_99] {strides = array<i32>} : memref<64x128xf32, #tpu.memory_space<vmem>>, vector<1x16xf32>,
      %parallel_loop3A_101 = vector.shape_cast %parallel_loop3A_100 : vector<1x16xf32> to vector<16xf32>
      %parallel_loop3A_102 = arith.addf %parallel_loop3A_97, %parallel_loop3A_101 : vector<16xf32>
      %parallel_loop3A_103 = arith.constant 0.000000e+00 : f32
      %parallel_loop3A_104 = vector.broadcast %parallel_loop3A_103 : f32 to vector<16xf32>
      %parallel_loop3A_105 = arith.maximumf %parallel_loop3A_102, %parallel_loop3A_104 : vector<16xf32>
      %parallel_loop3A_106 = arith.index_cast %parallel_loop3A_93 : i32 to index
      %parallel_loop3A_107 = arith.constant 0 : index
      %parallel_loop3A_108 = tpu.vector_load %arg18[%parallel_loop3A_106, %parallel_loop3A_107] {strides = array<i32>} : memref<64x128xf32, #tpu.memory_space<vmem>>, vector<1x16xf32>,
      %parallel_loop3A_109 = vector.shape_cast %parallel_loop3A_108 : vector<1x16xf32> to vector<16xf32>
      %parallel_loop3A_110 = vector.shape_cast %parallel_loop3A_105 : vector<16xf32> to vector<1x16xf32>
      tpu.vector_store %arg18[%parallel_loop3A_106, %parallel_loop3A_107], %parallel_loop3A_110 {strides = array<i32>} : memref<64x128xf32, #tpu.memory_space<vmem>>, vector<1x16xf32>,
      %parallel_loop3A_111 = arith.index_cast %parallel_loop3A_93 : i32 to index
      %parallel_loop3A_112 = arith.constant 16 : index
      %parallel_loop3A_113 = tpu.vector_load %arg14[%parallel_loop3A_111, %parallel_loop3A_112] {strides = array<i32>} : memref<64x128xf32, #tpu.memory_space<vmem>>, vector<1x16xf32>,
      %parallel_loop3A_114 = vector.shape_cast %parallel_loop3A_113 : vector<1x16xf32> to vector<16xf32>
      %parallel_loop3A_115 = arith.index_cast %parallel_loop3A_93 : i32 to index
      %parallel_loop3A_116 = arith.constant 16 : index
      %parallel_loop3A_117 = tpu.vector_load %arg16[%parallel_loop3A_115, %parallel_loop3A_116] {strides = array<i32>} : memref<64x128xf32, #tpu.memory_space<vmem>>, vector<1x16xf32>,
      %parallel_loop3A_118 = vector.shape_cast %parallel_loop3A_117 : vector<1x16xf32> to vector<16xf32>
      %parallel_loop3A_119 = arith.addf %parallel_loop3A_114, %parallel_loop3A_118 : vector<16xf32>
      %parallel_loop3A_120 = arith.constant 0.000000e+00 : f32
      %parallel_loop3A_121 = vector.broadcast %parallel_loop3A_120 : f32 to vector<16xf32>
      %parallel_loop3A_122 = arith.maximumf %parallel_loop3A_119, %parallel_loop3A_121 : vector<16xf32>
      %parallel_loop3A_123 = arith.index_cast %parallel_loop3A_93 : i32 to index
      %parallel_loop3A_124 = arith.constant 16 : index
      %parallel_loop3A_125 = tpu.vector_load %arg18[%parallel_loop3A_123, %parallel_loop3A_124] {strides = array<i32>} : memref<64x128xf32, #tpu.memory_space<vmem>>, vector<1x16xf32>,
      %parallel_loop3A_126 = vector.shape_cast %parallel_loop3A_125 : vector<1x16xf32> to vector<16xf32>
      %parallel_loop3A_127 = vector.shape_cast %parallel_loop3A_122 : vector<16xf32> to vector<1x16xf32>
      tpu.vector_store %arg18[%parallel_loop3A_123, %parallel_loop3A_124], %parallel_loop3A_127 {strides = array<i32>} : memref<64x128xf32, #tpu.memory_space<vmem>>, vector<1x16xf32>,
      %parallel_loop3A_128 = arith.index_cast %parallel_loop3A_93 : i32 to index
      %parallel_loop3A_129 = arith.constant 32 : index
      %parallel_loop3A_130 = tpu.vector_load %arg14[%parallel_loop3A_128, %parallel_loop3A_129] {strides = array<i32>} : memref<64x128xf32, #tpu.memory_space<vmem>>, vector<1x16xf32>,
      %parallel_loop3A_131 = vector.shape_cast %parallel_loop3A_130 : vector<1x16xf32> to vector<16xf32>
      %parallel_loop3A_132 = arith.index_cast %parallel_loop3A_93 : i32 to index
      %parallel_loop3A_133 = arith.constant 32 : index
      %parallel_loop3A_134 = tpu.vector_load %arg16[%parallel_loop3A_132, %parallel_loop3A_133] {strides = array<i32>} : memref<64x128xf32, #tpu.memory_space<vmem>>, vector<1x16xf32>,
      %parallel_loop3A_135 = vector.shape_cast %parallel_loop3A_134 : vector<1x16xf32> to vector<16xf32>
      %parallel_loop3A_136 = arith.addf %parallel_loop3A_131, %parallel_loop3A_135 : vector<16xf32>
      %parallel_loop3A_137 = arith.constant 0.000000e+00 : f32
      %parallel_loop3A_138 = vector.broadcast %parallel_loop3A_137 : f32 to vector<16xf32>
      %parallel_loop3A_139 = arith.maximumf %parallel_loop3A_136, %parallel_loop3A_138 : vector<16xf32>
      %parallel_loop3A_140 = arith.index_cast %parallel_loop3A_93 : i32 to index
      %parallel_loop3A_141 = arith.constant 32 : index
      %parallel_loop3A_142 = tpu.vector_load %arg18[%parallel_loop3A_140, %parallel_loop3A_141] {strides = array<i32>} : memref<64x128xf32, #tpu.memory_space<vmem>>, vector<1x16xf32>,
      %parallel_loop3A_143 = vector.shape_cast %parallel_loop3A_142 : vector<1x16xf32> to vector<16xf32>
      %parallel_loop3A_144 = vector.shape_cast %parallel_loop3A_139 : vector<16xf32> to vector<1x16xf32>
      tpu.vector_store %arg18[%parallel_loop3A_140, %parallel_loop3A_141], %parallel_loop3A_144 {strides = array<i32>} : memref<64x128xf32, #tpu.memory_space<vmem>>, vector<1x16xf32>,
      %parallel_loop3A_145 = arith.index_cast %parallel_loop3A_93 : i32 to index
      %parallel_loop3A_146 = arith.constant 48 : index
      %parallel_loop3A_147 = tpu.vector_load %arg14[%parallel_loop3A_145, %parallel_loop3A_146] {strides = array<i32>} : memref<64x128xf32, #tpu.memory_space<vmem>>, vector<1x16xf32>,
      %parallel_loop3A_148 = vector.shape_cast %parallel_loop3A_147 : vector<1x16xf32> to vector<16xf32>
      %parallel_loop3A_149 = arith.index_cast %parallel_loop3A_93 : i32 to index
      %parallel_loop3A_150 = arith.constant 48 : index
      %parallel_loop3A_151 = tpu.vector_load %arg16[%parallel_loop3A_149, %parallel_loop3A_150] {strides = array<i32>} : memref<64x128xf32, #tpu.memory_space<vmem>>, vector<1x16xf32>,
      %parallel_loop3A_152 = vector.shape_cast %parallel_loop3A_151 : vector<1x16xf32> to vector<16xf32>
      %parallel_loop3A_153 = arith.addf %parallel_loop3A_148, %parallel_loop3A_152 : vector<16xf32>
      %parallel_loop3A_154 = arith.constant 0.000000e+00 : f32
      %parallel_loop3A_155 = vector.broadcast %parallel_loop3A_154 : f32 to vector<16xf32>
      %parallel_loop3A_156 = arith.maximumf %parallel_loop3A_153, %parallel_loop3A_155 : vector<16xf32>
      %parallel_loop3A_157 = arith.index_cast %parallel_loop3A_93 : i32 to index
      %parallel_loop3A_158 = arith.constant 48 : index
      %parallel_loop3A_159 = tpu.vector_load %arg18[%parallel_loop3A_157, %parallel_loop3A_158] {strides = array<i32>} : memref<64x128xf32, #tpu.memory_space<vmem>>, vector<1x16xf32>,
      %parallel_loop3A_160 = vector.shape_cast %parallel_loop3A_159 : vector<1x16xf32> to vector<16xf32>
      %parallel_loop3A_161 = vector.shape_cast %parallel_loop3A_156 : vector<16xf32> to vector<1x16xf32>
      tpu.vector_store %arg18[%parallel_loop3A_157, %parallel_loop3A_158], %parallel_loop3A_161 {strides = array<i32>} : memref<64x128xf32, #tpu.memory_space<vmem>>, vector<1x16xf32>,
      %parallel_loop3A_162 = arith.index_cast %parallel_loop3A_93 : i32 to index
      %parallel_loop3A_163 = arith.constant 64 : index
      %parallel_loop3A_164 = tpu.vector_load %arg14[%parallel_loop3A_162, %parallel_loop3A_163] {strides = array<i32>} : memref<64x128xf32, #tpu.memory_space<vmem>>, vector<1x16xf32>,
      %parallel_loop3A_165 = vector.shape_cast %parallel_loop3A_164 : vector<1x16xf32> to vector<16xf32>
      %parallel_loop3A_166 = arith.index_cast %parallel_loop3A_93 : i32 to index
      %parallel_loop3A_167 = arith.constant 64 : index
      %parallel_loop3A_168 = tpu.vector_load %arg16[%parallel_loop3A_166, %parallel_loop3A_167] {strides = array<i32>} : memref<64x128xf32, #tpu.memory_space<vmem>>, vector<1x16xf32>,
      %parallel_loop3A_169 = vector.shape_cast %parallel_loop3A_168 : vector<1x16xf32> to vector<16xf32>
      %parallel_loop3A_170 = arith.addf %parallel_loop3A_165, %parallel_loop3A_169 : vector<16xf32>
      %parallel_loop3A_171 = arith.constant 0.000000e+00 : f32
      %parallel_loop3A_172 = vector.broadcast %parallel_loop3A_171 : f32 to vector<16xf32>
      %parallel_loop3A_173 = arith.maximumf %parallel_loop3A_170, %parallel_loop3A_172 : vector<16xf32>
      %parallel_loop3A_174 = arith.index_cast %parallel_loop3A_93 : i32 to index
      %parallel_loop3A_175 = arith.constant 64 : index
      %parallel_loop3A_176 = tpu.vector_load %arg18[%parallel_loop3A_174, %parallel_loop3A_175] {strides = array<i32>} : memref<64x128xf32, #tpu.memory_space<vmem>>, vector<1x16xf32>,
      %parallel_loop3A_177 = vector.shape_cast %parallel_loop3A_176 : vector<1x16xf32> to vector<16xf32>
      %parallel_loop3A_178 = vector.shape_cast %parallel_loop3A_173 : vector<16xf32> to vector<1x16xf32>
      tpu.vector_store %arg18[%parallel_loop3A_174, %parallel_loop3A_175], %parallel_loop3A_178 {strides = array<i32>} : memref<64x128xf32, #tpu.memory_space<vmem>>, vector<1x16xf32>,
      %parallel_loop3A_179 = arith.index_cast %parallel_loop3A_93 : i32 to index
      %parallel_loop3A_180 = arith.constant 80 : index
      %parallel_loop3A_181 = tpu.vector_load %arg14[%parallel_loop3A_179, %parallel_loop3A_180] {strides = array<i32>} : memref<64x128xf32, #tpu.memory_space<vmem>>, vector<1x16xf32>,
      %parallel_loop3A_182 = vector.shape_cast %parallel_loop3A_181 : vector<1x16xf32> to vector<16xf32>
      %parallel_loop3A_183 = arith.index_cast %parallel_loop3A_93 : i32 to index
      %parallel_loop3A_184 = arith.constant 80 : index
      %parallel_loop3A_185 = tpu.vector_load %arg16[%parallel_loop3A_183, %parallel_loop3A_184] {strides = array<i32>} : memref<64x128xf32, #tpu.memory_space<vmem>>, vector<1x16xf32>,
      %parallel_loop3A_186 = vector.shape_cast %parallel_loop3A_185 : vector<1x16xf32> to vector<16xf32>
      %parallel_loop3A_187 = arith.addf %parallel_loop3A_182, %parallel_loop3A_186 : vector<16xf32>
      %parallel_loop3A_188 = arith.constant 0.000000e+00 : f32
      %parallel_loop3A_189 = vector.broadcast %parallel_loop3A_188 : f32 to vector<16xf32>
      %parallel_loop3A_190 = arith.maximumf %parallel_loop3A_187, %parallel_loop3A_189 : vector<16xf32>
      %parallel_loop3A_191 = arith.index_cast %parallel_loop3A_93 : i32 to index
      %parallel_loop3A_192 = arith.constant 80 : index
      %parallel_loop3A_193 = tpu.vector_load %arg18[%parallel_loop3A_191, %parallel_loop3A_192] {strides = array<i32>} : memref<64x128xf32, #tpu.memory_space<vmem>>, vector<1x16xf32>,
      %parallel_loop3A_194 = vector.shape_cast %parallel_loop3A_193 : vector<1x16xf32> to vector<16xf32>
      %parallel_loop3A_195 = vector.shape_cast %parallel_loop3A_190 : vector<16xf32> to vector<1x16xf32>
      tpu.vector_store %arg18[%parallel_loop3A_191, %parallel_loop3A_192], %parallel_loop3A_195 {strides = array<i32>} : memref<64x128xf32, #tpu.memory_space<vmem>>, vector<1x16xf32>,
      %parallel_loop3A_196 = arith.index_cast %parallel_loop3A_93 : i32 to index
      %parallel_loop3A_197 = arith.constant 96 : index
      %parallel_loop3A_198 = tpu.vector_load %arg14[%parallel_loop3A_196, %parallel_loop3A_197] {strides = array<i32>} : memref<64x128xf32, #tpu.memory_space<vmem>>, vector<1x16xf32>,
      %parallel_loop3A_199 = vector.shape_cast %parallel_loop3A_198 : vector<1x16xf32> to vector<16xf32>
      %parallel_loop3A_200 = arith.index_cast %parallel_loop3A_93 : i32 to index
      %parallel_loop3A_201 = arith.constant 96 : index
      %parallel_loop3A_202 = tpu.vector_load %arg16[%parallel_loop3A_200, %parallel_loop3A_201] {strides = array<i32>} : memref<64x128xf32, #tpu.memory_space<vmem>>, vector<1x16xf32>,
      %parallel_loop3A_203 = vector.shape_cast %parallel_loop3A_202 : vector<1x16xf32> to vector<16xf32>
      %parallel_loop3A_204 = arith.addf %parallel_loop3A_199, %parallel_loop3A_203 : vector<16xf32>
      %parallel_loop3A_205 = arith.constant 0.000000e+00 : f32
      %parallel_loop3A_206 = vector.broadcast %parallel_loop3A_205 : f32 to vector<16xf32>
      %parallel_loop3A_207 = arith.maximumf %parallel_loop3A_204, %parallel_loop3A_206 : vector<16xf32>
      %parallel_loop3A_208 = arith.index_cast %parallel_loop3A_93 : i32 to index
      %parallel_loop3A_209 = arith.constant 96 : index
      %parallel_loop3A_210 = tpu.vector_load %arg18[%parallel_loop3A_208, %parallel_loop3A_209] {strides = array<i32>} : memref<64x128xf32, #tpu.memory_space<vmem>>, vector<1x16xf32>,
      %parallel_loop3A_211 = vector.shape_cast %parallel_loop3A_210 : vector<1x16xf32> to vector<16xf32>
      %parallel_loop3A_212 = vector.shape_cast %parallel_loop3A_207 : vector<16xf32> to vector<1x16xf32>
      tpu.vector_store %arg18[%parallel_loop3A_208, %parallel_loop3A_209], %parallel_loop3A_212 {strides = array<i32>} : memref<64x128xf32, #tpu.memory_space<vmem>>, vector<1x16xf32>,
      %parallel_loop3A_213 = arith.index_cast %parallel_loop3A_93 : i32 to index
      %parallel_loop3A_214 = arith.constant 112 : index
      %parallel_loop3A_215 = tpu.vector_load %arg14[%parallel_loop3A_213, %parallel_loop3A_214] {strides = array<i32>} : memref<64x128xf32, #tpu.memory_space<vmem>>, vector<1x16xf32>,
      %parallel_loop3A_216 = vector.shape_cast %parallel_loop3A_215 : vector<1x16xf32> to vector<16xf32>
      %parallel_loop3A_217 = arith.index_cast %parallel_loop3A_93 : i32 to index
      %parallel_loop3A_218 = arith.constant 112 : index
      %parallel_loop3A_219 = tpu.vector_load %arg16[%parallel_loop3A_217, %parallel_loop3A_218] {strides = array<i32>} : memref<64x128xf32, #tpu.memory_space<vmem>>, vector<1x16xf32>,
      %parallel_loop3A_220 = vector.shape_cast %parallel_loop3A_219 : vector<1x16xf32> to vector<16xf32>
      %parallel_loop3A_221 = arith.addf %parallel_loop3A_216, %parallel_loop3A_220 : vector<16xf32>
      %parallel_loop3A_222 = arith.constant 0.000000e+00 : f32
      %parallel_loop3A_223 = vector.broadcast %parallel_loop3A_222 : f32 to vector<16xf32>
      %parallel_loop3A_224 = arith.maximumf %parallel_loop3A_221, %parallel_loop3A_223 : vector<16xf32>
      %parallel_loop3A_225 = arith.index_cast %parallel_loop3A_93 : i32 to index
      %parallel_loop3A_226 = arith.constant 112 : index
      %parallel_loop3A_227 = tpu.vector_load %arg18[%parallel_loop3A_225, %parallel_loop3A_226] {strides = array<i32>} : memref<64x128xf32, #tpu.memory_space<vmem>>, vector<1x16xf32>,
      %parallel_loop3A_228 = vector.shape_cast %parallel_loop3A_227 : vector<1x16xf32> to vector<16xf32>
      %parallel_loop3A_229 = vector.shape_cast %parallel_loop3A_224 : vector<16xf32> to vector<1x16xf32>
      tpu.vector_store %arg18[%parallel_loop3A_225, %parallel_loop3A_226], %parallel_loop3A_229 {strides = array<i32>} : memref<64x128xf32, #tpu.memory_space<vmem>>, vector<1x16xf32>,
    } {sc.loop_unroll_factor = 4 : i64, sc.parallel_access}
    "tpu.region"() ({
      %run_scoped3A = tpu.sem_alloc : memref<!tpu.dma_semaphore, #tpu.memory_space<semaphore_mem>>
      %dma_start3A_93 = arith.constant 0 : i32
      %dma_start3A_94 = arith.constant 0 : i32
      %dma_start3A_95 = tpu.memref_slice %arg18[%dma_start3A_93, %dma_start3A_94] : memref<64x128xf32, #tpu.memory_space<vmem>> -> memref<16x128xf32, #tpu.memory_space<vmem>>
      %dma_start3A_96 = arith.constant 0 : i32
      %dma_start3A_97 = arith.constant 0 : i32
      %dma_start3A_98 = tpu.memref_slice %arg20[%dma_start3A_96, %dma_start3A_97] : memref<10000x128xf32, #tpu.memory_space<vmem_shared>> -> memref<10000x128xf32, #tpu.memory_space<vmem_shared>>
      tpu.enqueue_indirect_dma source(%dma_start3A_95 : memref<16x128xf32, #tpu.memory_space<vmem>>) target(%dma_start3A_98 : memref<10000x128xf32, #tpu.memory_space<vmem_shared>>) offsets(%arg13 : memref<16xi32, #tpu.memory_space<vmem>>) semaphore(%run_scoped3A : memref<!tpu.dma_semaphore, #tpu.memory_space<semaphore_mem>>) {add = true}
      %dma_wait3A_99 = arith.constant 0 : i32
      %dma_wait3A_100 = arith.constant 0 : i32
      %dma_wait3A_101 = tpu.memref_slice %arg18[%dma_wait3A_99, %dma_wait3A_100] : memref<64x128xf32, #tpu.memory_space<vmem>> -> memref<16x128xf32, #tpu.memory_space<vmem>>
      %dma_wait3A_102 = arith.constant 0 : i32
      %dma_wait3A_103 = arith.constant 0 : i32
      %dma_wait3A_104 = tpu.memref_slice %arg20[%dma_wait3A_102, %dma_wait3A_103] : memref<10000x128xf32, #tpu.memory_space<vmem_shared>> -> memref<10000x128xf32, #tpu.memory_space<vmem_shared>>
      tpu.wait_indirect_dma semaphore(%run_scoped3A : memref<!tpu.dma_semaphore, #tpu.memory_space<semaphore_mem>>) src(%dma_wait3A_101 : memref<16x128xf32, #tpu.memory_space<vmem>>) dst(%dma_wait3A_104 : memref<10000x128xf32, #tpu.memory_space<vmem_shared>>)
      tpu.yield
    }) : () -> ()
    %dma_wait3A_84 = arith.constant 0 : i32
    %dma_wait3A_85 = arith.constant 0 : i32
    %dma_wait3A_86 = tpu.memref_slice %arg20[%dma_wait3A_84, %dma_wait3A_85] : memref<10000x128xf32, #tpu.memory_space<vmem_shared>> -> memref<10000x128xf32, #tpu.memory_space<vmem_shared>>
    tpu.wait_indirect_dma semaphore(%arg32 : memref<!tpu.dma_semaphore, #tpu.memory_space<semaphore_mem>>) src(%arg19 : memref<64x128xf32, #tpu.memory_space<vmem>>) dst(%dma_wait3A_86 : memref<10000x128xf32, #tpu.memory_space<vmem_shared>>)
    %barrier3A_87 = arith.constant 0 : index
    tpu.barrier barrier_id(%barrier3A_87)
    "tpu.region"() ({
      %run_scoped3A = tpu.sem_alloc : memref<!tpu.dma_semaphore, #tpu.memory_space<semaphore_mem>>
      %dma_start3A_93 = arith.constant 0 : i32
      %dma_start3A_94 = tpu.memref_slice %arg5[%arg0, %mul3A_47, %dma_start3A_93] : memref<2x10000x128xf32, #tpu.memory_space<hbm>> -> memref<1x624x128xf32, #tpu.memory_space<hbm>>
      %dma_start3A_95 = tpu.memref_squeeze %dma_start3A_94 : memref<1x624x128xf32, #tpu.memory_space<hbm>> -> memref<624x128xf32, #tpu.memory_space<hbm>>
      %dma_start3A_96 = arith.constant 0 : i32
      %dma_start3A_97 = tpu.memref_slice %arg20[%mul3A_47, %dma_start3A_96] : memref<10000x128xf32, #tpu.memory_space<vmem_shared>> -> memref<624x128xf32, #tpu.memory_space<vmem_shared>>
      tpu.enqueue_dma source(%dma_start3A_97 : memref<624x128xf32, #tpu.memory_space<vmem_shared>>) target(%dma_start3A_95 : memref<624x128xf32, #tpu.memory_space<hbm>>) target_semaphore(%run_scoped3A : memref<!tpu.dma_semaphore, #tpu.memory_space<semaphore_mem>>)
      %dma_wait3A_98 = arith.constant 0 : i32
      %dma_wait3A_99 = tpu.memref_slice %arg5[%arg0, %mul3A_47, %dma_wait3A_98] : memref<2x10000x128xf32, #tpu.memory_space<hbm>> -> memref<1x624x128xf32, #tpu.memory_space<hbm>>
      %dma_wait3A_100 = tpu.memref_squeeze %dma_wait3A_99 : memref<1x624x128xf32, #tpu.memory_space<hbm>> -> memref<624x128xf32, #tpu.memory_space<hbm>>
      %dma_wait3A_101 = arith.constant 0 : i32
      %dma_wait3A_102 = tpu.memref_slice %arg20[%mul3A_47, %dma_wait3A_101] : memref<10000x128xf32, #tpu.memory_space<vmem_shared>> -> memref<624x128xf32, #tpu.memory_space<vmem_shared>>
      tpu.wait_dma2 semaphore(%run_scoped3A : memref<!tpu.dma_semaphore, #tpu.memory_space<semaphore_mem>>) src(%dma_wait3A_102 : memref<624x128xf32, #tpu.memory_space<vmem_shared>>) dst(%dma_wait3A_100 : memref<624x128xf32, #tpu.memory_space<hbm>>)
      tpu.yield
    }) : () -> ()
    %eq3A_88 = arith.constant 15 : i32
    %eq3A_89 = arith.cmpi eq, %arg1, %eq3A_88 : i32
    %convert_element_type3A_90 = arith.extui %eq3A_89 : i1 to i32
    %cond3A_91 = arith.constant 0 : i32
    %cond3A_92 = arith.cmpi ne, %convert_element_type3A_90, %cond3A_91 : i32
    scf.if %cond3A_92 {
      "tpu.region"() ({
        %run_scoped3A = tpu.sem_alloc : memref<!tpu.dma_semaphore, #tpu.memory_space<semaphore_mem>>
        %dma_start3A_93 = arith.constant 9984 : i32
        %dma_start3A_94 = arith.constant 0 : i32
        %dma_start3A_95 = tpu.memref_slice %arg5[%arg0, %dma_start3A_93, %dma_start3A_94] : memref<2x10000x128xf32, #tpu.memory_space<hbm>> -> memref<1x16x128xf32, #tpu.memory_space<hbm>>
        %dma_start3A_96 = tpu.memref_squeeze %dma_start3A_95 : memref<1x16x128xf32, #tpu.memory_space<hbm>> -> memref<16x128xf32, #tpu.memory_space<hbm>>
        %dma_start3A_97 = arith.constant 9984 : i32
        %dma_start3A_98 = arith.constant 0 : i32
        %dma_start3A_99 = tpu.memref_slice %arg20[%dma_start3A_97, %dma_start3A_98] : memref<10000x128xf32, #tpu.memory_space<vmem_shared>> -> memref<16x128xf32, #tpu.memory_space<vmem_shared>>
        tpu.enqueue_dma source(%dma_start3A_99 : memref<16x128xf32, #tpu.memory_space<vmem_shared>>) target(%dma_start3A_96 : memref<16x128xf32, #tpu.memory_space<hbm>>) target_semaphore(%run_scoped3A : memref<!tpu.dma_semaphore, #tpu.memory_space<semaphore_mem>>)
        %dma_wait3A_100 = arith.constant 9984 : i32
        %dma_wait3A_101 = arith.constant 0 : i32
        %dma_wait3A_102 = tpu.memref_slice %arg5[%arg0, %dma_wait3A_100, %dma_wait3A_101] : memref<2x10000x128xf32, #tpu.memory_space<hbm>> -> memref<1x16x128xf32, #tpu.memory_space<hbm>>
        %dma_wait3A_103 = tpu.memref_squeeze %dma_wait3A_102 : memref<1x16x128xf32, #tpu.memory_space<hbm>> -> memref<16x128xf32, #tpu.memory_space<hbm>>
        %dma_wait3A_104 = arith.constant 9984 : i32
        %dma_wait3A_105 = arith.constant 0 : i32
        %dma_wait3A_106 = tpu.memref_slice %arg20[%dma_wait3A_104, %dma_wait3A_105] : memref<10000x128xf32, #tpu.memory_space<vmem_shared>> -> memref<16x128xf32, #tpu.memory_space<vmem_shared>>
        tpu.wait_dma2 semaphore(%run_scoped3A : memref<!tpu.dma_semaphore, #tpu.memory_space<semaphore_mem>>) src(%dma_wait3A_106 : memref<16x128xf32, #tpu.memory_space<vmem_shared>>) dst(%dma_wait3A_103 : memref<16x128xf32, #tpu.memory_space<hbm>>)
        tpu.yield
      }) : () -> ()
    } else {
    }
    return
  }
}

module attributes {stable_mosaic.version = 14 : i64} {
  func.func @_tc_body(%arg0: i32, %arg1: memref<2000x128xf32, #tpu.memory_space<vmem>>, %arg2: memref<2x2000x128xf32, #tpu.memory_space<vmem>>, %arg3: memref<128x128xf32, #tpu.memory_space<vmem>>, %arg4: memref<1x128xf32, #tpu.memory_space<vmem>>, %arg5: memref<128x128xf32, #tpu.memory_space<vmem>>, %arg6: memref<1x128xf32, #tpu.memory_space<vmem>>, %arg7: memref<1x1xf32, #tpu.memory_space<vmem>>, %arg8: memref<1x128xf32, #tpu.memory_space<vmem>>, %arg9: memref<1x128xf32, #tpu.memory_space<vmem>>, %arg10: memref<2000x128xf32, #tpu.memory_space<vmem>>) attributes {dimension_semantics = [#tpu.dimension_semantics<arbitrary>], iteration_bounds = array<i64: 5>, scalar_prefetch = 0 : i64, scratch_operands = 0 : i64, tpu.core_type = #tpu.core_type<tc>, window_params = [{transform_indices = @transform_0, window_bounds = array<i64: 2000, 128>}, {transform_indices = @transform_1, window_bounds = array<i64: 2, 2000, 128>}, {pipeline_mode = #tpu.pipeline_mode<synchronous>, transform_indices = @transform_2, window_bounds = array<i64: 128, 128>}, {pipeline_mode = #tpu.pipeline_mode<synchronous>, transform_indices = @transform_3, window_bounds = array<i64: 1, 128>}, {pipeline_mode = #tpu.pipeline_mode<synchronous>, transform_indices = @transform_4, window_bounds = array<i64: 128, 128>}, {pipeline_mode = #tpu.pipeline_mode<synchronous>, transform_indices = @transform_5, window_bounds = array<i64: 1, 128>}, {pipeline_mode = #tpu.pipeline_mode<synchronous>, transform_indices = @transform_6, window_bounds = array<i64: 1, 1>}, {pipeline_mode = #tpu.pipeline_mode<synchronous>, transform_indices = @transform_7, window_bounds = array<i64: 1, 128>}, {pipeline_mode = #tpu.pipeline_mode<synchronous>, transform_indices = @transform_8, window_bounds = array<i64: 1, 128>}, {transform_indices = @transform_9, window_bounds = array<i64: 2000, 128>}]} {
    %get3A = arith.constant 0 : index
    %get3A_0 = arith.constant 0 : index
    %get3A_1 = vector.load %arg1[%get3A, %get3A_0] : memref<2000x128xf32, #tpu.memory_space<vmem>>, vector<2000x128xf32>
    %get3A_2 = arith.constant 0 : index
    %get3A_3 = arith.constant 0 : index
    %get3A_4 = vector.load %arg7[%get3A_2, %get3A_3] : memref<1x1xf32, #tpu.memory_space<vmem>>, vector<1x1xf32>
    %get3A_5 = vector.extract %get3A_4[0, 0] : f32 from vector<1x1xf32>
    %add3A = arith.constant 1.000000e+00 : f32
    %add3A_6 = arith.addf %add3A, %get3A_5 : f32
    %mul3A = vector.broadcast %add3A_6 : f32 to vector<2000x128xf32>
    %mul3A_7 = arith.mulf %get3A_1, %mul3A : vector<2000x128xf32>
    %get3A_8 = arith.constant 0 : index
    %get3A_9 = arith.constant 0 : index
    %get3A_10 = arith.constant 0 : index
    %get3A_11 = vector.load %arg2[%get3A_8, %get3A_9, %get3A_10] : memref<2x2000x128xf32, #tpu.memory_space<vmem>>, vector<1x2000x128xf32>
    %get3A_12 = vector.shape_cast %get3A_11 : vector<1x2000x128xf32> to vector<2000x128xf32>
    %add3A_13 = arith.addf %mul3A_7, %get3A_12 : vector<2000x128xf32>
    %get3A_14 = arith.constant 1 : index
    %get3A_15 = arith.constant 0 : index
    %get3A_16 = arith.constant 0 : index
    %get3A_17 = vector.load %arg2[%get3A_14, %get3A_15, %get3A_16] : memref<2x2000x128xf32, #tpu.memory_space<vmem>>, vector<1x2000x128xf32>
    %get3A_18 = vector.shape_cast %get3A_17 : vector<1x2000x128xf32> to vector<2000x128xf32>
    %add3A_19 = arith.addf %add3A_13, %get3A_18 : vector<2000x128xf32>
    %get3A_20 = arith.constant 0 : index
    %get3A_21 = arith.constant 0 : index
    %get3A_22 = vector.load %arg3[%get3A_20, %get3A_21] : memref<128x128xf32, #tpu.memory_space<vmem>>, vector<128x128xf32>
    %dot_general3A = arith.constant dense<0.000000e+00> : vector<2000x128xf32>
    %dot_general3A_23 = tpu.matmul %add3A_19, %get3A_22, %dot_general3A {dimension_numbers = #tpu.dot_dimension_numbers<[1], [0], [0], [1], [0, 0, 1, 1], [], []>, transpose_lhs_hint = false} : vector<2000x128xf32>, vector<128x128xf32>, vector<2000x128xf32> -> vector<2000x128xf32>
    %get3A_24 = arith.constant 0 : index
    %get3A_25 = arith.constant 0 : index
    %get3A_26 = vector.load %arg4[%get3A_24, %get3A_25] : memref<1x128xf32, #tpu.memory_space<vmem>>, vector<1x128xf32>
    %add3A_27 = vector.broadcast %get3A_26 : vector<1x128xf32> to vector<2000x128xf32>
    %add3A_28 = arith.addf %dot_general3A_23, %add3A_27 : vector<2000x128xf32>
    %max3A = arith.constant 0.000000e+00 : f32
    %max3A_29 = vector.broadcast %max3A : f32 to vector<2000x128xf32>
    %max3A_30 = arith.maximumf %add3A_28, %max3A_29 : vector<2000x128xf32>
    %get3A_31 = arith.constant 0 : index
    %get3A_32 = arith.constant 0 : index
    %get3A_33 = vector.load %arg5[%get3A_31, %get3A_32] : memref<128x128xf32, #tpu.memory_space<vmem>>, vector<128x128xf32>
    %dot_general3A_34 = arith.constant dense<0.000000e+00> : vector<2000x128xf32>
    %dot_general3A_35 = tpu.matmul %max3A_30, %get3A_33, %dot_general3A_34 {dimension_numbers = #tpu.dot_dimension_numbers<[1], [0], [0], [1], [0, 0, 1, 1], [], []>, transpose_lhs_hint = false} : vector<2000x128xf32>, vector<128x128xf32>, vector<2000x128xf32> -> vector<2000x128xf32>
    %get3A_36 = arith.constant 0 : index
    %get3A_37 = arith.constant 0 : index
    %get3A_38 = vector.load %arg6[%get3A_36, %get3A_37] : memref<1x128xf32, #tpu.memory_space<vmem>>, vector<1x128xf32>
    %add3A_39 = vector.broadcast %get3A_38 : vector<1x128xf32> to vector<2000x128xf32>
    %add3A_40 = arith.addf %dot_general3A_35, %add3A_39 : vector<2000x128xf32>
    %reduce_sum3A = arith.constant dense<0.000000e+00> : vector<2000xf32>
    %reduce_sum3A_41 = vector.multi_reduction <add>, %add3A_40, %reduce_sum3A [1] : vector<2000x128xf32> to vector<2000xf32>
    %broadcast_in_dim3A = vector.shape_cast %reduce_sum3A_41 : vector<2000xf32> to vector<2000x1xf32>
    %div3A = arith.constant 1.280000e+02 : f32
    %div3A_42 = vector.broadcast %div3A : f32 to vector<2000x1xf32>
    %div3A_43 = arith.divf %broadcast_in_dim3A, %div3A_42 : vector<2000x1xf32>
    %sub3A = vector.broadcast %div3A_43 : vector<2000x1xf32> to vector<2000x128xf32>
    %sub3A_44 = arith.subf %add3A_40, %sub3A : vector<2000x128xf32>
    %mul3A_45 = arith.mulf %sub3A_44, %sub3A_44 : vector<2000x128xf32>
    %reduce_sum3A_46 = arith.constant dense<0.000000e+00> : vector<2000xf32>
    %reduce_sum3A_47 = vector.multi_reduction <add>, %mul3A_45, %reduce_sum3A_46 [1] : vector<2000x128xf32> to vector<2000xf32>
    %broadcast_in_dim3A_48 = vector.shape_cast %reduce_sum3A_47 : vector<2000xf32> to vector<2000x1xf32>
    %div3A_49 = arith.constant 1.280000e+02 : f32
    %div3A_50 = vector.broadcast %div3A_49 : f32 to vector<2000x1xf32>
    %div3A_51 = arith.divf %broadcast_in_dim3A_48, %div3A_50 : vector<2000x1xf32>
    %add3A_52 = arith.constant 9.99999974E-6 : f32
    %add3A_53 = vector.broadcast %add3A_52 : f32 to vector<2000x1xf32>
    %add3A_54 = arith.addf %div3A_51, %add3A_53 : vector<2000x1xf32>
    %rsqrt3A = math.rsqrt %add3A_54 : vector<2000x1xf32>
    %mul3A_55 = vector.broadcast %rsqrt3A : vector<2000x1xf32> to vector<2000x128xf32>
    %mul3A_56 = arith.mulf %sub3A_44, %mul3A_55 : vector<2000x128xf32>
    %get3A_57 = arith.constant 0 : index
    %get3A_58 = arith.constant 0 : index
    %get3A_59 = vector.load %arg8[%get3A_57, %get3A_58] : memref<1x128xf32, #tpu.memory_space<vmem>>, vector<1x128xf32>
    %mul3A_60 = vector.broadcast %get3A_59 : vector<1x128xf32> to vector<2000x128xf32>
    %mul3A_61 = arith.mulf %mul3A_56, %mul3A_60 : vector<2000x128xf32>
    %get3A_62 = arith.constant 0 : index
    %get3A_63 = arith.constant 0 : index
    %get3A_64 = vector.load %arg9[%get3A_62, %get3A_63] : memref<1x128xf32, #tpu.memory_space<vmem>>, vector<1x128xf32>
    %add3A_65 = vector.broadcast %get3A_64 : vector<1x128xf32> to vector<2000x128xf32>
    %add3A_66 = arith.addf %mul3A_61, %add3A_65 : vector<2000x128xf32>
    %max3A_67 = arith.constant 0.000000e+00 : f32
    %max3A_68 = vector.broadcast %max3A_67 : f32 to vector<2000x128xf32>
    %max3A_69 = arith.maximumf %add3A_66, %max3A_68 : vector<2000x128xf32>
    %swap3A = arith.constant 0 : index
    %swap3A_70 = arith.constant 0 : index
    %swap3A_71 = vector.load %arg10[%swap3A, %swap3A_70] : memref<2000x128xf32, #tpu.memory_space<vmem>>, vector<2000x128xf32>
    tpu.vector_store %arg10[%swap3A, %swap3A_70], %max3A_69 {strides = array<i32>} : memref<2000x128xf32, #tpu.memory_space<vmem>>, vector<2000x128xf32>,
    return
  }
  func.func @transform_0(%arg0: i32) -> (i32, i32) {
    %c0_i32 = arith.constant 0 : i32
    %c0_i32_0 = arith.constant 0 : i32
    return %arg0, %c0_i32 : i32, i32
  }
  func.func @transform_1(%arg0: i32) -> (i32, i32, i32) {
    %c0_i32 = arith.constant 0 : i32
    %c0_i32_0 = arith.constant 0 : i32
    %c0_i32_1 = arith.constant 0 : i32
    return %c0_i32, %arg0, %c0_i32_0 : i32, i32, i32
  }
  func.func @transform_2(%arg0: i32) -> (i32, i32) {
    %c0_i32 = arith.constant 0 : i32
    %c0_i32_0 = arith.constant 0 : i32
    %c0_i32_1 = arith.constant 0 : i32
    return %c0_i32, %c0_i32_0 : i32, i32
  }
  func.func @transform_3(%arg0: i32) -> (i32, i32) {
    %c0_i32 = arith.constant 0 : i32
    %c0_i32_0 = arith.constant 0 : i32
    %c0_i32_1 = arith.constant 0 : i32
    return %c0_i32, %c0_i32_0 : i32, i32
  }
  func.func @transform_4(%arg0: i32) -> (i32, i32) {
    %c0_i32 = arith.constant 0 : i32
    %c0_i32_0 = arith.constant 0 : i32
    %c0_i32_1 = arith.constant 0 : i32
    return %c0_i32, %c0_i32_0 : i32, i32
  }
  func.func @transform_5(%arg0: i32) -> (i32, i32) {
    %c0_i32 = arith.constant 0 : i32
    %c0_i32_0 = arith.constant 0 : i32
    %c0_i32_1 = arith.constant 0 : i32
    return %c0_i32, %c0_i32_0 : i32, i32
  }
  func.func @transform_6(%arg0: i32) -> (i32, i32) {
    %c0_i32 = arith.constant 0 : i32
    %c0_i32_0 = arith.constant 0 : i32
    %c0_i32_1 = arith.constant 0 : i32
    return %c0_i32, %c0_i32_0 : i32, i32
  }
  func.func @transform_7(%arg0: i32) -> (i32, i32) {
    %c0_i32 = arith.constant 0 : i32
    %c0_i32_0 = arith.constant 0 : i32
    %c0_i32_1 = arith.constant 0 : i32
    return %c0_i32, %c0_i32_0 : i32, i32
  }
  func.func @transform_8(%arg0: i32) -> (i32, i32) {
    %c0_i32 = arith.constant 0 : i32
    %c0_i32_0 = arith.constant 0 : i32
    %c0_i32_1 = arith.constant 0 : i32
    return %c0_i32, %c0_i32_0 : i32, i32
  }
  func.func @transform_9(%arg0: i32) -> (i32, i32) {
    %c0_i32 = arith.constant 0 : i32
    %c0_i32_0 = arith.constant 0 : i32
    return %arg0, %c0_i32 : i32, i32
  }
}

</mosaic_0001>

<sc_bundles>
// kernel: kernel.4.cloned.1.call-start
scs
__scs_entry_jumppad:
0x0: {  	(pc) =	sbr.rel $0x88, $3  }
0x1: {  	(tag) =	ssettag $0x0;
	lr =	simm.s32 $0x1  }
0x2: {  	[smem:$0x3F97] =	sst lr;
	_ =	strace $0xD0000000  }
0x3: {  	_ = 	snop  }
0x4: {  	_ = 	snop  }
0x5: {  	_ = 	snop  }
0x6: {  	_ = 	snop  }
0x7: {  	_ = 	snop  }
__scs_overlays_trampoline_lowered:
0x8: {  	[smem:$0x3FA6] =	sst s0  }
0x9: {  	[smem:$0x3FA7] =	sst s1  }
0xa: {  	[smem:$0x3FA8] =	sst s2  }
0xb: {  	[smem:$0x3FA9] =	sst s3  }
0xc: {  	[smem:$0x3FAA] =	sst s4  }
0xd: {  	[smem:$0x3FAB] =	sst s5  }
0xe: {  	[smem:$0x3FAC] =	sst s6  }
0xf: {  	[smem:$0x3FAD] =	sst s7  }
0x10: {  	[smem:$0x3FAE] =	sst s8  }
0x11: {  	[smem:$0x3FAF] =	sst s9;
	s0 =	simm.s32 @!p0 $0x0  }
0x12: {  	s1 =	sld [smem:$0x3F95];
	s0 =	simm.s32 @p0 $0x1  }
0x13: {  	[smem:$0x3FB0] =	sst s0;
	s0 =	simm.s32 @!p1 $0x0  }
0x14: {  	s2 =	sld [smem:$0x3F94];
	s0 =	simm.s32 @p1 $0x1  }
0x15: {  	[smem:$0x3FB1] =	sst s0;
	s0 =	simm.s32 @!p2 $0x0  }
0x16: {  	s3 =	sld [smem:$0x3FDB];
	s0 =	simm.s32 @p2 $0x1  }
0x17: {  	s4 =	simm.s32 $0x1BF5;
	[smem:$0x3FB3] =	sst s0  }
0x18: {  	s0 =	sld [smem:$0x3F96];
	_ =	swait.ge [sflag:s4], $0x0  }
0x19: {  	s7 =	sld [smem:$0x3F97]  }
0x1a: {  	s8 =	sadd.s32 $0xFFFFE003, lr  }
0x1b: {  	s9 =	sadd.s32 $0xFFFFFEF7, lr;
	s5 =	simm.s32 $0xFFFFFFFF;
	p2 =	slt.u32 s8, $0xFFFFF086  }
0x1c: {  	p1 =	slt.u32 s9, $0xF7A;
	s5 =	simm.s32 @!p2 $0x0  }
0x1d: {  	s5 =	simm.s32 @p1 $0x1;
	p0 =	seq.s32 s7, s2  }
0x1e: {  	s7 =	smul.u32 @!p0 $0xF7A, s2;
	p2 =	seq.s32 @!p0 s5, $0x0  }
0x1f: {  	s9 =	smul.u32 $0xF7A, s1;
	s8 =	simm.s32 @!p0 $0x1BF5;
	p2 =	por !p2, p0  }
0x20: {  	[sflag:s8] =	ssyncset.s32 @!p0 $0xFFFFF086;
	s6 =	sadd.s32 @!p0 s3, s7;
	s7 =	simm.s32 @!p0 $0x108  }
0x21: {  	s3 =	sadd.s32 s3, s9;
	s6 =	sadd.s32 @!p0 $0x88, s6;
	s7 =	simm.s32 @p2 $0x1082  }
0x22: {  	[simem:s7], [sflag:s8] =	dma.local @!p0 [hbm:s6], $0xF7A  }
0x23: {  	s9 =	sor.u32 $0xD0000000, s2;
	s6 =	simm.s32 $0x108;
	_ =	swait.ge @!p0 [sflag:s8], $0x0  }
0x24: {  	s3 =	sadd.s32 $0x88, s3;
	s6 =	simm.s32 @!p1 $0x1082;
	[sflag:s4] =	ssyncset.s32 $0xFFFFF086  }
0x25: {  	[simem:s6], [sflag:s4] =	dma.local [hbm:s3], $0xF7A  }
0x26: {  	[smem:$0x3F97] =	sst s1;
	(tag) =	ssettag s2;
	_ =	strace s9  }
0x27: {  	s1 =	sld [smem:$0x3FA7]  }
0x28: {  	s2 =	sld [smem:$0x3FA8]  }
0x29: {  	s4 =	sld [smem:$0x3FAA]  }
0x2a: {  	p0 =	seq.s32 s5, $0x0;
	s5 =	sld [smem:$0x3FAB]  }
0x2b: {  	s6 =	sld [smem:$0x3FAC]  }
0x2c: {  	s7 =	sld [smem:$0x3FAD]  }
0x2d: {  	s3 =	simm.s32 $0x108;
	s8 =	sld [smem:$0x3FAE]  }
0x2e: {  	s3 =	simm.s32 @!p0 $0x1082;
	s9 =	sld [smem:$0x3FAF]  }
0x2f: {  	lr =	sadd.s32 s0, s3;
	s0 =	sld [smem:$0x3FA6]  }
0x30: {  	s3 =	sld [smem:$0x3FA9]  }
0x31: {  	[smem:$0x3FB2] =	sst s10  }
0x32: {  	s10 =	sld [smem:$0x3FB0];
	_ =	sdelay $0x3  }
0x33: {  	p0 =	seq.s32 s10, $0x1;
	s10 =	sld [smem:$0x3FB2];
	_ =	sdelay $0x3  }
0x34: {  	[smem:$0x3FB2] =	sst s10  }
0x35: {  	s10 =	sld [smem:$0x3FB1];
	_ =	sdelay $0x3  }
0x36: {  	p1 =	seq.s32 s10, $0x1;
	s10 =	sld [smem:$0x3FB2];
	_ =	sdelay $0x3  }
0x37: {  	[smem:$0x3FB2] =	sst s10  }
0x38: {  	s10 =	sld [smem:$0x3FB3]  }
0x39: {  	_ = 	snop;
	(pc) =	sbr.ind lr, $3  }
0x3a: {  	_ = 	snop  }
0x3b: {  	_ = 	snop  }
0x3c: {  	p2 =	seq.s32 s10, $0x1;
	s10 =	sld [smem:$0x3FB2]  }
0x3d: {  	_ =	shalt  }
0x3e: {  	_ =	shalt  }
0x3f: {  	_ =	shalt  }
0x40: {  	_ =	shalt  }
0x41: {  	_ =	shalt  }
0x42: {  	_ =	shalt  }
0x43: {  	_ =	shalt  }
0x44: {  	_ =	shalt  }
0x45: {  	_ =	shalt  }
0x46: {  	_ =	shalt  }
0x47: {  	_ =	shalt  }
0x48: {  	_ =	shalt  }
0x49: {  	_ =	shalt  }
0x4a: {  	_ =	shalt  }
0x4b: {  	_ =	shalt  }
0x4c: {  	_ =	shalt  }
0x4d: {  	_ =	shalt  }
0x4e: {  	_ =	shalt  }
0x4f: {  	_ =	shalt  }
0x50: {  	_ =	shalt  }
0x51: {  	_ =	shalt  }
0x52: {  	_ =	shalt  }
0x53: {  	_ =	shalt  }
0x54: {  	_ =	shalt  }
0x55: {  	_ =	shalt  }
0x56: {  	_ =	shalt  }
0x57: {  	_ =	shalt  }
0x58: {  	_ =	shalt  }
0x59: {  	_ =	shalt  }
0x5a: {  	_ =	shalt  }
0x5b: {  	_ =	shalt  }
0x5c: {  	_ =	shalt  }
0x5d: {  	_ =	shalt  }
0x5e: {  	_ =	shalt  }
0x5f: {  	_ =	shalt  }
0x60: {  	_ =	shalt  }
0x61: {  	_ =	shalt  }
0x62: {  	_ =	shalt  }
0x63: {  	_ =	shalt  }
0x64: {  	_ =	shalt  }
0x65: {  	_ =	shalt  }
0x66: {  	_ =	shalt  }
0x67: {  	_ =	shalt  }
0x68: {  	_ =	shalt  }
0x69: {  	_ =	shalt  }
0x6a: {  	_ =	shalt  }
0x6b: {  	_ =	shalt  }
0x6c: {  	_ =	shalt  }
0x6d: {  	_ =	shalt  }
0x6e: {  	_ =	shalt  }
0x6f: {  	_ =	shalt  }
0x70: {  	_ =	shalt  }
0x71: {  	_ =	shalt  }
0x72: {  	_ =	shalt  }
0x73: {  	_ =	shalt  }
0x74: {  	_ =	shalt  }
0x75: {  	_ =	shalt  }
0x76: {  	_ =	shalt  }
0x77: {  	_ =	shalt  }
0x78: {  	_ =	shalt  }
0x79: {  	_ =	shalt  }
0x7a: {  	_ =	shalt  }
0x7b: {  	_ =	shalt  }
0x7c: {  	_ =	shalt  }
0x7d: {  	_ =	shalt  }
0x7e: {  	_ =	shalt  }
0x7f: {  	_ =	shalt  }
0x80: {  	_ =	shalt  }
0x81: {  	_ =	shalt  }
0x82: {  	_ =	shalt  }
0x83: {  	_ =	shalt  }
0x84: {  	_ =	shalt  }
0x85: {  	_ =	shalt  }
0x86: {  	_ =	shalt  }
0x87: {  	_ =	shalt  }
.Lfunc_end0:
.L_simem_size_0:
called_computation_lowered:
.L_overlay_start_0:
0x88: {  	s2 =	sld [smem:$0x3FD9]  }
0x89: {  	s3 =	sld [smem:$0x3FFE];
	_ =	sdelay $0x1  }
0x8a: {  	s1 =	srdreg.scid  }
0x8b: {  	s0 =	sand.u32 $0x1, s1  }
0x8c: {  	s17 =	sshll.u32 s0, $0xA;
	s2 =	sadd.s32 s3, s2  }
0x8d: {  	s2 =	sadd.s32 s2, s17  }
0x8e: {  	[smem:$0x3FBE] =	sst s2  }
0x8f: {  	_ = 	snop  }
0x90: {  	s2 =	sld [smem:$0x3FC9]  }
0x91: {  	s18 =	sld [smem:$0x3FC7]  }
0x92: {  	s4 =	sld [smem:$0x3FD0];
	(tm) =	ssettm $0x1  }
0x93: {  	s5 =	sld [smem:$0x3FFB];
	_ =	sdelay $0x3  }
0x94: {  	_ =	strace s5  }
0x95: {  	s5 =	sld [smem:$0x3FFC];
	_ =	sdelay $0x3  }
0x96: {  	_ =	strace s5  }
0x97: {  	s5 =	sld [smem:$0x3FFD];
	_ =	sdelay $0x3  }
0x98: {  	_ =	strace s5  }
0x99: {  	_ =	strace $0x8FFFFFFF  }
0x9a: {  	s19 =	sld [smem:$0x3FDB];
	_ =	sdelay $0x1  }
0x9b: {  	s6 =	simm.s32 $_scs_section_size  }
0x9c: {  	s7 =	simm.s32 $_size__tile_overlayer_lowered;
	s8 =	simm.s32 $_tile_overlayer_lowered  }
0x9d: {  	s22 =	simm.s32 $0x1BFF;
	s21 =	sshll.u32 s8, $0x1;
	s5 =	sadd.s32 s6, s19  }
0x9e: {  	s9 =	simm.s32 $0x0;
	s20 =	sshll.u32 s7, $0x1;
	s7 =	sadd.s32 s21, s5  }
0x9f: {  	[timem:s9], [sflag:s22] =	dma.local [hbm:s7], s20  }
0xa0: {  	_ =	swait.ge [sflag:s22], s20  }
0xa1: {  	s6 =	ssub.s32 $0x0, s20;
	[sflag:s22] =	ssyncset.done $0x0  }
0xa2: {  	[sflag:s22] =	ssyncadd.s32 s6;
	_ =	sdelay $0x1  }
0xa3: {  	s23 =	simm.s32 $0x1B8B  }
0xa4: {  	_ =	swait.ge [sflag:s23], $0x1  }
0xa5: {  	[sflag:s23] =	ssyncset.done $0x0  }
0xa6: {  	s25 =	simm.s32 $0x1B8E;
	s24 =	sld [smem:$0x3FFE];
	[sflag:s23] =	ssyncadd.s32 $0xFFFFFFFF  }
0xa7: {  	s26 =	simm.s32 $execute0_lowered;
	[smem:$0x3FD2] =	sst s25  }
0xa8: {  	s7 =	sshll.u32 s26, $0x1;
	_ =	strace $0x80000046;
	[dreg:$0x1] =	wrdreg $0xFFFFFFFF  }
0xa9: {  	s28 =	simm.s32 $_size_execute0_lowered;
	s5 =	sadd.s32 s5, s7;
	[dreg:$0x0] =	wrdreg $0x0  }
0xaa: {  	s7 =	sshll.u32 s28, $0x1;
	[dreg:$0x2] =	wrdreg s5  }
0xab: {  	[dreg:$0x3] =	wrdreg s7  }
0xac: {  	[dreg:$0x4] =	wrdreg $0xC0  }
0xad: {  	_ =	task [dreg:s9], $0x5FFFF  }
0xae: {  	[dreg:$0x1] =	wrdreg $0xFFFFFFFF  }
0xaf: {  	[dreg:$0x0] =	wrdreg $0x60  }
0xb0: {  	[dreg:$0x2] =	wrdreg s2  }
0xb1: {  	[dreg:$0x3] =	wrdreg s4  }
0xb2: {  	[dreg:$0x4] =	wrdreg s18  }
0xb3: {  	[dreg:$0x5] =	wrdreg s24  }
0xb4: {  	[dreg:$0x6] =	wrdreg $0xC4000  }
0xb5: {  	[dreg:$0x7] =	wrdreg $0x9  }
0xb6: {  	_ =	task.clear_ibuf [dreg:s9], $0x8FFFF;
	_ =	strace $0x90000046  }
0xb7: {  	s29 =	simm.s32 $0x9;
	_ =	strace $0x80000048  }
0xb8: {  	_ =	swait.ge [sflag:s29], $0x1  }
0xb9: {  	[sflag:s29] =	ssyncadd.s32 $0xFFFFFFFF  }
0xba: {  	_ =	strace $0x90000048  }
0xbb: {  	_ =	sfence  }
0xbc: {  	s30 =	sld [smem:$0x0];
	_ =	sdelay $0x2  }
0xbd: {  	s31 =	sshll.u32 s1, $0xD;
	s1 =	sshrl.u32 s1, $0x2  }
0xbe: {  	s3 =	sand.u32 $0x4000, s31;
	s1 =	sadd.s32 s1, s30  }
0xbf: {  	s0 =	sor.u32 s3, s0;
	s1 =	sshll.u32 s1, $0x11  }
0xc0: {  	s0 =	sor.u32 s1, s0  }
0xc1: {  	s0 =	sadd.s32 $0x8F2B, s0  }
0xc2: {  	[sflag:s0] =	ssyncadd.remote.s32 $0x1  }
0xc3: {  	_ =	sfence.sel $0xFFFF  }
0xc4: {  	[dreg:$0x0] =	wrdreg $0xFFFFFFFF;
	(pc) =	sbr.abs _section_cstart, $3  }
0xc5: {  	[dreg:$0x1] =	wrdreg $0xFFFFFFFF  }
0xc6: {  	_ =	task.clear_ibuf [dreg:s9], $0x2FFFF;
	_ =	strace $0x9FFFFFFF  }
0xc7: {  	(tm) =	ssettm $0x7FFFFFFF  }
tec
execute0_lowered:
.L_overlay_start_1:
0x0: {  	(tag) =	ssettag $0x1  }
0x1: {  	s0 =	rddreg [dreg:$0x0]  }
0x2: {  	s1 =	rddreg [dreg:$0x1]  }
0x3: {  	s2 =	rddreg [dreg:$0x2]  }
0x4: {  	s3 =	srdreg.scid;
	s4 =	rddreg [dreg:$0x3]  }
0x5: {  	s5 =	rddreg [dreg:$0x4];
	s15 =	stileid.u32  }
0x6: {  	s6 =	simm.s32 $0x0;
	s28 =	simm.s32 $0x9;
	s29 =	simm.s32 $0x2  }
0x7: {  	s3 =	sand.u32 $0x1, s3;
	[smem:$0x7FF] =	sst s6;
	s14 =	smul.u32 $0x4E000, s15  }
0x8: {  	s4 =	sadd.s32 $0x1400, s4;
	s23 =	smul.u32 $0x13800, s15;
	p0 =	sne.s32 s15, $0xF  }
0x9: {  	s7 =	sshll.u32 s3, $0x4;
	s10 =	ssub.s32 $0x2, s3;
	s3 =	smul.u32 $0x138800, s3  }
0xa: {  	_ =	strace $0x80000047;
	s9 =	sor.u32 s15, s7;
	s15 =	sadd.s32 $0x138000, s5  }
0xb: {  	s7 =	smul.u32 $0x2710, s9;
	s26 =	sadd.s32 s23, s3;
	s3 =	sshrl.u32 s3, $0x3  }
0xc: {  	s11 =	sshrl.u32 s10, $0x1;
	[dreg:$0x1d] =	wrdreg s15;
	s3 =	sadd.s32 s4, s3  }
0xd: {  	s8 =	sadd.s32 $0x4E200, s7;
	s13 =	sshrl.u32 s7, $0x3;
	s3 =	sadd.s32 $0x27000, s3  }
0xe: {  	s12 =	sshrl.u32 s8, $0x3;
	s16 =	sadd.s32 s1, s13;
	[dreg:$0x14] =	wrdreg s3  }
0xf: {  	s10 =	ssub.s32 s10, s11;
	s17 =	sadd.s32 s1, s12;
	[dreg:$0x7] =	wrdreg s16  }
0x10: {  	s20 =	smul.u32 $0x27100, s9;
	s18 =	sadd.s32 $0x9C48, s16;
	[dreg:$0x6] =	wrdreg s17  }
0x11: {  	s19 =	sadd.s32 $0x40, s7;
	s13 =	sadd.s32 $0x9C50, s16;
	[dreg:$0x8] =	wrdreg s18  }
0x12: {  	s11 =	sshll.u32 s19, $0x4;
	s12 =	sadd.s32 s2, s20;
	[dreg:$0x9] =	wrdreg s13  }
0x13: {  	s22 =	sshrl.u32 s14, $0x2;
	s11 =	sadd.s32 s2, s11;
	[dreg:$0xc] =	wrdreg s12  }
0x14: {  	s21 =	sshrl.u32 s19, $0x3;
	s17 =	sadd.s32 $0x9C58, s16;
	[dreg:$0xd] =	wrdreg s11  }
0x15: {  	s30 =	sadd.s32 $0x2700, s7;
	s13 =	sadd.s32 s1, s21;
	[dreg:$0xa] =	wrdreg s17  }
0x16: {  	s11 =	sshrl.u32 s26, $0x3;
	s18 =	smax.u32 s10, $0x1;
	[dreg:$0xb] =	wrdreg s13  }
0x17: {  	s14 =	sshrl.u32 s30, $0x3;
	s11 =	sadd.s32 s4, s11;
	[dreg:$0x15] =	wrdreg s18  }
0x18: {  	s31 =	simm.s32 $0x3;
	s4 =	sadd.s32 s1, s14;
	[dreg:$0x11] =	wrdreg s11  }
0x19: {  	s17 =	sshll.u32 s30, $0x4;
	s30 =	sadd.s32 $0xA120, s16;
	[dreg:$0x12] =	wrdreg s4  }
0x1a: {  	s3 =	simm.s32 $0x8;
	s13 =	sadd.s32 s22, s5;
	[dreg:$0x1e] =	wrdreg s30  }
0x1b: {  	s21 =	smul.u32 $0x138800, s9;
	s24 =	sadd.s32 $0x2000, s13;
	[dreg:$0xe] =	wrdreg s13  }
0x1c: {  	s9 =	simm.s32 $0x5;
	s25 =	sadd.s32 $0x4000, s13;
	[dreg:$0xf] =	wrdreg s24  }
0x1d: {  	s16 =	simm.s32 $0x80;
	s4 =	sadd.s32 s2, s17;
	[dreg:$0x10] =	wrdreg s25  }
0x1e: {  	s14 =	simm.s32 $0x0;
	s19 =	sadd.s32 $0x6000, s13;
	[dreg:$0x13] =	wrdreg s4  }
0x1f: {  	s20 =	sadd.s32 $0x8000, s13;
	s22 =	sadd.s32 $0xA000, s13;
	[dreg:$0x16] =	wrdreg s19  }
0x20: {  	s23 =	sadd.s32 $0xC000, s13;
	s26 =	sadd.s32 $0x12000, s13;
	[dreg:$0x17] =	wrdreg s20  }
0x21: {  	s11 =	simm.s32 $0x4;
	s17 =	simm.s32 $0x6;
	[dreg:$0x18] =	wrdreg s22  }
0x22: {  	[dreg:$0x19] =	wrdreg s23;
	s24 =	sadd.s32 $0xE000, s13;
	s25 =	sadd.s32 $0x10000, s13  }
0x23: {  	[dreg:$0x1c] =	wrdreg s26;
	s20 =	simm.s32 $0x1;
	s22 =	simm.s32 $0x40  }
0x24: {  	s23 =	simm.s32 $0xD;
	s26 =	simm.s32 $0x7;
	[dreg:$0x1a] =	wrdreg s24  }
0x25: {  	v0 =	vimm.f32 $0.0e+00;
	s4 =	simm.s32 $0xA;
	[dreg:$0x1b] =	wrdreg s25;
	s24 =	simm.s32 $0x8400  }
.LBB2_1:
0x26: {  	s10 =	rddreg [dreg:$0x6];
	s12 =	simm.s32 $0x180  }
0x27: {  	[tilespmem:s12], [sflag:$0x3] =	stream.linear.gather [hbm4b:s10+s6], $0x40, $0x38;
	[tilespmem:$0x1FC80] =	vst v63  }
0x28: {  	s18 =	rddreg [dreg:$0x8];
	s19 =	simm.s32 $0x200  }
0x29: {  	[tilespmem:s19], [sflag:$0x4] =	stream.linear.gather [hbm4b:s18+s6], $0x40, $0x38;
	[tilespmem:$0x1FC80] =	vst v63  }
0x2a: {  	s25 =	rddreg [dreg:$0x9];
	s30 =	simm.s32 $0x280  }
0x2b: {  	[tilespmem:s30], [sflag:$0x5] =	stream.linear.gather [hbm4b:s25+s6], $0x40, $0x38;
	[tilespmem:$0x1FC80] =	vst v63  }
0x2c: {  	s18 =	rddreg [dreg:$0xa];
	s19 =	simm.s32 $0x300  }
0x2d: {  	[tilespmem:s19], [sflag:$0x6] =	stream.linear.gather [hbm4b:s18+s6], $0x40, $0x38;
	[tilespmem:$0x1FC80] =	vst v63  }
0x2e: {  	s25 =	rddreg [dreg:$0x7]  }
0x2f: {  	[tilespmem:s6], [sflag:$0x1] =	stream.linear.gather [hbm4b:s25+s6], $0x40, $0x38;
	[tilespmem:$0x1FC80] =	vst v63  }
0x30: {  	s30 =	rddreg [dreg:$0xb]  }
0x31: {  	[tilespmem:s16], [sflag:$0x2] =	stream.linear.gather [hbm4b:s30+s6], $0x40, $0x38;
	[tilespmem:$0x1FC80] =	vst v63  }
0x32: {  	s12 =	rddreg [dreg:$0xc];
	s18 =	simm.s32 $0x400  }
0x33: {  	[tilespmem:s18], [sflag:$0x7] =	stream.linear.gather [hbm4b:s12+s6], $0x2000, $0x38;
	[tilespmem:$0x1FC80] =	vst v63  }
0x34: {  	s19 =	rddreg [dreg:$0xd];
	s25 =	simm.s32 $0x2400  }
0x35: {  	[tilespmem:s25], [sflag:$0x8] =	stream.linear.gather [hbm4b:s19+s6], $0x2000, $0x38;
	[tilespmem:$0x1FC80] =	vst v63  }
0x36: {  	_ =	swait.ge [sflag:s20], $0x40  }
0x37: {  	s10 =	simm.s32 $0x0;
	[sflag:s20] =	ssyncset.done $0x0  }
0x38: {  	s30 =	simm.s32 $0x4400;
	s12 =	simm.s32 $0x200;
	[sflag:s20] =	ssyncadd.s32 $0xFFFFFFC0  }
0x39: {  	[tilespmem:s30], [sflag:$0x9] =	stream.indirect.gather [hbm4b:s0+s22], $0x80, s6, s22, $0xb8;
	[tilespmem:$0x1FC80] =	vst v63  }
.LBB2_2:
0x3a: {  	p1 =	sne.s32 s12, $0x7E00;
	[tilespmem:s10+$0x8470] =	vst v0  }
0x3b: {  	[tilespmem:s10+$0x8400] =	vst v0  }
0x3c: {  	[tilespmem:s10+$0x8410] =	vst v0  }
.Ltmp0:
0x3d: {  	[tilespmem:s10+$0x8420] =	vst v0;
	(pc) =	sbr.rel @p1 .LBB2_2-.Ltmp0, $4  }
0x3e: {  	[tilespmem:s10+$0x8430] =	vst v0  }
0x3f: {  	[tilespmem:s10+$0x8440] =	vst v0  }
0x40: {  	[tilespmem:s10+$0x8450] =	vst v0  }
0x41: {  	[tilespmem:s10+$0x8460] =	vst v0;
	s10 =	sshra.s32 s12, $0x2;
	s12 =	sadd.s32 $0x200, s12  }
0x42: {  	[tilespmem:s10+$0x8470] =	vst v0  }
0x43: {  	[tilespmem:s10+$0x8400] =	vst v0  }
0x44: {  	[tilespmem:s10+$0x8410] =	vst v0  }
0x45: {  	[tilespmem:s10+$0x8420] =	vst v0  }
0x46: {  	[tilespmem:s10+$0x8430] =	vst v0  }
0x47: {  	[tilespmem:s10+$0x8440] =	vst v0  }
0x48: {  	[tilespmem:s10+$0x8450] =	vst v0  }
0x49: {  	[dreg:$0x1f] =	wrdreg s14;
	[tilespmem:s10+$0x8460] =	vst v0  }
0x4a: {  	[spmem:s13] =	stream.linear.scatter [tilespmem:s24], [sflag:$0xD], $0x2000, $0x38;
	[tilespmem:$0x1FC80] =	vst v63  }
0x4b: {  	_ =	swait.ge [sflag:s23], $0x2000  }
0x4c: {  	[sflag:s23] =	ssyncset.done $0x0  }
0x4d: {  	s18 =	rddreg [dreg:$0xf];
	[sflag:s23] =	ssyncadd.s32 $0xFFFFE000  }
0x4e: {  	[spmem:s18] =	stream.linear.scatter [tilespmem:s24], [sflag:$0xD], $0x2000, $0x38;
	[tilespmem:$0x1FC80] =	vst v63  }
0x4f: {  	_ =	swait.ge [sflag:s23], $0x2000  }
0x50: {  	[sflag:s23] =	ssyncset.done $0x0  }
0x51: {  	s19 =	rddreg [dreg:$0x10];
	[sflag:s23] =	ssyncadd.s32 $0xFFFFE000  }
0x52: {  	[spmem:s19] =	stream.linear.scatter [tilespmem:s24], [sflag:$0xD], $0x2000, $0x38;
	[tilespmem:$0x1FC80] =	vst v63  }
0x53: {  	_ =	swait.ge [sflag:s23], $0x2000  }
0x54: {  	[sflag:s23] =	ssyncset.done $0x0  }
0x55: {  	s25 =	rddreg [dreg:$0x16];
	[sflag:s23] =	ssyncadd.s32 $0xFFFFE000  }
0x56: {  	[spmem:s25] =	stream.linear.scatter [tilespmem:s24], [sflag:$0xD], $0x2000, $0x38;
	[tilespmem:$0x1FC80] =	vst v63  }
0x57: {  	_ =	swait.ge [sflag:s23], $0x2000  }
0x58: {  	[sflag:s23] =	ssyncset.done $0x0  }
0x59: {  	s12 =	rddreg [dreg:$0x17];
	[sflag:s23] =	ssyncadd.s32 $0xFFFFE000  }
0x5a: {  	[spmem:s12] =	stream.linear.scatter [tilespmem:s24], [sflag:$0xD], $0x2000, $0x38;
	[tilespmem:$0x1FC80] =	vst v63  }
0x5b: {  	_ =	swait.ge [sflag:s23], $0x2000  }
0x5c: {  	[sflag:s23] =	ssyncset.done $0x0  }
0x5d: {  	s13 =	rddreg [dreg:$0x18];
	[sflag:s23] =	ssyncadd.s32 $0xFFFFE000  }
0x5e: {  	[spmem:s13] =	stream.linear.scatter [tilespmem:s24], [sflag:$0xD], $0x2000, $0x38;
	[tilespmem:$0x1FC80] =	vst v63  }
0x5f: {  	_ =	swait.ge [sflag:s23], $0x2000  }
0x60: {  	[sflag:s23] =	ssyncset.done $0x0  }
0x61: {  	s14 =	rddreg [dreg:$0x19];
	[sflag:s23] =	ssyncadd.s32 $0xFFFFE000  }
0x62: {  	[spmem:s14] =	stream.linear.scatter [tilespmem:s24], [sflag:$0xD], $0x2000, $0x38;
	[tilespmem:$0x1FC80] =	vst v63  }
0x63: {  	_ =	swait.ge [sflag:s23], $0x2000  }
0x64: {  	[sflag:s23] =	ssyncset.done $0x0  }
0x65: {  	s18 =	rddreg [dreg:$0x1a];
	[sflag:s23] =	ssyncadd.s32 $0xFFFFE000  }
0x66: {  	[spmem:s18] =	stream.linear.scatter [tilespmem:s24], [sflag:$0xD], $0x2000, $0x38;
	[tilespmem:$0x1FC80] =	vst v63  }
0x67: {  	_ =	swait.ge [sflag:s23], $0x2000  }
0x68: {  	[sflag:s23] =	ssyncset.done $0x0  }
0x69: {  	s19 =	rddreg [dreg:$0x1b];
	[sflag:s23] =	ssyncadd.s32 $0xFFFFE000  }
0x6a: {  	[spmem:s19] =	stream.linear.scatter [tilespmem:s24], [sflag:$0xD], $0x2000, $0x38;
	[tilespmem:$0x1FC80] =	vst v63  }
0x6b: {  	_ =	swait.ge [sflag:s23], $0x2000  }
0x6c: {  	[sflag:s23] =	ssyncset.done $0x0  }
0x6d: {  	s25 =	rddreg [dreg:$0x1c];
	[sflag:s23] =	ssyncadd.s32 $0xFFFFE000  }
0x6e: {  	[spmem:s25] =	stream.linear.scatter [tilespmem:s24], [sflag:$0xD], $0x1800, $0x38;
	[tilespmem:$0x1FC80] =	vst v63  }
0x6f: {  	_ =	swait.ge [sflag:s23], $0x1800  }
0x70: {  	[sflag:s23] =	ssyncset.done $0x0  }
0x71: {  	s10 =	simm.s32 @!p0 $0x8400;
	[sflag:s23] =	ssyncadd.s32 $0xFFFFE800  }
0x72: {  	[spmem:s15] =	stream.linear.scatter @!p0 [tilespmem:s10], [sflag:$0xD], $0x800, $0x38;
	[tilespmem:$0x1FC80] =	vst v63  }
0x73: {  	s10 =	simm.s32 @!p0 $0xD  }
0x74: {  	_ =	swait.ge @!p0 [sflag:s10], $0x800  }
0x75: {  	[sflag:s10] =	ssyncset.done @!p0 $0x0  }
0x76: {  	[sflag:s10] =	ssyncadd.s32 @!p0 $0xFFFFF800  }
0x77: {  	s30 =	simm.s32 $0x0;
	[bflag:$0x0] =	sbarrier.arrive $0xFFFF  }
.LBB2_4:
0x78: {  	s12 =	sshll.u32 s30, $0x2;
	_ =	swait.ge [sflag:s26], $0x2000  }
0x79: {  	[sflag:s26] =	ssyncset.done $0x0;
	s13 =	sor.u32 $0x2, s12  }
0x7a: {  	[sflag:s26] =	ssyncadd.s32 $0xFFFFE000;
	s10 =	sshll.u32 s13, $0x6  }
0x7b: {  	_ =	swait.ge [sflag:s28], $0x2000;
	s14 =	sadd.s32 s7, s10  }
0x7c: {  	[sflag:s28] =	ssyncset.done $0x0;
	s14 =	sshrl.u32 s14, $0x3  }
0x7d: {  	[sflag:s28] =	ssyncadd.s32 $0xFFFFE000;
	s14 =	sadd.s32 s1, s14  }
0x7e: {  	[tilespmem:s6], [sflag:$0x1] =	stream.linear.gather [hbm4b:s14+s6], $0x40, $0x38;
	[tilespmem:$0x1FC80] =	vst v63  }
0x7f: {  	_ =	swait.ge [sflag:s29], $0x40  }
0x80: {  	p1 =	seq.s32 s30, $0x0;
	[sflag:s29] =	ssyncset.done $0x0  }
0x81: {  	s25 =	simm.s32 $0x6400;
	s14 =	simm.s32 @!p1 $0xB;
	[sflag:s29] =	ssyncadd.s32 $0xFFFFFFC0  }
0x82: {  	[tilespmem:s25], [sflag:$0xA] =	stream.indirect.gather [hbm4b:s0+s22], $0x80, s16, s22, $0xb8;
	[tilespmem:$0x1FC80] =	vst v63  }
0x83: {  	s19 =	simm.s32 $0x500;
	s10 =	sadd.s32 @!p1 s8, s10;
	_ =	swait.ge @!p1 [sflag:s14], $0x2000  }
0x84: {  	s15 =	simm.s32 @!p1 $0x280;
	s10 =	sshrl.u32 @!p1 s10, $0x3;
	[sflag:s14] =	ssyncset.done @!p1 $0x0  }
0x85: {  	s10 =	sadd.s32 @!p1 s1, s10;
	[sflag:s14] =	ssyncadd.s32 @!p1 $0xFFFFE000;
	s14 =	simm.s32 @!p1 $0x0  }
0x86: {  	[tilespmem:s15], [sflag:$0x5] =	stream.linear.gather @!p1 [hbm4b:s10+s14], $0x40, $0x38;
	[tilespmem:$0x1FC80] =	vst v63  }
0x87: {  	s25 =	simm.s32 $0x4500;
	v1 =	vld [tilespmem:s19+$0x80]  }
0x88: {  	v2 =	vld [tilespmem:s25+$0x80];
	_ =	sdelay $0x4  }
0x89: {  	v3 =	vld [tilespmem:s19+$0xFFFFFF80];
	v1 =	vadd.f32 v2, v1  }
0x8a: {  	v2 =	vld [tilespmem:s25+$0xFFFFFF80]  }
0x8b: {  	s14 =	simm.s32 $0x8500;
	v4 =	vld [tilespmem:s25+$0xFFFFFF00];
	v1 =	vmax.f32 v1, $0.0e+00  }
0x8c: {  	v5 =	vld [tilespmem:s19+$0xFFFFFF00];
	[tilespmem:s14+$0x80] =	vst v1  }
0x8d: {  	v1 =	vld [tilespmem:s19+$0x90]  }
0x8e: {  	v6 =	vld [tilespmem:s25+$0x90]  }
0x8f: {  	v7 =	vld [tilespmem:s19+$0x0];
	v2 =	vadd.f32 v2, v3  }
0x90: {  	v3 =	vld [tilespmem:s25+$0x0]  }
0x91: {  	v4 =	vadd.f32 v4, v5;
	v2 =	vmax.f32 v2, $0.0e+00  }
0x92: {  	[tilespmem:s14+$0xFFFFFF80] =	vst v2  }
0x93: {  	v4 =	vmax.f32 v4, $0.0e+00;
	v2 =	vld [tilespmem:s19+$0xFFFFFF90];
	v1 =	vadd.f32 v6, v1  }
0x94: {  	[tilespmem:s14+$0xFFFFFF00] =	vst v4;
	v5 =	vld [tilespmem:s25+$0xFFFFFF90]  }
0x95: {  	v4 =	vld [tilespmem:s19+$0xFFFFFF10];
	v3 =	vadd.f32 v3, v7;
	v1 =	vmax.f32 v1, $0.0e+00  }
0x96: {  	v6 =	vld [tilespmem:s25+$0xFFFFFF10];
	[tilespmem:s14+$0x90] =	vst v1  }
0x97: {  	v1 =	vmax.f32 v3, $0.0e+00;
	v3 =	vld [tilespmem:s19+$0xA0]  }
0x98: {  	[tilespmem:s14+$0x0] =	vst v1;
	v1 =	vld [tilespmem:s25+$0xA0]  }
0x99: {  	v7 =	vld [tilespmem:s19+$0x10];
	v2 =	vadd.f32 v5, v2  }
0x9a: {  	v5 =	vld [tilespmem:s25+$0x10]  }
0x9b: {  	v2 =	vmax.f32 v2, $0.0e+00  }
0x9c: {  	v4 =	vadd.f32 v6, v4;
	[tilespmem:s14+$0xFFFFFF90] =	vst v2  }
0x9d: {  	v2 =	vld [tilespmem:s19+$0xFFFFFFA0];
	v1 =	vadd.f32 v1, v3  }
0x9e: {  	v4 =	vmax.f32 v4, $0.0e+00;
	v3 =	vld [tilespmem:s25+$0xFFFFFFA0]  }
0x9f: {  	[tilespmem:s14+$0xFFFFFF10] =	vst v4;
	v4 =	vadd.f32 v5, v7;
	v1 =	vmax.f32 v1, $0.0e+00  }
0xa0: {  	[tilespmem:s14+$0xA0] =	vst v1  }
0xa1: {  	v1 =	vmax.f32 v4, $0.0e+00;
	v4 =	vld [tilespmem:s19+$0xB0]  }
0xa2: {  	[tilespmem:s14+$0x10] =	vst v1;
	v1 =	vld [tilespmem:s25+$0xB0]  }
0xa3: {  	v2 =	vadd.f32 v3, v2;
	v3 =	vld [tilespmem:s19+$0x20]  }
0xa4: {  	v7 =	vld [tilespmem:s25+$0x20]  }
0xa5: {  	v6 =	vld [tilespmem:s25+$0xFFFFFF20];
	v2 =	vmax.f32 v2, $0.0e+00  }
0xa6: {  	v5 =	vld [tilespmem:s19+$0xFFFFFF20];
	[tilespmem:s14+$0xFFFFFFA0] =	vst v2  }
0xa7: {  	v2 =	vld [tilespmem:s19+$0xFFFFFFB0];
	v1 =	vadd.f32 v1, v4  }
0xa8: {  	v4 =	vld [tilespmem:s25+$0xFFFFFFB0]  }
0xa9: {  	v3 =	vadd.f32 v7, v3;
	v1 =	vmax.f32 v1, $0.0e+00  }
0xaa: {  	[tilespmem:s14+$0xB0] =	vst v1  }
0xab: {  	v5 =	vadd.f32 v6, v5;
	v1 =	vmax.f32 v3, $0.0e+00;
	v3 =	vld [tilespmem:s19+$0xC0]  }
0xac: {  	[tilespmem:s14+$0x20] =	vst v1;
	v1 =	vld [tilespmem:s25+$0xC0]  }
0xad: {  	v5 =	vmax.f32 v5, $0.0e+00;
	v2 =	vadd.f32 v4, v2;
	v4 =	vld [tilespmem:s19+$0x30]  }
0xae: {  	[tilespmem:s14+$0xFFFFFF20] =	vst v5;
	v7 =	vld [tilespmem:s25+$0x30]  }
0xaf: {  	v5 =	vld [tilespmem:s19+$0xFFFFFF30];
	v2 =	vmax.f32 v2, $0.0e+00  }
0xb0: {  	v6 =	vld [tilespmem:s25+$0xFFFFFF30];
	[tilespmem:s14+$0xFFFFFFB0] =	vst v2  }
0xb1: {  	v2 =	vld [tilespmem:s19+$0xFFFFFFC0];
	v1 =	vadd.f32 v1, v3  }
0xb2: {  	v3 =	vld [tilespmem:s25+$0xFFFFFFC0]  }
0xb3: {  	s23 =	simm.s32 $0x4700;
	v4 =	vadd.f32 v7, v4;
	v1 =	vmax.f32 v1, $0.0e+00  }
0xb4: {  	v11 =	vld [tilespmem:s23+$0xFFFFFF00];
	[tilespmem:s14+$0xC0] =	vst v1  }
0xb5: {  	v1 =	vmax.f32 v4, $0.0e+00;
	v4 =	vld [tilespmem:s19+$0xD0]  }
0xb6: {  	v5 =	vadd.f32 v6, v5;
	[tilespmem:s14+$0x30] =	vst v1;
	v1 =	vld [tilespmem:s25+$0xD0]  }
0xb7: {  	v2 =	vadd.f32 v3, v2;
	v3 =	vld [tilespmem:s19+$0x40]  }
0xb8: {  	s15 =	simm.s32 $0x700;
	v5 =	vmax.f32 v5, $0.0e+00;
	v7 =	vld [tilespmem:s25+$0x40]  }
0xb9: {  	v52 =	vld [tilespmem:s15+$0xFFFFFF00];
	[tilespmem:s14+$0xFFFFFF30] =	vst v5  }
0xba: {  	v5 =	vld [tilespmem:s19+$0xFFFFFF40]  }
0xbb: {  	v6 =	vld [tilespmem:s25+$0xFFFFFF40];
	v1 =	vadd.f32 v1, v4  }
0xbc: {  	v9 =	vld [tilespmem:s15+$0x80]  }
0xbd: {  	v10 =	vld [tilespmem:s23+$0x80];
	v3 =	vadd.f32 v7, v3;
	v1 =	vmax.f32 v1, $0.0e+00  }
0xbe: {  	v12 =	vld [tilespmem:s23+$0xFFFFFF80];
	v11 =	vadd.f32 v11, v52;
	[tilespmem:s14+$0xD0] =	vst v1  }
0xbf: {  	v1 =	vmax.f32 v3, $0.0e+00;
	v3 =	vld [tilespmem:s19+$0xE0]  }
0xc0: {  	s18 =	simm.s32 $0x8700;
	v11 =	vmax.f32 v11, $0.0e+00;
	v5 =	vadd.f32 v6, v5;
	[tilespmem:s14+$0x40] =	vst v1;
	v1 =	vld [tilespmem:s25+$0xE0]  }
0xc1: {  	v13 =	vld [tilespmem:s15+$0x0];
	[tilespmem:s18+$0xFFFFFF00] =	vst v11;
	v2 =	vmax.f32 v2, $0.0e+00  }
0xc2: {  	v11 =	vld [tilespmem:s15+$0xFFFFFF10];
	[tilespmem:s14+$0xFFFFFFC0] =	vst v2;
	v5 =	vmax.f32 v5, $0.0e+00  }
0xc3: {  	v2 =	vld [tilespmem:s19+$0xFFFFFFD0];
	[tilespmem:s14+$0xFFFFFF40] =	vst v5  }
0xc4: {  	v5 =	vld [tilespmem:s19+$0xFFFFFF50]  }
0xc5: {  	v6 =	vld [tilespmem:s25+$0xFFFFFF50];
	v1 =	vadd.f32 v1, v3  }
0xc6: {  	v3 =	vld [tilespmem:s15+$0xFFFFFF80]  }
0xc7: {  	v4 =	vld [tilespmem:s25+$0xFFFFFFD0];
	v1 =	vmax.f32 v1, $0.0e+00  }
0xc8: {  	v7 =	vld [tilespmem:s19+$0x50];
	[tilespmem:s14+$0xE0] =	vst v1;
	v1 =	vadd.f32 v10, v9  }
0xc9: {  	v8 =	vld [tilespmem:s25+$0x50]  }
0xca: {  	v5 =	vadd.f32 v6, v5;
	v6 =	vld [tilespmem:s23+$0x0];
	v1 =	vmax.f32 v1, $0.0e+00  }
0xcb: {  	v54 =	vld [tilespmem:s23+$0xFFFFFF10];
	v3 =	vadd.f32 v12, v3;
	[tilespmem:s18+$0x80] =	vst v1  }
0xcc: {  	v1 =	vmax.f32 v5, $0.0e+00;
	v5 =	vld [tilespmem:s15+$0x90]  }
0xcd: {  	v2 =	vadd.f32 v4, v2;
	[tilespmem:s14+$0xFFFFFF50] =	vst v1;
	v1 =	vmax.f32 v3, $0.0e+00;
	v3 =	vld [tilespmem:s23+$0x90]  }
0xce: {  	v7 =	vadd.f32 v8, v7;
	v50 =	vld [tilespmem:s19+$0xF0]  }
0xcf: {  	v2 =	vmax.f32 v2, $0.0e+00;
	v6 =	vadd.f32 v6, v13;
	v51 =	vld [tilespmem:s25+$0xF0];
	[tilespmem:s18+$0xFFFFFF80] =	vst v1  }
0xd0: {  	[tilespmem:s14+$0xFFFFFFD0] =	vst v2;
	v7 =	vmax.f32 v7, $0.0e+00;
	v4 =	vld [tilespmem:s15+$0xFFFFFF90]  }
0xd1: {  	v2 =	vmax.f32 v6, $0.0e+00;
	[tilespmem:s14+$0x50] =	vst v7;
	v53 =	vld [tilespmem:s23+$0xFFFFFF90]  }
0xd2: {  	v7 =	vld [tilespmem:s25+$0xFFFFFFE0];
	[tilespmem:s18+$0x0] =	vst v2;
	v2 =	vadd.f32 v3, v5  }
0xd3: {  	v57 =	vld [tilespmem:s19+$0x60]  }
0xd4: {  	v58 =	vld [tilespmem:s25+$0x60];
	v2 =	vmax.f32 v2, $0.0e+00  }
0xd5: {  	v1 =	vld [tilespmem:s19+$0xFFFFFF60];
	[tilespmem:s18+$0x90] =	vst v2  }
0xd6: {  	v4 =	vadd.f32 v53, v4;
	v2 =	vld [tilespmem:s15+$0xA0]  }
0xd7: {  	v55 =	vld [tilespmem:s23+$0xA0]  }
0xd8: {  	v5 =	vld [tilespmem:s15+$0x10];
	v4 =	vmax.f32 v4, $0.0e+00  }
0xd9: {  	[tilespmem:s18+$0xFFFFFF90] =	vst v4;
	v4 =	vld [tilespmem:s23+$0x10]  }
0xda: {  	v11 =	vadd.f32 v54, v11;
	v8 =	vld [tilespmem:s15+$0xFFFFFFA0]  }
0xdb: {  	v56 =	vld [tilespmem:s23+$0xFFFFFFA0]  }
0xdc: {  	v11 =	vmax.f32 v11, $0.0e+00;
	v6 =	vld [tilespmem:s25+$0xFFFFFF60];
	v2 =	vadd.f32 v55, v2  }
0xdd: {  	[tilespmem:s18+$0xFFFFFF10] =	vst v11;
	v3 =	vld [tilespmem:s19+$0xFFFFFFE0]  }
0xde: {  	v4 =	vadd.f32 v4, v5;
	v5 =	vld [tilespmem:s15+$0xFFFFFF20];
	v2 =	vmax.f32 v2, $0.0e+00  }
0xdf: {  	[tilespmem:s18+$0xA0] =	vst v2;
	v2 =	vld [tilespmem:s23+$0xFFFFFF20]  }
0xe0: {  	v8 =	vadd.f32 v56, v8;
	v4 =	vmax.f32 v4, $0.0e+00;
	v59 =	vld [tilespmem:s15+$0xB0]  }
0xe1: {  	v1 =	vadd.f32 v6, v1;
	[tilespmem:s18+$0x10] =	vst v4;
	v4 =	vld [tilespmem:s23+$0xB0]  }
0xe2: {  	v6 =	vmax.f32 v8, $0.0e+00;
	v8 =	vld [tilespmem:s15+$0x20]  }
0xe3: {  	v1 =	vmax.f32 v1, $0.0e+00;
	[tilespmem:s18+$0xFFFFFFA0] =	vst v6;
	v6 =	vld [tilespmem:s23+$0x20]  }
0xe4: {  	[tilespmem:s14+$0xFFFFFF60] =	vst v1;
	v1 =	vld [tilespmem:s23+$0xFFFFFFB0];
	v2 =	vadd.f32 v2, v5  }
0xe5: {  	v5 =	vld [tilespmem:s15+$0xFFFFFFB0]  }
0xe6: {  	v60 =	vld [tilespmem:s19+$0xFFFFFF70];
	v4 =	vadd.f32 v4, v59;
	v2 =	vmax.f32 v2, $0.0e+00  }
0xe7: {  	[tilespmem:s18+$0xFFFFFF20] =	vst v2;
	v2 =	vld [tilespmem:s25+$0xFFFFFF70]  }
0xe8: {  	v6 =	vadd.f32 v6, v8;
	v4 =	vmax.f32 v4, $0.0e+00;
	v8 =	vld [tilespmem:s15+$0xFFFFFF30]  }
0xe9: {  	[tilespmem:s18+$0xB0] =	vst v4;
	v4 =	vld [tilespmem:s23+$0xFFFFFF30]  }
0xea: {  	v1 =	vadd.f32 v1, v5;
	v5 =	vmax.f32 v6, $0.0e+00;
	v6 =	vld [tilespmem:s15+$0xC0]  }
0xeb: {  	[tilespmem:s18+$0x20] =	vst v5;
	v5 =	vld [tilespmem:s23+$0xC0]  }
0xec: {  	v3 =	vadd.f32 v7, v3;
	v1 =	vmax.f32 v1, $0.0e+00;
	v7 =	vld [tilespmem:s15+$0x30]  }
0xed: {  	[tilespmem:s18+$0xFFFFFFB0] =	vst v1;
	v1 =	vld [tilespmem:s23+$0x30]  }
0xee: {  	v3 =	vmax.f32 v3, $0.0e+00;
	v4 =	vadd.f32 v4, v8;
	v8 =	vld [tilespmem:s15+$0xFFFFFFC0]  }
0xef: {  	[tilespmem:s14+$0xFFFFFFE0] =	vst v3;
	v3 =	vld [tilespmem:s23+$0xFFFFFFC0]  }
0xf0: {  	v4 =	vmax.f32 v4, $0.0e+00;
	v5 =	vadd.f32 v5, v6;
	v6 =	vld [tilespmem:s19+$0xFFFFFFF0]  }
0xf1: {  	[tilespmem:s18+$0xFFFFFF30] =	vst v4;
	v4 =	vld [tilespmem:s25+$0xFFFFFFF0]  }
0xf2: {  	v1 =	vadd.f32 v1, v7;
	v7 =	vld [tilespmem:s15+$0xFFFFFF40];
	v5 =	vmax.f32 v5, $0.0e+00  }
0xf3: {  	[tilespmem:s18+$0xC0] =	vst v5;
	v5 =	vld [tilespmem:s23+$0xFFFFFF40]  }
0xf4: {  	v3 =	vadd.f32 v3, v8;
	v1 =	vmax.f32 v1, $0.0e+00;
	v8 =	vld [tilespmem:s15+$0xD0]  }
0xf5: {  	[tilespmem:s18+$0x30] =	vst v1;
	v1 =	vld [tilespmem:s23+$0xD0]  }
0xf6: {  	v11 =	vadd.f32 v58, v57;
	v3 =	vmax.f32 v3, $0.0e+00;
	v61 =	vld [tilespmem:s15+$0x40]  }
0xf7: {  	[tilespmem:s18+$0xFFFFFFC0] =	vst v3;
	v3 =	vld [tilespmem:s23+$0x40]  }
0xf8: {  	v11 =	vmax.f32 v11, $0.0e+00;
	v62 =	vld [tilespmem:s23+$0xFFFFFFD0];
	v5 =	vadd.f32 v5, v7  }
0xf9: {  	v9 =	vadd.f32 v51, v50;
	[tilespmem:s14+$0x60] =	vst v11;
	v7 =	vld [tilespmem:s15+$0xFFFFFFD0]  }
0xfa: {  	v11 =	vld [tilespmem:s25+$0x70];
	v5 =	vmax.f32 v5, $0.0e+00;
	v1 =	vadd.f32 v1, v8  }
0xfb: {  	v9 =	vmax.f32 v9, $0.0e+00;
	v2 =	vadd.f32 v2, v60;
	v8 =	vld [tilespmem:s19+$0x70];
	[tilespmem:s18+$0xFFFFFF40] =	vst v5  }
0xfc: {  	[tilespmem:s14+$0xF0] =	vst v9;
	v63 =	vadd.f32 v3, v61;
	v3 =	vld [tilespmem:s15+$0xFFFFFF50];
	v1 =	vmax.f32 v1, $0.0e+00  }
0xfd: {  	v2 =	vmax.f32 v2, $0.0e+00;
	v4 =	vadd.f32 v4, v6;
	v5 =	vld [tilespmem:s23+$0xFFFFFF50];
	[tilespmem:s18+$0xD0] =	vst v1  }
0xfe: {  	[tilespmem:s14+$0xFFFFFF70] =	vst v2;
	v1 =	vadd.f32 v62, v7;
	v6 =	vmax.f32 v63, $0.0e+00;
	v2 =	vld [tilespmem:s15+$0xE0]  }
0xff: {  	v7 =	vmax.f32 v4, $0.0e+00;
	[tilespmem:s18+$0x40] =	vst v6;
	v4 =	vld [tilespmem:s23+$0xE0]  }
0x100: {  	[tilespmem:s14+$0xFFFFFFF0] =	vst v7;
	v7 =	vmax.f32 v1, $0.0e+00;
	v6 =	vld [tilespmem:s15+$0x50];
	v1 =	vadd.f32 v11, v8  }
0x101: {  	s10 =	simm.s32 $0x900;
	s25 =	simm.s32 $0x4700;
	s19 =	simm.s32 $0x4;
	[tilespmem:s18+$0xFFFFFFD0] =	vst v7;
	v7 =	vld [tilespmem:s23+$0x50]  }
.LBB2_5:
0x102: {  	v8 =	vld [tilespmem:s10+$0x80];
	v3 =	vadd.f32 v5, v3;
	s23 =	sadd.s32 $0x200, s23;
	v1 =	vmax.f32 v1, $0.0e+00  }
0x103: {  	v5 =	vld [tilespmem:s23+$0x80];
	[tilespmem:s14+$0x70] =	vst v1;
	s14 =	smov.u32 s18  }
0x104: {  	v1 =	vld [tilespmem:s23+$0xFFFFFF00];
	v3 =	vmax.f32 v3, $0.0e+00;
	v2 =	vadd.f32 v4, v2  }
0x105: {  	v4 =	vld [tilespmem:s10+$0xFFFFFF80];
	[tilespmem:s18+$0xFFFFFF50] =	vst v3  }
0x106: {  	v3 =	vld [tilespmem:s23+$0xFFFFFF80];
	v6 =	vadd.f32 v7, v6;
	v2 =	vmax.f32 v2, $0.0e+00  }
0x107: {  	v7 =	vld [tilespmem:s10+$0x0];
	[tilespmem:s18+$0xE0] =	vst v2  }
0x108: {  	v2 =	vadd.f32 v5, v8;
	v5 =	vmax.f32 v6, $0.0e+00;
	v6 =	vld [tilespmem:s15+$0xF0]  }
0x109: {  	[tilespmem:s18+$0x50] =	vst v5;
	v5 =	vld [tilespmem:s25+$0xF0]  }
0x10a: {  	s19 =	sadd.s32 $0x4, s19;
	s18 =	sadd.s32 $0x200, s18;
	v8 =	vld [tilespmem:s23+$0x0];
	v2 =	vmax.f32 v2, $0.0e+00  }
0x10b: {  	p2 =	slt.u32 s19, $0x3C;
	v9 =	vld [tilespmem:s10+$0xFFFFFF00];
	v3 =	vadd.f32 v3, v4;
	[tilespmem:s18+$0x80] =	vst v2  }
0x10c: {  	v2 =	vld [tilespmem:s10+$0x90]  }
0x10d: {  	v3 =	vmax.f32 v3, $0.0e+00;
	v4 =	vld [tilespmem:s23+$0x90]  }
0x10e: {  	[tilespmem:s18+$0xFFFFFF80] =	vst v3;
	v3 =	vld [tilespmem:s15+$0xFFFFFF60];
	v5 =	vadd.f32 v5, v6  }
0x10f: {  	v6 =	vld [tilespmem:s10+$0xFFFFFF90];
	v7 =	vadd.f32 v8, v7  }
0x110: {  	v1 =	vadd.f32 v1, v9;
	v8 =	vld [tilespmem:s23+$0xFFFFFF90];
	v5 =	vmax.f32 v5, $0.0e+00  }
0x111: {  	v7 =	vmax.f32 v7, $0.0e+00;
	v9 =	vld [tilespmem:s25+$0xFFFFFF60];
	[tilespmem:s14+$0xF0] =	vst v5  }
0x112: {  	v1 =	vmax.f32 v1, $0.0e+00;
	[tilespmem:s18+$0x0] =	vst v7;
	v2 =	vadd.f32 v4, v2;
	v4 =	vld [tilespmem:s15+$0xFFFFFFE0]  }
0x113: {  	[tilespmem:s18+$0xFFFFFF00] =	vst v1;
	v1 =	vld [tilespmem:s10+$0x10]  }
0x114: {  	v5 =	vld [tilespmem:s10+$0xFFFFFF10];
	v2 =	vmax.f32 v2, $0.0e+00  }
0x115: {  	v7 =	vld [tilespmem:s23+$0xFFFFFF10];
	v6 =	vadd.f32 v8, v6;
	[tilespmem:s18+$0x90] =	vst v2  }
0x116: {  	v2 =	vld [tilespmem:s10+$0xA0];
	v3 =	vadd.f32 v9, v3  }
0x117: {  	v6 =	vmax.f32 v6, $0.0e+00;
	v8 =	vld [tilespmem:s23+$0xA0]  }
0x118: {  	[tilespmem:s18+$0xFFFFFF90] =	vst v6;
	v6 =	vld [tilespmem:s23+$0x10];
	v3 =	vmax.f32 v3, $0.0e+00  }
0x119: {  	v9 =	vld [tilespmem:s10+$0xFFFFFFA0];
	[tilespmem:s14+$0xFFFFFF60] =	vst v3  }
0x11a: {  	v3 =	vadd.f32 v7, v5;
	v5 =	vld [tilespmem:s23+$0xFFFFFFA0]  }
0x11b: {  	v7 =	vld [tilespmem:s25+$0xFFFFFFE0]  }
0x11c: {  	v3 =	vmax.f32 v3, $0.0e+00;
	v2 =	vadd.f32 v8, v2;
	v8 =	vld [tilespmem:s15+$0x60]  }
0x11d: {  	[tilespmem:s18+$0xFFFFFF10] =	vst v3;
	v1 =	vadd.f32 v6, v1;
	v3 =	vld [tilespmem:s25+$0x60]  }
0x11e: {  	v6 =	vld [tilespmem:s10+$0xFFFFFF20];
	v2 =	vmax.f32 v2, $0.0e+00  }
0x11f: {  	v10 =	vld [tilespmem:s23+$0xFFFFFF20];
	v5 =	vadd.f32 v5, v9;
	v1 =	vmax.f32 v1, $0.0e+00;
	[tilespmem:s18+$0xA0] =	vst v2  }
0x120: {  	[tilespmem:s18+$0x10] =	vst v1;
	v1 =	vld [tilespmem:s10+$0xB0];
	v2 =	vadd.f32 v7, v4  }
0x121: {  	v4 =	vmax.f32 v5, $0.0e+00;
	v5 =	vld [tilespmem:s23+$0xB0]  }
0x122: {  	[tilespmem:s18+$0xFFFFFFA0] =	vst v4;
	v4 =	vld [tilespmem:s10+$0x20];
	v2 =	vmax.f32 v2, $0.0e+00;
	v3 =	vadd.f32 v3, v8  }
0x123: {  	v7 =	vld [tilespmem:s23+$0x20];
	[tilespmem:s14+$0xFFFFFFE0] =	vst v2  }
0x124: {  	v2 =	vadd.f32 v10, v6;
	v6 =	vld [tilespmem:s10+$0xFFFFFFB0];
	v3 =	vmax.f32 v3, $0.0e+00  }
0x125: {  	v8 =	vld [tilespmem:s23+$0xFFFFFFB0];
	[tilespmem:s14+$0x60] =	vst v3  }
0x126: {  	v2 =	vmax.f32 v2, $0.0e+00;
	v1 =	vadd.f32 v5, v1;
	v3 =	vld [tilespmem:s15+$0xFFFFFF70]  }
0x127: {  	[tilespmem:s18+$0xFFFFFF20] =	vst v2;
	v2 =	vld [tilespmem:s25+$0xFFFFFF70]  }
0x128: {  	v5 =	vld [tilespmem:s10+$0xFFFFFF30];
	v4 =	vadd.f32 v7, v4;
	v1 =	vmax.f32 v1, $0.0e+00  }
0x129: {  	v7 =	vld [tilespmem:s23+$0xFFFFFF30];
	[tilespmem:s18+$0xB0] =	vst v1  }
0x12a: {  	v1 =	vadd.f32 v8, v6;
	v4 =	vmax.f32 v4, $0.0e+00;
	v6 =	vld [tilespmem:s10+$0xC0]  }
0x12b: {  	[tilespmem:s18+$0x20] =	vst v4;
	v4 =	vld [tilespmem:s23+$0xC0]  }
0x12c: {  	v1 =	vmax.f32 v1, $0.0e+00;
	v8 =	vld [tilespmem:s10+$0x30];
	v2 =	vadd.f32 v2, v3  }
0x12d: {  	[tilespmem:s18+$0xFFFFFFB0] =	vst v1;
	v1 =	vld [tilespmem:s23+$0x30]  }
0x12e: {  	v3 =	vadd.f32 v7, v5;
	v5 =	vld [tilespmem:s10+$0xFFFFFFC0];
	v2 =	vmax.f32 v2, $0.0e+00  }
0x12f: {  	v7 =	vld [tilespmem:s23+$0xFFFFFFC0];
	[tilespmem:s14+$0xFFFFFF70] =	vst v2  }
0x130: {  	v2 =	vmax.f32 v3, $0.0e+00;
	v3 =	vadd.f32 v4, v6;
	v4 =	vld [tilespmem:s15+$0xFFFFFFF0]  }
0x131: {  	[tilespmem:s18+$0xFFFFFF30] =	vst v2;
	v2 =	vld [tilespmem:s25+$0xFFFFFFF0]  }
0x132: {  	v6 =	vld [tilespmem:s10+$0xFFFFFF40];
	v1 =	vadd.f32 v1, v8;
	v3 =	vmax.f32 v3, $0.0e+00  }
0x133: {  	v8 =	vld [tilespmem:s23+$0xFFFFFF40];
	[tilespmem:s18+$0xC0] =	vst v3  }
0x134: {  	v3 =	vadd.f32 v7, v5;
	v1 =	vmax.f32 v1, $0.0e+00;
	v5 =	vld [tilespmem:s10+$0xD0]  }
0x135: {  	[tilespmem:s18+$0x30] =	vst v1;
	v1 =	vld [tilespmem:s23+$0xD0]  }
0x136: {  	v3 =	vmax.f32 v3, $0.0e+00;
	v7 =	vld [tilespmem:s10+$0x40];
	v2 =	vadd.f32 v2, v4  }
0x137: {  	[tilespmem:s18+$0xFFFFFFC0] =	vst v3;
	v4 =	vld [tilespmem:s23+$0x40]  }
0x138: {  	v3 =	vadd.f32 v8, v6;
	v6 =	vld [tilespmem:s10+$0xFFFFFFD0];
	v2 =	vmax.f32 v2, $0.0e+00  }
0x139: {  	v8 =	vld [tilespmem:s23+$0xFFFFFFD0];
	[tilespmem:s14+$0xFFFFFFF0] =	vst v2  }
0x13a: {  	v2 =	vmax.f32 v3, $0.0e+00;
	v1 =	vadd.f32 v1, v5;
	v9 =	vld [tilespmem:s15+$0x70];
	s15 =	smov.u32 s10  }
0x13b: {  	[tilespmem:s18+$0xFFFFFF40] =	vst v2;
	v10 =	vld [tilespmem:s25+$0x70];
	s25 =	smov.u32 s23  }
0x13c: {  	v3 =	vld [tilespmem:s10+$0xFFFFFF50];
	v2 =	vadd.f32 v4, v7;
	v1 =	vmax.f32 v1, $0.0e+00  }
.Ltmp1:
0x13d: {  	v5 =	vld [tilespmem:s23+$0xFFFFFF50];
	[tilespmem:s18+$0xD0] =	vst v1;
	(pc) =	sbr.rel @p2 .LBB2_5-.Ltmp1, $4  }
0x13e: {  	v1 =	vadd.f32 v8, v6;
	v4 =	vmax.f32 v2, $0.0e+00;
	v2 =	vld [tilespmem:s10+$0xE0]  }
0x13f: {  	[tilespmem:s18+$0x40] =	vst v4;
	v4 =	vld [tilespmem:s23+$0xE0]  }
0x140: {  	v7 =	vmax.f32 v1, $0.0e+00;
	v6 =	vld [tilespmem:s10+$0x50];
	v1 =	vadd.f32 v10, v9  }
0x141: {  	s10 =	sadd.s32 $0x200, s10;
	[tilespmem:s18+$0xFFFFFFD0] =	vst v7;
	v7 =	vld [tilespmem:s23+$0x50]  }
0x142: {  	v3 =	vadd.f32 v5, v3;
	_ =	sdelay $0x1  }
0x143: {  	v3 =	vmax.f32 v3, $0.0e+00  }
0x144: {  	[tilespmem:s18+$0xFFFFFF50] =	vst v3  }
0x145: {  	v3 =	vadd.f32 v7, v6;
	v5 =	vld [tilespmem:s15+$0xFFFFFF60]  }
0x146: {  	v6 =	vld [tilespmem:s25+$0xFFFFFF60]  }
0x147: {  	v7 =	vld [tilespmem:s15+$0xFFFFFFE0];
	v3 =	vmax.f32 v3, $0.0e+00  }
0x148: {  	[tilespmem:s18+$0x50] =	vst v3;
	v3 =	vld [tilespmem:s25+$0xFFFFFFE0]  }
0x149: {  	v2 =	vadd.f32 v4, v2;
	v4 =	vld [tilespmem:s15+$0x60]  }
0x14a: {  	v8 =	vld [tilespmem:s25+$0x60]  }
0x14b: {  	v2 =	vmax.f32 v2, $0.0e+00;
	v5 =	vadd.f32 v6, v5  }
0x14c: {  	[tilespmem:s18+$0xE0] =	vst v2  }
0x14d: {  	v2 =	vld [tilespmem:s15+$0xF0];
	v5 =	vmax.f32 v5, $0.0e+00;
	v3 =	vadd.f32 v3, v7  }
0x14e: {  	v6 =	vld [tilespmem:s25+$0xF0];
	[tilespmem:s18+$0xFFFFFF60] =	vst v5  }
0x14f: {  	v4 =	vadd.f32 v8, v4;
	v5 =	vld [tilespmem:s15+$0xFFFFFF70];
	v3 =	vmax.f32 v3, $0.0e+00  }
0x150: {  	[tilespmem:s18+$0xFFFFFFE0] =	vst v3;
	v3 =	vld [tilespmem:s25+$0xFFFFFF70]  }
0x151: {  	v4 =	vmax.f32 v4, $0.0e+00;
	v7 =	vld [tilespmem:s15+$0xFFFFFFF0]  }
0x152: {  	[tilespmem:s18+$0x60] =	vst v4;
	v4 =	vld [tilespmem:s25+$0xFFFFFFF0]  }
0x153: {  	v8 =	vld [tilespmem:s15+$0x70]  }
0x154: {  	v9 =	vld [tilespmem:s25+$0x70];
	_ =	sdelay $0x1  }
0x155: {  	v2 =	vadd.f32 v6, v2  }
0x156: {  	v1 =	vmax.f32 v1, $0.0e+00;
	v3 =	vadd.f32 v3, v5  }
0x157: {  	[tilespmem:s14+$0x70] =	vst v1;
	v1 =	vmax.f32 v2, $0.0e+00;
	v2 =	vadd.f32 v4, v7  }
0x158: {  	[tilespmem:s18+$0xF0] =	vst v1;
	v1 =	vmax.f32 v3, $0.0e+00;
	v3 =	vadd.f32 v9, v8  }
0x159: {  	[tilespmem:s18+$0xFFFFFF70] =	vst v1;
	v1 =	vmax.f32 v2, $0.0e+00  }
0x15a: {  	[tilespmem:s18+$0xFFFFFFF0] =	vst v1;
	v1 =	vmax.f32 v3, $0.0e+00  }
0x15b: {  	[tilespmem:s18+$0x70] =	vst v1  }
0x15c: {  	_ =	swait.ge [sflag:s31], $0x40  }
0x15d: {  	[sflag:s31] =	ssyncset.done $0x0  }
0x15e: {  	s10 =	simm.s32 $0x180;
	s18 =	sshll.u32 s13, $0xD;
	[sflag:s31] =	ssyncadd.s32 $0xFFFFFFC0  }
0x15f: {  	[spmem:s5] =	stream.indirect.scatter.add.f32 [tilespmem:s24], [sflag:$0xB], $0x80, s10, s22, $0xb8;
	[tilespmem:$0x1FC80] =	vst v63  }
0x160: {  	s10 =	sadd.s32 s21, s18  }
0x161: {  	s10 =	sshrl.u32 s10, $0x3  }
0x162: {  	s19 =	simm.s32 $0x400;
	s10 =	sadd.s32 s2, s10  }
0x163: {  	[tilespmem:s19], [sflag:$0x7] =	stream.linear.gather [hbm4b:s10+s6], $0x2000, $0x38;
	[tilespmem:$0x1FC80] =	vst v63  }
0x164: {  	_ =	swait.ge [sflag:s3], $0x2000  }
0x165: {  	s13 =	sor.u32 $0x3, s12;
	[sflag:s3] =	ssyncset.done $0x0  }
0x166: {  	s10 =	sshll.u32 s13, $0x6;
	[sflag:s3] =	ssyncadd.s32 $0xFFFFE000  }
0x167: {  	s23 =	sadd.s32 s7, s10;
	_ =	swait.ge [sflag:s4], $0x2000  }
0x168: {  	s14 =	sshrl.u32 s23, $0x3;
	[sflag:s4] =	ssyncset.done $0x0  }
0x169: {  	s14 =	sadd.s32 s1, s14;
	[sflag:s4] =	ssyncadd.s32 $0xFFFFE000  }
0x16a: {  	[tilespmem:s16], [sflag:$0x2] =	stream.linear.gather [hbm4b:s14+s6], $0x40, $0x38;
	[tilespmem:$0x1FC80] =	vst v63  }
0x16b: {  	_ =	swait.ge [sflag:s20], $0x40  }
0x16c: {  	[sflag:s20] =	ssyncset.done $0x0  }
0x16d: {  	s25 =	simm.s32 $0x4400;
	s14 =	simm.s32 @!p1 $0xC;
	[sflag:s20] =	ssyncadd.s32 $0xFFFFFFC0  }
0x16e: {  	[tilespmem:s25], [sflag:$0x9] =	stream.indirect.gather [hbm4b:s0+s22], $0x80, s6, s22, $0xb8;
	[tilespmem:$0x1FC80] =	vst v63  }
0x16f: {  	s15 =	simm.s32 @!p1 $0x300;
	s10 =	sadd.s32 @!p1 s8, s10;
	_ =	swait.ge @!p1 [sflag:s14], $0x2000  }
0x170: {  	s19 =	simm.s32 $0x2500;
	s10 =	sshrl.u32 @!p1 s10, $0x3;
	[sflag:s14] =	ssyncset.done @!p1 $0x0  }
0x171: {  	s10 =	sadd.s32 @!p1 s1, s10;
	[sflag:s14] =	ssyncadd.s32 @!p1 $0xFFFFE000;
	s14 =	simm.s32 @!p1 $0x0  }
0x172: {  	[tilespmem:s15], [sflag:$0x6] =	stream.linear.gather @!p1 [hbm4b:s10+s14], $0x40, $0x38;
	[tilespmem:$0x1FC80] =	vst v63  }
0x173: {  	s10 =	simm.s32 $0x6500;
	v1 =	vld [tilespmem:s19+$0x80]  }
0x174: {  	v2 =	vld [tilespmem:s10+$0x80];
	_ =	sdelay $0x4  }
0x175: {  	v3 =	vld [tilespmem:s19+$0xFFFFFF80];
	v1 =	vadd.f32 v2, v1  }
0x176: {  	v2 =	vld [tilespmem:s10+$0xFFFFFF80]  }
0x177: {  	s14 =	simm.s32 $0xA500;
	v4 =	vld [tilespmem:s10+$0xFFFFFF00];
	v1 =	vmax.f32 v1, $0.0e+00  }
0x178: {  	v5 =	vld [tilespmem:s19+$0xFFFFFF00];
	[tilespmem:s14+$0x80] =	vst v1  }
0x179: {  	v1 =	vld [tilespmem:s19+$0x90]  }
0x17a: {  	v6 =	vld [tilespmem:s10+$0x90]  }
0x17b: {  	v7 =	vld [tilespmem:s19+$0x0];
	v2 =	vadd.f32 v2, v3  }
0x17c: {  	v3 =	vld [tilespmem:s10+$0x0]  }
0x17d: {  	v4 =	vadd.f32 v4, v5;
	v2 =	vmax.f32 v2, $0.0e+00  }
0x17e: {  	[tilespmem:s14+$0xFFFFFF80] =	vst v2  }
0x17f: {  	v4 =	vmax.f32 v4, $0.0e+00;
	v2 =	vld [tilespmem:s19+$0xFFFFFF90];
	v1 =	vadd.f32 v6, v1  }
0x180: {  	[tilespmem:s14+$0xFFFFFF00] =	vst v4;
	v5 =	vld [tilespmem:s10+$0xFFFFFF90]  }
0x181: {  	v4 =	vld [tilespmem:s19+$0xFFFFFF10];
	v3 =	vadd.f32 v3, v7;
	v1 =	vmax.f32 v1, $0.0e+00  }
0x182: {  	v6 =	vld [tilespmem:s10+$0xFFFFFF10];
	[tilespmem:s14+$0x90] =	vst v1  }
0x183: {  	v1 =	vmax.f32 v3, $0.0e+00;
	v3 =	vld [tilespmem:s19+$0xA0]  }
0x184: {  	[tilespmem:s14+$0x0] =	vst v1;
	v1 =	vld [tilespmem:s10+$0xA0]  }
0x185: {  	v7 =	vld [tilespmem:s19+$0x10];
	v2 =	vadd.f32 v5, v2  }
0x186: {  	v5 =	vld [tilespmem:s10+$0x10]  }
0x187: {  	v2 =	vmax.f32 v2, $0.0e+00  }
0x188: {  	v4 =	vadd.f32 v6, v4;
	[tilespmem:s14+$0xFFFFFF90] =	vst v2  }
0x189: {  	v2 =	vld [tilespmem:s19+$0xFFFFFFA0];
	v1 =	vadd.f32 v1, v3  }
0x18a: {  	v4 =	vmax.f32 v4, $0.0e+00;
	v3 =	vld [tilespmem:s10+$0xFFFFFFA0]  }
0x18b: {  	[tilespmem:s14+$0xFFFFFF10] =	vst v4;
	v4 =	vadd.f32 v5, v7;
	v1 =	vmax.f32 v1, $0.0e+00  }
0x18c: {  	[tilespmem:s14+$0xA0] =	vst v1  }
0x18d: {  	v1 =	vmax.f32 v4, $0.0e+00;
	v4 =	vld [tilespmem:s19+$0xB0]  }
0x18e: {  	[tilespmem:s14+$0x10] =	vst v1;
	v1 =	vld [tilespmem:s10+$0xB0]  }
0x18f: {  	v2 =	vadd.f32 v3, v2;
	v3 =	vld [tilespmem:s19+$0x20]  }
0x190: {  	v7 =	vld [tilespmem:s10+$0x20]  }
0x191: {  	v6 =	vld [tilespmem:s10+$0xFFFFFF20];
	v2 =	vmax.f32 v2, $0.0e+00  }
0x192: {  	v5 =	vld [tilespmem:s19+$0xFFFFFF20];
	[tilespmem:s14+$0xFFFFFFA0] =	vst v2  }
0x193: {  	v2 =	vld [tilespmem:s19+$0xFFFFFFB0];
	v1 =	vadd.f32 v1, v4  }
0x194: {  	v4 =	vld [tilespmem:s10+$0xFFFFFFB0]  }
0x195: {  	v3 =	vadd.f32 v7, v3;
	v1 =	vmax.f32 v1, $0.0e+00  }
0x196: {  	[tilespmem:s14+$0xB0] =	vst v1  }
0x197: {  	v5 =	vadd.f32 v6, v5;
	v1 =	vmax.f32 v3, $0.0e+00;
	v3 =	vld [tilespmem:s19+$0xC0]  }
0x198: {  	[tilespmem:s14+$0x20] =	vst v1;
	v1 =	vld [tilespmem:s10+$0xC0]  }
0x199: {  	v5 =	vmax.f32 v5, $0.0e+00;
	v2 =	vadd.f32 v4, v2;
	v4 =	vld [tilespmem:s19+$0x30]  }
0x19a: {  	[tilespmem:s14+$0xFFFFFF20] =	vst v5;
	v7 =	vld [tilespmem:s10+$0x30]  }
0x19b: {  	v5 =	vld [tilespmem:s19+$0xFFFFFF30];
	v2 =	vmax.f32 v2, $0.0e+00  }
0x19c: {  	v6 =	vld [tilespmem:s10+$0xFFFFFF30];
	[tilespmem:s14+$0xFFFFFFB0] =	vst v2  }
0x19d: {  	v2 =	vld [tilespmem:s19+$0xFFFFFFC0];
	v1 =	vadd.f32 v1, v3  }
0x19e: {  	v3 =	vld [tilespmem:s10+$0xFFFFFFC0]  }
0x19f: {  	s23 =	simm.s32 $0x6700;
	v4 =	vadd.f32 v7, v4;
	v1 =	vmax.f32 v1, $0.0e+00  }
0x1a0: {  	v11 =	vld [tilespmem:s23+$0xFFFFFF00];
	[tilespmem:s14+$0xC0] =	vst v1  }
0x1a1: {  	v1 =	vmax.f32 v4, $0.0e+00;
	v4 =	vld [tilespmem:s19+$0xD0]  }
0x1a2: {  	v5 =	vadd.f32 v6, v5;
	[tilespmem:s14+$0x30] =	vst v1;
	v1 =	vld [tilespmem:s10+$0xD0]  }
0x1a3: {  	v2 =	vadd.f32 v3, v2;
	v3 =	vld [tilespmem:s19+$0x40]  }
0x1a4: {  	s15 =	simm.s32 $0x2700;
	v5 =	vmax.f32 v5, $0.0e+00;
	v7 =	vld [tilespmem:s10+$0x40]  }
0x1a5: {  	v52 =	vld [tilespmem:s15+$0xFFFFFF00];
	[tilespmem:s14+$0xFFFFFF30] =	vst v5  }
0x1a6: {  	v5 =	vld [tilespmem:s19+$0xFFFFFF40]  }
0x1a7: {  	v6 =	vld [tilespmem:s10+$0xFFFFFF40];
	v1 =	vadd.f32 v1, v4  }
0x1a8: {  	v49 =	vld [tilespmem:s15+$0x80]  }
0x1a9: {  	v10 =	vld [tilespmem:s23+$0x80];
	v3 =	vadd.f32 v7, v3;
	v1 =	vmax.f32 v1, $0.0e+00  }
0x1aa: {  	v12 =	vld [tilespmem:s23+$0xFFFFFF80];
	v11 =	vadd.f32 v11, v52;
	[tilespmem:s14+$0xD0] =	vst v1  }
0x1ab: {  	v1 =	vmax.f32 v3, $0.0e+00;
	v3 =	vld [tilespmem:s19+$0xE0]  }
0x1ac: {  	s18 =	simm.s32 $0xA700;
	v11 =	vmax.f32 v11, $0.0e+00;
	v5 =	vadd.f32 v6, v5;
	[tilespmem:s14+$0x40] =	vst v1;
	v1 =	vld [tilespmem:s10+$0xE0]  }
0x1ad: {  	v13 =	vld [tilespmem:s15+$0x0];
	[tilespmem:s18+$0xFFFFFF00] =	vst v11;
	v2 =	vmax.f32 v2, $0.0e+00  }
0x1ae: {  	v11 =	vld [tilespmem:s15+$0xFFFFFF10];
	[tilespmem:s14+$0xFFFFFFC0] =	vst v2;
	v5 =	vmax.f32 v5, $0.0e+00  }
0x1af: {  	v2 =	vld [tilespmem:s19+$0xFFFFFFD0];
	[tilespmem:s14+$0xFFFFFF40] =	vst v5  }
0x1b0: {  	v5 =	vld [tilespmem:s19+$0xFFFFFF50]  }
0x1b1: {  	v6 =	vld [tilespmem:s10+$0xFFFFFF50];
	v1 =	vadd.f32 v1, v3  }
0x1b2: {  	v3 =	vld [tilespmem:s15+$0xFFFFFF80]  }
0x1b3: {  	v4 =	vld [tilespmem:s10+$0xFFFFFFD0];
	v1 =	vmax.f32 v1, $0.0e+00  }
0x1b4: {  	v7 =	vld [tilespmem:s19+$0x50];
	[tilespmem:s14+$0xE0] =	vst v1;
	v1 =	vadd.f32 v10, v49  }
0x1b5: {  	v8 =	vld [tilespmem:s10+$0x50]  }
0x1b6: {  	v5 =	vadd.f32 v6, v5;
	v6 =	vld [tilespmem:s23+$0x0];
	v1 =	vmax.f32 v1, $0.0e+00  }
0x1b7: {  	v54 =	vld [tilespmem:s23+$0xFFFFFF10];
	v3 =	vadd.f32 v12, v3;
	[tilespmem:s18+$0x80] =	vst v1  }
0x1b8: {  	v1 =	vmax.f32 v5, $0.0e+00;
	v5 =	vld [tilespmem:s15+$0x90]  }
0x1b9: {  	v2 =	vadd.f32 v4, v2;
	[tilespmem:s14+$0xFFFFFF50] =	vst v1;
	v1 =	vmax.f32 v3, $0.0e+00;
	v3 =	vld [tilespmem:s23+$0x90]  }
0x1ba: {  	v7 =	vadd.f32 v8, v7;
	v50 =	vld [tilespmem:s19+$0xF0]  }
0x1bb: {  	v2 =	vmax.f32 v2, $0.0e+00;
	v6 =	vadd.f32 v6, v13;
	v51 =	vld [tilespmem:s10+$0xF0];
	[tilespmem:s18+$0xFFFFFF80] =	vst v1  }
0x1bc: {  	[tilespmem:s14+$0xFFFFFFD0] =	vst v2;
	v7 =	vmax.f32 v7, $0.0e+00;
	v4 =	vld [tilespmem:s15+$0xFFFFFF90]  }
0x1bd: {  	v2 =	vmax.f32 v6, $0.0e+00;
	[tilespmem:s14+$0x50] =	vst v7;
	v53 =	vld [tilespmem:s23+$0xFFFFFF90]  }
0x1be: {  	v7 =	vld [tilespmem:s10+$0xFFFFFFE0];
	[tilespmem:s18+$0x0] =	vst v2;
	v2 =	vadd.f32 v3, v5  }
0x1bf: {  	v57 =	vld [tilespmem:s19+$0x60]  }
0x1c0: {  	v58 =	vld [tilespmem:s10+$0x60];
	v2 =	vmax.f32 v2, $0.0e+00  }
0x1c1: {  	v1 =	vld [tilespmem:s19+$0xFFFFFF60];
	[tilespmem:s18+$0x90] =	vst v2  }
0x1c2: {  	v4 =	vadd.f32 v53, v4;
	v2 =	vld [tilespmem:s15+$0xA0]  }
0x1c3: {  	v55 =	vld [tilespmem:s23+$0xA0]  }
0x1c4: {  	v5 =	vld [tilespmem:s15+$0x10];
	v4 =	vmax.f32 v4, $0.0e+00  }
0x1c5: {  	[tilespmem:s18+$0xFFFFFF90] =	vst v4;
	v4 =	vld [tilespmem:s23+$0x10]  }
0x1c6: {  	v11 =	vadd.f32 v54, v11;
	v8 =	vld [tilespmem:s15+$0xFFFFFFA0]  }
0x1c7: {  	v56 =	vld [tilespmem:s23+$0xFFFFFFA0]  }
0x1c8: {  	v11 =	vmax.f32 v11, $0.0e+00;
	v6 =	vld [tilespmem:s10+$0xFFFFFF60];
	v2 =	vadd.f32 v55, v2  }
0x1c9: {  	[tilespmem:s18+$0xFFFFFF10] =	vst v11;
	v3 =	vld [tilespmem:s19+$0xFFFFFFE0]  }
0x1ca: {  	v4 =	vadd.f32 v4, v5;
	v5 =	vld [tilespmem:s15+$0xFFFFFF20];
	v2 =	vmax.f32 v2, $0.0e+00  }
0x1cb: {  	[tilespmem:s18+$0xA0] =	vst v2;
	v2 =	vld [tilespmem:s23+$0xFFFFFF20]  }
0x1cc: {  	v8 =	vadd.f32 v56, v8;
	v4 =	vmax.f32 v4, $0.0e+00;
	v59 =	vld [tilespmem:s15+$0xB0]  }
0x1cd: {  	v1 =	vadd.f32 v6, v1;
	[tilespmem:s18+$0x10] =	vst v4;
	v4 =	vld [tilespmem:s23+$0xB0]  }
0x1ce: {  	v6 =	vmax.f32 v8, $0.0e+00;
	v8 =	vld [tilespmem:s15+$0x20]  }
0x1cf: {  	v1 =	vmax.f32 v1, $0.0e+00;
	[tilespmem:s18+$0xFFFFFFA0] =	vst v6;
	v6 =	vld [tilespmem:s23+$0x20]  }
0x1d0: {  	[tilespmem:s14+$0xFFFFFF60] =	vst v1;
	v1 =	vld [tilespmem:s23+$0xFFFFFFB0];
	v2 =	vadd.f32 v2, v5  }
0x1d1: {  	v5 =	vld [tilespmem:s15+$0xFFFFFFB0]  }
0x1d2: {  	v60 =	vld [tilespmem:s19+$0xFFFFFF70];
	v4 =	vadd.f32 v4, v59;
	v2 =	vmax.f32 v2, $0.0e+00  }
0x1d3: {  	[tilespmem:s18+$0xFFFFFF20] =	vst v2;
	v2 =	vld [tilespmem:s10+$0xFFFFFF70]  }
0x1d4: {  	v6 =	vadd.f32 v6, v8;
	v4 =	vmax.f32 v4, $0.0e+00;
	v8 =	vld [tilespmem:s15+$0xFFFFFF30]  }
0x1d5: {  	[tilespmem:s18+$0xB0] =	vst v4;
	v4 =	vld [tilespmem:s23+$0xFFFFFF30]  }
0x1d6: {  	v1 =	vadd.f32 v1, v5;
	v5 =	vmax.f32 v6, $0.0e+00;
	v6 =	vld [tilespmem:s15+$0xC0]  }
0x1d7: {  	[tilespmem:s18+$0x20] =	vst v5;
	v5 =	vld [tilespmem:s23+$0xC0]  }
0x1d8: {  	v3 =	vadd.f32 v7, v3;
	v1 =	vmax.f32 v1, $0.0e+00;
	v7 =	vld [tilespmem:s15+$0x30]  }
0x1d9: {  	[tilespmem:s18+$0xFFFFFFB0] =	vst v1;
	v1 =	vld [tilespmem:s23+$0x30]  }
0x1da: {  	v3 =	vmax.f32 v3, $0.0e+00;
	v4 =	vadd.f32 v4, v8;
	v8 =	vld [tilespmem:s15+$0xFFFFFFC0]  }
0x1db: {  	[tilespmem:s14+$0xFFFFFFE0] =	vst v3;
	v3 =	vld [tilespmem:s23+$0xFFFFFFC0]  }
0x1dc: {  	v4 =	vmax.f32 v4, $0.0e+00;
	v5 =	vadd.f32 v5, v6;
	v6 =	vld [tilespmem:s19+$0xFFFFFFF0]  }
0x1dd: {  	[tilespmem:s18+$0xFFFFFF30] =	vst v4;
	v4 =	vld [tilespmem:s10+$0xFFFFFFF0]  }
0x1de: {  	v1 =	vadd.f32 v1, v7;
	v7 =	vld [tilespmem:s15+$0xFFFFFF40];
	v5 =	vmax.f32 v5, $0.0e+00  }
0x1df: {  	[tilespmem:s18+$0xC0] =	vst v5;
	v5 =	vld [tilespmem:s23+$0xFFFFFF40]  }
0x1e0: {  	v3 =	vadd.f32 v3, v8;
	v1 =	vmax.f32 v1, $0.0e+00;
	v8 =	vld [tilespmem:s15+$0xD0]  }
0x1e1: {  	[tilespmem:s18+$0x30] =	vst v1;
	v1 =	vld [tilespmem:s23+$0xD0]  }
0x1e2: {  	v11 =	vadd.f32 v58, v57;
	v3 =	vmax.f32 v3, $0.0e+00;
	v61 =	vld [tilespmem:s15+$0x40]  }
0x1e3: {  	[tilespmem:s18+$0xFFFFFFC0] =	vst v3;
	v3 =	vld [tilespmem:s23+$0x40]  }
0x1e4: {  	v11 =	vmax.f32 v11, $0.0e+00;
	v62 =	vld [tilespmem:s23+$0xFFFFFFD0];
	v5 =	vadd.f32 v5, v7  }
0x1e5: {  	v9 =	vadd.f32 v51, v50;
	[tilespmem:s14+$0x60] =	vst v11;
	v7 =	vld [tilespmem:s15+$0xFFFFFFD0]  }
0x1e6: {  	v11 =	vld [tilespmem:s10+$0x70];
	v5 =	vmax.f32 v5, $0.0e+00;
	v1 =	vadd.f32 v1, v8  }
0x1e7: {  	v9 =	vmax.f32 v9, $0.0e+00;
	v2 =	vadd.f32 v2, v60;
	v8 =	vld [tilespmem:s19+$0x70];
	[tilespmem:s18+$0xFFFFFF40] =	vst v5  }
0x1e8: {  	[tilespmem:s14+$0xF0] =	vst v9;
	v63 =	vadd.f32 v3, v61;
	v3 =	vld [tilespmem:s15+$0xFFFFFF50];
	v1 =	vmax.f32 v1, $0.0e+00  }
0x1e9: {  	v2 =	vmax.f32 v2, $0.0e+00;
	v4 =	vadd.f32 v4, v6;
	v5 =	vld [tilespmem:s23+$0xFFFFFF50];
	[tilespmem:s18+$0xD0] =	vst v1  }
0x1ea: {  	[tilespmem:s14+$0xFFFFFF70] =	vst v2;
	v1 =	vadd.f32 v62, v7;
	v6 =	vmax.f32 v63, $0.0e+00;
	v2 =	vld [tilespmem:s15+$0xE0]  }
0x1eb: {  	v7 =	vmax.f32 v4, $0.0e+00;
	[tilespmem:s18+$0x40] =	vst v6;
	v4 =	vld [tilespmem:s23+$0xE0]  }
0x1ec: {  	[tilespmem:s14+$0xFFFFFFF0] =	vst v7;
	v7 =	vmax.f32 v1, $0.0e+00;
	v6 =	vld [tilespmem:s15+$0x50];
	v1 =	vadd.f32 v11, v8  }
0x1ed: {  	s25 =	simm.s32 $0x6700;
	s10 =	simm.s32 $0x2900;
	s19 =	simm.s32 $0x4;
	[tilespmem:s18+$0xFFFFFFD0] =	vst v7;
	v7 =	vld [tilespmem:s23+$0x50]  }
.LBB2_7:
0x1ee: {  	v8 =	vld [tilespmem:s10+$0x80];
	v3 =	vadd.f32 v5, v3;
	s23 =	sadd.s32 $0x200, s23;
	v1 =	vmax.f32 v1, $0.0e+00  }
0x1ef: {  	v5 =	vld [tilespmem:s23+$0x80];
	[tilespmem:s14+$0x70] =	vst v1;
	s14 =	smov.u32 s18  }
0x1f0: {  	v1 =	vld [tilespmem:s23+$0xFFFFFF00];
	v3 =	vmax.f32 v3, $0.0e+00;
	v2 =	vadd.f32 v4, v2  }
0x1f1: {  	v4 =	vld [tilespmem:s10+$0xFFFFFF80];
	[tilespmem:s18+$0xFFFFFF50] =	vst v3  }
0x1f2: {  	v3 =	vld [tilespmem:s23+$0xFFFFFF80];
	v6 =	vadd.f32 v7, v6;
	v2 =	vmax.f32 v2, $0.0e+00  }
0x1f3: {  	v7 =	vld [tilespmem:s10+$0x0];
	[tilespmem:s18+$0xE0] =	vst v2  }
0x1f4: {  	v2 =	vadd.f32 v5, v8;
	v5 =	vmax.f32 v6, $0.0e+00;
	v6 =	vld [tilespmem:s15+$0xF0]  }
0x1f5: {  	[tilespmem:s18+$0x50] =	vst v5;
	v5 =	vld [tilespmem:s25+$0xF0]  }
0x1f6: {  	s19 =	sadd.s32 $0x4, s19;
	s18 =	sadd.s32 $0x200, s18;
	v8 =	vld [tilespmem:s23+$0x0];
	v2 =	vmax.f32 v2, $0.0e+00  }
0x1f7: {  	p1 =	slt.u32 s19, $0x3C;
	v9 =	vld [tilespmem:s10+$0xFFFFFF00];
	v3 =	vadd.f32 v3, v4;
	[tilespmem:s18+$0x80] =	vst v2  }
0x1f8: {  	v2 =	vld [tilespmem:s10+$0x90]  }
0x1f9: {  	v3 =	vmax.f32 v3, $0.0e+00;
	v4 =	vld [tilespmem:s23+$0x90]  }
0x1fa: {  	[tilespmem:s18+$0xFFFFFF80] =	vst v3;
	v3 =	vld [tilespmem:s15+$0xFFFFFF60];
	v5 =	vadd.f32 v5, v6  }
0x1fb: {  	v6 =	vld [tilespmem:s10+$0xFFFFFF90];
	v7 =	vadd.f32 v8, v7  }
0x1fc: {  	v1 =	vadd.f32 v1, v9;
	v8 =	vld [tilespmem:s23+$0xFFFFFF90];
	v5 =	vmax.f32 v5, $0.0e+00  }
0x1fd: {  	v7 =	vmax.f32 v7, $0.0e+00;
	v9 =	vld [tilespmem:s25+$0xFFFFFF60];
	[tilespmem:s14+$0xF0] =	vst v5  }
0x1fe: {  	v1 =	vmax.f32 v1, $0.0e+00;
	[tilespmem:s18+$0x0] =	vst v7;
	v2 =	vadd.f32 v4, v2;
	v4 =	vld [tilespmem:s15+$0xFFFFFFE0]  }
0x1ff: {  	[tilespmem:s18+$0xFFFFFF00] =	vst v1;
	v1 =	vld [tilespmem:s10+$0x10]  }
0x200: {  	v5 =	vld [tilespmem:s10+$0xFFFFFF10];
	v2 =	vmax.f32 v2, $0.0e+00  }
0x201: {  	v7 =	vld [tilespmem:s23+$0xFFFFFF10];
	v6 =	vadd.f32 v8, v6;
	[tilespmem:s18+$0x90] =	vst v2  }
0x202: {  	v2 =	vld [tilespmem:s10+$0xA0];
	v3 =	vadd.f32 v9, v3  }
0x203: {  	v6 =	vmax.f32 v6, $0.0e+00;
	v8 =	vld [tilespmem:s23+$0xA0]  }
0x204: {  	[tilespmem:s18+$0xFFFFFF90] =	vst v6;
	v6 =	vld [tilespmem:s23+$0x10];
	v3 =	vmax.f32 v3, $0.0e+00  }
0x205: {  	v9 =	vld [tilespmem:s10+$0xFFFFFFA0];
	[tilespmem:s14+$0xFFFFFF60] =	vst v3  }
0x206: {  	v3 =	vadd.f32 v7, v5;
	v5 =	vld [tilespmem:s23+$0xFFFFFFA0]  }
0x207: {  	v7 =	vld [tilespmem:s25+$0xFFFFFFE0]  }
0x208: {  	v3 =	vmax.f32 v3, $0.0e+00;
	v2 =	vadd.f32 v8, v2;
	v8 =	vld [tilespmem:s15+$0x60]  }
0x209: {  	[tilespmem:s18+$0xFFFFFF10] =	vst v3;
	v1 =	vadd.f32 v6, v1;
	v3 =	vld [tilespmem:s25+$0x60]  }
0x20a: {  	v6 =	vld [tilespmem:s10+$0xFFFFFF20];
	v2 =	vmax.f32 v2, $0.0e+00  }
0x20b: {  	v10 =	vld [tilespmem:s23+$0xFFFFFF20];
	v5 =	vadd.f32 v5, v9;
	v1 =	vmax.f32 v1, $0.0e+00;
	[tilespmem:s18+$0xA0] =	vst v2  }
0x20c: {  	[tilespmem:s18+$0x10] =	vst v1;
	v1 =	vld [tilespmem:s10+$0xB0];
	v2 =	vadd.f32 v7, v4  }
0x20d: {  	v4 =	vmax.f32 v5, $0.0e+00;
	v5 =	vld [tilespmem:s23+$0xB0]  }
0x20e: {  	[tilespmem:s18+$0xFFFFFFA0] =	vst v4;
	v4 =	vld [tilespmem:s10+$0x20];
	v2 =	vmax.f32 v2, $0.0e+00;
	v3 =	vadd.f32 v3, v8  }
0x20f: {  	v7 =	vld [tilespmem:s23+$0x20];
	[tilespmem:s14+$0xFFFFFFE0] =	vst v2  }
0x210: {  	v2 =	vadd.f32 v10, v6;
	v6 =	vld [tilespmem:s10+$0xFFFFFFB0];
	v3 =	vmax.f32 v3, $0.0e+00  }
0x211: {  	v8 =	vld [tilespmem:s23+$0xFFFFFFB0];
	[tilespmem:s14+$0x60] =	vst v3  }
0x212: {  	v2 =	vmax.f32 v2, $0.0e+00;
	v1 =	vadd.f32 v5, v1;
	v3 =	vld [tilespmem:s15+$0xFFFFFF70]  }
0x213: {  	[tilespmem:s18+$0xFFFFFF20] =	vst v2;
	v2 =	vld [tilespmem:s25+$0xFFFFFF70]  }
0x214: {  	v5 =	vld [tilespmem:s10+$0xFFFFFF30];
	v4 =	vadd.f32 v7, v4;
	v1 =	vmax.f32 v1, $0.0e+00  }
0x215: {  	v7 =	vld [tilespmem:s23+$0xFFFFFF30];
	[tilespmem:s18+$0xB0] =	vst v1  }
0x216: {  	v1 =	vadd.f32 v8, v6;
	v4 =	vmax.f32 v4, $0.0e+00;
	v6 =	vld [tilespmem:s10+$0xC0]  }
0x217: {  	[tilespmem:s18+$0x20] =	vst v4;
	v4 =	vld [tilespmem:s23+$0xC0]  }
0x218: {  	v1 =	vmax.f32 v1, $0.0e+00;
	v8 =	vld [tilespmem:s10+$0x30];
	v2 =	vadd.f32 v2, v3  }
0x219: {  	[tilespmem:s18+$0xFFFFFFB0] =	vst v1;
	v1 =	vld [tilespmem:s23+$0x30]  }
0x21a: {  	v3 =	vadd.f32 v7, v5;
	v5 =	vld [tilespmem:s10+$0xFFFFFFC0];
	v2 =	vmax.f32 v2, $0.0e+00  }
0x21b: {  	v7 =	vld [tilespmem:s23+$0xFFFFFFC0];
	[tilespmem:s14+$0xFFFFFF70] =	vst v2  }
0x21c: {  	v2 =	vmax.f32 v3, $0.0e+00;
	v3 =	vadd.f32 v4, v6;
	v4 =	vld [tilespmem:s15+$0xFFFFFFF0]  }
0x21d: {  	[tilespmem:s18+$0xFFFFFF30] =	vst v2;
	v2 =	vld [tilespmem:s25+$0xFFFFFFF0]  }
0x21e: {  	v6 =	vld [tilespmem:s10+$0xFFFFFF40];
	v1 =	vadd.f32 v1, v8;
	v3 =	vmax.f32 v3, $0.0e+00  }
0x21f: {  	v8 =	vld [tilespmem:s23+$0xFFFFFF40];
	[tilespmem:s18+$0xC0] =	vst v3  }
0x220: {  	v3 =	vadd.f32 v7, v5;
	v1 =	vmax.f32 v1, $0.0e+00;
	v5 =	vld [tilespmem:s10+$0xD0]  }
0x221: {  	[tilespmem:s18+$0x30] =	vst v1;
	v1 =	vld [tilespmem:s23+$0xD0]  }
0x222: {  	v3 =	vmax.f32 v3, $0.0e+00;
	v7 =	vld [tilespmem:s10+$0x40];
	v2 =	vadd.f32 v2, v4  }
0x223: {  	[tilespmem:s18+$0xFFFFFFC0] =	vst v3;
	v4 =	vld [tilespmem:s23+$0x40]  }
0x224: {  	v3 =	vadd.f32 v8, v6;
	v6 =	vld [tilespmem:s10+$0xFFFFFFD0];
	v2 =	vmax.f32 v2, $0.0e+00  }
0x225: {  	v8 =	vld [tilespmem:s23+$0xFFFFFFD0];
	[tilespmem:s14+$0xFFFFFFF0] =	vst v2  }
0x226: {  	v2 =	vmax.f32 v3, $0.0e+00;
	v1 =	vadd.f32 v1, v5;
	v9 =	vld [tilespmem:s15+$0x70];
	s15 =	smov.u32 s10  }
0x227: {  	[tilespmem:s18+$0xFFFFFF40] =	vst v2;
	v10 =	vld [tilespmem:s25+$0x70];
	s25 =	smov.u32 s23  }
0x228: {  	v3 =	vld [tilespmem:s10+$0xFFFFFF50];
	v2 =	vadd.f32 v4, v7;
	v1 =	vmax.f32 v1, $0.0e+00  }
.Ltmp2:
0x229: {  	v5 =	vld [tilespmem:s23+$0xFFFFFF50];
	[tilespmem:s18+$0xD0] =	vst v1;
	(pc) =	sbr.rel @p1 .LBB2_7-.Ltmp2, $4  }
0x22a: {  	v1 =	vadd.f32 v8, v6;
	v4 =	vmax.f32 v2, $0.0e+00;
	v2 =	vld [tilespmem:s10+$0xE0]  }
0x22b: {  	[tilespmem:s18+$0x40] =	vst v4;
	v4 =	vld [tilespmem:s23+$0xE0]  }
0x22c: {  	v7 =	vmax.f32 v1, $0.0e+00;
	v6 =	vld [tilespmem:s10+$0x50];
	v1 =	vadd.f32 v10, v9  }
0x22d: {  	s10 =	sadd.s32 $0x200, s10;
	[tilespmem:s18+$0xFFFFFFD0] =	vst v7;
	v7 =	vld [tilespmem:s23+$0x50]  }
0x22e: {  	v3 =	vadd.f32 v5, v3;
	_ =	sdelay $0x1  }
0x22f: {  	v3 =	vmax.f32 v3, $0.0e+00  }
0x230: {  	[tilespmem:s18+$0xFFFFFF50] =	vst v3  }
0x231: {  	v3 =	vadd.f32 v7, v6;
	v5 =	vld [tilespmem:s15+$0xFFFFFF60]  }
0x232: {  	v6 =	vld [tilespmem:s25+$0xFFFFFF60]  }
0x233: {  	v7 =	vld [tilespmem:s15+$0xFFFFFFE0];
	v3 =	vmax.f32 v3, $0.0e+00  }
0x234: {  	[tilespmem:s18+$0x50] =	vst v3;
	v3 =	vld [tilespmem:s25+$0xFFFFFFE0]  }
0x235: {  	v2 =	vadd.f32 v4, v2;
	v4 =	vld [tilespmem:s15+$0x60]  }
0x236: {  	v8 =	vld [tilespmem:s25+$0x60]  }
0x237: {  	v2 =	vmax.f32 v2, $0.0e+00;
	v5 =	vadd.f32 v6, v5  }
0x238: {  	[tilespmem:s18+$0xE0] =	vst v2  }
0x239: {  	v2 =	vld [tilespmem:s15+$0xF0];
	v5 =	vmax.f32 v5, $0.0e+00;
	v3 =	vadd.f32 v3, v7  }
0x23a: {  	v6 =	vld [tilespmem:s25+$0xF0];
	[tilespmem:s18+$0xFFFFFF60] =	vst v5  }
0x23b: {  	v4 =	vadd.f32 v8, v4;
	v5 =	vld [tilespmem:s15+$0xFFFFFF70];
	v3 =	vmax.f32 v3, $0.0e+00  }
0x23c: {  	[tilespmem:s18+$0xFFFFFFE0] =	vst v3;
	v3 =	vld [tilespmem:s25+$0xFFFFFF70]  }
0x23d: {  	v4 =	vmax.f32 v4, $0.0e+00;
	v7 =	vld [tilespmem:s15+$0xFFFFFFF0]  }
0x23e: {  	[tilespmem:s18+$0x60] =	vst v4;
	v4 =	vld [tilespmem:s25+$0xFFFFFFF0]  }
0x23f: {  	v8 =	vld [tilespmem:s15+$0x70]  }
0x240: {  	v9 =	vld [tilespmem:s25+$0x70];
	_ =	sdelay $0x1  }
0x241: {  	v2 =	vadd.f32 v6, v2  }
0x242: {  	v1 =	vmax.f32 v1, $0.0e+00;
	v3 =	vadd.f32 v3, v5  }
0x243: {  	[tilespmem:s14+$0x70] =	vst v1;
	v1 =	vmax.f32 v2, $0.0e+00;
	v2 =	vadd.f32 v4, v7  }
0x244: {  	[tilespmem:s18+$0xF0] =	vst v1;
	v1 =	vmax.f32 v3, $0.0e+00;
	v3 =	vadd.f32 v9, v8  }
0x245: {  	[tilespmem:s18+$0xFFFFFF70] =	vst v1;
	v1 =	vmax.f32 v2, $0.0e+00  }
0x246: {  	[tilespmem:s18+$0xFFFFFFF0] =	vst v1;
	v1 =	vmax.f32 v3, $0.0e+00  }
0x247: {  	[tilespmem:s18+$0x70] =	vst v1  }
0x248: {  	_ =	swait.ge [sflag:s11], $0x40  }
0x249: {  	s10 =	simm.s32 $0x200;
	[sflag:s11] =	ssyncset.done $0x0  }
0x24a: {  	s19 =	sshll.u32 s13, $0xD;
	s18 =	simm.s32 $0xA400;
	[sflag:s11] =	ssyncadd.s32 $0xFFFFFFC0  }
0x24b: {  	[spmem:s5] =	stream.indirect.scatter.add.f32 [tilespmem:s18], [sflag:$0xC], $0x80, s10, s22, $0xb8;
	[tilespmem:$0x1FC80] =	vst v63  }
0x24c: {  	s10 =	sadd.s32 s21, s19  }
0x24d: {  	s10 =	sshrl.u32 s10, $0x3  }
0x24e: {  	s23 =	simm.s32 $0x2400;
	s10 =	sadd.s32 s2, s10  }
0x24f: {  	[tilespmem:s23], [sflag:$0x8] =	stream.linear.gather [hbm4b:s10+s6], $0x2000, $0x38;
	[tilespmem:$0x1FC80] =	vst v63  }
0x250: {  	_ =	swait.ge [sflag:s26], $0x2000  }
0x251: {  	[sflag:s26] =	ssyncset.done $0x0  }
0x252: {  	[sflag:s26] =	ssyncadd.s32 $0xFFFFE000  }
0x253: {  	_ =	swait.ge [sflag:s28], $0x2000  }
0x254: {  	p1 =	seq.s32 s30, $0x26;
	[sflag:s28] =	ssyncset.done $0x0  }
0x255: {  	s10 =	simm.s32 @p1 $0x2;
	[sflag:s28] =	ssyncadd.s32 $0xFFFFE000  }
0x256: {  	_ =	swait.ge @p1 [sflag:s10], $0x40  }
0x257: {  	s13 =	sadd.s32 $0x4, s12;
	s14 =	simm.s32 @p1 $0x80;
	[sflag:s10] =	ssyncset.done @p1 $0x0  }
0x258: {  	s15 =	simm.s32 @p1 $0x6400;
	[sflag:s10] =	ssyncadd.s32 @p1 $0xFFFFFFC0;
	s10 =	simm.s32 @p1 $0x40  }
0x259: {  	[tilespmem:s15], [sflag:$0xA] =	stream.indirect.gather @p1 [hbm4b:s0+s10], $0x80, s14, s10, $0xb8;
	[tilespmem:$0x1FC80] =	vst v63  }
0x25a: {  	s10 =	simm.s32 @p1 $0xB;
	s14 =	sshll.u32 @!p1 s13, $0x6  }
0x25b: {  	_ =	swait.ge @p1 [sflag:s10], $0x2000;
	s15 =	sadd.s32 @!p1 s7, s14  }
0x25c: {  	[sflag:s10] =	ssyncset.done @p1 $0x0;
	s15 =	sshrl.u32 @!p1 s15, $0x3  }
0x25d: {  	[sflag:s10] =	ssyncadd.s32 @p1 $0xFFFFE000;
	s10 =	sadd.s32 @!p1 s1, s15;
	s15 =	simm.s32 @!p1 $0x0  }
0x25e: {  	[tilespmem:s15], [sflag:$0x1] =	stream.linear.gather @!p1 [hbm4b:s10+s15], $0x40, $0x38;
	[tilespmem:$0x1FC80] =	vst v63  }
0x25f: {  	s10 =	simm.s32 @!p1 $0x2  }
0x260: {  	_ =	swait.ge @!p1 [sflag:s10], $0x40  }
0x261: {  	s18 =	simm.s32 @!p1 $0x80;
	[sflag:s10] =	ssyncset.done @!p1 $0x0  }
0x262: {  	s19 =	simm.s32 @!p1 $0x6400;
	[sflag:s10] =	ssyncadd.s32 @!p1 $0xFFFFFFC0;
	s10 =	simm.s32 @!p1 $0x40  }
0x263: {  	[tilespmem:s19], [sflag:$0xA] =	stream.indirect.gather @!p1 [hbm4b:s0+s10], $0x80, s18, s10, $0xb8;
	[tilespmem:$0x1FC80] =	vst v63  }
0x264: {  	s10 =	simm.s32 @!p1 $0xB  }
0x265: {  	s14 =	sadd.s32 @!p1 s8, s14;
	_ =	swait.ge @!p1 [sflag:s10], $0x2000  }
0x266: {  	s25 =	simm.s32 $0x500;
	s14 =	sshrl.u32 @!p1 s14, $0x3;
	[sflag:s10] =	ssyncset.done @!p1 $0x0  }
0x267: {  	[sflag:s10] =	ssyncadd.s32 @!p1 $0xFFFFE000;
	s10 =	sadd.s32 @!p1 s1, s14;
	s14 =	simm.s32 @!p1 $0x180  }
0x268: {  	[tilespmem:s14], [sflag:$0x3] =	stream.linear.gather @!p1 [hbm4b:s10+s15], $0x40, $0x38;
	[tilespmem:$0x1FC80] =	vst v63  }
0x269: {  	s10 =	simm.s32 $0x4500;
	v1 =	vld [tilespmem:s25+$0x80]  }
0x26a: {  	v2 =	vld [tilespmem:s10+$0x80];
	_ =	sdelay $0x4  }
0x26b: {  	v3 =	vld [tilespmem:s25+$0xFFFFFF80];
	v1 =	vadd.f32 v2, v1  }
0x26c: {  	v2 =	vld [tilespmem:s10+$0xFFFFFF80]  }
0x26d: {  	s14 =	simm.s32 $0x8500;
	v4 =	vld [tilespmem:s10+$0xFFFFFF00];
	v1 =	vmax.f32 v1, $0.0e+00  }
0x26e: {  	v5 =	vld [tilespmem:s25+$0xFFFFFF00];
	[tilespmem:s14+$0x80] =	vst v1  }
0x26f: {  	v1 =	vld [tilespmem:s25+$0x90]  }
0x270: {  	v6 =	vld [tilespmem:s10+$0x90]  }
0x271: {  	v7 =	vld [tilespmem:s25+$0x0];
	v2 =	vadd.f32 v2, v3  }
0x272: {  	v3 =	vld [tilespmem:s10+$0x0]  }
0x273: {  	v4 =	vadd.f32 v4, v5;
	v2 =	vmax.f32 v2, $0.0e+00  }
0x274: {  	[tilespmem:s14+$0xFFFFFF80] =	vst v2  }
0x275: {  	v4 =	vmax.f32 v4, $0.0e+00;
	v2 =	vld [tilespmem:s25+$0xFFFFFF90];
	v1 =	vadd.f32 v6, v1  }
0x276: {  	[tilespmem:s14+$0xFFFFFF00] =	vst v4;
	v5 =	vld [tilespmem:s10+$0xFFFFFF90]  }
0x277: {  	v4 =	vld [tilespmem:s25+$0xFFFFFF10];
	v3 =	vadd.f32 v3, v7;
	v1 =	vmax.f32 v1, $0.0e+00  }
0x278: {  	v6 =	vld [tilespmem:s10+$0xFFFFFF10];
	[tilespmem:s14+$0x90] =	vst v1  }
0x279: {  	v1 =	vmax.f32 v3, $0.0e+00;
	v3 =	vld [tilespmem:s25+$0xA0]  }
0x27a: {  	[tilespmem:s14+$0x0] =	vst v1;
	v1 =	vld [tilespmem:s10+$0xA0]  }
0x27b: {  	v7 =	vld [tilespmem:s25+$0x10];
	v2 =	vadd.f32 v5, v2  }
0x27c: {  	v5 =	vld [tilespmem:s10+$0x10]  }
0x27d: {  	v2 =	vmax.f32 v2, $0.0e+00  }
0x27e: {  	v4 =	vadd.f32 v6, v4;
	[tilespmem:s14+$0xFFFFFF90] =	vst v2  }
0x27f: {  	v2 =	vld [tilespmem:s25+$0xFFFFFFA0];
	v1 =	vadd.f32 v1, v3  }
0x280: {  	v4 =	vmax.f32 v4, $0.0e+00;
	v3 =	vld [tilespmem:s10+$0xFFFFFFA0]  }
0x281: {  	[tilespmem:s14+$0xFFFFFF10] =	vst v4;
	v4 =	vadd.f32 v5, v7;
	v1 =	vmax.f32 v1, $0.0e+00  }
0x282: {  	[tilespmem:s14+$0xA0] =	vst v1  }
0x283: {  	v1 =	vmax.f32 v4, $0.0e+00;
	v4 =	vld [tilespmem:s25+$0xB0]  }
0x284: {  	[tilespmem:s14+$0x10] =	vst v1;
	v1 =	vld [tilespmem:s10+$0xB0]  }
0x285: {  	v2 =	vadd.f32 v3, v2;
	v3 =	vld [tilespmem:s25+$0x20]  }
0x286: {  	v7 =	vld [tilespmem:s10+$0x20]  }
0x287: {  	v6 =	vld [tilespmem:s10+$0xFFFFFF20];
	v2 =	vmax.f32 v2, $0.0e+00  }
0x288: {  	v5 =	vld [tilespmem:s25+$0xFFFFFF20];
	[tilespmem:s14+$0xFFFFFFA0] =	vst v2  }
0x289: {  	v2 =	vld [tilespmem:s25+$0xFFFFFFB0];
	v1 =	vadd.f32 v1, v4  }
0x28a: {  	v4 =	vld [tilespmem:s10+$0xFFFFFFB0]  }
0x28b: {  	v3 =	vadd.f32 v7, v3;
	v1 =	vmax.f32 v1, $0.0e+00  }
0x28c: {  	[tilespmem:s14+$0xB0] =	vst v1  }
0x28d: {  	v5 =	vadd.f32 v6, v5;
	v1 =	vmax.f32 v3, $0.0e+00;
	v3 =	vld [tilespmem:s25+$0xC0]  }
0x28e: {  	[tilespmem:s14+$0x20] =	vst v1;
	v1 =	vld [tilespmem:s10+$0xC0]  }
0x28f: {  	v5 =	vmax.f32 v5, $0.0e+00;
	v2 =	vadd.f32 v4, v2;
	v4 =	vld [tilespmem:s25+$0x30]  }
0x290: {  	[tilespmem:s14+$0xFFFFFF20] =	vst v5;
	v7 =	vld [tilespmem:s10+$0x30]  }
0x291: {  	v5 =	vld [tilespmem:s25+$0xFFFFFF30];
	v2 =	vmax.f32 v2, $0.0e+00  }
0x292: {  	v6 =	vld [tilespmem:s10+$0xFFFFFF30];
	[tilespmem:s14+$0xFFFFFFB0] =	vst v2  }
0x293: {  	v2 =	vld [tilespmem:s25+$0xFFFFFFC0];
	v1 =	vadd.f32 v1, v3  }
0x294: {  	v3 =	vld [tilespmem:s10+$0xFFFFFFC0]  }
0x295: {  	s23 =	simm.s32 $0x4700;
	v4 =	vadd.f32 v7, v4;
	v1 =	vmax.f32 v1, $0.0e+00  }
0x296: {  	v11 =	vld [tilespmem:s23+$0xFFFFFF00];
	[tilespmem:s14+$0xC0] =	vst v1  }
0x297: {  	v1 =	vmax.f32 v4, $0.0e+00;
	v4 =	vld [tilespmem:s25+$0xD0]  }
0x298: {  	v5 =	vadd.f32 v6, v5;
	[tilespmem:s14+$0x30] =	vst v1;
	v1 =	vld [tilespmem:s10+$0xD0]  }
0x299: {  	v2 =	vadd.f32 v3, v2;
	v3 =	vld [tilespmem:s25+$0x40]  }
0x29a: {  	s15 =	simm.s32 $0x700;
	v5 =	vmax.f32 v5, $0.0e+00;
	v7 =	vld [tilespmem:s10+$0x40]  }
0x29b: {  	v52 =	vld [tilespmem:s15+$0xFFFFFF00];
	[tilespmem:s14+$0xFFFFFF30] =	vst v5  }
0x29c: {  	v5 =	vld [tilespmem:s25+$0xFFFFFF40]  }
0x29d: {  	v6 =	vld [tilespmem:s10+$0xFFFFFF40];
	v1 =	vadd.f32 v1, v4  }
0x29e: {  	v49 =	vld [tilespmem:s15+$0x80]  }
0x29f: {  	v10 =	vld [tilespmem:s23+$0x80];
	v3 =	vadd.f32 v7, v3;
	v1 =	vmax.f32 v1, $0.0e+00  }
0x2a0: {  	v12 =	vld [tilespmem:s23+$0xFFFFFF80];
	v11 =	vadd.f32 v11, v52;
	[tilespmem:s14+$0xD0] =	vst v1  }
0x2a1: {  	v1 =	vmax.f32 v3, $0.0e+00;
	v3 =	vld [tilespmem:s25+$0xE0]  }
0x2a2: {  	s18 =	simm.s32 $0x8700;
	v11 =	vmax.f32 v11, $0.0e+00;
	v5 =	vadd.f32 v6, v5;
	[tilespmem:s14+$0x40] =	vst v1;
	v1 =	vld [tilespmem:s10+$0xE0]  }
0x2a3: {  	v13 =	vld [tilespmem:s15+$0x0];
	[tilespmem:s18+$0xFFFFFF00] =	vst v11;
	v2 =	vmax.f32 v2, $0.0e+00  }
0x2a4: {  	v11 =	vld [tilespmem:s15+$0xFFFFFF10];
	[tilespmem:s14+$0xFFFFFFC0] =	vst v2;
	v5 =	vmax.f32 v5, $0.0e+00  }
0x2a5: {  	v2 =	vld [tilespmem:s25+$0xFFFFFFD0];
	[tilespmem:s14+$0xFFFFFF40] =	vst v5  }
0x2a6: {  	v5 =	vld [tilespmem:s25+$0xFFFFFF50]  }
0x2a7: {  	v6 =	vld [tilespmem:s10+$0xFFFFFF50];
	v1 =	vadd.f32 v1, v3  }
0x2a8: {  	v3 =	vld [tilespmem:s15+$0xFFFFFF80]  }
0x2a9: {  	v4 =	vld [tilespmem:s10+$0xFFFFFFD0];
	v1 =	vmax.f32 v1, $0.0e+00  }
0x2aa: {  	v7 =	vld [tilespmem:s25+$0x50];
	[tilespmem:s14+$0xE0] =	vst v1;
	v1 =	vadd.f32 v10, v49  }
0x2ab: {  	v8 =	vld [tilespmem:s10+$0x50]  }
0x2ac: {  	v5 =	vadd.f32 v6, v5;
	v6 =	vld [tilespmem:s23+$0x0];
	v1 =	vmax.f32 v1, $0.0e+00  }
0x2ad: {  	v54 =	vld [tilespmem:s23+$0xFFFFFF10];
	v3 =	vadd.f32 v12, v3;
	[tilespmem:s18+$0x80] =	vst v1  }
0x2ae: {  	v1 =	vmax.f32 v5, $0.0e+00;
	v5 =	vld [tilespmem:s15+$0x90]  }
0x2af: {  	v2 =	vadd.f32 v4, v2;
	[tilespmem:s14+$0xFFFFFF50] =	vst v1;
	v1 =	vmax.f32 v3, $0.0e+00;
	v3 =	vld [tilespmem:s23+$0x90]  }
0x2b0: {  	v7 =	vadd.f32 v8, v7;
	v50 =	vld [tilespmem:s25+$0xF0]  }
0x2b1: {  	v2 =	vmax.f32 v2, $0.0e+00;
	v6 =	vadd.f32 v6, v13;
	v51 =	vld [tilespmem:s10+$0xF0];
	[tilespmem:s18+$0xFFFFFF80] =	vst v1  }
0x2b2: {  	[tilespmem:s14+$0xFFFFFFD0] =	vst v2;
	v7 =	vmax.f32 v7, $0.0e+00;
	v4 =	vld [tilespmem:s15+$0xFFFFFF90]  }
0x2b3: {  	v2 =	vmax.f32 v6, $0.0e+00;
	[tilespmem:s14+$0x50] =	vst v7;
	v53 =	vld [tilespmem:s23+$0xFFFFFF90]  }
0x2b4: {  	v7 =	vld [tilespmem:s10+$0xFFFFFFE0];
	[tilespmem:s18+$0x0] =	vst v2;
	v2 =	vadd.f32 v3, v5  }
0x2b5: {  	v57 =	vld [tilespmem:s25+$0x60]  }
0x2b6: {  	v58 =	vld [tilespmem:s10+$0x60];
	v2 =	vmax.f32 v2, $0.0e+00  }
0x2b7: {  	v1 =	vld [tilespmem:s25+$0xFFFFFF60];
	[tilespmem:s18+$0x90] =	vst v2  }
0x2b8: {  	v4 =	vadd.f32 v53, v4;
	v2 =	vld [tilespmem:s15+$0xA0]  }
0x2b9: {  	v55 =	vld [tilespmem:s23+$0xA0]  }
0x2ba: {  	v5 =	vld [tilespmem:s15+$0x10];
	v4 =	vmax.f32 v4, $0.0e+00  }
0x2bb: {  	[tilespmem:s18+$0xFFFFFF90] =	vst v4;
	v4 =	vld [tilespmem:s23+$0x10]  }
0x2bc: {  	v11 =	vadd.f32 v54, v11;
	v8 =	vld [tilespmem:s15+$0xFFFFFFA0]  }
0x2bd: {  	v56 =	vld [tilespmem:s23+$0xFFFFFFA0]  }
0x2be: {  	v11 =	vmax.f32 v11, $0.0e+00;
	v6 =	vld [tilespmem:s10+$0xFFFFFF60];
	v2 =	vadd.f32 v55, v2  }
0x2bf: {  	[tilespmem:s18+$0xFFFFFF10] =	vst v11;
	v3 =	vld [tilespmem:s25+$0xFFFFFFE0]  }
0x2c0: {  	v4 =	vadd.f32 v4, v5;
	v5 =	vld [tilespmem:s15+$0xFFFFFF20];
	v2 =	vmax.f32 v2, $0.0e+00  }
0x2c1: {  	[tilespmem:s18+$0xA0] =	vst v2;
	v2 =	vld [tilespmem:s23+$0xFFFFFF20]  }
0x2c2: {  	v8 =	vadd.f32 v56, v8;
	v4 =	vmax.f32 v4, $0.0e+00;
	v59 =	vld [tilespmem:s15+$0xB0]  }
0x2c3: {  	v1 =	vadd.f32 v6, v1;
	[tilespmem:s18+$0x10] =	vst v4;
	v4 =	vld [tilespmem:s23+$0xB0]  }
0x2c4: {  	v6 =	vmax.f32 v8, $0.0e+00;
	v8 =	vld [tilespmem:s15+$0x20]  }
0x2c5: {  	v1 =	vmax.f32 v1, $0.0e+00;
	[tilespmem:s18+$0xFFFFFFA0] =	vst v6;
	v6 =	vld [tilespmem:s23+$0x20]  }
0x2c6: {  	[tilespmem:s14+$0xFFFFFF60] =	vst v1;
	v1 =	vld [tilespmem:s23+$0xFFFFFFB0];
	v2 =	vadd.f32 v2, v5  }
0x2c7: {  	v5 =	vld [tilespmem:s15+$0xFFFFFFB0]  }
0x2c8: {  	v60 =	vld [tilespmem:s25+$0xFFFFFF70];
	v4 =	vadd.f32 v4, v59;
	v2 =	vmax.f32 v2, $0.0e+00  }
0x2c9: {  	[tilespmem:s18+$0xFFFFFF20] =	vst v2;
	v2 =	vld [tilespmem:s10+$0xFFFFFF70]  }
0x2ca: {  	v6 =	vadd.f32 v6, v8;
	v4 =	vmax.f32 v4, $0.0e+00;
	v8 =	vld [tilespmem:s15+$0xFFFFFF30]  }
0x2cb: {  	[tilespmem:s18+$0xB0] =	vst v4;
	v4 =	vld [tilespmem:s23+$0xFFFFFF30]  }
0x2cc: {  	v1 =	vadd.f32 v1, v5;
	v5 =	vmax.f32 v6, $0.0e+00;
	v6 =	vld [tilespmem:s15+$0xC0]  }
0x2cd: {  	[tilespmem:s18+$0x20] =	vst v5;
	v5 =	vld [tilespmem:s23+$0xC0]  }
0x2ce: {  	v3 =	vadd.f32 v7, v3;
	v1 =	vmax.f32 v1, $0.0e+00;
	v7 =	vld [tilespmem:s15+$0x30]  }
0x2cf: {  	[tilespmem:s18+$0xFFFFFFB0] =	vst v1;
	v1 =	vld [tilespmem:s23+$0x30]  }
0x2d0: {  	v3 =	vmax.f32 v3, $0.0e+00;
	v4 =	vadd.f32 v4, v8;
	v8 =	vld [tilespmem:s15+$0xFFFFFFC0]  }
0x2d1: {  	[tilespmem:s14+$0xFFFFFFE0] =	vst v3;
	v3 =	vld [tilespmem:s23+$0xFFFFFFC0]  }
0x2d2: {  	v4 =	vmax.f32 v4, $0.0e+00;
	v5 =	vadd.f32 v5, v6;
	v6 =	vld [tilespmem:s25+$0xFFFFFFF0]  }
0x2d3: {  	[tilespmem:s18+$0xFFFFFF30] =	vst v4;
	v4 =	vld [tilespmem:s10+$0xFFFFFFF0]  }
0x2d4: {  	v1 =	vadd.f32 v1, v7;
	v7 =	vld [tilespmem:s15+$0xFFFFFF40];
	v5 =	vmax.f32 v5, $0.0e+00  }
0x2d5: {  	[tilespmem:s18+$0xC0] =	vst v5;
	v5 =	vld [tilespmem:s23+$0xFFFFFF40]  }
0x2d6: {  	v3 =	vadd.f32 v3, v8;
	v1 =	vmax.f32 v1, $0.0e+00;
	v8 =	vld [tilespmem:s15+$0xD0]  }
0x2d7: {  	[tilespmem:s18+$0x30] =	vst v1;
	v1 =	vld [tilespmem:s23+$0xD0]  }
0x2d8: {  	v11 =	vadd.f32 v58, v57;
	v3 =	vmax.f32 v3, $0.0e+00;
	v61 =	vld [tilespmem:s15+$0x40]  }
0x2d9: {  	[tilespmem:s18+$0xFFFFFFC0] =	vst v3;
	v3 =	vld [tilespmem:s23+$0x40]  }
0x2da: {  	v11 =	vmax.f32 v11, $0.0e+00;
	v62 =	vld [tilespmem:s23+$0xFFFFFFD0];
	v5 =	vadd.f32 v5, v7  }
0x2db: {  	v9 =	vadd.f32 v51, v50;
	[tilespmem:s14+$0x60] =	vst v11;
	v7 =	vld [tilespmem:s15+$0xFFFFFFD0]  }
0x2dc: {  	v11 =	vld [tilespmem:s10+$0x70];
	v5 =	vmax.f32 v5, $0.0e+00;
	v1 =	vadd.f32 v1, v8  }
0x2dd: {  	v9 =	vmax.f32 v9, $0.0e+00;
	v2 =	vadd.f32 v2, v60;
	v8 =	vld [tilespmem:s25+$0x70];
	[tilespmem:s18+$0xFFFFFF40] =	vst v5  }
0x2de: {  	[tilespmem:s14+$0xF0] =	vst v9;
	v63 =	vadd.f32 v3, v61;
	v3 =	vld [tilespmem:s15+$0xFFFFFF50];
	v1 =	vmax.f32 v1, $0.0e+00  }
0x2df: {  	v2 =	vmax.f32 v2, $0.0e+00;
	v4 =	vadd.f32 v4, v6;
	v5 =	vld [tilespmem:s23+$0xFFFFFF50];
	[tilespmem:s18+$0xD0] =	vst v1  }
0x2e0: {  	[tilespmem:s14+$0xFFFFFF70] =	vst v2;
	v1 =	vadd.f32 v62, v7;
	v6 =	vmax.f32 v63, $0.0e+00;
	v2 =	vld [tilespmem:s15+$0xE0]  }
0x2e1: {  	v7 =	vmax.f32 v4, $0.0e+00;
	[tilespmem:s18+$0x40] =	vst v6;
	v4 =	vld [tilespmem:s23+$0xE0]  }
0x2e2: {  	[tilespmem:s14+$0xFFFFFFF0] =	vst v7;
	v7 =	vmax.f32 v1, $0.0e+00;
	v6 =	vld [tilespmem:s15+$0x50];
	v1 =	vadd.f32 v11, v8  }
0x2e3: {  	s19 =	simm.s32 $0x4;
	s10 =	simm.s32 $0x900;
	s25 =	simm.s32 $0x4700;
	[tilespmem:s18+$0xFFFFFFD0] =	vst v7;
	v7 =	vld [tilespmem:s23+$0x50]  }
.LBB2_9:
0x2e4: {  	v8 =	vld [tilespmem:s10+$0x80];
	v3 =	vadd.f32 v5, v3;
	s23 =	sadd.s32 $0x200, s23;
	v1 =	vmax.f32 v1, $0.0e+00  }
0x2e5: {  	v5 =	vld [tilespmem:s23+$0x80];
	[tilespmem:s14+$0x70] =	vst v1;
	s14 =	smov.u32 s18  }
0x2e6: {  	v1 =	vld [tilespmem:s23+$0xFFFFFF00];
	v3 =	vmax.f32 v3, $0.0e+00;
	v2 =	vadd.f32 v4, v2  }
0x2e7: {  	v4 =	vld [tilespmem:s10+$0xFFFFFF80];
	[tilespmem:s18+$0xFFFFFF50] =	vst v3  }
0x2e8: {  	v3 =	vld [tilespmem:s23+$0xFFFFFF80];
	v6 =	vadd.f32 v7, v6;
	v2 =	vmax.f32 v2, $0.0e+00  }
0x2e9: {  	v7 =	vld [tilespmem:s10+$0x0];
	[tilespmem:s18+$0xE0] =	vst v2  }
0x2ea: {  	v2 =	vadd.f32 v5, v8;
	v5 =	vmax.f32 v6, $0.0e+00;
	v6 =	vld [tilespmem:s15+$0xF0]  }
0x2eb: {  	[tilespmem:s18+$0x50] =	vst v5;
	v5 =	vld [tilespmem:s25+$0xF0]  }
0x2ec: {  	s19 =	sadd.s32 $0x4, s19;
	s18 =	sadd.s32 $0x200, s18;
	v8 =	vld [tilespmem:s23+$0x0];
	v2 =	vmax.f32 v2, $0.0e+00  }
0x2ed: {  	p2 =	slt.u32 s19, $0x3C;
	v9 =	vld [tilespmem:s10+$0xFFFFFF00];
	v3 =	vadd.f32 v3, v4;
	[tilespmem:s18+$0x80] =	vst v2  }
0x2ee: {  	v2 =	vld [tilespmem:s10+$0x90]  }
0x2ef: {  	v3 =	vmax.f32 v3, $0.0e+00;
	v4 =	vld [tilespmem:s23+$0x90]  }
0x2f0: {  	[tilespmem:s18+$0xFFFFFF80] =	vst v3;
	v3 =	vld [tilespmem:s15+$0xFFFFFF60];
	v5 =	vadd.f32 v5, v6  }
0x2f1: {  	v6 =	vld [tilespmem:s10+$0xFFFFFF90];
	v7 =	vadd.f32 v8, v7  }
0x2f2: {  	v1 =	vadd.f32 v1, v9;
	v8 =	vld [tilespmem:s23+$0xFFFFFF90];
	v5 =	vmax.f32 v5, $0.0e+00  }
0x2f3: {  	v7 =	vmax.f32 v7, $0.0e+00;
	v9 =	vld [tilespmem:s25+$0xFFFFFF60];
	[tilespmem:s14+$0xF0] =	vst v5  }
0x2f4: {  	v1 =	vmax.f32 v1, $0.0e+00;
	[tilespmem:s18+$0x0] =	vst v7;
	v2 =	vadd.f32 v4, v2;
	v4 =	vld [tilespmem:s15+$0xFFFFFFE0]  }
0x2f5: {  	[tilespmem:s18+$0xFFFFFF00] =	vst v1;
	v1 =	vld [tilespmem:s10+$0x10]  }
0x2f6: {  	v5 =	vld [tilespmem:s10+$0xFFFFFF10];
	v2 =	vmax.f32 v2, $0.0e+00  }
0x2f7: {  	v7 =	vld [tilespmem:s23+$0xFFFFFF10];
	v6 =	vadd.f32 v8, v6;
	[tilespmem:s18+$0x90] =	vst v2  }
0x2f8: {  	v2 =	vld [tilespmem:s10+$0xA0];
	v3 =	vadd.f32 v9, v3  }
0x2f9: {  	v6 =	vmax.f32 v6, $0.0e+00;
	v8 =	vld [tilespmem:s23+$0xA0]  }
0x2fa: {  	[tilespmem:s18+$0xFFFFFF90] =	vst v6;
	v6 =	vld [tilespmem:s23+$0x10];
	v3 =	vmax.f32 v3, $0.0e+00  }
0x2fb: {  	v9 =	vld [tilespmem:s10+$0xFFFFFFA0];
	[tilespmem:s14+$0xFFFFFF60] =	vst v3  }
0x2fc: {  	v3 =	vadd.f32 v7, v5;
	v5 =	vld [tilespmem:s23+$0xFFFFFFA0]  }
0x2fd: {  	v7 =	vld [tilespmem:s25+$0xFFFFFFE0]  }
0x2fe: {  	v3 =	vmax.f32 v3, $0.0e+00;
	v2 =	vadd.f32 v8, v2;
	v8 =	vld [tilespmem:s15+$0x60]  }
0x2ff: {  	[tilespmem:s18+$0xFFFFFF10] =	vst v3;
	v1 =	vadd.f32 v6, v1;
	v3 =	vld [tilespmem:s25+$0x60]  }
0x300: {  	v6 =	vld [tilespmem:s10+$0xFFFFFF20];
	v2 =	vmax.f32 v2, $0.0e+00  }
0x301: {  	v10 =	vld [tilespmem:s23+$0xFFFFFF20];
	v5 =	vadd.f32 v5, v9;
	v1 =	vmax.f32 v1, $0.0e+00;
	[tilespmem:s18+$0xA0] =	vst v2  }
0x302: {  	[tilespmem:s18+$0x10] =	vst v1;
	v1 =	vld [tilespmem:s10+$0xB0];
	v2 =	vadd.f32 v7, v4  }
0x303: {  	v4 =	vmax.f32 v5, $0.0e+00;
	v5 =	vld [tilespmem:s23+$0xB0]  }
0x304: {  	[tilespmem:s18+$0xFFFFFFA0] =	vst v4;
	v4 =	vld [tilespmem:s10+$0x20];
	v2 =	vmax.f32 v2, $0.0e+00;
	v3 =	vadd.f32 v3, v8  }
0x305: {  	v7 =	vld [tilespmem:s23+$0x20];
	[tilespmem:s14+$0xFFFFFFE0] =	vst v2  }
0x306: {  	v2 =	vadd.f32 v10, v6;
	v6 =	vld [tilespmem:s10+$0xFFFFFFB0];
	v3 =	vmax.f32 v3, $0.0e+00  }
0x307: {  	v8 =	vld [tilespmem:s23+$0xFFFFFFB0];
	[tilespmem:s14+$0x60] =	vst v3  }
0x308: {  	v2 =	vmax.f32 v2, $0.0e+00;
	v1 =	vadd.f32 v5, v1;
	v3 =	vld [tilespmem:s15+$0xFFFFFF70]  }
0x309: {  	[tilespmem:s18+$0xFFFFFF20] =	vst v2;
	v2 =	vld [tilespmem:s25+$0xFFFFFF70]  }
0x30a: {  	v5 =	vld [tilespmem:s10+$0xFFFFFF30];
	v4 =	vadd.f32 v7, v4;
	v1 =	vmax.f32 v1, $0.0e+00  }
0x30b: {  	v7 =	vld [tilespmem:s23+$0xFFFFFF30];
	[tilespmem:s18+$0xB0] =	vst v1  }
0x30c: {  	v1 =	vadd.f32 v8, v6;
	v4 =	vmax.f32 v4, $0.0e+00;
	v6 =	vld [tilespmem:s10+$0xC0]  }
0x30d: {  	[tilespmem:s18+$0x20] =	vst v4;
	v4 =	vld [tilespmem:s23+$0xC0]  }
0x30e: {  	v1 =	vmax.f32 v1, $0.0e+00;
	v8 =	vld [tilespmem:s10+$0x30];
	v2 =	vadd.f32 v2, v3  }
0x30f: {  	[tilespmem:s18+$0xFFFFFFB0] =	vst v1;
	v1 =	vld [tilespmem:s23+$0x30]  }
0x310: {  	v3 =	vadd.f32 v7, v5;
	v5 =	vld [tilespmem:s10+$0xFFFFFFC0];
	v2 =	vmax.f32 v2, $0.0e+00  }
0x311: {  	v7 =	vld [tilespmem:s23+$0xFFFFFFC0];
	[tilespmem:s14+$0xFFFFFF70] =	vst v2  }
0x312: {  	v2 =	vmax.f32 v3, $0.0e+00;
	v3 =	vadd.f32 v4, v6;
	v4 =	vld [tilespmem:s15+$0xFFFFFFF0]  }
0x313: {  	[tilespmem:s18+$0xFFFFFF30] =	vst v2;
	v2 =	vld [tilespmem:s25+$0xFFFFFFF0]  }
0x314: {  	v6 =	vld [tilespmem:s10+$0xFFFFFF40];
	v1 =	vadd.f32 v1, v8;
	v3 =	vmax.f32 v3, $0.0e+00  }
0x315: {  	v8 =	vld [tilespmem:s23+$0xFFFFFF40];
	[tilespmem:s18+$0xC0] =	vst v3  }
0x316: {  	v3 =	vadd.f32 v7, v5;
	v1 =	vmax.f32 v1, $0.0e+00;
	v5 =	vld [tilespmem:s10+$0xD0]  }
0x317: {  	[tilespmem:s18+$0x30] =	vst v1;
	v1 =	vld [tilespmem:s23+$0xD0]  }
0x318: {  	v3 =	vmax.f32 v3, $0.0e+00;
	v7 =	vld [tilespmem:s10+$0x40];
	v2 =	vadd.f32 v2, v4  }
0x319: {  	[tilespmem:s18+$0xFFFFFFC0] =	vst v3;
	v4 =	vld [tilespmem:s23+$0x40]  }
0x31a: {  	v3 =	vadd.f32 v8, v6;
	v6 =	vld [tilespmem:s10+$0xFFFFFFD0];
	v2 =	vmax.f32 v2, $0.0e+00  }
0x31b: {  	v8 =	vld [tilespmem:s23+$0xFFFFFFD0];
	[tilespmem:s14+$0xFFFFFFF0] =	vst v2  }
0x31c: {  	v2 =	vmax.f32 v3, $0.0e+00;
	v1 =	vadd.f32 v1, v5;
	v9 =	vld [tilespmem:s15+$0x70];
	s15 =	smov.u32 s10  }
0x31d: {  	[tilespmem:s18+$0xFFFFFF40] =	vst v2;
	v10 =	vld [tilespmem:s25+$0x70];
	s25 =	smov.u32 s23  }
0x31e: {  	v3 =	vld [tilespmem:s10+$0xFFFFFF50];
	v2 =	vadd.f32 v4, v7;
	v1 =	vmax.f32 v1, $0.0e+00  }
.Ltmp3:
0x31f: {  	v5 =	vld [tilespmem:s23+$0xFFFFFF50];
	[tilespmem:s18+$0xD0] =	vst v1;
	(pc) =	sbr.rel @p2 .LBB2_9-.Ltmp3, $4  }
0x320: {  	v1 =	vadd.f32 v8, v6;
	v4 =	vmax.f32 v2, $0.0e+00;
	v2 =	vld [tilespmem:s10+$0xE0]  }
0x321: {  	[tilespmem:s18+$0x40] =	vst v4;
	v4 =	vld [tilespmem:s23+$0xE0]  }
0x322: {  	v7 =	vmax.f32 v1, $0.0e+00;
	v6 =	vld [tilespmem:s10+$0x50];
	v1 =	vadd.f32 v10, v9  }
0x323: {  	s10 =	sadd.s32 $0x200, s10;
	[tilespmem:s18+$0xFFFFFFD0] =	vst v7;
	v7 =	vld [tilespmem:s23+$0x50]  }
0x324: {  	v3 =	vadd.f32 v5, v3;
	_ =	sdelay $0x1  }
0x325: {  	v3 =	vmax.f32 v3, $0.0e+00  }
0x326: {  	[tilespmem:s18+$0xFFFFFF50] =	vst v3  }
0x327: {  	v3 =	vadd.f32 v7, v6;
	v5 =	vld [tilespmem:s15+$0xFFFFFF60]  }
0x328: {  	v6 =	vld [tilespmem:s25+$0xFFFFFF60]  }
0x329: {  	v7 =	vld [tilespmem:s15+$0xFFFFFFE0];
	v3 =	vmax.f32 v3, $0.0e+00  }
0x32a: {  	[tilespmem:s18+$0x50] =	vst v3;
	v3 =	vld [tilespmem:s25+$0xFFFFFFE0]  }
0x32b: {  	v2 =	vadd.f32 v4, v2;
	v4 =	vld [tilespmem:s15+$0x60]  }
0x32c: {  	v8 =	vld [tilespmem:s25+$0x60]  }
0x32d: {  	v2 =	vmax.f32 v2, $0.0e+00;
	v5 =	vadd.f32 v6, v5  }
0x32e: {  	[tilespmem:s18+$0xE0] =	vst v2  }
0x32f: {  	v2 =	vld [tilespmem:s15+$0xF0];
	v5 =	vmax.f32 v5, $0.0e+00;
	v3 =	vadd.f32 v3, v7  }
0x330: {  	v6 =	vld [tilespmem:s25+$0xF0];
	[tilespmem:s18+$0xFFFFFF60] =	vst v5  }
0x331: {  	v4 =	vadd.f32 v8, v4;
	v5 =	vld [tilespmem:s15+$0xFFFFFF70];
	v3 =	vmax.f32 v3, $0.0e+00  }
0x332: {  	[tilespmem:s18+$0xFFFFFFE0] =	vst v3;
	v3 =	vld [tilespmem:s25+$0xFFFFFF70]  }
0x333: {  	v4 =	vmax.f32 v4, $0.0e+00;
	v7 =	vld [tilespmem:s15+$0xFFFFFFF0]  }
0x334: {  	[tilespmem:s18+$0x60] =	vst v4;
	v4 =	vld [tilespmem:s25+$0xFFFFFFF0]  }
0x335: {  	v8 =	vld [tilespmem:s15+$0x70]  }
0x336: {  	v9 =	vld [tilespmem:s25+$0x70];
	_ =	sdelay $0x1  }
0x337: {  	v2 =	vadd.f32 v6, v2  }
0x338: {  	v1 =	vmax.f32 v1, $0.0e+00;
	v3 =	vadd.f32 v3, v5  }
0x339: {  	[tilespmem:s14+$0x70] =	vst v1;
	v1 =	vmax.f32 v2, $0.0e+00;
	v2 =	vadd.f32 v4, v7  }
0x33a: {  	[tilespmem:s18+$0xF0] =	vst v1;
	v1 =	vmax.f32 v3, $0.0e+00;
	v3 =	vadd.f32 v9, v8  }
0x33b: {  	[tilespmem:s18+$0xFFFFFF70] =	vst v1;
	v1 =	vmax.f32 v2, $0.0e+00  }
0x33c: {  	[tilespmem:s18+$0xFFFFFFF0] =	vst v1;
	v1 =	vmax.f32 v3, $0.0e+00  }
0x33d: {  	[tilespmem:s18+$0x70] =	vst v1  }
0x33e: {  	_ =	swait.ge [sflag:s9], $0x40  }
0x33f: {  	[sflag:s9] =	ssyncset.done $0x0  }
0x340: {  	s10 =	simm.s32 $0x280;
	[sflag:s9] =	ssyncadd.s32 $0xFFFFFFC0  }
0x341: {  	[spmem:s5] =	stream.indirect.scatter.add.f32 [tilespmem:s24], [sflag:$0xB], $0x80, s10, s22, $0xb8;
	[tilespmem:$0x1FC80] =	vst v63  }
0x342: {  	s10 =	sshll.u32 @!p1 s13, $0xD  }
0x343: {  	s10 =	sadd.s32 @!p1 s21, s10  }
0x344: {  	s10 =	sshrl.u32 @!p1 s10, $0x3  }
0x345: {  	s14 =	simm.s32 @!p1 $0x400;
	s13 =	simm.s32 @!p1 $0x0;
	s10 =	sadd.s32 @!p1 s2, s10  }
0x346: {  	[tilespmem:s14], [sflag:$0x7] =	stream.linear.gather @!p1 [hbm4b:s10+s13], $0x2000, $0x38;
	[tilespmem:$0x1FC80] =	vst v63  }
0x347: {  	_ =	swait.ge [sflag:s3], $0x2000  }
0x348: {  	p2 =	sne.s32 s30, $0x26;
	s12 =	sadd.s32 $0x5, s12;
	[sflag:s3] =	ssyncset.done $0x0  }
0x349: {  	s10 =	sshll.u32 @p2 s12, $0x6;
	[sflag:s3] =	ssyncadd.s32 $0xFFFFE000  }
0x34a: {  	s13 =	sadd.s32 @p2 s7, s10;
	_ =	swait.ge [sflag:s4], $0x2000  }
0x34b: {  	s15 =	simm.s32 @p2 $0x80;
	s13 =	sshrl.u32 @p2 s13, $0x3;
	[sflag:s4] =	ssyncset.done $0x0  }
0x34c: {  	s14 =	simm.s32 @p2 $0x0;
	s13 =	sadd.s32 @p2 s1, s13;
	[sflag:s4] =	ssyncadd.s32 $0xFFFFE000  }
0x34d: {  	[tilespmem:s15], [sflag:$0x2] =	stream.linear.gather @p2 [hbm4b:s13+s14], $0x40, $0x38;
	[tilespmem:$0x1FC80] =	vst v63  }
0x34e: {  	s13 =	simm.s32 @p2 $0x1  }
0x34f: {  	_ =	swait.ge @p2 [sflag:s13], $0x40  }
0x350: {  	[sflag:s13] =	ssyncset.done @p2 $0x0  }
0x351: {  	s15 =	simm.s32 @p2 $0x4400;
	[sflag:s13] =	ssyncadd.s32 @p2 $0xFFFFFFC0;
	s13 =	simm.s32 @p2 $0x40  }
0x352: {  	[tilespmem:s15], [sflag:$0x9] =	stream.indirect.gather @p2 [hbm4b:s0+s13], $0x80, s14, s13, $0xb8;
	[tilespmem:$0x1FC80] =	vst v63  }
0x353: {  	s13 =	simm.s32 @p2 $0xC  }
0x354: {  	s10 =	sadd.s32 @p2 s8, s10;
	_ =	swait.ge @p2 [sflag:s13], $0x2000  }
0x355: {  	s10 =	sshrl.u32 @p2 s10, $0x3;
	[sflag:s13] =	ssyncset.done @p2 $0x0  }
0x356: {  	s10 =	sadd.s32 @p2 s1, s10;
	[sflag:s13] =	ssyncadd.s32 @p2 $0xFFFFE000;
	s13 =	simm.s32 @p2 $0x200  }
0x357: {  	[tilespmem:s13], [sflag:$0x4] =	stream.linear.gather @p2 [hbm4b:s10+s14], $0x40, $0x38;
	[tilespmem:$0x1FC80] =	vst v63  }
0x358: {  	s10 =	simm.s32 @!p2 $0xC  }
0x359: {  	_ =	swait.ge @!p2 [sflag:s10], $0x2000  }
0x35a: {  	[sflag:s10] =	ssyncset.done @!p2 $0x0  }
0x35b: {  	s19 =	simm.s32 $0x2500;
	[sflag:s10] =	ssyncadd.s32 @!p2 $0xFFFFE000  }
0x35c: {  	s23 =	simm.s32 $0x6500;
	v1 =	vld [tilespmem:s19+$0x80]  }
0x35d: {  	v2 =	vld [tilespmem:s23+$0x80];
	_ =	sdelay $0x4  }
0x35e: {  	v3 =	vld [tilespmem:s19+$0xFFFFFF80];
	v1 =	vadd.f32 v2, v1  }
0x35f: {  	v2 =	vld [tilespmem:s23+$0xFFFFFF80]  }
0x360: {  	s13 =	simm.s32 $0xA500;
	v4 =	vld [tilespmem:s23+$0xFFFFFF00];
	v1 =	vmax.f32 v1, $0.0e+00  }
0x361: {  	v5 =	vld [tilespmem:s19+$0xFFFFFF00];
	[tilespmem:s13+$0x80] =	vst v1  }
0x362: {  	v1 =	vld [tilespmem:s19+$0x90]  }
0x363: {  	v6 =	vld [tilespmem:s23+$0x90]  }
0x364: {  	v7 =	vld [tilespmem:s19+$0x0];
	v2 =	vadd.f32 v2, v3  }
0x365: {  	v3 =	vld [tilespmem:s23+$0x0]  }
0x366: {  	v4 =	vadd.f32 v4, v5;
	v2 =	vmax.f32 v2, $0.0e+00  }
0x367: {  	[tilespmem:s13+$0xFFFFFF80] =	vst v2  }
0x368: {  	v4 =	vmax.f32 v4, $0.0e+00;
	v2 =	vld [tilespmem:s19+$0xFFFFFF90];
	v1 =	vadd.f32 v6, v1  }
0x369: {  	[tilespmem:s13+$0xFFFFFF00] =	vst v4;
	v5 =	vld [tilespmem:s23+$0xFFFFFF90]  }
0x36a: {  	v4 =	vld [tilespmem:s19+$0xFFFFFF10];
	v3 =	vadd.f32 v3, v7;
	v1 =	vmax.f32 v1, $0.0e+00  }
0x36b: {  	v6 =	vld [tilespmem:s23+$0xFFFFFF10];
	[tilespmem:s13+$0x90] =	vst v1  }
0x36c: {  	v1 =	vmax.f32 v3, $0.0e+00;
	v3 =	vld [tilespmem:s19+$0xA0]  }
0x36d: {  	[tilespmem:s13+$0x0] =	vst v1;
	v1 =	vld [tilespmem:s23+$0xA0]  }
0x36e: {  	v7 =	vld [tilespmem:s19+$0x10];
	v2 =	vadd.f32 v5, v2  }
0x36f: {  	v5 =	vld [tilespmem:s23+$0x10]  }
0x370: {  	v2 =	vmax.f32 v2, $0.0e+00  }
0x371: {  	v4 =	vadd.f32 v6, v4;
	[tilespmem:s13+$0xFFFFFF90] =	vst v2  }
0x372: {  	v2 =	vld [tilespmem:s19+$0xFFFFFFA0];
	v1 =	vadd.f32 v1, v3  }
0x373: {  	v4 =	vmax.f32 v4, $0.0e+00;
	v3 =	vld [tilespmem:s23+$0xFFFFFFA0]  }
0x374: {  	[tilespmem:s13+$0xFFFFFF10] =	vst v4;
	v4 =	vadd.f32 v5, v7;
	v1 =	vmax.f32 v1, $0.0e+00  }
0x375: {  	[tilespmem:s13+$0xA0] =	vst v1  }
0x376: {  	v1 =	vmax.f32 v4, $0.0e+00;
	v4 =	vld [tilespmem:s19+$0xB0]  }
0x377: {  	[tilespmem:s13+$0x10] =	vst v1;
	v1 =	vld [tilespmem:s23+$0xB0]  }
0x378: {  	v2 =	vadd.f32 v3, v2;
	v3 =	vld [tilespmem:s19+$0x20]  }
0x379: {  	v7 =	vld [tilespmem:s23+$0x20]  }
0x37a: {  	v6 =	vld [tilespmem:s23+$0xFFFFFF20];
	v2 =	vmax.f32 v2, $0.0e+00  }
0x37b: {  	v5 =	vld [tilespmem:s19+$0xFFFFFF20];
	[tilespmem:s13+$0xFFFFFFA0] =	vst v2  }
0x37c: {  	v2 =	vld [tilespmem:s19+$0xFFFFFFB0];
	v1 =	vadd.f32 v1, v4  }
0x37d: {  	v4 =	vld [tilespmem:s23+$0xFFFFFFB0]  }
0x37e: {  	v3 =	vadd.f32 v7, v3;
	v1 =	vmax.f32 v1, $0.0e+00  }
0x37f: {  	[tilespmem:s13+$0xB0] =	vst v1  }
0x380: {  	v5 =	vadd.f32 v6, v5;
	v1 =	vmax.f32 v3, $0.0e+00;
	v3 =	vld [tilespmem:s19+$0xC0]  }
0x381: {  	[tilespmem:s13+$0x20] =	vst v1;
	v1 =	vld [tilespmem:s23+$0xC0]  }
0x382: {  	v5 =	vmax.f32 v5, $0.0e+00;
	v2 =	vadd.f32 v4, v2;
	v4 =	vld [tilespmem:s19+$0x30]  }
0x383: {  	[tilespmem:s13+$0xFFFFFF20] =	vst v5;
	v7 =	vld [tilespmem:s23+$0x30]  }
0x384: {  	v5 =	vld [tilespmem:s19+$0xFFFFFF30];
	v2 =	vmax.f32 v2, $0.0e+00  }
0x385: {  	v6 =	vld [tilespmem:s23+$0xFFFFFF30];
	[tilespmem:s13+$0xFFFFFFB0] =	vst v2  }
0x386: {  	v2 =	vld [tilespmem:s19+$0xFFFFFFC0];
	v1 =	vadd.f32 v1, v3  }
0x387: {  	v3 =	vld [tilespmem:s23+$0xFFFFFFC0]  }
0x388: {  	s18 =	simm.s32 $0x6700;
	v4 =	vadd.f32 v7, v4;
	v1 =	vmax.f32 v1, $0.0e+00  }
0x389: {  	v11 =	vld [tilespmem:s18+$0xFFFFFF00];
	[tilespmem:s13+$0xC0] =	vst v1  }
0x38a: {  	v1 =	vmax.f32 v4, $0.0e+00;
	v4 =	vld [tilespmem:s19+$0xD0]  }
0x38b: {  	v5 =	vadd.f32 v6, v5;
	[tilespmem:s13+$0x30] =	vst v1;
	v1 =	vld [tilespmem:s23+$0xD0]  }
0x38c: {  	v2 =	vadd.f32 v3, v2;
	v3 =	vld [tilespmem:s19+$0x40]  }
0x38d: {  	s14 =	simm.s32 $0x2700;
	v5 =	vmax.f32 v5, $0.0e+00;
	v7 =	vld [tilespmem:s23+$0x40]  }
0x38e: {  	v52 =	vld [tilespmem:s14+$0xFFFFFF00];
	[tilespmem:s13+$0xFFFFFF30] =	vst v5  }
0x38f: {  	v5 =	vld [tilespmem:s19+$0xFFFFFF40]  }
0x390: {  	v6 =	vld [tilespmem:s23+$0xFFFFFF40];
	v1 =	vadd.f32 v1, v4  }
0x391: {  	v49 =	vld [tilespmem:s14+$0x80]  }
0x392: {  	v10 =	vld [tilespmem:s18+$0x80];
	v3 =	vadd.f32 v7, v3;
	v1 =	vmax.f32 v1, $0.0e+00  }
0x393: {  	v12 =	vld [tilespmem:s18+$0xFFFFFF80];
	v11 =	vadd.f32 v11, v52;
	[tilespmem:s13+$0xD0] =	vst v1  }
0x394: {  	v1 =	vmax.f32 v3, $0.0e+00;
	v3 =	vld [tilespmem:s19+$0xE0]  }
0x395: {  	s15 =	simm.s32 $0xA700;
	v11 =	vmax.f32 v11, $0.0e+00;
	v5 =	vadd.f32 v6, v5;
	[tilespmem:s13+$0x40] =	vst v1;
	v1 =	vld [tilespmem:s23+$0xE0]  }
0x396: {  	v13 =	vld [tilespmem:s14+$0x0];
	[tilespmem:s15+$0xFFFFFF00] =	vst v11;
	v2 =	vmax.f32 v2, $0.0e+00  }
0x397: {  	v11 =	vld [tilespmem:s14+$0xFFFFFF10];
	[tilespmem:s13+$0xFFFFFFC0] =	vst v2;
	v5 =	vmax.f32 v5, $0.0e+00  }
0x398: {  	v2 =	vld [tilespmem:s19+$0xFFFFFFD0];
	[tilespmem:s13+$0xFFFFFF40] =	vst v5  }
0x399: {  	v5 =	vld [tilespmem:s19+$0xFFFFFF50]  }
0x39a: {  	v6 =	vld [tilespmem:s23+$0xFFFFFF50];
	v1 =	vadd.f32 v1, v3  }
0x39b: {  	v3 =	vld [tilespmem:s14+$0xFFFFFF80]  }
0x39c: {  	v4 =	vld [tilespmem:s23+$0xFFFFFFD0];
	v1 =	vmax.f32 v1, $0.0e+00  }
0x39d: {  	v7 =	vld [tilespmem:s19+$0x50];
	[tilespmem:s13+$0xE0] =	vst v1;
	v1 =	vadd.f32 v10, v49  }
0x39e: {  	v8 =	vld [tilespmem:s23+$0x50]  }
0x39f: {  	v5 =	vadd.f32 v6, v5;
	v6 =	vld [tilespmem:s18+$0x0];
	v1 =	vmax.f32 v1, $0.0e+00  }
0x3a0: {  	v54 =	vld [tilespmem:s18+$0xFFFFFF10];
	v3 =	vadd.f32 v12, v3;
	[tilespmem:s15+$0x80] =	vst v1  }
0x3a1: {  	v1 =	vmax.f32 v5, $0.0e+00;
	v5 =	vld [tilespmem:s14+$0x90]  }
0x3a2: {  	v2 =	vadd.f32 v4, v2;
	[tilespmem:s13+$0xFFFFFF50] =	vst v1;
	v1 =	vmax.f32 v3, $0.0e+00;
	v3 =	vld [tilespmem:s18+$0x90]  }
0x3a3: {  	v7 =	vadd.f32 v8, v7;
	v50 =	vld [tilespmem:s19+$0xF0]  }
0x3a4: {  	v2 =	vmax.f32 v2, $0.0e+00;
	v6 =	vadd.f32 v6, v13;
	v51 =	vld [tilespmem:s23+$0xF0];
	[tilespmem:s15+$0xFFFFFF80] =	vst v1  }
0x3a5: {  	[tilespmem:s13+$0xFFFFFFD0] =	vst v2;
	v7 =	vmax.f32 v7, $0.0e+00;
	v4 =	vld [tilespmem:s14+$0xFFFFFF90]  }
0x3a6: {  	v2 =	vmax.f32 v6, $0.0e+00;
	[tilespmem:s13+$0x50] =	vst v7;
	v53 =	vld [tilespmem:s18+$0xFFFFFF90]  }
0x3a7: {  	v7 =	vld [tilespmem:s23+$0xFFFFFFE0];
	[tilespmem:s15+$0x0] =	vst v2;
	v2 =	vadd.f32 v3, v5  }
0x3a8: {  	v57 =	vld [tilespmem:s19+$0x60]  }
0x3a9: {  	v58 =	vld [tilespmem:s23+$0x60];
	v2 =	vmax.f32 v2, $0.0e+00  }
0x3aa: {  	v1 =	vld [tilespmem:s19+$0xFFFFFF60];
	[tilespmem:s15+$0x90] =	vst v2  }
0x3ab: {  	v4 =	vadd.f32 v53, v4;
	v2 =	vld [tilespmem:s14+$0xA0]  }
0x3ac: {  	v55 =	vld [tilespmem:s18+$0xA0]  }
0x3ad: {  	v5 =	vld [tilespmem:s14+$0x10];
	v4 =	vmax.f32 v4, $0.0e+00  }
0x3ae: {  	[tilespmem:s15+$0xFFFFFF90] =	vst v4;
	v4 =	vld [tilespmem:s18+$0x10]  }
0x3af: {  	v11 =	vadd.f32 v54, v11;
	v8 =	vld [tilespmem:s14+$0xFFFFFFA0]  }
0x3b0: {  	v56 =	vld [tilespmem:s18+$0xFFFFFFA0]  }
0x3b1: {  	v11 =	vmax.f32 v11, $0.0e+00;
	v6 =	vld [tilespmem:s23+$0xFFFFFF60];
	v2 =	vadd.f32 v55, v2  }
0x3b2: {  	[tilespmem:s15+$0xFFFFFF10] =	vst v11;
	v3 =	vld [tilespmem:s19+$0xFFFFFFE0]  }
0x3b3: {  	v4 =	vadd.f32 v4, v5;
	v5 =	vld [tilespmem:s14+$0xFFFFFF20];
	v2 =	vmax.f32 v2, $0.0e+00  }
0x3b4: {  	[tilespmem:s15+$0xA0] =	vst v2;
	v2 =	vld [tilespmem:s18+$0xFFFFFF20]  }
0x3b5: {  	v8 =	vadd.f32 v56, v8;
	v4 =	vmax.f32 v4, $0.0e+00;
	v59 =	vld [tilespmem:s14+$0xB0]  }
0x3b6: {  	v1 =	vadd.f32 v6, v1;
	[tilespmem:s15+$0x10] =	vst v4;
	v4 =	vld [tilespmem:s18+$0xB0]  }
0x3b7: {  	v6 =	vmax.f32 v8, $0.0e+00;
	v8 =	vld [tilespmem:s14+$0x20]  }
0x3b8: {  	v1 =	vmax.f32 v1, $0.0e+00;
	[tilespmem:s15+$0xFFFFFFA0] =	vst v6;
	v6 =	vld [tilespmem:s18+$0x20]  }
0x3b9: {  	[tilespmem:s13+$0xFFFFFF60] =	vst v1;
	v1 =	vld [tilespmem:s18+$0xFFFFFFB0];
	v2 =	vadd.f32 v2, v5  }
0x3ba: {  	v5 =	vld [tilespmem:s14+$0xFFFFFFB0]  }
0x3bb: {  	v60 =	vld [tilespmem:s19+$0xFFFFFF70];
	v4 =	vadd.f32 v4, v59;
	v2 =	vmax.f32 v2, $0.0e+00  }
0x3bc: {  	[tilespmem:s15+$0xFFFFFF20] =	vst v2;
	v2 =	vld [tilespmem:s23+$0xFFFFFF70]  }
0x3bd: {  	v6 =	vadd.f32 v6, v8;
	v4 =	vmax.f32 v4, $0.0e+00;
	v8 =	vld [tilespmem:s14+$0xFFFFFF30]  }
0x3be: {  	[tilespmem:s15+$0xB0] =	vst v4;
	v4 =	vld [tilespmem:s18+$0xFFFFFF30]  }
0x3bf: {  	v1 =	vadd.f32 v1, v5;
	v5 =	vmax.f32 v6, $0.0e+00;
	v6 =	vld [tilespmem:s14+$0xC0]  }
0x3c0: {  	[tilespmem:s15+$0x20] =	vst v5;
	v5 =	vld [tilespmem:s18+$0xC0]  }
0x3c1: {  	v3 =	vadd.f32 v7, v3;
	v1 =	vmax.f32 v1, $0.0e+00;
	v7 =	vld [tilespmem:s14+$0x30]  }
0x3c2: {  	[tilespmem:s15+$0xFFFFFFB0] =	vst v1;
	v1 =	vld [tilespmem:s18+$0x30]  }
0x3c3: {  	v3 =	vmax.f32 v3, $0.0e+00;
	v4 =	vadd.f32 v4, v8;
	v8 =	vld [tilespmem:s14+$0xFFFFFFC0]  }
0x3c4: {  	[tilespmem:s13+$0xFFFFFFE0] =	vst v3;
	v3 =	vld [tilespmem:s18+$0xFFFFFFC0]  }
0x3c5: {  	v4 =	vmax.f32 v4, $0.0e+00;
	v5 =	vadd.f32 v5, v6;
	v6 =	vld [tilespmem:s19+$0xFFFFFFF0]  }
0x3c6: {  	[tilespmem:s15+$0xFFFFFF30] =	vst v4;
	v4 =	vld [tilespmem:s23+$0xFFFFFFF0]  }
0x3c7: {  	v1 =	vadd.f32 v1, v7;
	v7 =	vld [tilespmem:s14+$0xFFFFFF40];
	v5 =	vmax.f32 v5, $0.0e+00  }
0x3c8: {  	[tilespmem:s15+$0xC0] =	vst v5;
	v5 =	vld [tilespmem:s18+$0xFFFFFF40]  }
0x3c9: {  	v3 =	vadd.f32 v3, v8;
	v1 =	vmax.f32 v1, $0.0e+00;
	v8 =	vld [tilespmem:s14+$0xD0]  }
0x3ca: {  	[tilespmem:s15+$0x30] =	vst v1;
	v1 =	vld [tilespmem:s18+$0xD0]  }
0x3cb: {  	v11 =	vadd.f32 v58, v57;
	v3 =	vmax.f32 v3, $0.0e+00;
	v61 =	vld [tilespmem:s14+$0x40]  }
0x3cc: {  	[tilespmem:s15+$0xFFFFFFC0] =	vst v3;
	v3 =	vld [tilespmem:s18+$0x40]  }
0x3cd: {  	v11 =	vmax.f32 v11, $0.0e+00;
	v62 =	vld [tilespmem:s18+$0xFFFFFFD0];
	v5 =	vadd.f32 v5, v7  }
0x3ce: {  	v9 =	vadd.f32 v51, v50;
	[tilespmem:s13+$0x60] =	vst v11;
	v7 =	vld [tilespmem:s14+$0xFFFFFFD0]  }
0x3cf: {  	v11 =	vld [tilespmem:s23+$0x70];
	v5 =	vmax.f32 v5, $0.0e+00;
	v1 =	vadd.f32 v1, v8  }
0x3d0: {  	v9 =	vmax.f32 v9, $0.0e+00;
	v2 =	vadd.f32 v2, v60;
	v8 =	vld [tilespmem:s19+$0x70];
	[tilespmem:s15+$0xFFFFFF40] =	vst v5  }
0x3d1: {  	[tilespmem:s13+$0xF0] =	vst v9;
	v63 =	vadd.f32 v3, v61;
	v3 =	vld [tilespmem:s14+$0xFFFFFF50];
	v1 =	vmax.f32 v1, $0.0e+00  }
0x3d2: {  	v2 =	vmax.f32 v2, $0.0e+00;
	v4 =	vadd.f32 v4, v6;
	v5 =	vld [tilespmem:s18+$0xFFFFFF50];
	[tilespmem:s15+$0xD0] =	vst v1  }
0x3d3: {  	[tilespmem:s13+$0xFFFFFF70] =	vst v2;
	v1 =	vadd.f32 v62, v7;
	v6 =	vmax.f32 v63, $0.0e+00;
	v2 =	vld [tilespmem:s14+$0xE0]  }
0x3d4: {  	v7 =	vmax.f32 v4, $0.0e+00;
	[tilespmem:s15+$0x40] =	vst v6;
	v4 =	vld [tilespmem:s18+$0xE0]  }
0x3d5: {  	[tilespmem:s13+$0xFFFFFFF0] =	vst v7;
	v7 =	vmax.f32 v1, $0.0e+00;
	v6 =	vld [tilespmem:s14+$0x50];
	v1 =	vadd.f32 v11, v8  }
0x3d6: {  	s10 =	simm.s32 $0x2900;
	s23 =	simm.s32 $0x6700;
	s19 =	simm.s32 $0x4;
	[tilespmem:s15+$0xFFFFFFD0] =	vst v7;
	v7 =	vld [tilespmem:s18+$0x50]  }
.LBB2_11:
0x3d7: {  	v8 =	vld [tilespmem:s10+$0x80];
	v3 =	vadd.f32 v5, v3;
	s18 =	sadd.s32 $0x200, s18;
	v1 =	vmax.f32 v1, $0.0e+00  }
0x3d8: {  	v5 =	vld [tilespmem:s18+$0x80];
	[tilespmem:s13+$0x70] =	vst v1;
	s13 =	smov.u32 s15  }
0x3d9: {  	v1 =	vld [tilespmem:s18+$0xFFFFFF00];
	v3 =	vmax.f32 v3, $0.0e+00;
	v2 =	vadd.f32 v4, v2  }
0x3da: {  	v4 =	vld [tilespmem:s10+$0xFFFFFF80];
	[tilespmem:s15+$0xFFFFFF50] =	vst v3  }
0x3db: {  	v3 =	vld [tilespmem:s18+$0xFFFFFF80];
	v6 =	vadd.f32 v7, v6;
	v2 =	vmax.f32 v2, $0.0e+00  }
0x3dc: {  	v7 =	vld [tilespmem:s10+$0x0];
	[tilespmem:s15+$0xE0] =	vst v2  }
0x3dd: {  	v2 =	vadd.f32 v5, v8;
	v5 =	vmax.f32 v6, $0.0e+00;
	v6 =	vld [tilespmem:s14+$0xF0]  }
0x3de: {  	[tilespmem:s15+$0x50] =	vst v5;
	v5 =	vld [tilespmem:s23+$0xF0]  }
0x3df: {  	s19 =	sadd.s32 $0x4, s19;
	s15 =	sadd.s32 $0x200, s15;
	v8 =	vld [tilespmem:s18+$0x0];
	v2 =	vmax.f32 v2, $0.0e+00  }
0x3e0: {  	p2 =	slt.u32 s19, $0x3C;
	v9 =	vld [tilespmem:s10+$0xFFFFFF00];
	v3 =	vadd.f32 v3, v4;
	[tilespmem:s15+$0x80] =	vst v2  }
0x3e1: {  	v2 =	vld [tilespmem:s10+$0x90]  }
0x3e2: {  	v3 =	vmax.f32 v3, $0.0e+00;
	v4 =	vld [tilespmem:s18+$0x90]  }
0x3e3: {  	[tilespmem:s15+$0xFFFFFF80] =	vst v3;
	v3 =	vld [tilespmem:s14+$0xFFFFFF60];
	v5 =	vadd.f32 v5, v6  }
0x3e4: {  	v6 =	vld [tilespmem:s10+$0xFFFFFF90];
	v7 =	vadd.f32 v8, v7  }
0x3e5: {  	v1 =	vadd.f32 v1, v9;
	v8 =	vld [tilespmem:s18+$0xFFFFFF90];
	v5 =	vmax.f32 v5, $0.0e+00  }
0x3e6: {  	v7 =	vmax.f32 v7, $0.0e+00;
	v9 =	vld [tilespmem:s23+$0xFFFFFF60];
	[tilespmem:s13+$0xF0] =	vst v5  }
0x3e7: {  	v1 =	vmax.f32 v1, $0.0e+00;
	[tilespmem:s15+$0x0] =	vst v7;
	v2 =	vadd.f32 v4, v2;
	v4 =	vld [tilespmem:s14+$0xFFFFFFE0]  }
0x3e8: {  	[tilespmem:s15+$0xFFFFFF00] =	vst v1;
	v1 =	vld [tilespmem:s10+$0x10]  }
0x3e9: {  	v5 =	vld [tilespmem:s10+$0xFFFFFF10];
	v2 =	vmax.f32 v2, $0.0e+00  }
0x3ea: {  	v7 =	vld [tilespmem:s18+$0xFFFFFF10];
	v6 =	vadd.f32 v8, v6;
	[tilespmem:s15+$0x90] =	vst v2  }
0x3eb: {  	v2 =	vld [tilespmem:s10+$0xA0];
	v3 =	vadd.f32 v9, v3  }
0x3ec: {  	v6 =	vmax.f32 v6, $0.0e+00;
	v8 =	vld [tilespmem:s18+$0xA0]  }
0x3ed: {  	[tilespmem:s15+$0xFFFFFF90] =	vst v6;
	v6 =	vld [tilespmem:s18+$0x10];
	v3 =	vmax.f32 v3, $0.0e+00  }
0x3ee: {  	v9 =	vld [tilespmem:s10+$0xFFFFFFA0];
	[tilespmem:s13+$0xFFFFFF60] =	vst v3  }
0x3ef: {  	v3 =	vadd.f32 v7, v5;
	v5 =	vld [tilespmem:s18+$0xFFFFFFA0]  }
0x3f0: {  	v7 =	vld [tilespmem:s23+$0xFFFFFFE0]  }
0x3f1: {  	v3 =	vmax.f32 v3, $0.0e+00;
	v2 =	vadd.f32 v8, v2;
	v8 =	vld [tilespmem:s14+$0x60]  }
0x3f2: {  	[tilespmem:s15+$0xFFFFFF10] =	vst v3;
	v1 =	vadd.f32 v6, v1;
	v3 =	vld [tilespmem:s23+$0x60]  }
0x3f3: {  	v6 =	vld [tilespmem:s10+$0xFFFFFF20];
	v2 =	vmax.f32 v2, $0.0e+00  }
0x3f4: {  	v10 =	vld [tilespmem:s18+$0xFFFFFF20];
	v5 =	vadd.f32 v5, v9;
	v1 =	vmax.f32 v1, $0.0e+00;
	[tilespmem:s15+$0xA0] =	vst v2  }
0x3f5: {  	[tilespmem:s15+$0x10] =	vst v1;
	v1 =	vld [tilespmem:s10+$0xB0];
	v2 =	vadd.f32 v7, v4  }
0x3f6: {  	v4 =	vmax.f32 v5, $0.0e+00;
	v5 =	vld [tilespmem:s18+$0xB0]  }
0x3f7: {  	[tilespmem:s15+$0xFFFFFFA0] =	vst v4;
	v4 =	vld [tilespmem:s10+$0x20];
	v2 =	vmax.f32 v2, $0.0e+00;
	v3 =	vadd.f32 v3, v8  }
0x3f8: {  	v7 =	vld [tilespmem:s18+$0x20];
	[tilespmem:s13+$0xFFFFFFE0] =	vst v2  }
0x3f9: {  	v2 =	vadd.f32 v10, v6;
	v6 =	vld [tilespmem:s10+$0xFFFFFFB0];
	v3 =	vmax.f32 v3, $0.0e+00  }
0x3fa: {  	v8 =	vld [tilespmem:s18+$0xFFFFFFB0];
	[tilespmem:s13+$0x60] =	vst v3  }
0x3fb: {  	v2 =	vmax.f32 v2, $0.0e+00;
	v1 =	vadd.f32 v5, v1;
	v3 =	vld [tilespmem:s14+$0xFFFFFF70]  }
0x3fc: {  	[tilespmem:s15+$0xFFFFFF20] =	vst v2;
	v2 =	vld [tilespmem:s23+$0xFFFFFF70]  }
0x3fd: {  	v5 =	vld [tilespmem:s10+$0xFFFFFF30];
	v4 =	vadd.f32 v7, v4;
	v1 =	vmax.f32 v1, $0.0e+00  }
0x3fe: {  	v7 =	vld [tilespmem:s18+$0xFFFFFF30];
	[tilespmem:s15+$0xB0] =	vst v1  }
0x3ff: {  	v1 =	vadd.f32 v8, v6;
	v4 =	vmax.f32 v4, $0.0e+00;
	v6 =	vld [tilespmem:s10+$0xC0]  }
0x400: {  	[tilespmem:s15+$0x20] =	vst v4;
	v4 =	vld [tilespmem:s18+$0xC0]  }
0x401: {  	v1 =	vmax.f32 v1, $0.0e+00;
	v8 =	vld [tilespmem:s10+$0x30];
	v2 =	vadd.f32 v2, v3  }
0x402: {  	[tilespmem:s15+$0xFFFFFFB0] =	vst v1;
	v1 =	vld [tilespmem:s18+$0x30]  }
0x403: {  	v3 =	vadd.f32 v7, v5;
	v5 =	vld [tilespmem:s10+$0xFFFFFFC0];
	v2 =	vmax.f32 v2, $0.0e+00  }
0x404: {  	v7 =	vld [tilespmem:s18+$0xFFFFFFC0];
	[tilespmem:s13+$0xFFFFFF70] =	vst v2  }
0x405: {  	v2 =	vmax.f32 v3, $0.0e+00;
	v3 =	vadd.f32 v4, v6;
	v4 =	vld [tilespmem:s14+$0xFFFFFFF0]  }
0x406: {  	[tilespmem:s15+$0xFFFFFF30] =	vst v2;
	v2 =	vld [tilespmem:s23+$0xFFFFFFF0]  }
0x407: {  	v6 =	vld [tilespmem:s10+$0xFFFFFF40];
	v1 =	vadd.f32 v1, v8;
	v3 =	vmax.f32 v3, $0.0e+00  }
0x408: {  	v8 =	vld [tilespmem:s18+$0xFFFFFF40];
	[tilespmem:s15+$0xC0] =	vst v3  }
0x409: {  	v3 =	vadd.f32 v7, v5;
	v1 =	vmax.f32 v1, $0.0e+00;
	v5 =	vld [tilespmem:s10+$0xD0]  }
0x40a: {  	[tilespmem:s15+$0x30] =	vst v1;
	v1 =	vld [tilespmem:s18+$0xD0]  }
0x40b: {  	v3 =	vmax.f32 v3, $0.0e+00;
	v7 =	vld [tilespmem:s10+$0x40];
	v2 =	vadd.f32 v2, v4  }
0x40c: {  	[tilespmem:s15+$0xFFFFFFC0] =	vst v3;
	v4 =	vld [tilespmem:s18+$0x40]  }
0x40d: {  	v3 =	vadd.f32 v8, v6;
	v6 =	vld [tilespmem:s10+$0xFFFFFFD0];
	v2 =	vmax.f32 v2, $0.0e+00  }
0x40e: {  	v8 =	vld [tilespmem:s18+$0xFFFFFFD0];
	[tilespmem:s13+$0xFFFFFFF0] =	vst v2  }
0x40f: {  	v2 =	vmax.f32 v3, $0.0e+00;
	v1 =	vadd.f32 v1, v5;
	v9 =	vld [tilespmem:s14+$0x70];
	s14 =	smov.u32 s10  }
0x410: {  	[tilespmem:s15+$0xFFFFFF40] =	vst v2;
	v10 =	vld [tilespmem:s23+$0x70];
	s23 =	smov.u32 s18  }
0x411: {  	v3 =	vld [tilespmem:s10+$0xFFFFFF50];
	v2 =	vadd.f32 v4, v7;
	v1 =	vmax.f32 v1, $0.0e+00  }
.Ltmp4:
0x412: {  	v5 =	vld [tilespmem:s18+$0xFFFFFF50];
	[tilespmem:s15+$0xD0] =	vst v1;
	(pc) =	sbr.rel @p2 .LBB2_11-.Ltmp4, $4  }
0x413: {  	v1 =	vadd.f32 v8, v6;
	v4 =	vmax.f32 v2, $0.0e+00;
	v2 =	vld [tilespmem:s10+$0xE0]  }
0x414: {  	[tilespmem:s15+$0x40] =	vst v4;
	v4 =	vld [tilespmem:s18+$0xE0]  }
0x415: {  	v7 =	vmax.f32 v1, $0.0e+00;
	v6 =	vld [tilespmem:s10+$0x50];
	v1 =	vadd.f32 v10, v9  }
0x416: {  	s10 =	sadd.s32 $0x200, s10;
	[tilespmem:s15+$0xFFFFFFD0] =	vst v7;
	v7 =	vld [tilespmem:s18+$0x50]  }
0x417: {  	v3 =	vadd.f32 v5, v3;
	_ =	sdelay $0x1  }
0x418: {  	v3 =	vmax.f32 v3, $0.0e+00  }
0x419: {  	[tilespmem:s15+$0xFFFFFF50] =	vst v3  }
0x41a: {  	v3 =	vadd.f32 v7, v6;
	v56 =	vld [tilespmem:s14+$0xFFFFFF60]  }
0x41b: {  	v57 =	vld [tilespmem:s23+$0xFFFFFF60]  }
0x41c: {  	v58 =	vld [tilespmem:s14+$0xFFFFFFE0];
	v3 =	vmax.f32 v3, $0.0e+00  }
0x41d: {  	[tilespmem:s15+$0x50] =	vst v3;
	v3 =	vld [tilespmem:s23+$0xFFFFFFE0]  }
0x41e: {  	v2 =	vadd.f32 v4, v2;
	v59 =	vld [tilespmem:s14+$0x60]  }
0x41f: {  	v8 =	vld [tilespmem:s23+$0x60]  }
0x420: {  	v2 =	vmax.f32 v2, $0.0e+00;
	v5 =	vadd.f32 v57, v56  }
0x421: {  	[tilespmem:s15+$0xE0] =	vst v2  }
0x422: {  	v2 =	vld [tilespmem:s14+$0xF0];
	v5 =	vmax.f32 v5, $0.0e+00;
	v3 =	vadd.f32 v3, v58  }
0x423: {  	v60 =	vld [tilespmem:s23+$0xF0];
	[tilespmem:s15+$0xFFFFFF60] =	vst v5  }
0x424: {  	v4 =	vadd.f32 v8, v59;
	v5 =	vld [tilespmem:s14+$0xFFFFFF70];
	v3 =	vmax.f32 v3, $0.0e+00  }
0x425: {  	[tilespmem:s15+$0xFFFFFFE0] =	vst v3;
	v3 =	vld [tilespmem:s23+$0xFFFFFF70]  }
0x426: {  	v4 =	vmax.f32 v4, $0.0e+00;
	v61 =	vld [tilespmem:s14+$0xFFFFFFF0]  }
0x427: {  	[tilespmem:s15+$0x60] =	vst v4;
	v62 =	vld [tilespmem:s23+$0xFFFFFFF0]  }
0x428: {  	v63 =	vld [tilespmem:s14+$0x70]  }
0x429: {  	v9 =	vld [tilespmem:s23+$0x70];
	_ =	sdelay $0x1  }
0x42a: {  	v2 =	vadd.f32 v60, v2  }
0x42b: {  	v1 =	vmax.f32 v1, $0.0e+00;
	v3 =	vadd.f32 v3, v5  }
0x42c: {  	[tilespmem:s13+$0x70] =	vst v1;
	v1 =	vmax.f32 v2, $0.0e+00;
	v2 =	vadd.f32 v62, v61  }
0x42d: {  	[tilespmem:s15+$0xF0] =	vst v1;
	v1 =	vmax.f32 v3, $0.0e+00;
	v3 =	vadd.f32 v9, v63  }
0x42e: {  	[tilespmem:s15+$0xFFFFFF70] =	vst v1;
	v1 =	vmax.f32 v2, $0.0e+00  }
0x42f: {  	[tilespmem:s15+$0xFFFFFFF0] =	vst v1;
	v1 =	vmax.f32 v3, $0.0e+00  }
.Ltmp5:
0x430: {  	[tilespmem:s15+$0x70] =	vst v1;
	(pc) =	sbr.rel @p1 .LBB2_14-.Ltmp5, $4  }
0x431: {  	_ =	swait.ge [sflag:s17], $0x40  }
0x432: {  	[sflag:s17] =	ssyncset.done $0x0  }
0x433: {  	s10 =	simm.s32 $0x300;
	s25 =	simm.s32 $0xA400;
	[sflag:s17] =	ssyncadd.s32 $0xFFFFFFC0  }
0x434: {  	[spmem:s5] =	stream.indirect.scatter.add.f32 [tilespmem:s25], [sflag:$0xC], $0x80, s10, s22, $0xb8;
	[tilespmem:$0x1FC80] =	vst v63  }
.Ltmp6:
0x435: {  	s10 =	sshll.u32 s12, $0xD;
	(pc) =	sbr.rel .LBB2_4-.Ltmp6, $4  }
0x436: {  	s10 =	sadd.s32 s21, s10  }
0x437: {  	s10 =	sshrl.u32 s10, $0x3  }
0x438: {  	s25 =	simm.s32 $0x2400;
	s30 =	sadd.s32 $0x1, s30;
	s10 =	sadd.s32 s2, s10  }
0x439: {  	[tilespmem:s25], [sflag:$0x8] =	stream.linear.gather [hbm4b:s10+s6], $0x2000, $0x38;
	[tilespmem:$0x1FC80] =	vst v63  }
.LBB2_14:
0x43a: {  	s10 =	rddreg [dreg:$0x12];
	s13 =	simm.s32 $0x100;
	s23 =	simm.s32 $0xD  }
0x43b: {  	[tilespmem:s13], [sflag:$0xD] =	stream.linear.gather [hbm4b:s10+s6], $0x10, $0x38;
	[tilespmem:$0x1FC80] =	vst v63  }
0x43c: {  	_ =	swait.ge [sflag:s23], $0x10  }
0x43d: {  	[sflag:s23] =	ssyncset.done $0x0  }
0x43e: {  	s25 =	simm.s32 $0x380;
	s14 =	rddreg [dreg:$0x1e];
	[sflag:s23] =	ssyncadd.s32 $0xFFFFFFF0  }
0x43f: {  	[tilespmem:s25], [sflag:$0xD] =	stream.linear.gather [hbm4b:s14+s6], $0x10, $0x38;
	[tilespmem:$0x1FC80] =	vst v63  }
0x440: {  	_ =	swait.ge [sflag:s23], $0x10  }
0x441: {  	[sflag:s23] =	ssyncset.done $0x0  }
0x442: {  	s12 =	simm.s32 $0x400;
	s15 =	rddreg [dreg:$0x13];
	[sflag:s23] =	ssyncadd.s32 $0xFFFFFFF0  }
0x443: {  	[tilespmem:s12], [sflag:$0xD] =	stream.linear.gather [hbm4b:s15+s6], $0x800, $0x38;
	[tilespmem:$0x1FC80] =	vst v63  }
0x444: {  	_ =	swait.ge [sflag:s23], $0x800  }
0x445: {  	[sflag:s23] =	ssyncset.done $0x0  }
0x446: {  	s18 =	simm.s32 $0x4400;
	s30 =	simm.s32 $0x10;
	[sflag:s23] =	ssyncadd.s32 $0xFFFFF800  }
0x447: {  	[tilespmem:s18], [sflag:$0xD] =	stream.indirect.gather [hbm4b:s0+s30], $0x80, s13, s30, $0xb8;
	[tilespmem:$0x1FC80] =	vst v63  }
0x448: {  	_ =	swait.ge [sflag:s23], $0x800  }
0x449: {  	[sflag:s23] =	ssyncset.done $0x0  }
0x44a: {  	s19 =	simm.s32 $0xB;
	[sflag:s23] =	ssyncadd.s32 $0xFFFFF800  }
0x44b: {  	_ =	swait.ge [sflag:s19], $0x2000  }
0x44c: {  	[sflag:s19] =	ssyncset.done $0x0  }
0x44d: {  	[sflag:s19] =	ssyncadd.s32 $0xFFFFE000;
	s19 =	simm.s32 $0x500  }
0x44e: {  	s18 =	simm.s32 $0x4500;
	v1 =	vld [tilespmem:s19+$0x80]  }
0x44f: {  	v2 =	vld [tilespmem:s18+$0x80];
	_ =	sdelay $0x4  }
0x450: {  	v3 =	vld [tilespmem:s19+$0xFFFFFF80];
	v1 =	vadd.f32 v2, v1  }
0x451: {  	v2 =	vld [tilespmem:s18+$0xFFFFFF80]  }
0x452: {  	s12 =	simm.s32 $0x8500;
	v4 =	vld [tilespmem:s18+$0xFFFFFF00];
	v1 =	vmax.f32 v1, $0.0e+00  }
0x453: {  	v5 =	vld [tilespmem:s19+$0xFFFFFF00];
	[tilespmem:s12+$0x80] =	vst v1  }
0x454: {  	v1 =	vld [tilespmem:s19+$0x90]  }
0x455: {  	v6 =	vld [tilespmem:s18+$0x90]  }
0x456: {  	v7 =	vld [tilespmem:s19+$0x0];
	v2 =	vadd.f32 v2, v3  }
0x457: {  	v3 =	vld [tilespmem:s18+$0x0]  }
0x458: {  	v4 =	vadd.f32 v4, v5;
	v2 =	vmax.f32 v2, $0.0e+00  }
0x459: {  	[tilespmem:s12+$0xFFFFFF80] =	vst v2  }
0x45a: {  	v4 =	vmax.f32 v4, $0.0e+00;
	v2 =	vld [tilespmem:s19+$0xFFFFFF90];
	v1 =	vadd.f32 v6, v1  }
0x45b: {  	[tilespmem:s12+$0xFFFFFF00] =	vst v4;
	v5 =	vld [tilespmem:s18+$0xFFFFFF90]  }
0x45c: {  	v4 =	vld [tilespmem:s19+$0xFFFFFF10];
	v3 =	vadd.f32 v3, v7;
	v1 =	vmax.f32 v1, $0.0e+00  }
0x45d: {  	v6 =	vld [tilespmem:s18+$0xFFFFFF10];
	[tilespmem:s12+$0x90] =	vst v1  }
0x45e: {  	v1 =	vmax.f32 v3, $0.0e+00;
	v3 =	vld [tilespmem:s19+$0xA0]  }
0x45f: {  	[tilespmem:s12+$0x0] =	vst v1;
	v1 =	vld [tilespmem:s18+$0xA0]  }
0x460: {  	v7 =	vld [tilespmem:s19+$0x10];
	v2 =	vadd.f32 v5, v2  }
0x461: {  	v5 =	vld [tilespmem:s18+$0x10]  }
0x462: {  	v2 =	vmax.f32 v2, $0.0e+00  }
0x463: {  	v4 =	vadd.f32 v6, v4;
	[tilespmem:s12+$0xFFFFFF90] =	vst v2  }
0x464: {  	v2 =	vld [tilespmem:s19+$0xFFFFFFA0];
	v1 =	vadd.f32 v1, v3  }
0x465: {  	v4 =	vmax.f32 v4, $0.0e+00;
	v3 =	vld [tilespmem:s18+$0xFFFFFFA0]  }
0x466: {  	[tilespmem:s12+$0xFFFFFF10] =	vst v4;
	v4 =	vadd.f32 v5, v7;
	v1 =	vmax.f32 v1, $0.0e+00  }
0x467: {  	[tilespmem:s12+$0xA0] =	vst v1  }
0x468: {  	v1 =	vmax.f32 v4, $0.0e+00;
	v4 =	vld [tilespmem:s19+$0xB0]  }
0x469: {  	[tilespmem:s12+$0x10] =	vst v1;
	v1 =	vld [tilespmem:s18+$0xB0]  }
0x46a: {  	v2 =	vadd.f32 v3, v2;
	v3 =	vld [tilespmem:s19+$0x20]  }
0x46b: {  	v7 =	vld [tilespmem:s18+$0x20]  }
0x46c: {  	v6 =	vld [tilespmem:s18+$0xFFFFFF20];
	v2 =	vmax.f32 v2, $0.0e+00  }
0x46d: {  	v5 =	vld [tilespmem:s19+$0xFFFFFF20];
	[tilespmem:s12+$0xFFFFFFA0] =	vst v2  }
0x46e: {  	v2 =	vld [tilespmem:s19+$0xFFFFFFB0];
	v1 =	vadd.f32 v1, v4  }
0x46f: {  	v4 =	vld [tilespmem:s18+$0xFFFFFFB0]  }
0x470: {  	v3 =	vadd.f32 v7, v3;
	v1 =	vmax.f32 v1, $0.0e+00  }
0x471: {  	[tilespmem:s12+$0xB0] =	vst v1  }
0x472: {  	v5 =	vadd.f32 v6, v5;
	v1 =	vmax.f32 v3, $0.0e+00;
	v3 =	vld [tilespmem:s19+$0xC0]  }
0x473: {  	[tilespmem:s12+$0x20] =	vst v1;
	v1 =	vld [tilespmem:s18+$0xC0]  }
0x474: {  	v5 =	vmax.f32 v5, $0.0e+00;
	v2 =	vadd.f32 v4, v2;
	v4 =	vld [tilespmem:s19+$0x30]  }
0x475: {  	[tilespmem:s12+$0xFFFFFF20] =	vst v5;
	v7 =	vld [tilespmem:s18+$0x30]  }
0x476: {  	v5 =	vld [tilespmem:s19+$0xFFFFFF30];
	v2 =	vmax.f32 v2, $0.0e+00  }
0x477: {  	v6 =	vld [tilespmem:s18+$0xFFFFFF30];
	[tilespmem:s12+$0xFFFFFFB0] =	vst v2  }
0x478: {  	v2 =	vld [tilespmem:s19+$0xFFFFFFC0];
	v1 =	vadd.f32 v1, v3  }
0x479: {  	v3 =	vld [tilespmem:s18+$0xFFFFFFC0]  }
0x47a: {  	s15 =	simm.s32 $0x4700;
	v4 =	vadd.f32 v7, v4;
	v1 =	vmax.f32 v1, $0.0e+00  }
0x47b: {  	v11 =	vld [tilespmem:s15+$0xFFFFFF00];
	[tilespmem:s12+$0xC0] =	vst v1  }
0x47c: {  	v1 =	vmax.f32 v4, $0.0e+00;
	v4 =	vld [tilespmem:s19+$0xD0]  }
0x47d: {  	v5 =	vadd.f32 v6, v5;
	[tilespmem:s12+$0x30] =	vst v1;
	v1 =	vld [tilespmem:s18+$0xD0]  }
0x47e: {  	v2 =	vadd.f32 v3, v2;
	v3 =	vld [tilespmem:s19+$0x40]  }
0x47f: {  	s13 =	simm.s32 $0x700;
	v5 =	vmax.f32 v5, $0.0e+00;
	v7 =	vld [tilespmem:s18+$0x40]  }
0x480: {  	v52 =	vld [tilespmem:s13+$0xFFFFFF00];
	[tilespmem:s12+$0xFFFFFF30] =	vst v5  }
0x481: {  	v5 =	vld [tilespmem:s19+$0xFFFFFF40]  }
0x482: {  	v6 =	vld [tilespmem:s18+$0xFFFFFF40];
	v1 =	vadd.f32 v1, v4  }
0x483: {  	v9 =	vld [tilespmem:s13+$0x80]  }
0x484: {  	v10 =	vld [tilespmem:s15+$0x80];
	v3 =	vadd.f32 v7, v3;
	v1 =	vmax.f32 v1, $0.0e+00  }
0x485: {  	v12 =	vld [tilespmem:s15+$0xFFFFFF80];
	v11 =	vadd.f32 v11, v52;
	[tilespmem:s12+$0xD0] =	vst v1  }
0x486: {  	v1 =	vmax.f32 v3, $0.0e+00;
	v3 =	vld [tilespmem:s19+$0xE0]  }
0x487: {  	s14 =	simm.s32 $0x8700;
	v11 =	vmax.f32 v11, $0.0e+00;
	v5 =	vadd.f32 v6, v5;
	[tilespmem:s12+$0x40] =	vst v1;
	v1 =	vld [tilespmem:s18+$0xE0]  }
0x488: {  	v13 =	vld [tilespmem:s13+$0x0];
	[tilespmem:s14+$0xFFFFFF00] =	vst v11;
	v2 =	vmax.f32 v2, $0.0e+00  }
0x489: {  	v11 =	vld [tilespmem:s13+$0xFFFFFF10];
	[tilespmem:s12+$0xFFFFFFC0] =	vst v2;
	v5 =	vmax.f32 v5, $0.0e+00  }
0x48a: {  	v2 =	vld [tilespmem:s19+$0xFFFFFFD0];
	[tilespmem:s12+$0xFFFFFF40] =	vst v5  }
0x48b: {  	v5 =	vld [tilespmem:s19+$0xFFFFFF50]  }
0x48c: {  	v6 =	vld [tilespmem:s18+$0xFFFFFF50];
	v1 =	vadd.f32 v1, v3  }
0x48d: {  	v3 =	vld [tilespmem:s13+$0xFFFFFF80]  }
0x48e: {  	v4 =	vld [tilespmem:s18+$0xFFFFFFD0];
	v1 =	vmax.f32 v1, $0.0e+00  }
0x48f: {  	v7 =	vld [tilespmem:s19+$0x50];
	[tilespmem:s12+$0xE0] =	vst v1;
	v1 =	vadd.f32 v10, v9  }
0x490: {  	v8 =	vld [tilespmem:s18+$0x50]  }
0x491: {  	v5 =	vadd.f32 v6, v5;
	v6 =	vld [tilespmem:s15+$0x0];
	v1 =	vmax.f32 v1, $0.0e+00  }
0x492: {  	v54 =	vld [tilespmem:s15+$0xFFFFFF10];
	v3 =	vadd.f32 v12, v3;
	[tilespmem:s14+$0x80] =	vst v1  }
0x493: {  	v1 =	vmax.f32 v5, $0.0e+00;
	v5 =	vld [tilespmem:s13+$0x90]  }
0x494: {  	v2 =	vadd.f32 v4, v2;
	[tilespmem:s12+$0xFFFFFF50] =	vst v1;
	v1 =	vmax.f32 v3, $0.0e+00;
	v3 =	vld [tilespmem:s15+$0x90]  }
0x495: {  	v7 =	vadd.f32 v8, v7;
	v50 =	vld [tilespmem:s19+$0xF0]  }
0x496: {  	v2 =	vmax.f32 v2, $0.0e+00;
	v6 =	vadd.f32 v6, v13;
	v51 =	vld [tilespmem:s18+$0xF0];
	[tilespmem:s14+$0xFFFFFF80] =	vst v1  }
0x497: {  	[tilespmem:s12+$0xFFFFFFD0] =	vst v2;
	v7 =	vmax.f32 v7, $0.0e+00;
	v4 =	vld [tilespmem:s13+$0xFFFFFF90]  }
0x498: {  	v2 =	vmax.f32 v6, $0.0e+00;
	[tilespmem:s12+$0x50] =	vst v7;
	v53 =	vld [tilespmem:s15+$0xFFFFFF90]  }
0x499: {  	v7 =	vld [tilespmem:s18+$0xFFFFFFE0];
	[tilespmem:s14+$0x0] =	vst v2;
	v2 =	vadd.f32 v3, v5  }
0x49a: {  	v57 =	vld [tilespmem:s19+$0x60]  }
0x49b: {  	v58 =	vld [tilespmem:s18+$0x60];
	v2 =	vmax.f32 v2, $0.0e+00  }
0x49c: {  	v1 =	vld [tilespmem:s19+$0xFFFFFF60];
	[tilespmem:s14+$0x90] =	vst v2  }
0x49d: {  	v4 =	vadd.f32 v53, v4;
	v2 =	vld [tilespmem:s13+$0xA0]  }
0x49e: {  	v55 =	vld [tilespmem:s15+$0xA0]  }
0x49f: {  	v5 =	vld [tilespmem:s13+$0x10];
	v4 =	vmax.f32 v4, $0.0e+00  }
0x4a0: {  	[tilespmem:s14+$0xFFFFFF90] =	vst v4;
	v4 =	vld [tilespmem:s15+$0x10]  }
0x4a1: {  	v11 =	vadd.f32 v54, v11;
	v8 =	vld [tilespmem:s13+$0xFFFFFFA0]  }
0x4a2: {  	v56 =	vld [tilespmem:s15+$0xFFFFFFA0]  }
0x4a3: {  	v11 =	vmax.f32 v11, $0.0e+00;
	v6 =	vld [tilespmem:s18+$0xFFFFFF60];
	v2 =	vadd.f32 v55, v2  }
0x4a4: {  	[tilespmem:s14+$0xFFFFFF10] =	vst v11;
	v3 =	vld [tilespmem:s19+$0xFFFFFFE0]  }
0x4a5: {  	v4 =	vadd.f32 v4, v5;
	v5 =	vld [tilespmem:s13+$0xFFFFFF20];
	v2 =	vmax.f32 v2, $0.0e+00  }
0x4a6: {  	[tilespmem:s14+$0xA0] =	vst v2;
	v2 =	vld [tilespmem:s15+$0xFFFFFF20]  }
0x4a7: {  	v8 =	vadd.f32 v56, v8;
	v4 =	vmax.f32 v4, $0.0e+00;
	v59 =	vld [tilespmem:s13+$0xB0]  }
0x4a8: {  	v1 =	vadd.f32 v6, v1;
	[tilespmem:s14+$0x10] =	vst v4;
	v4 =	vld [tilespmem:s15+$0xB0]  }
0x4a9: {  	v6 =	vmax.f32 v8, $0.0e+00;
	v8 =	vld [tilespmem:s13+$0x20]  }
0x4aa: {  	v1 =	vmax.f32 v1, $0.0e+00;
	[tilespmem:s14+$0xFFFFFFA0] =	vst v6;
	v6 =	vld [tilespmem:s15+$0x20]  }
0x4ab: {  	[tilespmem:s12+$0xFFFFFF60] =	vst v1;
	v1 =	vld [tilespmem:s15+$0xFFFFFFB0];
	v2 =	vadd.f32 v2, v5  }
0x4ac: {  	v5 =	vld [tilespmem:s13+$0xFFFFFFB0]  }
0x4ad: {  	v60 =	vld [tilespmem:s19+$0xFFFFFF70];
	v4 =	vadd.f32 v4, v59;
	v2 =	vmax.f32 v2, $0.0e+00  }
0x4ae: {  	[tilespmem:s14+$0xFFFFFF20] =	vst v2;
	v2 =	vld [tilespmem:s18+$0xFFFFFF70]  }
0x4af: {  	v6 =	vadd.f32 v6, v8;
	v4 =	vmax.f32 v4, $0.0e+00;
	v8 =	vld [tilespmem:s13+$0xFFFFFF30]  }
0x4b0: {  	[tilespmem:s14+$0xB0] =	vst v4;
	v4 =	vld [tilespmem:s15+$0xFFFFFF30]  }
0x4b1: {  	v1 =	vadd.f32 v1, v5;
	v5 =	vmax.f32 v6, $0.0e+00;
	v6 =	vld [tilespmem:s13+$0xC0]  }
0x4b2: {  	[tilespmem:s14+$0x20] =	vst v5;
	v5 =	vld [tilespmem:s15+$0xC0]  }
0x4b3: {  	v3 =	vadd.f32 v7, v3;
	v1 =	vmax.f32 v1, $0.0e+00;
	v7 =	vld [tilespmem:s13+$0x30]  }
0x4b4: {  	[tilespmem:s14+$0xFFFFFFB0] =	vst v1;
	v1 =	vld [tilespmem:s15+$0x30]  }
0x4b5: {  	v3 =	vmax.f32 v3, $0.0e+00;
	v4 =	vadd.f32 v4, v8;
	v8 =	vld [tilespmem:s13+$0xFFFFFFC0]  }
0x4b6: {  	[tilespmem:s12+$0xFFFFFFE0] =	vst v3;
	v3 =	vld [tilespmem:s15+$0xFFFFFFC0]  }
0x4b7: {  	v4 =	vmax.f32 v4, $0.0e+00;
	v5 =	vadd.f32 v5, v6;
	v6 =	vld [tilespmem:s19+$0xFFFFFFF0]  }
0x4b8: {  	[tilespmem:s14+$0xFFFFFF30] =	vst v4;
	v4 =	vld [tilespmem:s18+$0xFFFFFFF0]  }
0x4b9: {  	v1 =	vadd.f32 v1, v7;
	v7 =	vld [tilespmem:s13+$0xFFFFFF40];
	v5 =	vmax.f32 v5, $0.0e+00  }
0x4ba: {  	[tilespmem:s14+$0xC0] =	vst v5;
	v5 =	vld [tilespmem:s15+$0xFFFFFF40]  }
0x4bb: {  	v3 =	vadd.f32 v3, v8;
	v1 =	vmax.f32 v1, $0.0e+00;
	v8 =	vld [tilespmem:s13+$0xD0]  }
0x4bc: {  	[tilespmem:s14+$0x30] =	vst v1;
	v1 =	vld [tilespmem:s15+$0xD0]  }
0x4bd: {  	v11 =	vadd.f32 v58, v57;
	v3 =	vmax.f32 v3, $0.0e+00;
	v61 =	vld [tilespmem:s13+$0x40]  }
0x4be: {  	[tilespmem:s14+$0xFFFFFFC0] =	vst v3;
	v3 =	vld [tilespmem:s15+$0x40]  }
0x4bf: {  	v11 =	vmax.f32 v11, $0.0e+00;
	v62 =	vld [tilespmem:s15+$0xFFFFFFD0];
	v5 =	vadd.f32 v5, v7  }
0x4c0: {  	v9 =	vadd.f32 v51, v50;
	[tilespmem:s12+$0x60] =	vst v11;
	v7 =	vld [tilespmem:s13+$0xFFFFFFD0]  }
0x4c1: {  	v11 =	vld [tilespmem:s18+$0x70];
	v5 =	vmax.f32 v5, $0.0e+00;
	v1 =	vadd.f32 v1, v8  }
0x4c2: {  	v9 =	vmax.f32 v9, $0.0e+00;
	v2 =	vadd.f32 v2, v60;
	v8 =	vld [tilespmem:s19+$0x70];
	[tilespmem:s14+$0xFFFFFF40] =	vst v5  }
0x4c3: {  	[tilespmem:s12+$0xF0] =	vst v9;
	v63 =	vadd.f32 v3, v61;
	v3 =	vld [tilespmem:s13+$0xFFFFFF50];
	v1 =	vmax.f32 v1, $0.0e+00  }
0x4c4: {  	v2 =	vmax.f32 v2, $0.0e+00;
	v4 =	vadd.f32 v4, v6;
	v5 =	vld [tilespmem:s15+$0xFFFFFF50];
	[tilespmem:s14+$0xD0] =	vst v1  }
0x4c5: {  	[tilespmem:s12+$0xFFFFFF70] =	vst v2;
	v1 =	vadd.f32 v62, v7;
	v6 =	vmax.f32 v63, $0.0e+00;
	v2 =	vld [tilespmem:s13+$0xE0]  }
0x4c6: {  	v7 =	vmax.f32 v4, $0.0e+00;
	[tilespmem:s14+$0x40] =	vst v6;
	v4 =	vld [tilespmem:s15+$0xE0]  }
0x4c7: {  	[tilespmem:s12+$0xFFFFFFF0] =	vst v7;
	v7 =	vmax.f32 v1, $0.0e+00;
	v6 =	vld [tilespmem:s13+$0x50];
	v1 =	vadd.f32 v11, v8  }
0x4c8: {  	s10 =	simm.s32 $0x900;
	s18 =	simm.s32 $0x4700;
	s19 =	simm.s32 $0x4;
	[tilespmem:s14+$0xFFFFFFD0] =	vst v7;
	v7 =	vld [tilespmem:s15+$0x50]  }
.LBB2_15:
0x4c9: {  	v8 =	vld [tilespmem:s10+$0x80];
	v3 =	vadd.f32 v5, v3;
	s15 =	sadd.s32 $0x200, s15;
	v1 =	vmax.f32 v1, $0.0e+00  }
0x4ca: {  	v5 =	vld [tilespmem:s15+$0x80];
	[tilespmem:s12+$0x70] =	vst v1;
	s12 =	smov.u32 s14  }
0x4cb: {  	v1 =	vld [tilespmem:s15+$0xFFFFFF00];
	v3 =	vmax.f32 v3, $0.0e+00;
	v2 =	vadd.f32 v4, v2  }
0x4cc: {  	v4 =	vld [tilespmem:s10+$0xFFFFFF80];
	[tilespmem:s14+$0xFFFFFF50] =	vst v3  }
0x4cd: {  	v3 =	vld [tilespmem:s15+$0xFFFFFF80];
	v6 =	vadd.f32 v7, v6;
	v2 =	vmax.f32 v2, $0.0e+00  }
0x4ce: {  	v7 =	vld [tilespmem:s10+$0x0];
	[tilespmem:s14+$0xE0] =	vst v2  }
0x4cf: {  	v2 =	vadd.f32 v5, v8;
	v5 =	vmax.f32 v6, $0.0e+00;
	v6 =	vld [tilespmem:s13+$0xF0]  }
0x4d0: {  	[tilespmem:s14+$0x50] =	vst v5;
	v5 =	vld [tilespmem:s18+$0xF0]  }
0x4d1: {  	s19 =	sadd.s32 $0x4, s19;
	s14 =	sadd.s32 $0x200, s14;
	v8 =	vld [tilespmem:s15+$0x0];
	v2 =	vmax.f32 v2, $0.0e+00  }
0x4d2: {  	p1 =	slt.u32 s19, $0xC;
	v9 =	vld [tilespmem:s10+$0xFFFFFF00];
	v3 =	vadd.f32 v3, v4;
	[tilespmem:s14+$0x80] =	vst v2  }
0x4d3: {  	v2 =	vld [tilespmem:s10+$0x90]  }
0x4d4: {  	v3 =	vmax.f32 v3, $0.0e+00;
	v4 =	vld [tilespmem:s15+$0x90]  }
0x4d5: {  	[tilespmem:s14+$0xFFFFFF80] =	vst v3;
	v3 =	vld [tilespmem:s13+$0xFFFFFF60];
	v5 =	vadd.f32 v5, v6  }
0x4d6: {  	v6 =	vld [tilespmem:s10+$0xFFFFFF90];
	v7 =	vadd.f32 v8, v7  }
0x4d7: {  	v1 =	vadd.f32 v1, v9;
	v8 =	vld [tilespmem:s15+$0xFFFFFF90];
	v5 =	vmax.f32 v5, $0.0e+00  }
0x4d8: {  	v7 =	vmax.f32 v7, $0.0e+00;
	v9 =	vld [tilespmem:s18+$0xFFFFFF60];
	[tilespmem:s12+$0xF0] =	vst v5  }
0x4d9: {  	v1 =	vmax.f32 v1, $0.0e+00;
	[tilespmem:s14+$0x0] =	vst v7;
	v2 =	vadd.f32 v4, v2;
	v4 =	vld [tilespmem:s13+$0xFFFFFFE0]  }
0x4da: {  	[tilespmem:s14+$0xFFFFFF00] =	vst v1;
	v1 =	vld [tilespmem:s10+$0x10]  }
0x4db: {  	v5 =	vld [tilespmem:s10+$0xFFFFFF10];
	v2 =	vmax.f32 v2, $0.0e+00  }
0x4dc: {  	v7 =	vld [tilespmem:s15+$0xFFFFFF10];
	v6 =	vadd.f32 v8, v6;
	[tilespmem:s14+$0x90] =	vst v2  }
0x4dd: {  	v2 =	vld [tilespmem:s10+$0xA0];
	v3 =	vadd.f32 v9, v3  }
0x4de: {  	v6 =	vmax.f32 v6, $0.0e+00;
	v8 =	vld [tilespmem:s15+$0xA0]  }
0x4df: {  	[tilespmem:s14+$0xFFFFFF90] =	vst v6;
	v6 =	vld [tilespmem:s15+$0x10];
	v3 =	vmax.f32 v3, $0.0e+00  }
0x4e0: {  	v9 =	vld [tilespmem:s10+$0xFFFFFFA0];
	[tilespmem:s12+$0xFFFFFF60] =	vst v3  }
0x4e1: {  	v3 =	vadd.f32 v7, v5;
	v5 =	vld [tilespmem:s15+$0xFFFFFFA0]  }
0x4e2: {  	v7 =	vld [tilespmem:s18+$0xFFFFFFE0]  }
0x4e3: {  	v3 =	vmax.f32 v3, $0.0e+00;
	v2 =	vadd.f32 v8, v2;
	v8 =	vld [tilespmem:s13+$0x60]  }
0x4e4: {  	[tilespmem:s14+$0xFFFFFF10] =	vst v3;
	v1 =	vadd.f32 v6, v1;
	v3 =	vld [tilespmem:s18+$0x60]  }
0x4e5: {  	v6 =	vld [tilespmem:s10+$0xFFFFFF20];
	v2 =	vmax.f32 v2, $0.0e+00  }
0x4e6: {  	v10 =	vld [tilespmem:s15+$0xFFFFFF20];
	v5 =	vadd.f32 v5, v9;
	v1 =	vmax.f32 v1, $0.0e+00;
	[tilespmem:s14+$0xA0] =	vst v2  }
0x4e7: {  	[tilespmem:s14+$0x10] =	vst v1;
	v1 =	vld [tilespmem:s10+$0xB0];
	v2 =	vadd.f32 v7, v4  }
0x4e8: {  	v4 =	vmax.f32 v5, $0.0e+00;
	v5 =	vld [tilespmem:s15+$0xB0]  }
0x4e9: {  	[tilespmem:s14+$0xFFFFFFA0] =	vst v4;
	v4 =	vld [tilespmem:s10+$0x20];
	v2 =	vmax.f32 v2, $0.0e+00;
	v3 =	vadd.f32 v3, v8  }
0x4ea: {  	v7 =	vld [tilespmem:s15+$0x20];
	[tilespmem:s12+$0xFFFFFFE0] =	vst v2  }
0x4eb: {  	v2 =	vadd.f32 v10, v6;
	v6 =	vld [tilespmem:s10+$0xFFFFFFB0];
	v3 =	vmax.f32 v3, $0.0e+00  }
0x4ec: {  	v8 =	vld [tilespmem:s15+$0xFFFFFFB0];
	[tilespmem:s12+$0x60] =	vst v3  }
0x4ed: {  	v2 =	vmax.f32 v2, $0.0e+00;
	v1 =	vadd.f32 v5, v1;
	v3 =	vld [tilespmem:s13+$0xFFFFFF70]  }
0x4ee: {  	[tilespmem:s14+$0xFFFFFF20] =	vst v2;
	v2 =	vld [tilespmem:s18+$0xFFFFFF70]  }
0x4ef: {  	v5 =	vld [tilespmem:s10+$0xFFFFFF30];
	v4 =	vadd.f32 v7, v4;
	v1 =	vmax.f32 v1, $0.0e+00  }
0x4f0: {  	v7 =	vld [tilespmem:s15+$0xFFFFFF30];
	[tilespmem:s14+$0xB0] =	vst v1  }
0x4f1: {  	v1 =	vadd.f32 v8, v6;
	v4 =	vmax.f32 v4, $0.0e+00;
	v6 =	vld [tilespmem:s10+$0xC0]  }
0x4f2: {  	[tilespmem:s14+$0x20] =	vst v4;
	v4 =	vld [tilespmem:s15+$0xC0]  }
0x4f3: {  	v1 =	vmax.f32 v1, $0.0e+00;
	v8 =	vld [tilespmem:s10+$0x30];
	v2 =	vadd.f32 v2, v3  }
0x4f4: {  	[tilespmem:s14+$0xFFFFFFB0] =	vst v1;
	v1 =	vld [tilespmem:s15+$0x30]  }
0x4f5: {  	v3 =	vadd.f32 v7, v5;
	v5 =	vld [tilespmem:s10+$0xFFFFFFC0];
	v2 =	vmax.f32 v2, $0.0e+00  }
0x4f6: {  	v7 =	vld [tilespmem:s15+$0xFFFFFFC0];
	[tilespmem:s12+$0xFFFFFF70] =	vst v2  }
0x4f7: {  	v2 =	vmax.f32 v3, $0.0e+00;
	v3 =	vadd.f32 v4, v6;
	v4 =	vld [tilespmem:s13+$0xFFFFFFF0]  }
0x4f8: {  	[tilespmem:s14+$0xFFFFFF30] =	vst v2;
	v2 =	vld [tilespmem:s18+$0xFFFFFFF0]  }
0x4f9: {  	v6 =	vld [tilespmem:s10+$0xFFFFFF40];
	v1 =	vadd.f32 v1, v8;
	v3 =	vmax.f32 v3, $0.0e+00  }
0x4fa: {  	v8 =	vld [tilespmem:s15+$0xFFFFFF40];
	[tilespmem:s14+$0xC0] =	vst v3  }
0x4fb: {  	v3 =	vadd.f32 v7, v5;
	v1 =	vmax.f32 v1, $0.0e+00;
	v5 =	vld [tilespmem:s10+$0xD0]  }
0x4fc: {  	[tilespmem:s14+$0x30] =	vst v1;
	v1 =	vld [tilespmem:s15+$0xD0]  }
0x4fd: {  	v3 =	vmax.f32 v3, $0.0e+00;
	v7 =	vld [tilespmem:s10+$0x40];
	v2 =	vadd.f32 v2, v4  }
0x4fe: {  	[tilespmem:s14+$0xFFFFFFC0] =	vst v3;
	v4 =	vld [tilespmem:s15+$0x40]  }
0x4ff: {  	v3 =	vadd.f32 v8, v6;
	v6 =	vld [tilespmem:s10+$0xFFFFFFD0];
	v2 =	vmax.f32 v2, $0.0e+00  }
0x500: {  	v8 =	vld [tilespmem:s15+$0xFFFFFFD0];
	[tilespmem:s12+$0xFFFFFFF0] =	vst v2  }
0x501: {  	v2 =	vmax.f32 v3, $0.0e+00;
	v1 =	vadd.f32 v1, v5;
	v9 =	vld [tilespmem:s13+$0x70];
	s13 =	smov.u32 s10  }
0x502: {  	[tilespmem:s14+$0xFFFFFF40] =	vst v2;
	v10 =	vld [tilespmem:s18+$0x70];
	s18 =	smov.u32 s15  }
0x503: {  	v3 =	vld [tilespmem:s10+$0xFFFFFF50];
	v2 =	vadd.f32 v4, v7;
	v1 =	vmax.f32 v1, $0.0e+00  }
.Ltmp7:
0x504: {  	v5 =	vld [tilespmem:s15+$0xFFFFFF50];
	[tilespmem:s14+$0xD0] =	vst v1;
	(pc) =	sbr.rel @p1 .LBB2_15-.Ltmp7, $4  }
0x505: {  	v1 =	vadd.f32 v8, v6;
	v4 =	vmax.f32 v2, $0.0e+00;
	v2 =	vld [tilespmem:s10+$0xE0]  }
0x506: {  	[tilespmem:s14+$0x40] =	vst v4;
	v4 =	vld [tilespmem:s15+$0xE0]  }
0x507: {  	v7 =	vmax.f32 v1, $0.0e+00;
	v6 =	vld [tilespmem:s10+$0x50];
	v1 =	vadd.f32 v10, v9  }
0x508: {  	s10 =	sadd.s32 $0x200, s10;
	[tilespmem:s14+$0xFFFFFFD0] =	vst v7;
	v7 =	vld [tilespmem:s15+$0x50]  }
0x509: {  	v3 =	vadd.f32 v5, v3;
	_ =	sdelay $0x1  }
0x50a: {  	v3 =	vmax.f32 v3, $0.0e+00  }
0x50b: {  	[tilespmem:s14+$0xFFFFFF50] =	vst v3  }
0x50c: {  	v3 =	vadd.f32 v7, v6;
	v56 =	vld [tilespmem:s13+$0xFFFFFF60]  }
0x50d: {  	v57 =	vld [tilespmem:s18+$0xFFFFFF60]  }
0x50e: {  	v58 =	vld [tilespmem:s13+$0xFFFFFFE0];
	v3 =	vmax.f32 v3, $0.0e+00  }
0x50f: {  	[tilespmem:s14+$0x50] =	vst v3;
	v3 =	vld [tilespmem:s18+$0xFFFFFFE0]  }
0x510: {  	v2 =	vadd.f32 v4, v2;
	v59 =	vld [tilespmem:s13+$0x60]  }
0x511: {  	v8 =	vld [tilespmem:s18+$0x60]  }
0x512: {  	v2 =	vmax.f32 v2, $0.0e+00;
	v5 =	vadd.f32 v57, v56  }
0x513: {  	[tilespmem:s14+$0xE0] =	vst v2  }
0x514: {  	v2 =	vld [tilespmem:s13+$0xF0];
	v5 =	vmax.f32 v5, $0.0e+00;
	v3 =	vadd.f32 v3, v58  }
0x515: {  	v60 =	vld [tilespmem:s18+$0xF0];
	[tilespmem:s14+$0xFFFFFF60] =	vst v5  }
0x516: {  	v4 =	vadd.f32 v8, v59;
	v5 =	vld [tilespmem:s13+$0xFFFFFF70];
	v3 =	vmax.f32 v3, $0.0e+00  }
0x517: {  	[tilespmem:s14+$0xFFFFFFE0] =	vst v3;
	v3 =	vld [tilespmem:s18+$0xFFFFFF70]  }
0x518: {  	v4 =	vmax.f32 v4, $0.0e+00;
	v61 =	vld [tilespmem:s13+$0xFFFFFFF0]  }
0x519: {  	[tilespmem:s14+$0x60] =	vst v4;
	v62 =	vld [tilespmem:s18+$0xFFFFFFF0]  }
0x51a: {  	v63 =	vld [tilespmem:s13+$0x70]  }
0x51b: {  	v9 =	vld [tilespmem:s18+$0x70];
	_ =	sdelay $0x1  }
0x51c: {  	v2 =	vadd.f32 v60, v2  }
0x51d: {  	v1 =	vmax.f32 v1, $0.0e+00;
	v3 =	vadd.f32 v3, v5  }
0x51e: {  	[tilespmem:s12+$0x70] =	vst v1;
	v1 =	vmax.f32 v2, $0.0e+00;
	v2 =	vadd.f32 v62, v61  }
0x51f: {  	[tilespmem:s14+$0xF0] =	vst v1;
	v1 =	vmax.f32 v3, $0.0e+00;
	v3 =	vadd.f32 v9, v63  }
0x520: {  	[tilespmem:s14+$0xFFFFFF70] =	vst v1;
	v1 =	vmax.f32 v2, $0.0e+00  }
0x521: {  	[tilespmem:s14+$0xFFFFFFF0] =	vst v1;
	v1 =	vmax.f32 v3, $0.0e+00  }
0x522: {  	[tilespmem:s14+$0x70] =	vst v1  }
0x523: {  	[spmem:s5] =	stream.indirect.scatter.add.f32 [tilespmem:s24], [sflag:$0xD], $0x80, s25, s30, $0xb8;
	[tilespmem:$0x1FC80] =	vst v63  }
0x524: {  	_ =	swait.ge [sflag:s23], $0x800  }
0x525: {  	[sflag:s23] =	ssyncset.done $0x0  }
0x526: {  	s10 =	simm.s32 $0xC;
	[sflag:s23] =	ssyncadd.s32 $0xFFFFF800  }
0x527: {  	_ =	swait.ge [sflag:s10], $0x2000  }
0x528: {  	[sflag:s10] =	ssyncset.done $0x0  }
0x529: {  	[sflag:s10] =	ssyncadd.s32 $0xFFFFE000  }
0x52a: {  	s15 =	stileid.u32;
	[bflag:$0x0] =	sbarrier.arrive $0xFFFF  }
0x52b: {  	s10 =	sshll.u32 s15, $0x6;
	s13 =	rddreg [dreg:$0xe]  }
0x52c: {  	s10 =	sor.u32 $0x1C0D, s10;
	s19 =	rddreg [dreg:$0x11];
	s18 =	sshrl.u32 s13, $0x3  }
0x52d: {  	[hbm:s19], [sflag:s10] =	dma.local [spmem:s18], $0x2700  }
0x52e: {  	_ =	swait.ge [sflag:s23], $0x2700  }
0x52f: {  	[sflag:s23] =	ssyncset.done $0x0;
	s15 =	rddreg [dreg:$0x1d]  }
0x530: {  	s14 =	rddreg [dreg:$0x14];
	[sflag:s23] =	ssyncadd.s32 $0xFFFFD900;
	s12 =	sshrl.u32 @!p0 s15, $0x3  }
0x531: {  	[hbm:s14], [sflag:s10] =	dma.local @!p0 [spmem:s12], $0x100  }
0x532: {  	s10 =	simm.s32 @!p0 $0xD  }
0x533: {  	_ =	swait.ge @!p0 [sflag:s10], $0x100  }
0x534: {  	s25 =	rddreg [dreg:$0x1f]  }
0x535: {  	s30 =	rddreg [dreg:$0x15];
	s14 =	sadd.s32 $0x1, s25  }
0x536: {  	p1 =	sne.s32 s14, s30  }
.Ltmp8:
0x537: {  	_ = 	snop;
	(pc) =	sbr.rel @p1 .LBB2_1-.Ltmp8, $3  }
0x538: {  	_ =	sdelay $0x1  }
0x539: {  	[sflag:s10] =	ssyncset.done @!p0 $0x0  }
0x53a: {  	[sflag:s10] =	ssyncadd.s32 @!p0 $0xFFFFFF00  }
0x53b: {  	_ =	sfence.sel $0x180000  }
0x53c: {  	[bflag:$0x0] =	sbarrier.arrive $0xFFFF  }
0x53d: {  	_ =	strace $0x90000047  }
0x53e: {  	s0 =	stileid.u32;
	[bflag:$0x2] =	sbarrier.arrive $0xFFFF  }
0x53f: {  	p0 =	sne.s32 s0, $0x0;
	s0 =	rddreg [dreg:$0x5]  }
0x540: {  	s0 =	sadd.s32 @!p0 $0x100000, s0  }
0x541: {  	[sflag:s0] =	ssyncadd.tile.s32 @!p0 $0x1;
	_ =	shalt  }
.Lfunc_end2:
_tile_overlayer_lowered:
.L_overlay_start_2:
0x542: {  	(tag) =	ssettag $0x2  }
0x543: {  	s0 =	rddreg [dreg:$0x0];
	s2 =	stileid.u32  }
0x544: {  	s1 =	rddreg [dreg:$0x1];
	p0 =	sne.s32 s2, $0x0  }
0x545: {  	s3 =	rddreg [dreg:$0x2];
	[bflag:$0x3] =	sbarrier.arrive $0xFFFF;
	s2 =	simm.s32 @!p0 $0x1C0D  }
0x546: {  	[timem:s3], [sflag:s2] =	dma.local @!p0 [hbm:s0], s1  }
0x547: {  	s0 =	simm.s32 @!p0 $0xD  }
0x548: {  	_ =	swait.ge @!p0 [sflag:s0], s1  }
0x549: {  	s1 =	ssub.s32 @!p0 $0x0, s1;
	[sflag:s0] =	ssyncset.done @!p0 $0x0  }
0x54a: {  	[sflag:s0] =	ssyncadd.s32 @!p0 s1  }
0x54b: {  	[bflag:$0x3] =	sbarrier.arrive $0xFFFF  }
0x54c: {  	_ =	shalt  }

</sc_bundles>
